<compile_context>
chip_gen: v7x
topology: tpu7x:2x2x1
jax: 0.10.2.dev20260603
libtpu: 0.0.44.dev20260713+nightly
codegen_flags: <defaults>
</compile_context>

<pallas_src>
import jax
import jax.numpy as jnp
from jax import lax
from jax.experimental import pallas as pl
from jax.experimental.pallas import tpu as pltpu
from jax.experimental.pallas import tpu_sc as plsc

EMBED_DIM = 32
SEQ = 200
NUM_CORES = 2
NUM_SUBCORES = 16
NUM_WORKERS = NUM_CORES * NUM_SUBCORES
NROWS = 4096
BPW = 128
TG = 5
NGT = SEQ // TG
LANE_PAD = 129


def _emb_body(table_hbm, idxt_hbm, out_hbm,
              idx_v, gbuf0, gbuf1, tbuf0, tbuf1,
              isem, gsem0, gsem1, osem0, osem1):
    bt = lax.axis_index("s") * NUM_CORES + lax.axis_index("c")
    gbuf = (gbuf0, gbuf1)
    tbuf = (tbuf0, tbuf1)
    gsem = (gsem0, gsem1)
    osem = (osem0, osem1)

    pltpu.async_copy(idxt_hbm.at[:, bt], idx_v, isem).wait()

    viota = lax.broadcasted_iota(jnp.int32, (16,), 0)
    esv = viota % 8
    etv0 = viota // 8
    etv1 = etv0 + 2

    def fire(g, b):
        for r in range(TG):
            pltpu.async_copy(
                table_hbm.at[idx_v.at[g * TG + r]],
                gbuf[b].at[r],
                gsem[b],
            )

    def drain_gathers(b):
        for r in range(TG):
            pltpu.make_async_copy(
                table_hbm.at[pl.ds(0, BPW)], gbuf[b].at[r], gsem[b]
            ).wait()

    def transpose(b):
        gb, tb = gbuf[b], tbuf[b]
        for tq in range(TG):
            tv = jnp.full((16,), tq, jnp.int32)

            @plsc.parallel_loop(0, BPW, unroll=4)
            def _tr_body(bl):
                blv = jnp.full((16,), 0, jnp.int32) + bl
                v0 = gb[tq, bl, pl.ds(0, 16)]
                v1 = gb[tq, bl, pl.ds(16, 16)]
                plsc.store_scatter(tb, [tv, etv0, esv, blv], v0)
                plsc.store_scatter(tb, [tv, etv1, esv, blv], v1)

    def out_start(g, b):
        pltpu.async_copy(
            tbuf[b].at[:, :, :, pl.ds(0, BPW)],
            out_hbm.at[pl.ds(g * TG, TG), :, bt],
            osem[b],
        )

    def out_wait(b):
        pltpu.make_async_copy(
            tbuf[b].at[:, :, :, pl.ds(0, BPW)],
            out_hbm.at[pl.ds(0, TG), :, bt],
            osem[b],
        ).wait()

    fire(0, 0)

    def phase(g, b, first, last):
        drain_gathers(b)
        if not last:
            fire(g + 1, 1 - b)
        if not first:
            out_wait(b)
        transpose(b)
        out_start(g, b)

    phase(0, 0, first=True, last=False)
    phase(1, 1, first=True, last=False)

    def steady(i, carry):
        g = 2 * i
        phase(g, 0, first=False, last=False)
        phase(g + 1, 1, first=False, last=False)
        return carry

    lax.fori_loop(1, NGT // 2 - 1, steady, 0)

    phase(NGT - 2, 0, first=False, last=False)
    phase(NGT - 1, 1, first=False, last=True)
    out_wait(0)
    out_wait(1)


_emb = pl.kernel(
    _emb_body,
    out_type=jax.ShapeDtypeStruct((SEQ, 4, NUM_WORKERS, 8, BPW), jnp.float32),
    mesh=plsc.VectorSubcoreMesh(core_axis_name="c", subcore_axis_name="s"),
    scratch_types=[
        pltpu.VMEM((SEQ, BPW), jnp.int32),
        pltpu.VMEM((TG, BPW, EMBED_DIM), jnp.float32),
        pltpu.VMEM((TG, BPW, EMBED_DIM), jnp.float32),
        pltpu.VMEM((TG, 4, 8, LANE_PAD), jnp.float32),
        pltpu.VMEM((TG, 4, 8, LANE_PAD), jnp.float32),
        pltpu.SemaphoreType.DMA,
        pltpu.SemaphoreType.DMA,
        pltpu.SemaphoreType.DMA,
        pltpu.SemaphoreType.DMA,
        pltpu.SemaphoreType.DMA,
    ],
    compiler_params=pltpu.CompilerParams(
        use_tc_tiling_on_sc=False, needs_layout_passes=False),
)


@jax.jit
def kernel(x, table):
    xt = jnp.transpose(x.astype(jnp.int32)).reshape(SEQ, NUM_WORKERS, BPW)
    out5 = _emb(table, xt)
    return jnp.transpose(out5, (2, 4, 0, 1, 3)).reshape(NROWS, SEQ, EMBED_DIM)

# --- scband reference (transcript-rebuilt; emitter-appended) ---
"""Pipeline reference for scband-temporal-embedding-7756710937334 (READ-ONLY COPY).

The authoritative reference and input builder live on the scoring server;
editing this copy changes nothing except your own understanding.
"""

import jax, jax.numpy as jnp
import numpy as np

WINDOW_SIZE = 100000
EMBED_DIM = 32

def setup_inputs(seed: int = 0) -> dict:
    key = jax.random.key(seed)
    k1, k2 = jax.random.split(key)
    x = jax.random.randint(k1, (4096, 200), 0, WINDOW_SIZE, dtype=jnp.int64 if jax.config.jax_enable_x64 else jnp.int32)
    table = jax.random.normal(k2, (WINDOW_SIZE, EMBED_DIM), dtype=jnp.float32)
    return {"x": x, "table": table}

def reference(x, table):
    # nn.Embedding forward: gather rows of the table by index
    embedded = jnp.take(table, x, axis=0)
    return embedded

if __name__ == "__main__":
    import jax
    _d = setup_inputs()
    print(jax.jit(kernel)(*tuple(_d.values())))

</pallas_src>

<mosaic_0001>
#map = affine_map<(d0, d1) -> (0, 0)>
#map1 = affine_map<(d0, d1) -> (0, 0, 0)>
#map2 = affine_map<(d0, d1) -> (0, 0, 0, 0, 0)>
module attributes {stable_mosaic.version = 14 : i64} {
  func.func @_emb_body(%arg0: i32, %arg1: i32, %arg2: memref<100000x32xf32, #tpu.memory_space<hbm>>, %arg3: memref<200x32x128xi32, #tpu.memory_space<hbm>>, %arg4: memref<200x4x32x8x128xf32, #tpu.memory_space<hbm>>, %arg5: memref<200x128xi32, #tpu.memory_space<vmem>>, %arg6: memref<5x128x32xf32, #tpu.memory_space<vmem>>, %arg7: memref<5x128x32xf32, #tpu.memory_space<vmem>>, %arg8: memref<5x4x8x129xf32, #tpu.memory_space<vmem>>, %arg9: memref<5x4x8x129xf32, #tpu.memory_space<vmem>>, %arg10: memref<!tpu.dma_semaphore, #tpu.memory_space<semaphore_mem>>, %arg11: memref<!tpu.dma_semaphore, #tpu.memory_space<semaphore_mem>>, %arg12: memref<!tpu.dma_semaphore, #tpu.memory_space<semaphore_mem>>, %arg13: memref<!tpu.dma_semaphore, #tpu.memory_space<semaphore_mem>>, %arg14: memref<!tpu.dma_semaphore, #tpu.memory_space<semaphore_mem>>) attributes {dimension_semantics = [#tpu.dimension_semantics<core_parallel>, #tpu.dimension_semantics<subcore_parallel>], iteration_bounds = array<i64: 2, 16>, scalar_prefetch = 0 : i64, scratch_operands = 10 : i64, tpu.core_type = #tpu.core_type<sc_vector_subcore>, window_params = [{transform_indices = #map}, {transform_indices = #map1}, {transform_indices = #map2}]} {
    %mul3A = arith.constant 2 : i32
    %mul3A_0 = arith.muli %arg1, %mul3A : i32
    %add3A = arith.addi %mul3A_0, %arg0 : i32
    %dma_start3A = arith.constant 0 : i32
    %dma_start3A_1 = arith.constant 0 : i32
    %dma_start3A_2 = tpu.memref_slice %arg3[%dma_start3A, %add3A, %dma_start3A_1] : memref<200x32x128xi32, #tpu.memory_space<hbm>> -> memref<200x1x128xi32, #tpu.memory_space<hbm>>
    %dma_start3A_3 = tpu.memref_squeeze %dma_start3A_2 : memref<200x1x128xi32, #tpu.memory_space<hbm>> -> memref<200x128xi32, #tpu.memory_space<hbm>>
    %dma_start3A_4 = arith.constant 0 : i32
    %dma_start3A_5 = arith.constant 0 : i32
    %dma_start3A_6 = tpu.memref_slice %arg3[%dma_start3A_4, %add3A, %dma_start3A_5] : memref<200x32x128xi32, #tpu.memory_space<hbm>> -> memref<200x1x128xi32, #tpu.memory_space<hbm>>
    %dma_start3A_7 = tpu.memref_squeeze %dma_start3A_6 : memref<200x1x128xi32, #tpu.memory_space<hbm>> -> memref<200x128xi32, #tpu.memory_space<hbm>>
    tpu.enqueue_dma source(%dma_start3A_7 : memref<200x128xi32, #tpu.memory_space<hbm>>) target(%arg5 : memref<200x128xi32, #tpu.memory_space<vmem>>) target_semaphore(%arg10 : memref<!tpu.dma_semaphore, #tpu.memory_space<semaphore_mem>>)
    %dma_wait3A = arith.constant 0 : i32
    %dma_wait3A_8 = arith.constant 0 : i32
    %dma_wait3A_9 = tpu.memref_slice %arg3[%dma_wait3A, %add3A, %dma_wait3A_8] : memref<200x32x128xi32, #tpu.memory_space<hbm>> -> memref<200x1x128xi32, #tpu.memory_space<hbm>>
    %dma_wait3A_10 = tpu.memref_squeeze %dma_wait3A_9 : memref<200x1x128xi32, #tpu.memory_space<hbm>> -> memref<200x128xi32, #tpu.memory_space<hbm>>
    %dma_wait3A_11 = arith.constant 0 : i32
    %dma_wait3A_12 = arith.constant 0 : i32
    %dma_wait3A_13 = tpu.memref_slice %arg3[%dma_wait3A_11, %add3A, %dma_wait3A_12] : memref<200x32x128xi32, #tpu.memory_space<hbm>> -> memref<200x1x128xi32, #tpu.memory_space<hbm>>
    %dma_wait3A_14 = tpu.memref_squeeze %dma_wait3A_13 : memref<200x1x128xi32, #tpu.memory_space<hbm>> -> memref<200x128xi32, #tpu.memory_space<hbm>>
    tpu.wait_dma2 semaphore(%arg10 : memref<!tpu.dma_semaphore, #tpu.memory_space<semaphore_mem>>) src(%dma_wait3A_14 : memref<200x128xi32, #tpu.memory_space<hbm>>) dst(%arg5 : memref<200x128xi32, #tpu.memory_space<vmem>>)
    %iota3A = tpu.iota {dimensions = array<i32: 0>} : vector<16xi32>
    %jit3A = arith.constant 8 : i32
    %eq3A = arith.constant 0 : i32
    %eq3A_15 = arith.cmpi eq, %jit3A, %eq3A : i32
    %jit3A_16 = arith.constant 1 : i32
    %select_n3A = arith.select %eq3A_15, %jit3A_16, %jit3A : i32
    %rem3A = vector.broadcast %select_n3A : i32 to vector<16xi32>
    %rem3A_17 = arith.remsi %iota3A, %rem3A : vector<16xi32>
    %ne3A = arith.constant 0 : i32
    %ne3A_18 = vector.broadcast %ne3A : i32 to vector<16xi32>
    %ne3A_19 = arith.cmpi ne, %rem3A_17, %ne3A_18 : vector<16xi32>
    %lt3A = arith.constant 0 : i32
    %lt3A_20 = vector.broadcast %lt3A : i32 to vector<16xi32>
    %lt3A_21 = arith.cmpi slt, %rem3A_17, %lt3A_20 : vector<16xi32>
    %lt3A_22 = arith.constant 0 : i32
    %lt3A_23 = arith.cmpi slt, %select_n3A, %lt3A_22 : i32
    %ne3A_24 = vector.broadcast %lt3A_23 : i1 to vector<16xi1>
    %ne3A_25 = vector.broadcast %ne3A_24 : vector<16xi1> to vector<16xi1>
    %ne3A_26 = arith.xori %lt3A_21, %ne3A_25 : vector<16xi1>
    %and3A = arith.andi %ne3A_26, %ne3A_19 : vector<16xi1>
    %add3A_27 = vector.broadcast %select_n3A : i32 to vector<16xi32>
    %add3A_28 = arith.addi %rem3A_17, %add3A_27 : vector<16xi32>
    %select_n3A_29 = arith.select %and3A, %add3A_28, %rem3A_17 : vector<16xi1>, vector<16xi32>
    %jit3A_30 = arith.constant 8 : i32
    %div3A = vector.broadcast %jit3A_30 : i32 to vector<16xi32>
    %div3A_31 = arith.divsi %iota3A, %div3A : vector<16xi32>
    %sign3A = arith.constant 0 : i32
    %sign3A_32 = vector.broadcast %sign3A : i32 to vector<16xi32>
    %sign3A_33 = arith.cmpi sgt, %iota3A, %sign3A_32 : vector<16xi32>
    %sign3A_34 = arith.extui %sign3A_33 : vector<16xi1> to vector<16xi32>
    %sign3A_35 = arith.constant 0 : i32
    %sign3A_36 = vector.broadcast %sign3A_35 : i32 to vector<16xi32>
    %sign3A_37 = arith.cmpi slt, %iota3A, %sign3A_36 : vector<16xi32>
    %sign3A_38 = arith.extui %sign3A_37 : vector<16xi1> to vector<16xi32>
    %sign3A_39 = arith.subi %sign3A_34, %sign3A_38 : vector<16xi32>
    %sign3A_40 = arith.constant 0 : i32
    %sign3A_41 = arith.cmpi sgt, %jit3A_30, %sign3A_40 : i32
    %sign3A_42 = arith.extui %sign3A_41 : i1 to i32
    %sign3A_43 = arith.constant 0 : i32
    %sign3A_44 = arith.cmpi slt, %jit3A_30, %sign3A_43 : i32
    %sign3A_45 = arith.extui %sign3A_44 : i1 to i32
    %sign3A_46 = arith.subi %sign3A_42, %sign3A_45 : i32
    %ne3A_47 = vector.broadcast %sign3A_46 : i32 to vector<16xi32>
    %ne3A_48 = arith.cmpi ne, %sign3A_39, %ne3A_47 : vector<16xi32>
    %rem3A_49 = vector.broadcast %jit3A_30 : i32 to vector<16xi32>
    %rem3A_50 = arith.remsi %iota3A, %rem3A_49 : vector<16xi32>
    %ne3A_51 = arith.constant 0 : i32
    %ne3A_52 = vector.broadcast %ne3A_51 : i32 to vector<16xi32>
    %ne3A_53 = arith.cmpi ne, %rem3A_50, %ne3A_52 : vector<16xi32>
    %and3A_54 = arith.andi %ne3A_48, %ne3A_53 : vector<16xi1>
    %sub3A = arith.constant 1 : i32
    %sub3A_55 = vector.broadcast %sub3A : i32 to vector<16xi32>
    %sub3A_56 = arith.subi %div3A_31, %sub3A_55 : vector<16xi32>
    %select_n3A_57 = arith.select %and3A_54, %sub3A_56, %div3A_31 : vector<16xi1>, vector<16xi32>
    %add3A_58 = arith.constant 2 : i32
    %add3A_59 = vector.broadcast %add3A_58 : i32 to vector<16xi32>
    %add3A_60 = arith.addi %select_n3A_57, %add3A_59 : vector<16xi32>
    %dma_start3A_61 = arith.constant 0 : i32
    %dma_start3A_62 = arith.constant 0 : i32
    %dma_start3A_63 = arith.constant 0 : i32
    %dma_start3A_64 = arith.constant 0 : i32
    %dma_start3A_65 = tpu.memref_slice %arg6[%dma_start3A_62, %dma_start3A_63, %dma_start3A_64] : memref<5x128x32xf32, #tpu.memory_space<vmem>> -> memref<1x128x32xf32, #tpu.memory_space<vmem>>
    %dma_start3A_66 = tpu.memref_squeeze %dma_start3A_65 : memref<1x128x32xf32, #tpu.memory_space<vmem>> -> memref<128x32xf32, #tpu.memory_space<vmem>>
    %dma_start3A_67 = arith.constant 0 : i32
    %dma_start3A_68 = tpu.memref_slice %arg5[%dma_start3A_61, %dma_start3A_67] : memref<200x128xi32, #tpu.memory_space<vmem>> -> memref<1x128xi32, #tpu.memory_space<vmem>>
    %dma_start3A_69 = tpu.memref_squeeze %dma_start3A_68 : memref<1x128xi32, #tpu.memory_space<vmem>> -> memref<128xi32, #tpu.memory_space<vmem>>
    %dma_start3A_70 = arith.constant 0 : i32
    %dma_start3A_71 = arith.constant 0 : i32
    %dma_start3A_72 = tpu.memref_slice %arg2[%dma_start3A_70, %dma_start3A_71] : memref<100000x32xf32, #tpu.memory_space<hbm>> -> memref<100000x32xf32, #tpu.memory_space<hbm>>
    tpu.enqueue_indirect_dma source(%dma_start3A_72 : memref<100000x32xf32, #tpu.memory_space<hbm>>) target(%dma_start3A_66 : memref<128x32xf32, #tpu.memory_space<vmem>>) offsets(%dma_start3A_69 : memref<128xi32, #tpu.memory_space<vmem>>) semaphore(%arg11 : memref<!tpu.dma_semaphore, #tpu.memory_space<semaphore_mem>>)
    %dma_start3A_73 = arith.constant 1 : i32
    %dma_start3A_74 = arith.constant 1 : i32
    %dma_start3A_75 = arith.constant 0 : i32
    %dma_start3A_76 = arith.constant 0 : i32
    %dma_start3A_77 = tpu.memref_slice %arg6[%dma_start3A_74, %dma_start3A_75, %dma_start3A_76] : memref<5x128x32xf32, #tpu.memory_space<vmem>> -> memref<1x128x32xf32, #tpu.memory_space<vmem>>
    %dma_start3A_78 = tpu.memref_squeeze %dma_start3A_77 : memref<1x128x32xf32, #tpu.memory_space<vmem>> -> memref<128x32xf32, #tpu.memory_space<vmem>>
    %dma_start3A_79 = arith.constant 0 : i32
    %dma_start3A_80 = tpu.memref_slice %arg5[%dma_start3A_73, %dma_start3A_79] : memref<200x128xi32, #tpu.memory_space<vmem>> -> memref<1x128xi32, #tpu.memory_space<vmem>>
    %dma_start3A_81 = tpu.memref_squeeze %dma_start3A_80 : memref<1x128xi32, #tpu.memory_space<vmem>> -> memref<128xi32, #tpu.memory_space<vmem>>
    %dma_start3A_82 = arith.constant 0 : i32
    %dma_start3A_83 = arith.constant 0 : i32
    %dma_start3A_84 = tpu.memref_slice %arg2[%dma_start3A_82, %dma_start3A_83] : memref<100000x32xf32, #tpu.memory_space<hbm>> -> memref<100000x32xf32, #tpu.memory_space<hbm>>
    tpu.enqueue_indirect_dma source(%dma_start3A_84 : memref<100000x32xf32, #tpu.memory_space<hbm>>) target(%dma_start3A_78 : memref<128x32xf32, #tpu.memory_space<vmem>>) offsets(%dma_start3A_81 : memref<128xi32, #tpu.memory_space<vmem>>) semaphore(%arg11 : memref<!tpu.dma_semaphore, #tpu.memory_space<semaphore_mem>>)
    %dma_start3A_85 = arith.constant 2 : i32
    %dma_start3A_86 = arith.constant 2 : i32
    %dma_start3A_87 = arith.constant 0 : i32
    %dma_start3A_88 = arith.constant 0 : i32
    %dma_start3A_89 = tpu.memref_slice %arg6[%dma_start3A_86, %dma_start3A_87, %dma_start3A_88] : memref<5x128x32xf32, #tpu.memory_space<vmem>> -> memref<1x128x32xf32, #tpu.memory_space<vmem>>
    %dma_start3A_90 = tpu.memref_squeeze %dma_start3A_89 : memref<1x128x32xf32, #tpu.memory_space<vmem>> -> memref<128x32xf32, #tpu.memory_space<vmem>>
    %dma_start3A_91 = arith.constant 0 : i32
    %dma_start3A_92 = tpu.memref_slice %arg5[%dma_start3A_85, %dma_start3A_91] : memref<200x128xi32, #tpu.memory_space<vmem>> -> memref<1x128xi32, #tpu.memory_space<vmem>>
    %dma_start3A_93 = tpu.memref_squeeze %dma_start3A_92 : memref<1x128xi32, #tpu.memory_space<vmem>> -> memref<128xi32, #tpu.memory_space<vmem>>
    %dma_start3A_94 = arith.constant 0 : i32
    %dma_start3A_95 = arith.constant 0 : i32
    %dma_start3A_96 = tpu.memref_slice %arg2[%dma_start3A_94, %dma_start3A_95] : memref<100000x32xf32, #tpu.memory_space<hbm>> -> memref<100000x32xf32, #tpu.memory_space<hbm>>
    tpu.enqueue_indirect_dma source(%dma_start3A_96 : memref<100000x32xf32, #tpu.memory_space<hbm>>) target(%dma_start3A_90 : memref<128x32xf32, #tpu.memory_space<vmem>>) offsets(%dma_start3A_93 : memref<128xi32, #tpu.memory_space<vmem>>) semaphore(%arg11 : memref<!tpu.dma_semaphore, #tpu.memory_space<semaphore_mem>>)
    %dma_start3A_97 = arith.constant 3 : i32
    %dma_start3A_98 = arith.constant 3 : i32
    %dma_start3A_99 = arith.constant 0 : i32
    %dma_start3A_100 = arith.constant 0 : i32
    %dma_start3A_101 = tpu.memref_slice %arg6[%dma_start3A_98, %dma_start3A_99, %dma_start3A_100] : memref<5x128x32xf32, #tpu.memory_space<vmem>> -> memref<1x128x32xf32, #tpu.memory_space<vmem>>
    %dma_start3A_102 = tpu.memref_squeeze %dma_start3A_101 : memref<1x128x32xf32, #tpu.memory_space<vmem>> -> memref<128x32xf32, #tpu.memory_space<vmem>>
    %dma_start3A_103 = arith.constant 0 : i32
    %dma_start3A_104 = tpu.memref_slice %arg5[%dma_start3A_97, %dma_start3A_103] : memref<200x128xi32, #tpu.memory_space<vmem>> -> memref<1x128xi32, #tpu.memory_space<vmem>>
    %dma_start3A_105 = tpu.memref_squeeze %dma_start3A_104 : memref<1x128xi32, #tpu.memory_space<vmem>> -> memref<128xi32, #tpu.memory_space<vmem>>
    %dma_start3A_106 = arith.constant 0 : i32
    %dma_start3A_107 = arith.constant 0 : i32
    %dma_start3A_108 = tpu.memref_slice %arg2[%dma_start3A_106, %dma_start3A_107] : memref<100000x32xf32, #tpu.memory_space<hbm>> -> memref<100000x32xf32, #tpu.memory_space<hbm>>
    tpu.enqueue_indirect_dma source(%dma_start3A_108 : memref<100000x32xf32, #tpu.memory_space<hbm>>) target(%dma_start3A_102 : memref<128x32xf32, #tpu.memory_space<vmem>>) offsets(%dma_start3A_105 : memref<128xi32, #tpu.memory_space<vmem>>) semaphore(%arg11 : memref<!tpu.dma_semaphore, #tpu.memory_space<semaphore_mem>>)
    %dma_start3A_109 = arith.constant 4 : i32
    %dma_start3A_110 = arith.constant 4 : i32
    %dma_start3A_111 = arith.constant 0 : i32
    %dma_start3A_112 = arith.constant 0 : i32
    %dma_start3A_113 = tpu.memref_slice %arg6[%dma_start3A_110, %dma_start3A_111, %dma_start3A_112] : memref<5x128x32xf32, #tpu.memory_space<vmem>> -> memref<1x128x32xf32, #tpu.memory_space<vmem>>
    %dma_start3A_114 = tpu.memref_squeeze %dma_start3A_113 : memref<1x128x32xf32, #tpu.memory_space<vmem>> -> memref<128x32xf32, #tpu.memory_space<vmem>>
    %dma_start3A_115 = arith.constant 0 : i32
    %dma_start3A_116 = tpu.memref_slice %arg5[%dma_start3A_109, %dma_start3A_115] : memref<200x128xi32, #tpu.memory_space<vmem>> -> memref<1x128xi32, #tpu.memory_space<vmem>>
    %dma_start3A_117 = tpu.memref_squeeze %dma_start3A_116 : memref<1x128xi32, #tpu.memory_space<vmem>> -> memref<128xi32, #tpu.memory_space<vmem>>
    %dma_start3A_118 = arith.constant 0 : i32
    %dma_start3A_119 = arith.constant 0 : i32
    %dma_start3A_120 = tpu.memref_slice %arg2[%dma_start3A_118, %dma_start3A_119] : memref<100000x32xf32, #tpu.memory_space<hbm>> -> memref<100000x32xf32, #tpu.memory_space<hbm>>
    tpu.enqueue_indirect_dma source(%dma_start3A_120 : memref<100000x32xf32, #tpu.memory_space<hbm>>) target(%dma_start3A_114 : memref<128x32xf32, #tpu.memory_space<vmem>>) offsets(%dma_start3A_117 : memref<128xi32, #tpu.memory_space<vmem>>) semaphore(%arg11 : memref<!tpu.dma_semaphore, #tpu.memory_space<semaphore_mem>>)
    %dma_wait3A_121 = arith.constant 0 : i32
    %dma_wait3A_122 = arith.constant 0 : i32
    %dma_wait3A_123 = arith.constant 0 : i32
    %dma_wait3A_124 = tpu.memref_slice %arg6[%dma_wait3A_121, %dma_wait3A_122, %dma_wait3A_123] : memref<5x128x32xf32, #tpu.memory_space<vmem>> -> memref<1x128x32xf32, #tpu.memory_space<vmem>>
    %dma_wait3A_125 = tpu.memref_squeeze %dma_wait3A_124 : memref<1x128x32xf32, #tpu.memory_space<vmem>> -> memref<128x32xf32, #tpu.memory_space<vmem>>
    %dma_wait3A_126 = arith.constant 0 : i32
    %dma_wait3A_127 = arith.constant 0 : i32
    %dma_wait3A_128 = tpu.memref_slice %arg2[%dma_wait3A_126, %dma_wait3A_127] : memref<100000x32xf32, #tpu.memory_space<hbm>> -> memref<128x32xf32, #tpu.memory_space<hbm>>
    %dma_wait3A_129 = arith.constant 0 : i32
    %dma_wait3A_130 = arith.constant 0 : i32
    %dma_wait3A_131 = tpu.memref_slice %arg6[%dma_wait3A_121, %dma_wait3A_129, %dma_wait3A_130] : memref<5x128x32xf32, #tpu.memory_space<vmem>> -> memref<1x128x32xf32, #tpu.memory_space<vmem>>
    %dma_wait3A_132 = tpu.memref_squeeze %dma_wait3A_131 : memref<1x128x32xf32, #tpu.memory_space<vmem>> -> memref<128x32xf32, #tpu.memory_space<vmem>>
    %dma_wait3A_133 = arith.constant 0 : i32
    %dma_wait3A_134 = arith.constant 0 : i32
    %dma_wait3A_135 = tpu.memref_slice %arg2[%dma_wait3A_133, %dma_wait3A_134] : memref<100000x32xf32, #tpu.memory_space<hbm>> -> memref<128x32xf32, #tpu.memory_space<hbm>>
    tpu.wait_dma2 semaphore(%arg11 : memref<!tpu.dma_semaphore, #tpu.memory_space<semaphore_mem>>) src(%dma_wait3A_135 : memref<128x32xf32, #tpu.memory_space<hbm>>) dst(%dma_wait3A_132 : memref<128x32xf32, #tpu.memory_space<vmem>>)
    %dma_wait3A_136 = arith.constant 1 : i32
    %dma_wait3A_137 = arith.constant 0 : i32
    %dma_wait3A_138 = arith.constant 0 : i32
    %dma_wait3A_139 = tpu.memref_slice %arg6[%dma_wait3A_136, %dma_wait3A_137, %dma_wait3A_138] : memref<5x128x32xf32, #tpu.memory_space<vmem>> -> memref<1x128x32xf32, #tpu.memory_space<vmem>>
    %dma_wait3A_140 = tpu.memref_squeeze %dma_wait3A_139 : memref<1x128x32xf32, #tpu.memory_space<vmem>> -> memref<128x32xf32, #tpu.memory_space<vmem>>
    %dma_wait3A_141 = arith.constant 0 : i32
    %dma_wait3A_142 = arith.constant 0 : i32
    %dma_wait3A_143 = tpu.memref_slice %arg2[%dma_wait3A_141, %dma_wait3A_142] : memref<100000x32xf32, #tpu.memory_space<hbm>> -> memref<128x32xf32, #tpu.memory_space<hbm>>
    %dma_wait3A_144 = arith.constant 0 : i32
    %dma_wait3A_145 = arith.constant 0 : i32
    %dma_wait3A_146 = tpu.memref_slice %arg6[%dma_wait3A_136, %dma_wait3A_144, %dma_wait3A_145] : memref<5x128x32xf32, #tpu.memory_space<vmem>> -> memref<1x128x32xf32, #tpu.memory_space<vmem>>
    %dma_wait3A_147 = tpu.memref_squeeze %dma_wait3A_146 : memref<1x128x32xf32, #tpu.memory_space<vmem>> -> memref<128x32xf32, #tpu.memory_space<vmem>>
    %dma_wait3A_148 = arith.constant 0 : i32
    %dma_wait3A_149 = arith.constant 0 : i32
    %dma_wait3A_150 = tpu.memref_slice %arg2[%dma_wait3A_148, %dma_wait3A_149] : memref<100000x32xf32, #tpu.memory_space<hbm>> -> memref<128x32xf32, #tpu.memory_space<hbm>>
    tpu.wait_dma2 semaphore(%arg11 : memref<!tpu.dma_semaphore, #tpu.memory_space<semaphore_mem>>) src(%dma_wait3A_150 : memref<128x32xf32, #tpu.memory_space<hbm>>) dst(%dma_wait3A_147 : memref<128x32xf32, #tpu.memory_space<vmem>>)
    %dma_wait3A_151 = arith.constant 2 : i32
    %dma_wait3A_152 = arith.constant 0 : i32
    %dma_wait3A_153 = arith.constant 0 : i32
    %dma_wait3A_154 = tpu.memref_slice %arg6[%dma_wait3A_151, %dma_wait3A_152, %dma_wait3A_153] : memref<5x128x32xf32, #tpu.memory_space<vmem>> -> memref<1x128x32xf32, #tpu.memory_space<vmem>>
    %dma_wait3A_155 = tpu.memref_squeeze %dma_wait3A_154 : memref<1x128x32xf32, #tpu.memory_space<vmem>> -> memref<128x32xf32, #tpu.memory_space<vmem>>
    %dma_wait3A_156 = arith.constant 0 : i32
    %dma_wait3A_157 = arith.constant 0 : i32
    %dma_wait3A_158 = tpu.memref_slice %arg2[%dma_wait3A_156, %dma_wait3A_157] : memref<100000x32xf32, #tpu.memory_space<hbm>> -> memref<128x32xf32, #tpu.memory_space<hbm>>
    %dma_wait3A_159 = arith.constant 0 : i32
    %dma_wait3A_160 = arith.constant 0 : i32
    %dma_wait3A_161 = tpu.memref_slice %arg6[%dma_wait3A_151, %dma_wait3A_159, %dma_wait3A_160] : memref<5x128x32xf32, #tpu.memory_space<vmem>> -> memref<1x128x32xf32, #tpu.memory_space<vmem>>
    %dma_wait3A_162 = tpu.memref_squeeze %dma_wait3A_161 : memref<1x128x32xf32, #tpu.memory_space<vmem>> -> memref<128x32xf32, #tpu.memory_space<vmem>>
    %dma_wait3A_163 = arith.constant 0 : i32
    %dma_wait3A_164 = arith.constant 0 : i32
    %dma_wait3A_165 = tpu.memref_slice %arg2[%dma_wait3A_163, %dma_wait3A_164] : memref<100000x32xf32, #tpu.memory_space<hbm>> -> memref<128x32xf32, #tpu.memory_space<hbm>>
    tpu.wait_dma2 semaphore(%arg11 : memref<!tpu.dma_semaphore, #tpu.memory_space<semaphore_mem>>) src(%dma_wait3A_165 : memref<128x32xf32, #tpu.memory_space<hbm>>) dst(%dma_wait3A_162 : memref<128x32xf32, #tpu.memory_space<vmem>>)
    %dma_wait3A_166 = arith.constant 3 : i32
    %dma_wait3A_167 = arith.constant 0 : i32
    %dma_wait3A_168 = arith.constant 0 : i32
    %dma_wait3A_169 = tpu.memref_slice %arg6[%dma_wait3A_166, %dma_wait3A_167, %dma_wait3A_168] : memref<5x128x32xf32, #tpu.memory_space<vmem>> -> memref<1x128x32xf32, #tpu.memory_space<vmem>>
    %dma_wait3A_170 = tpu.memref_squeeze %dma_wait3A_169 : memref<1x128x32xf32, #tpu.memory_space<vmem>> -> memref<128x32xf32, #tpu.memory_space<vmem>>
    %dma_wait3A_171 = arith.constant 0 : i32
    %dma_wait3A_172 = arith.constant 0 : i32
    %dma_wait3A_173 = tpu.memref_slice %arg2[%dma_wait3A_171, %dma_wait3A_172] : memref<100000x32xf32, #tpu.memory_space<hbm>> -> memref<128x32xf32, #tpu.memory_space<hbm>>
    %dma_wait3A_174 = arith.constant 0 : i32
    %dma_wait3A_175 = arith.constant 0 : i32
    %dma_wait3A_176 = tpu.memref_slice %arg6[%dma_wait3A_166, %dma_wait3A_174, %dma_wait3A_175] : memref<5x128x32xf32, #tpu.memory_space<vmem>> -> memref<1x128x32xf32, #tpu.memory_space<vmem>>
    %dma_wait3A_177 = tpu.memref_squeeze %dma_wait3A_176 : memref<1x128x32xf32, #tpu.memory_space<vmem>> -> memref<128x32xf32, #tpu.memory_space<vmem>>
    %dma_wait3A_178 = arith.constant 0 : i32
    %dma_wait3A_179 = arith.constant 0 : i32
    %dma_wait3A_180 = tpu.memref_slice %arg2[%dma_wait3A_178, %dma_wait3A_179] : memref<100000x32xf32, #tpu.memory_space<hbm>> -> memref<128x32xf32, #tpu.memory_space<hbm>>
    tpu.wait_dma2 semaphore(%arg11 : memref<!tpu.dma_semaphore, #tpu.memory_space<semaphore_mem>>) src(%dma_wait3A_180 : memref<128x32xf32, #tpu.memory_space<hbm>>) dst(%dma_wait3A_177 : memref<128x32xf32, #tpu.memory_space<vmem>>)
    %dma_wait3A_181 = arith.constant 4 : i32
    %dma_wait3A_182 = arith.constant 0 : i32
    %dma_wait3A_183 = arith.constant 0 : i32
    %dma_wait3A_184 = tpu.memref_slice %arg6[%dma_wait3A_181, %dma_wait3A_182, %dma_wait3A_183] : memref<5x128x32xf32, #tpu.memory_space<vmem>> -> memref<1x128x32xf32, #tpu.memory_space<vmem>>
    %dma_wait3A_185 = tpu.memref_squeeze %dma_wait3A_184 : memref<1x128x32xf32, #tpu.memory_space<vmem>> -> memref<128x32xf32, #tpu.memory_space<vmem>>
    %dma_wait3A_186 = arith.constant 0 : i32
    %dma_wait3A_187 = arith.constant 0 : i32
    %dma_wait3A_188 = tpu.memref_slice %arg2[%dma_wait3A_186, %dma_wait3A_187] : memref<100000x32xf32, #tpu.memory_space<hbm>> -> memref<128x32xf32, #tpu.memory_space<hbm>>
    %dma_wait3A_189 = arith.constant 0 : i32
    %dma_wait3A_190 = arith.constant 0 : i32
    %dma_wait3A_191 = tpu.memref_slice %arg6[%dma_wait3A_181, %dma_wait3A_189, %dma_wait3A_190] : memref<5x128x32xf32, #tpu.memory_space<vmem>> -> memref<1x128x32xf32, #tpu.memory_space<vmem>>
    %dma_wait3A_192 = tpu.memref_squeeze %dma_wait3A_191 : memref<1x128x32xf32, #tpu.memory_space<vmem>> -> memref<128x32xf32, #tpu.memory_space<vmem>>
    %dma_wait3A_193 = arith.constant 0 : i32
    %dma_wait3A_194 = arith.constant 0 : i32
    %dma_wait3A_195 = tpu.memref_slice %arg2[%dma_wait3A_193, %dma_wait3A_194] : memref<100000x32xf32, #tpu.memory_space<hbm>> -> memref<128x32xf32, #tpu.memory_space<hbm>>
    tpu.wait_dma2 semaphore(%arg11 : memref<!tpu.dma_semaphore, #tpu.memory_space<semaphore_mem>>) src(%dma_wait3A_195 : memref<128x32xf32, #tpu.memory_space<hbm>>) dst(%dma_wait3A_192 : memref<128x32xf32, #tpu.memory_space<vmem>>)
    %dma_start3A_196 = arith.constant 5 : i32
    %dma_start3A_197 = arith.constant 0 : i32
    %dma_start3A_198 = arith.constant 0 : i32
    %dma_start3A_199 = arith.constant 0 : i32
    %dma_start3A_200 = tpu.memref_slice %arg7[%dma_start3A_197, %dma_start3A_198, %dma_start3A_199] : memref<5x128x32xf32, #tpu.memory_space<vmem>> -> memref<1x128x32xf32, #tpu.memory_space<vmem>>
    %dma_start3A_201 = tpu.memref_squeeze %dma_start3A_200 : memref<1x128x32xf32, #tpu.memory_space<vmem>> -> memref<128x32xf32, #tpu.memory_space<vmem>>
    %dma_start3A_202 = arith.constant 0 : i32
    %dma_start3A_203 = tpu.memref_slice %arg5[%dma_start3A_196, %dma_start3A_202] : memref<200x128xi32, #tpu.memory_space<vmem>> -> memref<1x128xi32, #tpu.memory_space<vmem>>
    %dma_start3A_204 = tpu.memref_squeeze %dma_start3A_203 : memref<1x128xi32, #tpu.memory_space<vmem>> -> memref<128xi32, #tpu.memory_space<vmem>>
    %dma_start3A_205 = arith.constant 0 : i32
    %dma_start3A_206 = arith.constant 0 : i32
    %dma_start3A_207 = tpu.memref_slice %arg2[%dma_start3A_205, %dma_start3A_206] : memref<100000x32xf32, #tpu.memory_space<hbm>> -> memref<100000x32xf32, #tpu.memory_space<hbm>>
    tpu.enqueue_indirect_dma source(%dma_start3A_207 : memref<100000x32xf32, #tpu.memory_space<hbm>>) target(%dma_start3A_201 : memref<128x32xf32, #tpu.memory_space<vmem>>) offsets(%dma_start3A_204 : memref<128xi32, #tpu.memory_space<vmem>>) semaphore(%arg12 : memref<!tpu.dma_semaphore, #tpu.memory_space<semaphore_mem>>)
    %dma_start3A_208 = arith.constant 6 : i32
    %dma_start3A_209 = arith.constant 1 : i32
    %dma_start3A_210 = arith.constant 0 : i32
    %dma_start3A_211 = arith.constant 0 : i32
    %dma_start3A_212 = tpu.memref_slice %arg7[%dma_start3A_209, %dma_start3A_210, %dma_start3A_211] : memref<5x128x32xf32, #tpu.memory_space<vmem>> -> memref<1x128x32xf32, #tpu.memory_space<vmem>>
    %dma_start3A_213 = tpu.memref_squeeze %dma_start3A_212 : memref<1x128x32xf32, #tpu.memory_space<vmem>> -> memref<128x32xf32, #tpu.memory_space<vmem>>
    %dma_start3A_214 = arith.constant 0 : i32
    %dma_start3A_215 = tpu.memref_slice %arg5[%dma_start3A_208, %dma_start3A_214] : memref<200x128xi32, #tpu.memory_space<vmem>> -> memref<1x128xi32, #tpu.memory_space<vmem>>
    %dma_start3A_216 = tpu.memref_squeeze %dma_start3A_215 : memref<1x128xi32, #tpu.memory_space<vmem>> -> memref<128xi32, #tpu.memory_space<vmem>>
    %dma_start3A_217 = arith.constant 0 : i32
    %dma_start3A_218 = arith.constant 0 : i32
    %dma_start3A_219 = tpu.memref_slice %arg2[%dma_start3A_217, %dma_start3A_218] : memref<100000x32xf32, #tpu.memory_space<hbm>> -> memref<100000x32xf32, #tpu.memory_space<hbm>>
    tpu.enqueue_indirect_dma source(%dma_start3A_219 : memref<100000x32xf32, #tpu.memory_space<hbm>>) target(%dma_start3A_213 : memref<128x32xf32, #tpu.memory_space<vmem>>) offsets(%dma_start3A_216 : memref<128xi32, #tpu.memory_space<vmem>>) semaphore(%arg12 : memref<!tpu.dma_semaphore, #tpu.memory_space<semaphore_mem>>)
    %dma_start3A_220 = arith.constant 7 : i32
    %dma_start3A_221 = arith.constant 2 : i32
    %dma_start3A_222 = arith.constant 0 : i32
    %dma_start3A_223 = arith.constant 0 : i32
    %dma_start3A_224 = tpu.memref_slice %arg7[%dma_start3A_221, %dma_start3A_222, %dma_start3A_223] : memref<5x128x32xf32, #tpu.memory_space<vmem>> -> memref<1x128x32xf32, #tpu.memory_space<vmem>>
    %dma_start3A_225 = tpu.memref_squeeze %dma_start3A_224 : memref<1x128x32xf32, #tpu.memory_space<vmem>> -> memref<128x32xf32, #tpu.memory_space<vmem>>
    %dma_start3A_226 = arith.constant 0 : i32
    %dma_start3A_227 = tpu.memref_slice %arg5[%dma_start3A_220, %dma_start3A_226] : memref<200x128xi32, #tpu.memory_space<vmem>> -> memref<1x128xi32, #tpu.memory_space<vmem>>
    %dma_start3A_228 = tpu.memref_squeeze %dma_start3A_227 : memref<1x128xi32, #tpu.memory_space<vmem>> -> memref<128xi32, #tpu.memory_space<vmem>>
    %dma_start3A_229 = arith.constant 0 : i32
    %dma_start3A_230 = arith.constant 0 : i32
    %dma_start3A_231 = tpu.memref_slice %arg2[%dma_start3A_229, %dma_start3A_230] : memref<100000x32xf32, #tpu.memory_space<hbm>> -> memref<100000x32xf32, #tpu.memory_space<hbm>>
    tpu.enqueue_indirect_dma source(%dma_start3A_231 : memref<100000x32xf32, #tpu.memory_space<hbm>>) target(%dma_start3A_225 : memref<128x32xf32, #tpu.memory_space<vmem>>) offsets(%dma_start3A_228 : memref<128xi32, #tpu.memory_space<vmem>>) semaphore(%arg12 : memref<!tpu.dma_semaphore, #tpu.memory_space<semaphore_mem>>)
    %dma_start3A_232 = arith.constant 8 : i32
    %dma_start3A_233 = arith.constant 3 : i32
    %dma_start3A_234 = arith.constant 0 : i32
    %dma_start3A_235 = arith.constant 0 : i32
    %dma_start3A_236 = tpu.memref_slice %arg7[%dma_start3A_233, %dma_start3A_234, %dma_start3A_235] : memref<5x128x32xf32, #tpu.memory_space<vmem>> -> memref<1x128x32xf32, #tpu.memory_space<vmem>>
    %dma_start3A_237 = tpu.memref_squeeze %dma_start3A_236 : memref<1x128x32xf32, #tpu.memory_space<vmem>> -> memref<128x32xf32, #tpu.memory_space<vmem>>
    %dma_start3A_238 = arith.constant 0 : i32
    %dma_start3A_239 = tpu.memref_slice %arg5[%dma_start3A_232, %dma_start3A_238] : memref<200x128xi32, #tpu.memory_space<vmem>> -> memref<1x128xi32, #tpu.memory_space<vmem>>
    %dma_start3A_240 = tpu.memref_squeeze %dma_start3A_239 : memref<1x128xi32, #tpu.memory_space<vmem>> -> memref<128xi32, #tpu.memory_space<vmem>>
    %dma_start3A_241 = arith.constant 0 : i32
    %dma_start3A_242 = arith.constant 0 : i32
    %dma_start3A_243 = tpu.memref_slice %arg2[%dma_start3A_241, %dma_start3A_242] : memref<100000x32xf32, #tpu.memory_space<hbm>> -> memref<100000x32xf32, #tpu.memory_space<hbm>>
    tpu.enqueue_indirect_dma source(%dma_start3A_243 : memref<100000x32xf32, #tpu.memory_space<hbm>>) target(%dma_start3A_237 : memref<128x32xf32, #tpu.memory_space<vmem>>) offsets(%dma_start3A_240 : memref<128xi32, #tpu.memory_space<vmem>>) semaphore(%arg12 : memref<!tpu.dma_semaphore, #tpu.memory_space<semaphore_mem>>)
    %dma_start3A_244 = arith.constant 9 : i32
    %dma_start3A_245 = arith.constant 4 : i32
    %dma_start3A_246 = arith.constant 0 : i32
    %dma_start3A_247 = arith.constant 0 : i32
    %dma_start3A_248 = tpu.memref_slice %arg7[%dma_start3A_245, %dma_start3A_246, %dma_start3A_247] : memref<5x128x32xf32, #tpu.memory_space<vmem>> -> memref<1x128x32xf32, #tpu.memory_space<vmem>>
    %dma_start3A_249 = tpu.memref_squeeze %dma_start3A_248 : memref<1x128x32xf32, #tpu.memory_space<vmem>> -> memref<128x32xf32, #tpu.memory_space<vmem>>
    %dma_start3A_250 = arith.constant 0 : i32
    %dma_start3A_251 = tpu.memref_slice %arg5[%dma_start3A_244, %dma_start3A_250] : memref<200x128xi32, #tpu.memory_space<vmem>> -> memref<1x128xi32, #tpu.memory_space<vmem>>
    %dma_start3A_252 = tpu.memref_squeeze %dma_start3A_251 : memref<1x128xi32, #tpu.memory_space<vmem>> -> memref<128xi32, #tpu.memory_space<vmem>>
    %dma_start3A_253 = arith.constant 0 : i32
    %dma_start3A_254 = arith.constant 0 : i32
    %dma_start3A_255 = tpu.memref_slice %arg2[%dma_start3A_253, %dma_start3A_254] : memref<100000x32xf32, #tpu.memory_space<hbm>> -> memref<100000x32xf32, #tpu.memory_space<hbm>>
    tpu.enqueue_indirect_dma source(%dma_start3A_255 : memref<100000x32xf32, #tpu.memory_space<hbm>>) target(%dma_start3A_249 : memref<128x32xf32, #tpu.memory_space<vmem>>) offsets(%dma_start3A_252 : memref<128xi32, #tpu.memory_space<vmem>>) semaphore(%arg12 : memref<!tpu.dma_semaphore, #tpu.memory_space<semaphore_mem>>)
    %broadcast_in_dim3A = arith.constant 0 : i32
    %broadcast_in_dim3A_256 = vector.broadcast %broadcast_in_dim3A : i32 to vector<16xi32>
    %parallel_loop3A = arith.constant 0 : i32
    %parallel_loop3A_257 = arith.constant 128 : i32
    %parallel_loop3A_258 = arith.constant 1 : i32
    scf.for %parallel_loop3A_880 = %parallel_loop3A to %parallel_loop3A_257 step %parallel_loop3A_258  : i32 {
      %parallel_loop3A_881 = arith.constant 0 : i32
      %parallel_loop3A_882 = vector.broadcast %parallel_loop3A_881 : i32 to vector<16xi32>
      %parallel_loop3A_883 = vector.broadcast %parallel_loop3A_880 : i32 to vector<16xi32>
      %parallel_loop3A_884 = arith.addi %parallel_loop3A_882, %parallel_loop3A_883 : vector<16xi32>
      %parallel_loop3A_885 = arith.constant 0 : i32
      %parallel_loop3A_886 = arith.index_cast %parallel_loop3A_885 : i32 to index
      %parallel_loop3A_887 = arith.index_cast %parallel_loop3A_880 : i32 to index
      %parallel_loop3A_888 = arith.constant 0 : index
      %parallel_loop3A_889 = tpu.vector_load %arg6[%parallel_loop3A_886, %parallel_loop3A_887, %parallel_loop3A_888] {strides = array<i32>} : memref<5x128x32xf32, #tpu.memory_space<vmem>>, vector<16xf32>,
      %parallel_loop3A_890 = arith.constant 0 : i32
      %parallel_loop3A_891 = arith.index_cast %parallel_loop3A_890 : i32 to index
      %parallel_loop3A_892 = arith.index_cast %parallel_loop3A_880 : i32 to index
      %parallel_loop3A_893 = arith.constant 16 : index
      %parallel_loop3A_894 = tpu.vector_load %arg6[%parallel_loop3A_891, %parallel_loop3A_892, %parallel_loop3A_893] {strides = array<i32>} : memref<5x128x32xf32, #tpu.memory_space<vmem>>, vector<16xf32>,
      tpu.vector_store_idx %arg8[%broadcast_in_dim3A_256, %select_n3A_57, %select_n3A_29, %parallel_loop3A_884], %parallel_loop3A_889 : memref<5x4x8x129xf32, #tpu.memory_space<vmem>>[vector<16xi32>, vector<16xi32>, vector<16xi32>, vector<16xi32>], vector<16xf32>,
      tpu.vector_store_idx %arg8[%broadcast_in_dim3A_256, %add3A_60, %select_n3A_29, %parallel_loop3A_884], %parallel_loop3A_894 : memref<5x4x8x129xf32, #tpu.memory_space<vmem>>[vector<16xi32>, vector<16xi32>, vector<16xi32>, vector<16xi32>], vector<16xf32>,
    } {sc.loop_unroll_factor = 4 : i64, sc.parallel_access}
    %broadcast_in_dim3A_259 = arith.constant 1 : i32
    %broadcast_in_dim3A_260 = vector.broadcast %broadcast_in_dim3A_259 : i32 to vector<16xi32>
    %parallel_loop3A_261 = arith.constant 0 : i32
    %parallel_loop3A_262 = arith.constant 128 : i32
    %parallel_loop3A_263 = arith.constant 1 : i32
    scf.for %parallel_loop3A_880 = %parallel_loop3A_261 to %parallel_loop3A_262 step %parallel_loop3A_263  : i32 {
      %parallel_loop3A_881 = arith.constant 0 : i32
      %parallel_loop3A_882 = vector.broadcast %parallel_loop3A_881 : i32 to vector<16xi32>
      %parallel_loop3A_883 = vector.broadcast %parallel_loop3A_880 : i32 to vector<16xi32>
      %parallel_loop3A_884 = arith.addi %parallel_loop3A_882, %parallel_loop3A_883 : vector<16xi32>
      %parallel_loop3A_885 = arith.constant 1 : i32
      %parallel_loop3A_886 = arith.index_cast %parallel_loop3A_885 : i32 to index
      %parallel_loop3A_887 = arith.index_cast %parallel_loop3A_880 : i32 to index
      %parallel_loop3A_888 = arith.constant 0 : index
      %parallel_loop3A_889 = tpu.vector_load %arg6[%parallel_loop3A_886, %parallel_loop3A_887, %parallel_loop3A_888] {strides = array<i32>} : memref<5x128x32xf32, #tpu.memory_space<vmem>>, vector<16xf32>,
      %parallel_loop3A_890 = arith.constant 1 : i32
      %parallel_loop3A_891 = arith.index_cast %parallel_loop3A_890 : i32 to index
      %parallel_loop3A_892 = arith.index_cast %parallel_loop3A_880 : i32 to index
      %parallel_loop3A_893 = arith.constant 16 : index
      %parallel_loop3A_894 = tpu.vector_load %arg6[%parallel_loop3A_891, %parallel_loop3A_892, %parallel_loop3A_893] {strides = array<i32>} : memref<5x128x32xf32, #tpu.memory_space<vmem>>, vector<16xf32>,
      tpu.vector_store_idx %arg8[%broadcast_in_dim3A_260, %select_n3A_57, %select_n3A_29, %parallel_loop3A_884], %parallel_loop3A_889 : memref<5x4x8x129xf32, #tpu.memory_space<vmem>>[vector<16xi32>, vector<16xi32>, vector<16xi32>, vector<16xi32>], vector<16xf32>,
      tpu.vector_store_idx %arg8[%broadcast_in_dim3A_260, %add3A_60, %select_n3A_29, %parallel_loop3A_884], %parallel_loop3A_894 : memref<5x4x8x129xf32, #tpu.memory_space<vmem>>[vector<16xi32>, vector<16xi32>, vector<16xi32>, vector<16xi32>], vector<16xf32>,
    } {sc.loop_unroll_factor = 4 : i64, sc.parallel_access}
    %broadcast_in_dim3A_264 = arith.constant 2 : i32
    %broadcast_in_dim3A_265 = vector.broadcast %broadcast_in_dim3A_264 : i32 to vector<16xi32>
    %parallel_loop3A_266 = arith.constant 0 : i32
    %parallel_loop3A_267 = arith.constant 128 : i32
    %parallel_loop3A_268 = arith.constant 1 : i32
    scf.for %parallel_loop3A_880 = %parallel_loop3A_266 to %parallel_loop3A_267 step %parallel_loop3A_268  : i32 {
      %parallel_loop3A_881 = arith.constant 0 : i32
      %parallel_loop3A_882 = vector.broadcast %parallel_loop3A_881 : i32 to vector<16xi32>
      %parallel_loop3A_883 = vector.broadcast %parallel_loop3A_880 : i32 to vector<16xi32>
      %parallel_loop3A_884 = arith.addi %parallel_loop3A_882, %parallel_loop3A_883 : vector<16xi32>
      %parallel_loop3A_885 = arith.constant 2 : i32
      %parallel_loop3A_886 = arith.index_cast %parallel_loop3A_885 : i32 to index
      %parallel_loop3A_887 = arith.index_cast %parallel_loop3A_880 : i32 to index
      %parallel_loop3A_888 = arith.constant 0 : index
      %parallel_loop3A_889 = tpu.vector_load %arg6[%parallel_loop3A_886, %parallel_loop3A_887, %parallel_loop3A_888] {strides = array<i32>} : memref<5x128x32xf32, #tpu.memory_space<vmem>>, vector<16xf32>,
      %parallel_loop3A_890 = arith.constant 2 : i32
      %parallel_loop3A_891 = arith.index_cast %parallel_loop3A_890 : i32 to index
      %parallel_loop3A_892 = arith.index_cast %parallel_loop3A_880 : i32 to index
      %parallel_loop3A_893 = arith.constant 16 : index
      %parallel_loop3A_894 = tpu.vector_load %arg6[%parallel_loop3A_891, %parallel_loop3A_892, %parallel_loop3A_893] {strides = array<i32>} : memref<5x128x32xf32, #tpu.memory_space<vmem>>, vector<16xf32>,
      tpu.vector_store_idx %arg8[%broadcast_in_dim3A_265, %select_n3A_57, %select_n3A_29, %parallel_loop3A_884], %parallel_loop3A_889 : memref<5x4x8x129xf32, #tpu.memory_space<vmem>>[vector<16xi32>, vector<16xi32>, vector<16xi32>, vector<16xi32>], vector<16xf32>,
      tpu.vector_store_idx %arg8[%broadcast_in_dim3A_265, %add3A_60, %select_n3A_29, %parallel_loop3A_884], %parallel_loop3A_894 : memref<5x4x8x129xf32, #tpu.memory_space<vmem>>[vector<16xi32>, vector<16xi32>, vector<16xi32>, vector<16xi32>], vector<16xf32>,
    } {sc.loop_unroll_factor = 4 : i64, sc.parallel_access}
    %broadcast_in_dim3A_269 = arith.constant 3 : i32
    %broadcast_in_dim3A_270 = vector.broadcast %broadcast_in_dim3A_269 : i32 to vector<16xi32>
    %parallel_loop3A_271 = arith.constant 0 : i32
    %parallel_loop3A_272 = arith.constant 128 : i32
    %parallel_loop3A_273 = arith.constant 1 : i32
    scf.for %parallel_loop3A_880 = %parallel_loop3A_271 to %parallel_loop3A_272 step %parallel_loop3A_273  : i32 {
      %parallel_loop3A_881 = arith.constant 0 : i32
      %parallel_loop3A_882 = vector.broadcast %parallel_loop3A_881 : i32 to vector<16xi32>
      %parallel_loop3A_883 = vector.broadcast %parallel_loop3A_880 : i32 to vector<16xi32>
      %parallel_loop3A_884 = arith.addi %parallel_loop3A_882, %parallel_loop3A_883 : vector<16xi32>
      %parallel_loop3A_885 = arith.constant 3 : i32
      %parallel_loop3A_886 = arith.index_cast %parallel_loop3A_885 : i32 to index
      %parallel_loop3A_887 = arith.index_cast %parallel_loop3A_880 : i32 to index
      %parallel_loop3A_888 = arith.constant 0 : index
      %parallel_loop3A_889 = tpu.vector_load %arg6[%parallel_loop3A_886, %parallel_loop3A_887, %parallel_loop3A_888] {strides = array<i32>} : memref<5x128x32xf32, #tpu.memory_space<vmem>>, vector<16xf32>,
      %parallel_loop3A_890 = arith.constant 3 : i32
      %parallel_loop3A_891 = arith.index_cast %parallel_loop3A_890 : i32 to index
      %parallel_loop3A_892 = arith.index_cast %parallel_loop3A_880 : i32 to index
      %parallel_loop3A_893 = arith.constant 16 : index
      %parallel_loop3A_894 = tpu.vector_load %arg6[%parallel_loop3A_891, %parallel_loop3A_892, %parallel_loop3A_893] {strides = array<i32>} : memref<5x128x32xf32, #tpu.memory_space<vmem>>, vector<16xf32>,
      tpu.vector_store_idx %arg8[%broadcast_in_dim3A_270, %select_n3A_57, %select_n3A_29, %parallel_loop3A_884], %parallel_loop3A_889 : memref<5x4x8x129xf32, #tpu.memory_space<vmem>>[vector<16xi32>, vector<16xi32>, vector<16xi32>, vector<16xi32>], vector<16xf32>,
      tpu.vector_store_idx %arg8[%broadcast_in_dim3A_270, %add3A_60, %select_n3A_29, %parallel_loop3A_884], %parallel_loop3A_894 : memref<5x4x8x129xf32, #tpu.memory_space<vmem>>[vector<16xi32>, vector<16xi32>, vector<16xi32>, vector<16xi32>], vector<16xf32>,
    } {sc.loop_unroll_factor = 4 : i64, sc.parallel_access}
    %broadcast_in_dim3A_274 = arith.constant 4 : i32
    %broadcast_in_dim3A_275 = vector.broadcast %broadcast_in_dim3A_274 : i32 to vector<16xi32>
    %parallel_loop3A_276 = arith.constant 0 : i32
    %parallel_loop3A_277 = arith.constant 128 : i32
    %parallel_loop3A_278 = arith.constant 1 : i32
    scf.for %parallel_loop3A_880 = %parallel_loop3A_276 to %parallel_loop3A_277 step %parallel_loop3A_278  : i32 {
      %parallel_loop3A_881 = arith.constant 0 : i32
      %parallel_loop3A_882 = vector.broadcast %parallel_loop3A_881 : i32 to vector<16xi32>
      %parallel_loop3A_883 = vector.broadcast %parallel_loop3A_880 : i32 to vector<16xi32>
      %parallel_loop3A_884 = arith.addi %parallel_loop3A_882, %parallel_loop3A_883 : vector<16xi32>
      %parallel_loop3A_885 = arith.constant 4 : i32
      %parallel_loop3A_886 = arith.index_cast %parallel_loop3A_885 : i32 to index
      %parallel_loop3A_887 = arith.index_cast %parallel_loop3A_880 : i32 to index
      %parallel_loop3A_888 = arith.constant 0 : index
      %parallel_loop3A_889 = tpu.vector_load %arg6[%parallel_loop3A_886, %parallel_loop3A_887, %parallel_loop3A_888] {strides = array<i32>} : memref<5x128x32xf32, #tpu.memory_space<vmem>>, vector<16xf32>,
      %parallel_loop3A_890 = arith.constant 4 : i32
      %parallel_loop3A_891 = arith.index_cast %parallel_loop3A_890 : i32 to index
      %parallel_loop3A_892 = arith.index_cast %parallel_loop3A_880 : i32 to index
      %parallel_loop3A_893 = arith.constant 16 : index
      %parallel_loop3A_894 = tpu.vector_load %arg6[%parallel_loop3A_891, %parallel_loop3A_892, %parallel_loop3A_893] {strides = array<i32>} : memref<5x128x32xf32, #tpu.memory_space<vmem>>, vector<16xf32>,
      tpu.vector_store_idx %arg8[%broadcast_in_dim3A_275, %select_n3A_57, %select_n3A_29, %parallel_loop3A_884], %parallel_loop3A_889 : memref<5x4x8x129xf32, #tpu.memory_space<vmem>>[vector<16xi32>, vector<16xi32>, vector<16xi32>, vector<16xi32>], vector<16xf32>,
      tpu.vector_store_idx %arg8[%broadcast_in_dim3A_275, %add3A_60, %select_n3A_29, %parallel_loop3A_884], %parallel_loop3A_894 : memref<5x4x8x129xf32, #tpu.memory_space<vmem>>[vector<16xi32>, vector<16xi32>, vector<16xi32>, vector<16xi32>], vector<16xf32>,
    } {sc.loop_unroll_factor = 4 : i64, sc.parallel_access}
    %dma_start3A_279 = arith.constant 0 : i32
    %dma_start3A_280 = arith.constant 0 : i32
    %dma_start3A_281 = arith.constant 0 : i32
    %dma_start3A_282 = arith.constant 0 : i32
    %dma_start3A_283 = tpu.memref_slice %arg8[%dma_start3A_279, %dma_start3A_280, %dma_start3A_281, %dma_start3A_282] : memref<5x4x8x129xf32, #tpu.memory_space<vmem>> -> memref<5x4x8x128xf32, #tpu.memory_space<vmem>>
    %dma_start3A_284 = arith.constant 0 : i32
    %dma_start3A_285 = arith.constant 0 : i32
    %dma_start3A_286 = arith.constant 0 : i32
    %dma_start3A_287 = arith.constant 0 : i32
    %dma_start3A_288 = tpu.memref_slice %arg4[%dma_start3A_284, %dma_start3A_285, %add3A, %dma_start3A_286, %dma_start3A_287] : memref<200x4x32x8x128xf32, #tpu.memory_space<hbm>> -> memref<5x4x1x8x128xf32, #tpu.memory_space<hbm>>
    %dma_start3A_289 = tpu.memref_squeeze %dma_start3A_288 : memref<5x4x1x8x128xf32, #tpu.memory_space<hbm>> -> memref<5x4x8x128xf32, #tpu.memory_space<hbm>>
    %dma_start3A_290 = arith.constant 0 : i32
    %dma_start3A_291 = arith.constant 0 : i32
    %dma_start3A_292 = arith.constant 0 : i32
    %dma_start3A_293 = arith.constant 0 : i32
    %dma_start3A_294 = tpu.memref_slice %arg4[%dma_start3A_290, %dma_start3A_291, %add3A, %dma_start3A_292, %dma_start3A_293] : memref<200x4x32x8x128xf32, #tpu.memory_space<hbm>> -> memref<5x4x1x8x128xf32, #tpu.memory_space<hbm>>
    %dma_start3A_295 = tpu.memref_squeeze %dma_start3A_294 : memref<5x4x1x8x128xf32, #tpu.memory_space<hbm>> -> memref<5x4x8x128xf32, #tpu.memory_space<hbm>>
    %dma_start3A_296 = arith.constant 0 : i32
    %dma_start3A_297 = arith.constant 0 : i32
    %dma_start3A_298 = arith.constant 0 : i32
    %dma_start3A_299 = arith.constant 0 : i32
    %dma_start3A_300 = tpu.memref_slice %arg8[%dma_start3A_296, %dma_start3A_297, %dma_start3A_298, %dma_start3A_299] : memref<5x4x8x129xf32, #tpu.memory_space<vmem>> -> memref<5x4x8x128xf32, #tpu.memory_space<vmem>>
    tpu.enqueue_dma source(%dma_start3A_300 : memref<5x4x8x128xf32, #tpu.memory_space<vmem>>) target(%dma_start3A_295 : memref<5x4x8x128xf32, #tpu.memory_space<hbm>>) target_semaphore(%arg13 : memref<!tpu.dma_semaphore, #tpu.memory_space<semaphore_mem>>)
    %dma_wait3A_301 = arith.constant 0 : i32
    %dma_wait3A_302 = arith.constant 0 : i32
    %dma_wait3A_303 = arith.constant 0 : i32
    %dma_wait3A_304 = tpu.memref_slice %arg7[%dma_wait3A_301, %dma_wait3A_302, %dma_wait3A_303] : memref<5x128x32xf32, #tpu.memory_space<vmem>> -> memref<1x128x32xf32, #tpu.memory_space<vmem>>
    %dma_wait3A_305 = tpu.memref_squeeze %dma_wait3A_304 : memref<1x128x32xf32, #tpu.memory_space<vmem>> -> memref<128x32xf32, #tpu.memory_space<vmem>>
    %dma_wait3A_306 = arith.constant 0 : i32
    %dma_wait3A_307 = arith.constant 0 : i32
    %dma_wait3A_308 = tpu.memref_slice %arg2[%dma_wait3A_306, %dma_wait3A_307] : memref<100000x32xf32, #tpu.memory_space<hbm>> -> memref<128x32xf32, #tpu.memory_space<hbm>>
    %dma_wait3A_309 = arith.constant 0 : i32
    %dma_wait3A_310 = arith.constant 0 : i32
    %dma_wait3A_311 = tpu.memref_slice %arg7[%dma_wait3A_301, %dma_wait3A_309, %dma_wait3A_310] : memref<5x128x32xf32, #tpu.memory_space<vmem>> -> memref<1x128x32xf32, #tpu.memory_space<vmem>>
    %dma_wait3A_312 = tpu.memref_squeeze %dma_wait3A_311 : memref<1x128x32xf32, #tpu.memory_space<vmem>> -> memref<128x32xf32, #tpu.memory_space<vmem>>
    %dma_wait3A_313 = arith.constant 0 : i32
    %dma_wait3A_314 = arith.constant 0 : i32
    %dma_wait3A_315 = tpu.memref_slice %arg2[%dma_wait3A_313, %dma_wait3A_314] : memref<100000x32xf32, #tpu.memory_space<hbm>> -> memref<128x32xf32, #tpu.memory_space<hbm>>
    tpu.wait_dma2 semaphore(%arg12 : memref<!tpu.dma_semaphore, #tpu.memory_space<semaphore_mem>>) src(%dma_wait3A_315 : memref<128x32xf32, #tpu.memory_space<hbm>>) dst(%dma_wait3A_312 : memref<128x32xf32, #tpu.memory_space<vmem>>)
    %dma_wait3A_316 = arith.constant 1 : i32
    %dma_wait3A_317 = arith.constant 0 : i32
    %dma_wait3A_318 = arith.constant 0 : i32
    %dma_wait3A_319 = tpu.memref_slice %arg7[%dma_wait3A_316, %dma_wait3A_317, %dma_wait3A_318] : memref<5x128x32xf32, #tpu.memory_space<vmem>> -> memref<1x128x32xf32, #tpu.memory_space<vmem>>
    %dma_wait3A_320 = tpu.memref_squeeze %dma_wait3A_319 : memref<1x128x32xf32, #tpu.memory_space<vmem>> -> memref<128x32xf32, #tpu.memory_space<vmem>>
    %dma_wait3A_321 = arith.constant 0 : i32
    %dma_wait3A_322 = arith.constant 0 : i32
    %dma_wait3A_323 = tpu.memref_slice %arg2[%dma_wait3A_321, %dma_wait3A_322] : memref<100000x32xf32, #tpu.memory_space<hbm>> -> memref<128x32xf32, #tpu.memory_space<hbm>>
    %dma_wait3A_324 = arith.constant 0 : i32
    %dma_wait3A_325 = arith.constant 0 : i32
    %dma_wait3A_326 = tpu.memref_slice %arg7[%dma_wait3A_316, %dma_wait3A_324, %dma_wait3A_325] : memref<5x128x32xf32, #tpu.memory_space<vmem>> -> memref<1x128x32xf32, #tpu.memory_space<vmem>>
    %dma_wait3A_327 = tpu.memref_squeeze %dma_wait3A_326 : memref<1x128x32xf32, #tpu.memory_space<vmem>> -> memref<128x32xf32, #tpu.memory_space<vmem>>
    %dma_wait3A_328 = arith.constant 0 : i32
    %dma_wait3A_329 = arith.constant 0 : i32
    %dma_wait3A_330 = tpu.memref_slice %arg2[%dma_wait3A_328, %dma_wait3A_329] : memref<100000x32xf32, #tpu.memory_space<hbm>> -> memref<128x32xf32, #tpu.memory_space<hbm>>
    tpu.wait_dma2 semaphore(%arg12 : memref<!tpu.dma_semaphore, #tpu.memory_space<semaphore_mem>>) src(%dma_wait3A_330 : memref<128x32xf32, #tpu.memory_space<hbm>>) dst(%dma_wait3A_327 : memref<128x32xf32, #tpu.memory_space<vmem>>)
    %dma_wait3A_331 = arith.constant 2 : i32
    %dma_wait3A_332 = arith.constant 0 : i32
    %dma_wait3A_333 = arith.constant 0 : i32
    %dma_wait3A_334 = tpu.memref_slice %arg7[%dma_wait3A_331, %dma_wait3A_332, %dma_wait3A_333] : memref<5x128x32xf32, #tpu.memory_space<vmem>> -> memref<1x128x32xf32, #tpu.memory_space<vmem>>
    %dma_wait3A_335 = tpu.memref_squeeze %dma_wait3A_334 : memref<1x128x32xf32, #tpu.memory_space<vmem>> -> memref<128x32xf32, #tpu.memory_space<vmem>>
    %dma_wait3A_336 = arith.constant 0 : i32
    %dma_wait3A_337 = arith.constant 0 : i32
    %dma_wait3A_338 = tpu.memref_slice %arg2[%dma_wait3A_336, %dma_wait3A_337] : memref<100000x32xf32, #tpu.memory_space<hbm>> -> memref<128x32xf32, #tpu.memory_space<hbm>>
    %dma_wait3A_339 = arith.constant 0 : i32
    %dma_wait3A_340 = arith.constant 0 : i32
    %dma_wait3A_341 = tpu.memref_slice %arg7[%dma_wait3A_331, %dma_wait3A_339, %dma_wait3A_340] : memref<5x128x32xf32, #tpu.memory_space<vmem>> -> memref<1x128x32xf32, #tpu.memory_space<vmem>>
    %dma_wait3A_342 = tpu.memref_squeeze %dma_wait3A_341 : memref<1x128x32xf32, #tpu.memory_space<vmem>> -> memref<128x32xf32, #tpu.memory_space<vmem>>
    %dma_wait3A_343 = arith.constant 0 : i32
    %dma_wait3A_344 = arith.constant 0 : i32
    %dma_wait3A_345 = tpu.memref_slice %arg2[%dma_wait3A_343, %dma_wait3A_344] : memref<100000x32xf32, #tpu.memory_space<hbm>> -> memref<128x32xf32, #tpu.memory_space<hbm>>
    tpu.wait_dma2 semaphore(%arg12 : memref<!tpu.dma_semaphore, #tpu.memory_space<semaphore_mem>>) src(%dma_wait3A_345 : memref<128x32xf32, #tpu.memory_space<hbm>>) dst(%dma_wait3A_342 : memref<128x32xf32, #tpu.memory_space<vmem>>)
    %dma_wait3A_346 = arith.constant 3 : i32
    %dma_wait3A_347 = arith.constant 0 : i32
    %dma_wait3A_348 = arith.constant 0 : i32
    %dma_wait3A_349 = tpu.memref_slice %arg7[%dma_wait3A_346, %dma_wait3A_347, %dma_wait3A_348] : memref<5x128x32xf32, #tpu.memory_space<vmem>> -> memref<1x128x32xf32, #tpu.memory_space<vmem>>
    %dma_wait3A_350 = tpu.memref_squeeze %dma_wait3A_349 : memref<1x128x32xf32, #tpu.memory_space<vmem>> -> memref<128x32xf32, #tpu.memory_space<vmem>>
    %dma_wait3A_351 = arith.constant 0 : i32
    %dma_wait3A_352 = arith.constant 0 : i32
    %dma_wait3A_353 = tpu.memref_slice %arg2[%dma_wait3A_351, %dma_wait3A_352] : memref<100000x32xf32, #tpu.memory_space<hbm>> -> memref<128x32xf32, #tpu.memory_space<hbm>>
    %dma_wait3A_354 = arith.constant 0 : i32
    %dma_wait3A_355 = arith.constant 0 : i32
    %dma_wait3A_356 = tpu.memref_slice %arg7[%dma_wait3A_346, %dma_wait3A_354, %dma_wait3A_355] : memref<5x128x32xf32, #tpu.memory_space<vmem>> -> memref<1x128x32xf32, #tpu.memory_space<vmem>>
    %dma_wait3A_357 = tpu.memref_squeeze %dma_wait3A_356 : memref<1x128x32xf32, #tpu.memory_space<vmem>> -> memref<128x32xf32, #tpu.memory_space<vmem>>
    %dma_wait3A_358 = arith.constant 0 : i32
    %dma_wait3A_359 = arith.constant 0 : i32
    %dma_wait3A_360 = tpu.memref_slice %arg2[%dma_wait3A_358, %dma_wait3A_359] : memref<100000x32xf32, #tpu.memory_space<hbm>> -> memref<128x32xf32, #tpu.memory_space<hbm>>
    tpu.wait_dma2 semaphore(%arg12 : memref<!tpu.dma_semaphore, #tpu.memory_space<semaphore_mem>>) src(%dma_wait3A_360 : memref<128x32xf32, #tpu.memory_space<hbm>>) dst(%dma_wait3A_357 : memref<128x32xf32, #tpu.memory_space<vmem>>)
    %dma_wait3A_361 = arith.constant 4 : i32
    %dma_wait3A_362 = arith.constant 0 : i32
    %dma_wait3A_363 = arith.constant 0 : i32
    %dma_wait3A_364 = tpu.memref_slice %arg7[%dma_wait3A_361, %dma_wait3A_362, %dma_wait3A_363] : memref<5x128x32xf32, #tpu.memory_space<vmem>> -> memref<1x128x32xf32, #tpu.memory_space<vmem>>
    %dma_wait3A_365 = tpu.memref_squeeze %dma_wait3A_364 : memref<1x128x32xf32, #tpu.memory_space<vmem>> -> memref<128x32xf32, #tpu.memory_space<vmem>>
    %dma_wait3A_366 = arith.constant 0 : i32
    %dma_wait3A_367 = arith.constant 0 : i32
    %dma_wait3A_368 = tpu.memref_slice %arg2[%dma_wait3A_366, %dma_wait3A_367] : memref<100000x32xf32, #tpu.memory_space<hbm>> -> memref<128x32xf32, #tpu.memory_space<hbm>>
    %dma_wait3A_369 = arith.constant 0 : i32
    %dma_wait3A_370 = arith.constant 0 : i32
    %dma_wait3A_371 = tpu.memref_slice %arg7[%dma_wait3A_361, %dma_wait3A_369, %dma_wait3A_370] : memref<5x128x32xf32, #tpu.memory_space<vmem>> -> memref<1x128x32xf32, #tpu.memory_space<vmem>>
    %dma_wait3A_372 = tpu.memref_squeeze %dma_wait3A_371 : memref<1x128x32xf32, #tpu.memory_space<vmem>> -> memref<128x32xf32, #tpu.memory_space<vmem>>
    %dma_wait3A_373 = arith.constant 0 : i32
    %dma_wait3A_374 = arith.constant 0 : i32
    %dma_wait3A_375 = tpu.memref_slice %arg2[%dma_wait3A_373, %dma_wait3A_374] : memref<100000x32xf32, #tpu.memory_space<hbm>> -> memref<128x32xf32, #tpu.memory_space<hbm>>
    tpu.wait_dma2 semaphore(%arg12 : memref<!tpu.dma_semaphore, #tpu.memory_space<semaphore_mem>>) src(%dma_wait3A_375 : memref<128x32xf32, #tpu.memory_space<hbm>>) dst(%dma_wait3A_372 : memref<128x32xf32, #tpu.memory_space<vmem>>)
    %dma_start3A_376 = arith.constant 10 : i32
    %dma_start3A_377 = arith.constant 0 : i32
    %dma_start3A_378 = arith.constant 0 : i32
    %dma_start3A_379 = arith.constant 0 : i32
    %dma_start3A_380 = tpu.memref_slice %arg6[%dma_start3A_377, %dma_start3A_378, %dma_start3A_379] : memref<5x128x32xf32, #tpu.memory_space<vmem>> -> memref<1x128x32xf32, #tpu.memory_space<vmem>>
    %dma_start3A_381 = tpu.memref_squeeze %dma_start3A_380 : memref<1x128x32xf32, #tpu.memory_space<vmem>> -> memref<128x32xf32, #tpu.memory_space<vmem>>
    %dma_start3A_382 = arith.constant 0 : i32
    %dma_start3A_383 = tpu.memref_slice %arg5[%dma_start3A_376, %dma_start3A_382] : memref<200x128xi32, #tpu.memory_space<vmem>> -> memref<1x128xi32, #tpu.memory_space<vmem>>
    %dma_start3A_384 = tpu.memref_squeeze %dma_start3A_383 : memref<1x128xi32, #tpu.memory_space<vmem>> -> memref<128xi32, #tpu.memory_space<vmem>>
    %dma_start3A_385 = arith.constant 0 : i32
    %dma_start3A_386 = arith.constant 0 : i32
    %dma_start3A_387 = tpu.memref_slice %arg2[%dma_start3A_385, %dma_start3A_386] : memref<100000x32xf32, #tpu.memory_space<hbm>> -> memref<100000x32xf32, #tpu.memory_space<hbm>>
    tpu.enqueue_indirect_dma source(%dma_start3A_387 : memref<100000x32xf32, #tpu.memory_space<hbm>>) target(%dma_start3A_381 : memref<128x32xf32, #tpu.memory_space<vmem>>) offsets(%dma_start3A_384 : memref<128xi32, #tpu.memory_space<vmem>>) semaphore(%arg11 : memref<!tpu.dma_semaphore, #tpu.memory_space<semaphore_mem>>)
    %dma_start3A_388 = arith.constant 11 : i32
    %dma_start3A_389 = arith.constant 1 : i32
    %dma_start3A_390 = arith.constant 0 : i32
    %dma_start3A_391 = arith.constant 0 : i32
    %dma_start3A_392 = tpu.memref_slice %arg6[%dma_start3A_389, %dma_start3A_390, %dma_start3A_391] : memref<5x128x32xf32, #tpu.memory_space<vmem>> -> memref<1x128x32xf32, #tpu.memory_space<vmem>>
    %dma_start3A_393 = tpu.memref_squeeze %dma_start3A_392 : memref<1x128x32xf32, #tpu.memory_space<vmem>> -> memref<128x32xf32, #tpu.memory_space<vmem>>
    %dma_start3A_394 = arith.constant 0 : i32
    %dma_start3A_395 = tpu.memref_slice %arg5[%dma_start3A_388, %dma_start3A_394] : memref<200x128xi32, #tpu.memory_space<vmem>> -> memref<1x128xi32, #tpu.memory_space<vmem>>
    %dma_start3A_396 = tpu.memref_squeeze %dma_start3A_395 : memref<1x128xi32, #tpu.memory_space<vmem>> -> memref<128xi32, #tpu.memory_space<vmem>>
    %dma_start3A_397 = arith.constant 0 : i32
    %dma_start3A_398 = arith.constant 0 : i32
    %dma_start3A_399 = tpu.memref_slice %arg2[%dma_start3A_397, %dma_start3A_398] : memref<100000x32xf32, #tpu.memory_space<hbm>> -> memref<100000x32xf32, #tpu.memory_space<hbm>>
    tpu.enqueue_indirect_dma source(%dma_start3A_399 : memref<100000x32xf32, #tpu.memory_space<hbm>>) target(%dma_start3A_393 : memref<128x32xf32, #tpu.memory_space<vmem>>) offsets(%dma_start3A_396 : memref<128xi32, #tpu.memory_space<vmem>>) semaphore(%arg11 : memref<!tpu.dma_semaphore, #tpu.memory_space<semaphore_mem>>)
    %dma_start3A_400 = arith.constant 12 : i32
    %dma_start3A_401 = arith.constant 2 : i32
    %dma_start3A_402 = arith.constant 0 : i32
    %dma_start3A_403 = arith.constant 0 : i32
    %dma_start3A_404 = tpu.memref_slice %arg6[%dma_start3A_401, %dma_start3A_402, %dma_start3A_403] : memref<5x128x32xf32, #tpu.memory_space<vmem>> -> memref<1x128x32xf32, #tpu.memory_space<vmem>>
    %dma_start3A_405 = tpu.memref_squeeze %dma_start3A_404 : memref<1x128x32xf32, #tpu.memory_space<vmem>> -> memref<128x32xf32, #tpu.memory_space<vmem>>
    %dma_start3A_406 = arith.constant 0 : i32
    %dma_start3A_407 = tpu.memref_slice %arg5[%dma_start3A_400, %dma_start3A_406] : memref<200x128xi32, #tpu.memory_space<vmem>> -> memref<1x128xi32, #tpu.memory_space<vmem>>
    %dma_start3A_408 = tpu.memref_squeeze %dma_start3A_407 : memref<1x128xi32, #tpu.memory_space<vmem>> -> memref<128xi32, #tpu.memory_space<vmem>>
    %dma_start3A_409 = arith.constant 0 : i32
    %dma_start3A_410 = arith.constant 0 : i32
    %dma_start3A_411 = tpu.memref_slice %arg2[%dma_start3A_409, %dma_start3A_410] : memref<100000x32xf32, #tpu.memory_space<hbm>> -> memref<100000x32xf32, #tpu.memory_space<hbm>>
    tpu.enqueue_indirect_dma source(%dma_start3A_411 : memref<100000x32xf32, #tpu.memory_space<hbm>>) target(%dma_start3A_405 : memref<128x32xf32, #tpu.memory_space<vmem>>) offsets(%dma_start3A_408 : memref<128xi32, #tpu.memory_space<vmem>>) semaphore(%arg11 : memref<!tpu.dma_semaphore, #tpu.memory_space<semaphore_mem>>)
    %dma_start3A_412 = arith.constant 13 : i32
    %dma_start3A_413 = arith.constant 3 : i32
    %dma_start3A_414 = arith.constant 0 : i32
    %dma_start3A_415 = arith.constant 0 : i32
    %dma_start3A_416 = tpu.memref_slice %arg6[%dma_start3A_413, %dma_start3A_414, %dma_start3A_415] : memref<5x128x32xf32, #tpu.memory_space<vmem>> -> memref<1x128x32xf32, #tpu.memory_space<vmem>>
    %dma_start3A_417 = tpu.memref_squeeze %dma_start3A_416 : memref<1x128x32xf32, #tpu.memory_space<vmem>> -> memref<128x32xf32, #tpu.memory_space<vmem>>
    %dma_start3A_418 = arith.constant 0 : i32
    %dma_start3A_419 = tpu.memref_slice %arg5[%dma_start3A_412, %dma_start3A_418] : memref<200x128xi32, #tpu.memory_space<vmem>> -> memref<1x128xi32, #tpu.memory_space<vmem>>
    %dma_start3A_420 = tpu.memref_squeeze %dma_start3A_419 : memref<1x128xi32, #tpu.memory_space<vmem>> -> memref<128xi32, #tpu.memory_space<vmem>>
    %dma_start3A_421 = arith.constant 0 : i32
    %dma_start3A_422 = arith.constant 0 : i32
    %dma_start3A_423 = tpu.memref_slice %arg2[%dma_start3A_421, %dma_start3A_422] : memref<100000x32xf32, #tpu.memory_space<hbm>> -> memref<100000x32xf32, #tpu.memory_space<hbm>>
    tpu.enqueue_indirect_dma source(%dma_start3A_423 : memref<100000x32xf32, #tpu.memory_space<hbm>>) target(%dma_start3A_417 : memref<128x32xf32, #tpu.memory_space<vmem>>) offsets(%dma_start3A_420 : memref<128xi32, #tpu.memory_space<vmem>>) semaphore(%arg11 : memref<!tpu.dma_semaphore, #tpu.memory_space<semaphore_mem>>)
    %dma_start3A_424 = arith.constant 14 : i32
    %dma_start3A_425 = arith.constant 4 : i32
    %dma_start3A_426 = arith.constant 0 : i32
    %dma_start3A_427 = arith.constant 0 : i32
    %dma_start3A_428 = tpu.memref_slice %arg6[%dma_start3A_425, %dma_start3A_426, %dma_start3A_427] : memref<5x128x32xf32, #tpu.memory_space<vmem>> -> memref<1x128x32xf32, #tpu.memory_space<vmem>>
    %dma_start3A_429 = tpu.memref_squeeze %dma_start3A_428 : memref<1x128x32xf32, #tpu.memory_space<vmem>> -> memref<128x32xf32, #tpu.memory_space<vmem>>
    %dma_start3A_430 = arith.constant 0 : i32
    %dma_start3A_431 = tpu.memref_slice %arg5[%dma_start3A_424, %dma_start3A_430] : memref<200x128xi32, #tpu.memory_space<vmem>> -> memref<1x128xi32, #tpu.memory_space<vmem>>
    %dma_start3A_432 = tpu.memref_squeeze %dma_start3A_431 : memref<1x128xi32, #tpu.memory_space<vmem>> -> memref<128xi32, #tpu.memory_space<vmem>>
    %dma_start3A_433 = arith.constant 0 : i32
    %dma_start3A_434 = arith.constant 0 : i32
    %dma_start3A_435 = tpu.memref_slice %arg2[%dma_start3A_433, %dma_start3A_434] : memref<100000x32xf32, #tpu.memory_space<hbm>> -> memref<100000x32xf32, #tpu.memory_space<hbm>>
    tpu.enqueue_indirect_dma source(%dma_start3A_435 : memref<100000x32xf32, #tpu.memory_space<hbm>>) target(%dma_start3A_429 : memref<128x32xf32, #tpu.memory_space<vmem>>) offsets(%dma_start3A_432 : memref<128xi32, #tpu.memory_space<vmem>>) semaphore(%arg11 : memref<!tpu.dma_semaphore, #tpu.memory_space<semaphore_mem>>)
    %broadcast_in_dim3A_436 = arith.constant 0 : i32
    %broadcast_in_dim3A_437 = vector.broadcast %broadcast_in_dim3A_436 : i32 to vector<16xi32>
    %parallel_loop3A_438 = arith.constant 0 : i32
    %parallel_loop3A_439 = arith.constant 128 : i32
    %parallel_loop3A_440 = arith.constant 1 : i32
    scf.for %parallel_loop3A_880 = %parallel_loop3A_438 to %parallel_loop3A_439 step %parallel_loop3A_440  : i32 {
      %parallel_loop3A_881 = arith.constant 0 : i32
      %parallel_loop3A_882 = vector.broadcast %parallel_loop3A_881 : i32 to vector<16xi32>
      %parallel_loop3A_883 = vector.broadcast %parallel_loop3A_880 : i32 to vector<16xi32>
      %parallel_loop3A_884 = arith.addi %parallel_loop3A_882, %parallel_loop3A_883 : vector<16xi32>
      %parallel_loop3A_885 = arith.constant 0 : i32
      %parallel_loop3A_886 = arith.index_cast %parallel_loop3A_885 : i32 to index
      %parallel_loop3A_887 = arith.index_cast %parallel_loop3A_880 : i32 to index
      %parallel_loop3A_888 = arith.constant 0 : index
      %parallel_loop3A_889 = tpu.vector_load %arg7[%parallel_loop3A_886, %parallel_loop3A_887, %parallel_loop3A_888] {strides = array<i32>} : memref<5x128x32xf32, #tpu.memory_space<vmem>>, vector<16xf32>,
      %parallel_loop3A_890 = arith.constant 0 : i32
      %parallel_loop3A_891 = arith.index_cast %parallel_loop3A_890 : i32 to index
      %parallel_loop3A_892 = arith.index_cast %parallel_loop3A_880 : i32 to index
      %parallel_loop3A_893 = arith.constant 16 : index
      %parallel_loop3A_894 = tpu.vector_load %arg7[%parallel_loop3A_891, %parallel_loop3A_892, %parallel_loop3A_893] {strides = array<i32>} : memref<5x128x32xf32, #tpu.memory_space<vmem>>, vector<16xf32>,
      tpu.vector_store_idx %arg9[%broadcast_in_dim3A_437, %select_n3A_57, %select_n3A_29, %parallel_loop3A_884], %parallel_loop3A_889 : memref<5x4x8x129xf32, #tpu.memory_space<vmem>>[vector<16xi32>, vector<16xi32>, vector<16xi32>, vector<16xi32>], vector<16xf32>,
      tpu.vector_store_idx %arg9[%broadcast_in_dim3A_437, %add3A_60, %select_n3A_29, %parallel_loop3A_884], %parallel_loop3A_894 : memref<5x4x8x129xf32, #tpu.memory_space<vmem>>[vector<16xi32>, vector<16xi32>, vector<16xi32>, vector<16xi32>], vector<16xf32>,
    } {sc.loop_unroll_factor = 4 : i64, sc.parallel_access}
    %broadcast_in_dim3A_441 = arith.constant 1 : i32
    %broadcast_in_dim3A_442 = vector.broadcast %broadcast_in_dim3A_441 : i32 to vector<16xi32>
    %parallel_loop3A_443 = arith.constant 0 : i32
    %parallel_loop3A_444 = arith.constant 128 : i32
    %parallel_loop3A_445 = arith.constant 1 : i32
    scf.for %parallel_loop3A_880 = %parallel_loop3A_443 to %parallel_loop3A_444 step %parallel_loop3A_445  : i32 {
      %parallel_loop3A_881 = arith.constant 0 : i32
      %parallel_loop3A_882 = vector.broadcast %parallel_loop3A_881 : i32 to vector<16xi32>
      %parallel_loop3A_883 = vector.broadcast %parallel_loop3A_880 : i32 to vector<16xi32>
      %parallel_loop3A_884 = arith.addi %parallel_loop3A_882, %parallel_loop3A_883 : vector<16xi32>
      %parallel_loop3A_885 = arith.constant 1 : i32
      %parallel_loop3A_886 = arith.index_cast %parallel_loop3A_885 : i32 to index
      %parallel_loop3A_887 = arith.index_cast %parallel_loop3A_880 : i32 to index
      %parallel_loop3A_888 = arith.constant 0 : index
      %parallel_loop3A_889 = tpu.vector_load %arg7[%parallel_loop3A_886, %parallel_loop3A_887, %parallel_loop3A_888] {strides = array<i32>} : memref<5x128x32xf32, #tpu.memory_space<vmem>>, vector<16xf32>,
      %parallel_loop3A_890 = arith.constant 1 : i32
      %parallel_loop3A_891 = arith.index_cast %parallel_loop3A_890 : i32 to index
      %parallel_loop3A_892 = arith.index_cast %parallel_loop3A_880 : i32 to index
      %parallel_loop3A_893 = arith.constant 16 : index
      %parallel_loop3A_894 = tpu.vector_load %arg7[%parallel_loop3A_891, %parallel_loop3A_892, %parallel_loop3A_893] {strides = array<i32>} : memref<5x128x32xf32, #tpu.memory_space<vmem>>, vector<16xf32>,
      tpu.vector_store_idx %arg9[%broadcast_in_dim3A_442, %select_n3A_57, %select_n3A_29, %parallel_loop3A_884], %parallel_loop3A_889 : memref<5x4x8x129xf32, #tpu.memory_space<vmem>>[vector<16xi32>, vector<16xi32>, vector<16xi32>, vector<16xi32>], vector<16xf32>,
      tpu.vector_store_idx %arg9[%broadcast_in_dim3A_442, %add3A_60, %select_n3A_29, %parallel_loop3A_884], %parallel_loop3A_894 : memref<5x4x8x129xf32, #tpu.memory_space<vmem>>[vector<16xi32>, vector<16xi32>, vector<16xi32>, vector<16xi32>], vector<16xf32>,
    } {sc.loop_unroll_factor = 4 : i64, sc.parallel_access}
    %broadcast_in_dim3A_446 = arith.constant 2 : i32
    %broadcast_in_dim3A_447 = vector.broadcast %broadcast_in_dim3A_446 : i32 to vector<16xi32>
    %parallel_loop3A_448 = arith.constant 0 : i32
    %parallel_loop3A_449 = arith.constant 128 : i32
    %parallel_loop3A_450 = arith.constant 1 : i32
    scf.for %parallel_loop3A_880 = %parallel_loop3A_448 to %parallel_loop3A_449 step %parallel_loop3A_450  : i32 {
      %parallel_loop3A_881 = arith.constant 0 : i32
      %parallel_loop3A_882 = vector.broadcast %parallel_loop3A_881 : i32 to vector<16xi32>
      %parallel_loop3A_883 = vector.broadcast %parallel_loop3A_880 : i32 to vector<16xi32>
      %parallel_loop3A_884 = arith.addi %parallel_loop3A_882, %parallel_loop3A_883 : vector<16xi32>
      %parallel_loop3A_885 = arith.constant 2 : i32
      %parallel_loop3A_886 = arith.index_cast %parallel_loop3A_885 : i32 to index
      %parallel_loop3A_887 = arith.index_cast %parallel_loop3A_880 : i32 to index
      %parallel_loop3A_888 = arith.constant 0 : index
      %parallel_loop3A_889 = tpu.vector_load %arg7[%parallel_loop3A_886, %parallel_loop3A_887, %parallel_loop3A_888] {strides = array<i32>} : memref<5x128x32xf32, #tpu.memory_space<vmem>>, vector<16xf32>,
      %parallel_loop3A_890 = arith.constant 2 : i32
      %parallel_loop3A_891 = arith.index_cast %parallel_loop3A_890 : i32 to index
      %parallel_loop3A_892 = arith.index_cast %parallel_loop3A_880 : i32 to index
      %parallel_loop3A_893 = arith.constant 16 : index
      %parallel_loop3A_894 = tpu.vector_load %arg7[%parallel_loop3A_891, %parallel_loop3A_892, %parallel_loop3A_893] {strides = array<i32>} : memref<5x128x32xf32, #tpu.memory_space<vmem>>, vector<16xf32>,
      tpu.vector_store_idx %arg9[%broadcast_in_dim3A_447, %select_n3A_57, %select_n3A_29, %parallel_loop3A_884], %parallel_loop3A_889 : memref<5x4x8x129xf32, #tpu.memory_space<vmem>>[vector<16xi32>, vector<16xi32>, vector<16xi32>, vector<16xi32>], vector<16xf32>,
      tpu.vector_store_idx %arg9[%broadcast_in_dim3A_447, %add3A_60, %select_n3A_29, %parallel_loop3A_884], %parallel_loop3A_894 : memref<5x4x8x129xf32, #tpu.memory_space<vmem>>[vector<16xi32>, vector<16xi32>, vector<16xi32>, vector<16xi32>], vector<16xf32>,
    } {sc.loop_unroll_factor = 4 : i64, sc.parallel_access}
    %broadcast_in_dim3A_451 = arith.constant 3 : i32
    %broadcast_in_dim3A_452 = vector.broadcast %broadcast_in_dim3A_451 : i32 to vector<16xi32>
    %parallel_loop3A_453 = arith.constant 0 : i32
    %parallel_loop3A_454 = arith.constant 128 : i32
    %parallel_loop3A_455 = arith.constant 1 : i32
    scf.for %parallel_loop3A_880 = %parallel_loop3A_453 to %parallel_loop3A_454 step %parallel_loop3A_455  : i32 {
      %parallel_loop3A_881 = arith.constant 0 : i32
      %parallel_loop3A_882 = vector.broadcast %parallel_loop3A_881 : i32 to vector<16xi32>
      %parallel_loop3A_883 = vector.broadcast %parallel_loop3A_880 : i32 to vector<16xi32>
      %parallel_loop3A_884 = arith.addi %parallel_loop3A_882, %parallel_loop3A_883 : vector<16xi32>
      %parallel_loop3A_885 = arith.constant 3 : i32
      %parallel_loop3A_886 = arith.index_cast %parallel_loop3A_885 : i32 to index
      %parallel_loop3A_887 = arith.index_cast %parallel_loop3A_880 : i32 to index
      %parallel_loop3A_888 = arith.constant 0 : index
      %parallel_loop3A_889 = tpu.vector_load %arg7[%parallel_loop3A_886, %parallel_loop3A_887, %parallel_loop3A_888] {strides = array<i32>} : memref<5x128x32xf32, #tpu.memory_space<vmem>>, vector<16xf32>,
      %parallel_loop3A_890 = arith.constant 3 : i32
      %parallel_loop3A_891 = arith.index_cast %parallel_loop3A_890 : i32 to index
      %parallel_loop3A_892 = arith.index_cast %parallel_loop3A_880 : i32 to index
      %parallel_loop3A_893 = arith.constant 16 : index
      %parallel_loop3A_894 = tpu.vector_load %arg7[%parallel_loop3A_891, %parallel_loop3A_892, %parallel_loop3A_893] {strides = array<i32>} : memref<5x128x32xf32, #tpu.memory_space<vmem>>, vector<16xf32>,
      tpu.vector_store_idx %arg9[%broadcast_in_dim3A_452, %select_n3A_57, %select_n3A_29, %parallel_loop3A_884], %parallel_loop3A_889 : memref<5x4x8x129xf32, #tpu.memory_space<vmem>>[vector<16xi32>, vector<16xi32>, vector<16xi32>, vector<16xi32>], vector<16xf32>,
      tpu.vector_store_idx %arg9[%broadcast_in_dim3A_452, %add3A_60, %select_n3A_29, %parallel_loop3A_884], %parallel_loop3A_894 : memref<5x4x8x129xf32, #tpu.memory_space<vmem>>[vector<16xi32>, vector<16xi32>, vector<16xi32>, vector<16xi32>], vector<16xf32>,
    } {sc.loop_unroll_factor = 4 : i64, sc.parallel_access}
    %broadcast_in_dim3A_456 = arith.constant 4 : i32
    %broadcast_in_dim3A_457 = vector.broadcast %broadcast_in_dim3A_456 : i32 to vector<16xi32>
    %parallel_loop3A_458 = arith.constant 0 : i32
    %parallel_loop3A_459 = arith.constant 128 : i32
    %parallel_loop3A_460 = arith.constant 1 : i32
    scf.for %parallel_loop3A_880 = %parallel_loop3A_458 to %parallel_loop3A_459 step %parallel_loop3A_460  : i32 {
      %parallel_loop3A_881 = arith.constant 0 : i32
      %parallel_loop3A_882 = vector.broadcast %parallel_loop3A_881 : i32 to vector<16xi32>
      %parallel_loop3A_883 = vector.broadcast %parallel_loop3A_880 : i32 to vector<16xi32>
      %parallel_loop3A_884 = arith.addi %parallel_loop3A_882, %parallel_loop3A_883 : vector<16xi32>
      %parallel_loop3A_885 = arith.constant 4 : i32
      %parallel_loop3A_886 = arith.index_cast %parallel_loop3A_885 : i32 to index
      %parallel_loop3A_887 = arith.index_cast %parallel_loop3A_880 : i32 to index
      %parallel_loop3A_888 = arith.constant 0 : index
      %parallel_loop3A_889 = tpu.vector_load %arg7[%parallel_loop3A_886, %parallel_loop3A_887, %parallel_loop3A_888] {strides = array<i32>} : memref<5x128x32xf32, #tpu.memory_space<vmem>>, vector<16xf32>,
      %parallel_loop3A_890 = arith.constant 4 : i32
      %parallel_loop3A_891 = arith.index_cast %parallel_loop3A_890 : i32 to index
      %parallel_loop3A_892 = arith.index_cast %parallel_loop3A_880 : i32 to index
      %parallel_loop3A_893 = arith.constant 16 : index
      %parallel_loop3A_894 = tpu.vector_load %arg7[%parallel_loop3A_891, %parallel_loop3A_892, %parallel_loop3A_893] {strides = array<i32>} : memref<5x128x32xf32, #tpu.memory_space<vmem>>, vector<16xf32>,
      tpu.vector_store_idx %arg9[%broadcast_in_dim3A_457, %select_n3A_57, %select_n3A_29, %parallel_loop3A_884], %parallel_loop3A_889 : memref<5x4x8x129xf32, #tpu.memory_space<vmem>>[vector<16xi32>, vector<16xi32>, vector<16xi32>, vector<16xi32>], vector<16xf32>,
      tpu.vector_store_idx %arg9[%broadcast_in_dim3A_457, %add3A_60, %select_n3A_29, %parallel_loop3A_884], %parallel_loop3A_894 : memref<5x4x8x129xf32, #tpu.memory_space<vmem>>[vector<16xi32>, vector<16xi32>, vector<16xi32>, vector<16xi32>], vector<16xf32>,
    } {sc.loop_unroll_factor = 4 : i64, sc.parallel_access}
    %dma_start3A_461 = arith.constant 0 : i32
    %dma_start3A_462 = arith.constant 0 : i32
    %dma_start3A_463 = arith.constant 0 : i32
    %dma_start3A_464 = arith.constant 0 : i32
    %dma_start3A_465 = tpu.memref_slice %arg9[%dma_start3A_461, %dma_start3A_462, %dma_start3A_463, %dma_start3A_464] : memref<5x4x8x129xf32, #tpu.memory_space<vmem>> -> memref<5x4x8x128xf32, #tpu.memory_space<vmem>>
    %dma_start3A_466 = arith.constant 5 : i32
    %dma_start3A_467 = arith.constant 0 : i32
    %dma_start3A_468 = arith.constant 0 : i32
    %dma_start3A_469 = arith.constant 0 : i32
    %dma_start3A_470 = tpu.memref_slice %arg4[%dma_start3A_466, %dma_start3A_467, %add3A, %dma_start3A_468, %dma_start3A_469] : memref<200x4x32x8x128xf32, #tpu.memory_space<hbm>> -> memref<5x4x1x8x128xf32, #tpu.memory_space<hbm>>
    %dma_start3A_471 = tpu.memref_squeeze %dma_start3A_470 : memref<5x4x1x8x128xf32, #tpu.memory_space<hbm>> -> memref<5x4x8x128xf32, #tpu.memory_space<hbm>>
    %dma_start3A_472 = arith.constant 5 : i32
    %dma_start3A_473 = arith.constant 0 : i32
    %dma_start3A_474 = arith.constant 0 : i32
    %dma_start3A_475 = arith.constant 0 : i32
    %dma_start3A_476 = tpu.memref_slice %arg4[%dma_start3A_472, %dma_start3A_473, %add3A, %dma_start3A_474, %dma_start3A_475] : memref<200x4x32x8x128xf32, #tpu.memory_space<hbm>> -> memref<5x4x1x8x128xf32, #tpu.memory_space<hbm>>
    %dma_start3A_477 = tpu.memref_squeeze %dma_start3A_476 : memref<5x4x1x8x128xf32, #tpu.memory_space<hbm>> -> memref<5x4x8x128xf32, #tpu.memory_space<hbm>>
    %dma_start3A_478 = arith.constant 0 : i32
    %dma_start3A_479 = arith.constant 0 : i32
    %dma_start3A_480 = arith.constant 0 : i32
    %dma_start3A_481 = arith.constant 0 : i32
    %dma_start3A_482 = tpu.memref_slice %arg9[%dma_start3A_478, %dma_start3A_479, %dma_start3A_480, %dma_start3A_481] : memref<5x4x8x129xf32, #tpu.memory_space<vmem>> -> memref<5x4x8x128xf32, #tpu.memory_space<vmem>>
    tpu.enqueue_dma source(%dma_start3A_482 : memref<5x4x8x128xf32, #tpu.memory_space<vmem>>) target(%dma_start3A_477 : memref<5x4x8x128xf32, #tpu.memory_space<hbm>>) target_semaphore(%arg14 : memref<!tpu.dma_semaphore, #tpu.memory_space<semaphore_mem>>)
    %scan3A = arith.constant 0 : i32
    %scan3A_483 = arith.constant 1 : i32
    %scan3A_484 = arith.constant 18 : i32
    %scan3A_485 = arith.addi %scan3A_483, %scan3A_484 : i32
    %scan3A_486 = arith.constant 1 : i32
    scf.for %scan3A_880 = %scan3A_483 to %scan3A_485 step %scan3A_486  : i32 {
      %mul3A_881 = arith.constant 2 : i32
      %mul3A_882 = arith.muli %mul3A_881, %scan3A_880 : i32
      %dma_wait3A_883 = arith.constant 0 : i32
      %dma_wait3A_884 = arith.constant 0 : i32
      %dma_wait3A_885 = arith.constant 0 : i32
      %dma_wait3A_886 = tpu.memref_slice %arg6[%dma_wait3A_883, %dma_wait3A_884, %dma_wait3A_885] : memref<5x128x32xf32, #tpu.memory_space<vmem>> -> memref<1x128x32xf32, #tpu.memory_space<vmem>>
      %dma_wait3A_887 = tpu.memref_squeeze %dma_wait3A_886 : memref<1x128x32xf32, #tpu.memory_space<vmem>> -> memref<128x32xf32, #tpu.memory_space<vmem>>
      %dma_wait3A_888 = arith.constant 0 : i32
      %dma_wait3A_889 = arith.constant 0 : i32
      %dma_wait3A_890 = tpu.memref_slice %arg2[%dma_wait3A_888, %dma_wait3A_889] : memref<100000x32xf32, #tpu.memory_space<hbm>> -> memref<128x32xf32, #tpu.memory_space<hbm>>
      %dma_wait3A_891 = arith.constant 0 : i32
      %dma_wait3A_892 = arith.constant 0 : i32
      %dma_wait3A_893 = tpu.memref_slice %arg6[%dma_wait3A_883, %dma_wait3A_891, %dma_wait3A_892] : memref<5x128x32xf32, #tpu.memory_space<vmem>> -> memref<1x128x32xf32, #tpu.memory_space<vmem>>
      %dma_wait3A_894 = tpu.memref_squeeze %dma_wait3A_893 : memref<1x128x32xf32, #tpu.memory_space<vmem>> -> memref<128x32xf32, #tpu.memory_space<vmem>>
      %dma_wait3A_895 = arith.constant 0 : i32
      %dma_wait3A_896 = arith.constant 0 : i32
      %dma_wait3A_897 = tpu.memref_slice %arg2[%dma_wait3A_895, %dma_wait3A_896] : memref<100000x32xf32, #tpu.memory_space<hbm>> -> memref<128x32xf32, #tpu.memory_space<hbm>>
      tpu.wait_dma2 semaphore(%arg11 : memref<!tpu.dma_semaphore, #tpu.memory_space<semaphore_mem>>) src(%dma_wait3A_897 : memref<128x32xf32, #tpu.memory_space<hbm>>) dst(%dma_wait3A_894 : memref<128x32xf32, #tpu.memory_space<vmem>>)
      %dma_wait3A_898 = arith.constant 1 : i32
      %dma_wait3A_899 = arith.constant 0 : i32
      %dma_wait3A_900 = arith.constant 0 : i32
      %dma_wait3A_901 = tpu.memref_slice %arg6[%dma_wait3A_898, %dma_wait3A_899, %dma_wait3A_900] : memref<5x128x32xf32, #tpu.memory_space<vmem>> -> memref<1x128x32xf32, #tpu.memory_space<vmem>>
      %dma_wait3A_902 = tpu.memref_squeeze %dma_wait3A_901 : memref<1x128x32xf32, #tpu.memory_space<vmem>> -> memref<128x32xf32, #tpu.memory_space<vmem>>
      %dma_wait3A_903 = arith.constant 0 : i32
      %dma_wait3A_904 = arith.constant 0 : i32
      %dma_wait3A_905 = tpu.memref_slice %arg2[%dma_wait3A_903, %dma_wait3A_904] : memref<100000x32xf32, #tpu.memory_space<hbm>> -> memref<128x32xf32, #tpu.memory_space<hbm>>
      %dma_wait3A_906 = arith.constant 0 : i32
      %dma_wait3A_907 = arith.constant 0 : i32
      %dma_wait3A_908 = tpu.memref_slice %arg6[%dma_wait3A_898, %dma_wait3A_906, %dma_wait3A_907] : memref<5x128x32xf32, #tpu.memory_space<vmem>> -> memref<1x128x32xf32, #tpu.memory_space<vmem>>
      %dma_wait3A_909 = tpu.memref_squeeze %dma_wait3A_908 : memref<1x128x32xf32, #tpu.memory_space<vmem>> -> memref<128x32xf32, #tpu.memory_space<vmem>>
      %dma_wait3A_910 = arith.constant 0 : i32
      %dma_wait3A_911 = arith.constant 0 : i32
      %dma_wait3A_912 = tpu.memref_slice %arg2[%dma_wait3A_910, %dma_wait3A_911] : memref<100000x32xf32, #tpu.memory_space<hbm>> -> memref<128x32xf32, #tpu.memory_space<hbm>>
      tpu.wait_dma2 semaphore(%arg11 : memref<!tpu.dma_semaphore, #tpu.memory_space<semaphore_mem>>) src(%dma_wait3A_912 : memref<128x32xf32, #tpu.memory_space<hbm>>) dst(%dma_wait3A_909 : memref<128x32xf32, #tpu.memory_space<vmem>>)
      %dma_wait3A_913 = arith.constant 2 : i32
      %dma_wait3A_914 = arith.constant 0 : i32
      %dma_wait3A_915 = arith.constant 0 : i32
      %dma_wait3A_916 = tpu.memref_slice %arg6[%dma_wait3A_913, %dma_wait3A_914, %dma_wait3A_915] : memref<5x128x32xf32, #tpu.memory_space<vmem>> -> memref<1x128x32xf32, #tpu.memory_space<vmem>>
      %dma_wait3A_917 = tpu.memref_squeeze %dma_wait3A_916 : memref<1x128x32xf32, #tpu.memory_space<vmem>> -> memref<128x32xf32, #tpu.memory_space<vmem>>
      %dma_wait3A_918 = arith.constant 0 : i32
      %dma_wait3A_919 = arith.constant 0 : i32
      %dma_wait3A_920 = tpu.memref_slice %arg2[%dma_wait3A_918, %dma_wait3A_919] : memref<100000x32xf32, #tpu.memory_space<hbm>> -> memref<128x32xf32, #tpu.memory_space<hbm>>
      %dma_wait3A_921 = arith.constant 0 : i32
      %dma_wait3A_922 = arith.constant 0 : i32
      %dma_wait3A_923 = tpu.memref_slice %arg6[%dma_wait3A_913, %dma_wait3A_921, %dma_wait3A_922] : memref<5x128x32xf32, #tpu.memory_space<vmem>> -> memref<1x128x32xf32, #tpu.memory_space<vmem>>
      %dma_wait3A_924 = tpu.memref_squeeze %dma_wait3A_923 : memref<1x128x32xf32, #tpu.memory_space<vmem>> -> memref<128x32xf32, #tpu.memory_space<vmem>>
      %dma_wait3A_925 = arith.constant 0 : i32
      %dma_wait3A_926 = arith.constant 0 : i32
      %dma_wait3A_927 = tpu.memref_slice %arg2[%dma_wait3A_925, %dma_wait3A_926] : memref<100000x32xf32, #tpu.memory_space<hbm>> -> memref<128x32xf32, #tpu.memory_space<hbm>>
      tpu.wait_dma2 semaphore(%arg11 : memref<!tpu.dma_semaphore, #tpu.memory_space<semaphore_mem>>) src(%dma_wait3A_927 : memref<128x32xf32, #tpu.memory_space<hbm>>) dst(%dma_wait3A_924 : memref<128x32xf32, #tpu.memory_space<vmem>>)
      %dma_wait3A_928 = arith.constant 3 : i32
      %dma_wait3A_929 = arith.constant 0 : i32
      %dma_wait3A_930 = arith.constant 0 : i32
      %dma_wait3A_931 = tpu.memref_slice %arg6[%dma_wait3A_928, %dma_wait3A_929, %dma_wait3A_930] : memref<5x128x32xf32, #tpu.memory_space<vmem>> -> memref<1x128x32xf32, #tpu.memory_space<vmem>>
      %dma_wait3A_932 = tpu.memref_squeeze %dma_wait3A_931 : memref<1x128x32xf32, #tpu.memory_space<vmem>> -> memref<128x32xf32, #tpu.memory_space<vmem>>
      %dma_wait3A_933 = arith.constant 0 : i32
      %dma_wait3A_934 = arith.constant 0 : i32
      %dma_wait3A_935 = tpu.memref_slice %arg2[%dma_wait3A_933, %dma_wait3A_934] : memref<100000x32xf32, #tpu.memory_space<hbm>> -> memref<128x32xf32, #tpu.memory_space<hbm>>
      %dma_wait3A_936 = arith.constant 0 : i32
      %dma_wait3A_937 = arith.constant 0 : i32
      %dma_wait3A_938 = tpu.memref_slice %arg6[%dma_wait3A_928, %dma_wait3A_936, %dma_wait3A_937] : memref<5x128x32xf32, #tpu.memory_space<vmem>> -> memref<1x128x32xf32, #tpu.memory_space<vmem>>
      %dma_wait3A_939 = tpu.memref_squeeze %dma_wait3A_938 : memref<1x128x32xf32, #tpu.memory_space<vmem>> -> memref<128x32xf32, #tpu.memory_space<vmem>>
      %dma_wait3A_940 = arith.constant 0 : i32
      %dma_wait3A_941 = arith.constant 0 : i32
      %dma_wait3A_942 = tpu.memref_slice %arg2[%dma_wait3A_940, %dma_wait3A_941] : memref<100000x32xf32, #tpu.memory_space<hbm>> -> memref<128x32xf32, #tpu.memory_space<hbm>>
      tpu.wait_dma2 semaphore(%arg11 : memref<!tpu.dma_semaphore, #tpu.memory_space<semaphore_mem>>) src(%dma_wait3A_942 : memref<128x32xf32, #tpu.memory_space<hbm>>) dst(%dma_wait3A_939 : memref<128x32xf32, #tpu.memory_space<vmem>>)
      %dma_wait3A_943 = arith.constant 4 : i32
      %dma_wait3A_944 = arith.constant 0 : i32
      %dma_wait3A_945 = arith.constant 0 : i32
      %dma_wait3A_946 = tpu.memref_slice %arg6[%dma_wait3A_943, %dma_wait3A_944, %dma_wait3A_945] : memref<5x128x32xf32, #tpu.memory_space<vmem>> -> memref<1x128x32xf32, #tpu.memory_space<vmem>>
      %dma_wait3A_947 = tpu.memref_squeeze %dma_wait3A_946 : memref<1x128x32xf32, #tpu.memory_space<vmem>> -> memref<128x32xf32, #tpu.memory_space<vmem>>
      %dma_wait3A_948 = arith.constant 0 : i32
      %dma_wait3A_949 = arith.constant 0 : i32
      %dma_wait3A_950 = tpu.memref_slice %arg2[%dma_wait3A_948, %dma_wait3A_949] : memref<100000x32xf32, #tpu.memory_space<hbm>> -> memref<128x32xf32, #tpu.memory_space<hbm>>
      %dma_wait3A_951 = arith.constant 0 : i32
      %dma_wait3A_952 = arith.constant 0 : i32
      %dma_wait3A_953 = tpu.memref_slice %arg6[%dma_wait3A_943, %dma_wait3A_951, %dma_wait3A_952] : memref<5x128x32xf32, #tpu.memory_space<vmem>> -> memref<1x128x32xf32, #tpu.memory_space<vmem>>
      %dma_wait3A_954 = tpu.memref_squeeze %dma_wait3A_953 : memref<1x128x32xf32, #tpu.memory_space<vmem>> -> memref<128x32xf32, #tpu.memory_space<vmem>>
      %dma_wait3A_955 = arith.constant 0 : i32
      %dma_wait3A_956 = arith.constant 0 : i32
      %dma_wait3A_957 = tpu.memref_slice %arg2[%dma_wait3A_955, %dma_wait3A_956] : memref<100000x32xf32, #tpu.memory_space<hbm>> -> memref<128x32xf32, #tpu.memory_space<hbm>>
      tpu.wait_dma2 semaphore(%arg11 : memref<!tpu.dma_semaphore, #tpu.memory_space<semaphore_mem>>) src(%dma_wait3A_957 : memref<128x32xf32, #tpu.memory_space<hbm>>) dst(%dma_wait3A_954 : memref<128x32xf32, #tpu.memory_space<vmem>>)
      %add3A_958 = arith.constant 1 : i32
      %add3A_959 = arith.addi %mul3A_882, %add3A_958 : i32
      %mul3A_960 = arith.constant 5 : i32
      %mul3A_961 = arith.muli %add3A_959, %mul3A_960 : i32
      %add3A_962 = arith.constant 0 : i32
      %add3A_963 = arith.addi %mul3A_961, %add3A_962 : i32
      %dma_start3A_964 = arith.constant 0 : i32
      %dma_start3A_965 = arith.constant 0 : i32
      %dma_start3A_966 = arith.constant 0 : i32
      %dma_start3A_967 = tpu.memref_slice %arg7[%dma_start3A_964, %dma_start3A_965, %dma_start3A_966] : memref<5x128x32xf32, #tpu.memory_space<vmem>> -> memref<1x128x32xf32, #tpu.memory_space<vmem>>
      %dma_start3A_968 = tpu.memref_squeeze %dma_start3A_967 : memref<1x128x32xf32, #tpu.memory_space<vmem>> -> memref<128x32xf32, #tpu.memory_space<vmem>>
      %dma_start3A_969 = arith.constant 0 : i32
      %dma_start3A_970 = tpu.memref_slice %arg5[%add3A_963, %dma_start3A_969] : memref<200x128xi32, #tpu.memory_space<vmem>> -> memref<1x128xi32, #tpu.memory_space<vmem>>
      %dma_start3A_971 = tpu.memref_squeeze %dma_start3A_970 : memref<1x128xi32, #tpu.memory_space<vmem>> -> memref<128xi32, #tpu.memory_space<vmem>>
      %dma_start3A_972 = arith.constant 0 : i32
      %dma_start3A_973 = arith.constant 0 : i32
      %dma_start3A_974 = tpu.memref_slice %arg2[%dma_start3A_972, %dma_start3A_973] : memref<100000x32xf32, #tpu.memory_space<hbm>> -> memref<100000x32xf32, #tpu.memory_space<hbm>>
      tpu.enqueue_indirect_dma source(%dma_start3A_974 : memref<100000x32xf32, #tpu.memory_space<hbm>>) target(%dma_start3A_968 : memref<128x32xf32, #tpu.memory_space<vmem>>) offsets(%dma_start3A_971 : memref<128xi32, #tpu.memory_space<vmem>>) semaphore(%arg12 : memref<!tpu.dma_semaphore, #tpu.memory_space<semaphore_mem>>)
      %mul3A_975 = arith.constant 5 : i32
      %mul3A_976 = arith.muli %add3A_959, %mul3A_975 : i32
      %add3A_977 = arith.constant 1 : i32
      %add3A_978 = arith.addi %mul3A_976, %add3A_977 : i32
      %dma_start3A_979 = arith.constant 1 : i32
      %dma_start3A_980 = arith.constant 0 : i32
      %dma_start3A_981 = arith.constant 0 : i32
      %dma_start3A_982 = tpu.memref_slice %arg7[%dma_start3A_979, %dma_start3A_980, %dma_start3A_981] : memref<5x128x32xf32, #tpu.memory_space<vmem>> -> memref<1x128x32xf32, #tpu.memory_space<vmem>>
      %dma_start3A_983 = tpu.memref_squeeze %dma_start3A_982 : memref<1x128x32xf32, #tpu.memory_space<vmem>> -> memref<128x32xf32, #tpu.memory_space<vmem>>
      %dma_start3A_984 = arith.constant 0 : i32
      %dma_start3A_985 = tpu.memref_slice %arg5[%add3A_978, %dma_start3A_984] : memref<200x128xi32, #tpu.memory_space<vmem>> -> memref<1x128xi32, #tpu.memory_space<vmem>>
      %dma_start3A_986 = tpu.memref_squeeze %dma_start3A_985 : memref<1x128xi32, #tpu.memory_space<vmem>> -> memref<128xi32, #tpu.memory_space<vmem>>
      %dma_start3A_987 = arith.constant 0 : i32
      %dma_start3A_988 = arith.constant 0 : i32
      %dma_start3A_989 = tpu.memref_slice %arg2[%dma_start3A_987, %dma_start3A_988] : memref<100000x32xf32, #tpu.memory_space<hbm>> -> memref<100000x32xf32, #tpu.memory_space<hbm>>
      tpu.enqueue_indirect_dma source(%dma_start3A_989 : memref<100000x32xf32, #tpu.memory_space<hbm>>) target(%dma_start3A_983 : memref<128x32xf32, #tpu.memory_space<vmem>>) offsets(%dma_start3A_986 : memref<128xi32, #tpu.memory_space<vmem>>) semaphore(%arg12 : memref<!tpu.dma_semaphore, #tpu.memory_space<semaphore_mem>>)
      %mul3A_990 = arith.constant 5 : i32
      %mul3A_991 = arith.muli %add3A_959, %mul3A_990 : i32
      %add3A_992 = arith.constant 2 : i32
      %add3A_993 = arith.addi %mul3A_991, %add3A_992 : i32
      %dma_start3A_994 = arith.constant 2 : i32
      %dma_start3A_995 = arith.constant 0 : i32
      %dma_start3A_996 = arith.constant 0 : i32
      %dma_start3A_997 = tpu.memref_slice %arg7[%dma_start3A_994, %dma_start3A_995, %dma_start3A_996] : memref<5x128x32xf32, #tpu.memory_space<vmem>> -> memref<1x128x32xf32, #tpu.memory_space<vmem>>
      %dma_start3A_998 = tpu.memref_squeeze %dma_start3A_997 : memref<1x128x32xf32, #tpu.memory_space<vmem>> -> memref<128x32xf32, #tpu.memory_space<vmem>>
      %dma_start3A_999 = arith.constant 0 : i32
      %dma_start3A_1000 = tpu.memref_slice %arg5[%add3A_993, %dma_start3A_999] : memref<200x128xi32, #tpu.memory_space<vmem>> -> memref<1x128xi32, #tpu.memory_space<vmem>>
      %dma_start3A_1001 = tpu.memref_squeeze %dma_start3A_1000 : memref<1x128xi32, #tpu.memory_space<vmem>> -> memref<128xi32, #tpu.memory_space<vmem>>
      %dma_start3A_1002 = arith.constant 0 : i32
      %dma_start3A_1003 = arith.constant 0 : i32
      %dma_start3A_1004 = tpu.memref_slice %arg2[%dma_start3A_1002, %dma_start3A_1003] : memref<100000x32xf32, #tpu.memory_space<hbm>> -> memref<100000x32xf32, #tpu.memory_space<hbm>>
      tpu.enqueue_indirect_dma source(%dma_start3A_1004 : memref<100000x32xf32, #tpu.memory_space<hbm>>) target(%dma_start3A_998 : memref<128x32xf32, #tpu.memory_space<vmem>>) offsets(%dma_start3A_1001 : memref<128xi32, #tpu.memory_space<vmem>>) semaphore(%arg12 : memref<!tpu.dma_semaphore, #tpu.memory_space<semaphore_mem>>)
      %mul3A_1005 = arith.constant 5 : i32
      %mul3A_1006 = arith.muli %add3A_959, %mul3A_1005 : i32
      %add3A_1007 = arith.constant 3 : i32
      %add3A_1008 = arith.addi %mul3A_1006, %add3A_1007 : i32
      %dma_start3A_1009 = arith.constant 3 : i32
      %dma_start3A_1010 = arith.constant 0 : i32
      %dma_start3A_1011 = arith.constant 0 : i32
      %dma_start3A_1012 = tpu.memref_slice %arg7[%dma_start3A_1009, %dma_start3A_1010, %dma_start3A_1011] : memref<5x128x32xf32, #tpu.memory_space<vmem>> -> memref<1x128x32xf32, #tpu.memory_space<vmem>>
      %dma_start3A_1013 = tpu.memref_squeeze %dma_start3A_1012 : memref<1x128x32xf32, #tpu.memory_space<vmem>> -> memref<128x32xf32, #tpu.memory_space<vmem>>
      %dma_start3A_1014 = arith.constant 0 : i32
      %dma_start3A_1015 = tpu.memref_slice %arg5[%add3A_1008, %dma_start3A_1014] : memref<200x128xi32, #tpu.memory_space<vmem>> -> memref<1x128xi32, #tpu.memory_space<vmem>>
      %dma_start3A_1016 = tpu.memref_squeeze %dma_start3A_1015 : memref<1x128xi32, #tpu.memory_space<vmem>> -> memref<128xi32, #tpu.memory_space<vmem>>
      %dma_start3A_1017 = arith.constant 0 : i32
      %dma_start3A_1018 = arith.constant 0 : i32
      %dma_start3A_1019 = tpu.memref_slice %arg2[%dma_start3A_1017, %dma_start3A_1018] : memref<100000x32xf32, #tpu.memory_space<hbm>> -> memref<100000x32xf32, #tpu.memory_space<hbm>>
      tpu.enqueue_indirect_dma source(%dma_start3A_1019 : memref<100000x32xf32, #tpu.memory_space<hbm>>) target(%dma_start3A_1013 : memref<128x32xf32, #tpu.memory_space<vmem>>) offsets(%dma_start3A_1016 : memref<128xi32, #tpu.memory_space<vmem>>) semaphore(%arg12 : memref<!tpu.dma_semaphore, #tpu.memory_space<semaphore_mem>>)
      %mul3A_1020 = arith.constant 5 : i32
      %mul3A_1021 = arith.muli %add3A_959, %mul3A_1020 : i32
      %add3A_1022 = arith.constant 4 : i32
      %add3A_1023 = arith.addi %mul3A_1021, %add3A_1022 : i32
      %dma_start3A_1024 = arith.constant 4 : i32
      %dma_start3A_1025 = arith.constant 0 : i32
      %dma_start3A_1026 = arith.constant 0 : i32
      %dma_start3A_1027 = tpu.memref_slice %arg7[%dma_start3A_1024, %dma_start3A_1025, %dma_start3A_1026] : memref<5x128x32xf32, #tpu.memory_space<vmem>> -> memref<1x128x32xf32, #tpu.memory_space<vmem>>
      %dma_start3A_1028 = tpu.memref_squeeze %dma_start3A_1027 : memref<1x128x32xf32, #tpu.memory_space<vmem>> -> memref<128x32xf32, #tpu.memory_space<vmem>>
      %dma_start3A_1029 = arith.constant 0 : i32
      %dma_start3A_1030 = tpu.memref_slice %arg5[%add3A_1023, %dma_start3A_1029] : memref<200x128xi32, #tpu.memory_space<vmem>> -> memref<1x128xi32, #tpu.memory_space<vmem>>
      %dma_start3A_1031 = tpu.memref_squeeze %dma_start3A_1030 : memref<1x128xi32, #tpu.memory_space<vmem>> -> memref<128xi32, #tpu.memory_space<vmem>>
      %dma_start3A_1032 = arith.constant 0 : i32
      %dma_start3A_1033 = arith.constant 0 : i32
      %dma_start3A_1034 = tpu.memref_slice %arg2[%dma_start3A_1032, %dma_start3A_1033] : memref<100000x32xf32, #tpu.memory_space<hbm>> -> memref<100000x32xf32, #tpu.memory_space<hbm>>
      tpu.enqueue_indirect_dma source(%dma_start3A_1034 : memref<100000x32xf32, #tpu.memory_space<hbm>>) target(%dma_start3A_1028 : memref<128x32xf32, #tpu.memory_space<vmem>>) offsets(%dma_start3A_1031 : memref<128xi32, #tpu.memory_space<vmem>>) semaphore(%arg12 : memref<!tpu.dma_semaphore, #tpu.memory_space<semaphore_mem>>)
      %dma_wait3A_1035 = arith.constant 0 : i32
      %dma_wait3A_1036 = arith.constant 0 : i32
      %dma_wait3A_1037 = arith.constant 0 : i32
      %dma_wait3A_1038 = arith.constant 0 : i32
      %dma_wait3A_1039 = tpu.memref_slice %arg8[%dma_wait3A_1035, %dma_wait3A_1036, %dma_wait3A_1037, %dma_wait3A_1038] : memref<5x4x8x129xf32, #tpu.memory_space<vmem>> -> memref<5x4x8x128xf32, #tpu.memory_space<vmem>>
      %dma_wait3A_1040 = arith.constant 0 : i32
      %dma_wait3A_1041 = arith.constant 0 : i32
      %dma_wait3A_1042 = arith.constant 0 : i32
      %dma_wait3A_1043 = arith.constant 0 : i32
      %dma_wait3A_1044 = tpu.memref_slice %arg4[%dma_wait3A_1040, %dma_wait3A_1041, %add3A, %dma_wait3A_1042, %dma_wait3A_1043] : memref<200x4x32x8x128xf32, #tpu.memory_space<hbm>> -> memref<5x4x1x8x128xf32, #tpu.memory_space<hbm>>
      %dma_wait3A_1045 = tpu.memref_squeeze %dma_wait3A_1044 : memref<5x4x1x8x128xf32, #tpu.memory_space<hbm>> -> memref<5x4x8x128xf32, #tpu.memory_space<hbm>>
      %dma_wait3A_1046 = arith.constant 0 : i32
      %dma_wait3A_1047 = arith.constant 0 : i32
      %dma_wait3A_1048 = arith.constant 0 : i32
      %dma_wait3A_1049 = arith.constant 0 : i32
      %dma_wait3A_1050 = tpu.memref_slice %arg4[%dma_wait3A_1046, %dma_wait3A_1047, %add3A, %dma_wait3A_1048, %dma_wait3A_1049] : memref<200x4x32x8x128xf32, #tpu.memory_space<hbm>> -> memref<5x4x1x8x128xf32, #tpu.memory_space<hbm>>
      %dma_wait3A_1051 = tpu.memref_squeeze %dma_wait3A_1050 : memref<5x4x1x8x128xf32, #tpu.memory_space<hbm>> -> memref<5x4x8x128xf32, #tpu.memory_space<hbm>>
      %dma_wait3A_1052 = arith.constant 0 : i32
      %dma_wait3A_1053 = arith.constant 0 : i32
      %dma_wait3A_1054 = arith.constant 0 : i32
      %dma_wait3A_1055 = arith.constant 0 : i32
      %dma_wait3A_1056 = tpu.memref_slice %arg8[%dma_wait3A_1052, %dma_wait3A_1053, %dma_wait3A_1054, %dma_wait3A_1055] : memref<5x4x8x129xf32, #tpu.memory_space<vmem>> -> memref<5x4x8x128xf32, #tpu.memory_space<vmem>>
      tpu.wait_dma2 semaphore(%arg13 : memref<!tpu.dma_semaphore, #tpu.memory_space<semaphore_mem>>) src(%dma_wait3A_1056 : memref<5x4x8x128xf32, #tpu.memory_space<vmem>>) dst(%dma_wait3A_1051 : memref<5x4x8x128xf32, #tpu.memory_space<hbm>>)
      %broadcast_in_dim3A_1057 = arith.constant 0 : i32
      %broadcast_in_dim3A_1058 = vector.broadcast %broadcast_in_dim3A_1057 : i32 to vector<16xi32>
      %parallel_loop3A_1059 = arith.constant 0 : i32
      %parallel_loop3A_1060 = arith.constant 128 : i32
      %parallel_loop3A_1061 = arith.constant 1 : i32
      scf.for %parallel_loop3A_1327 = %parallel_loop3A_1059 to %parallel_loop3A_1060 step %parallel_loop3A_1061  : i32 {
        %parallel_loop3A_1328 = arith.constant 0 : i32
        %parallel_loop3A_1329 = vector.broadcast %parallel_loop3A_1328 : i32 to vector<16xi32>
        %parallel_loop3A_1330 = vector.broadcast %parallel_loop3A_1327 : i32 to vector<16xi32>
        %parallel_loop3A_1331 = arith.addi %parallel_loop3A_1329, %parallel_loop3A_1330 : vector<16xi32>
        %parallel_loop3A_1332 = arith.constant 0 : i32
        %parallel_loop3A_1333 = arith.index_cast %parallel_loop3A_1332 : i32 to index
        %parallel_loop3A_1334 = arith.index_cast %parallel_loop3A_1327 : i32 to index
        %parallel_loop3A_1335 = arith.constant 0 : index
        %parallel_loop3A_1336 = tpu.vector_load %arg6[%parallel_loop3A_1333, %parallel_loop3A_1334, %parallel_loop3A_1335] {strides = array<i32>} : memref<5x128x32xf32, #tpu.memory_space<vmem>>, vector<16xf32>,
        %parallel_loop3A_1337 = arith.constant 0 : i32
        %parallel_loop3A_1338 = arith.index_cast %parallel_loop3A_1337 : i32 to index
        %parallel_loop3A_1339 = arith.index_cast %parallel_loop3A_1327 : i32 to index
        %parallel_loop3A_1340 = arith.constant 16 : index
        %parallel_loop3A_1341 = tpu.vector_load %arg6[%parallel_loop3A_1338, %parallel_loop3A_1339, %parallel_loop3A_1340] {strides = array<i32>} : memref<5x128x32xf32, #tpu.memory_space<vmem>>, vector<16xf32>,
        tpu.vector_store_idx %arg8[%broadcast_in_dim3A_1058, %select_n3A_57, %select_n3A_29, %parallel_loop3A_1331], %parallel_loop3A_1336 : memref<5x4x8x129xf32, #tpu.memory_space<vmem>>[vector<16xi32>, vector<16xi32>, vector<16xi32>, vector<16xi32>], vector<16xf32>,
        tpu.vector_store_idx %arg8[%broadcast_in_dim3A_1058, %add3A_60, %select_n3A_29, %parallel_loop3A_1331], %parallel_loop3A_1341 : memref<5x4x8x129xf32, #tpu.memory_space<vmem>>[vector<16xi32>, vector<16xi32>, vector<16xi32>, vector<16xi32>], vector<16xf32>,
      } {sc.loop_unroll_factor = 4 : i64, sc.parallel_access}
      %broadcast_in_dim3A_1062 = arith.constant 1 : i32
      %broadcast_in_dim3A_1063 = vector.broadcast %broadcast_in_dim3A_1062 : i32 to vector<16xi32>
      %parallel_loop3A_1064 = arith.constant 0 : i32
      %parallel_loop3A_1065 = arith.constant 128 : i32
      %parallel_loop3A_1066 = arith.constant 1 : i32
      scf.for %parallel_loop3A_1327 = %parallel_loop3A_1064 to %parallel_loop3A_1065 step %parallel_loop3A_1066  : i32 {
        %parallel_loop3A_1328 = arith.constant 0 : i32
        %parallel_loop3A_1329 = vector.broadcast %parallel_loop3A_1328 : i32 to vector<16xi32>
        %parallel_loop3A_1330 = vector.broadcast %parallel_loop3A_1327 : i32 to vector<16xi32>
        %parallel_loop3A_1331 = arith.addi %parallel_loop3A_1329, %parallel_loop3A_1330 : vector<16xi32>
        %parallel_loop3A_1332 = arith.constant 1 : i32
        %parallel_loop3A_1333 = arith.index_cast %parallel_loop3A_1332 : i32 to index
        %parallel_loop3A_1334 = arith.index_cast %parallel_loop3A_1327 : i32 to index
        %parallel_loop3A_1335 = arith.constant 0 : index
        %parallel_loop3A_1336 = tpu.vector_load %arg6[%parallel_loop3A_1333, %parallel_loop3A_1334, %parallel_loop3A_1335] {strides = array<i32>} : memref<5x128x32xf32, #tpu.memory_space<vmem>>, vector<16xf32>,
        %parallel_loop3A_1337 = arith.constant 1 : i32
        %parallel_loop3A_1338 = arith.index_cast %parallel_loop3A_1337 : i32 to index
        %parallel_loop3A_1339 = arith.index_cast %parallel_loop3A_1327 : i32 to index
        %parallel_loop3A_1340 = arith.constant 16 : index
        %parallel_loop3A_1341 = tpu.vector_load %arg6[%parallel_loop3A_1338, %parallel_loop3A_1339, %parallel_loop3A_1340] {strides = array<i32>} : memref<5x128x32xf32, #tpu.memory_space<vmem>>, vector<16xf32>,
        tpu.vector_store_idx %arg8[%broadcast_in_dim3A_1063, %select_n3A_57, %select_n3A_29, %parallel_loop3A_1331], %parallel_loop3A_1336 : memref<5x4x8x129xf32, #tpu.memory_space<vmem>>[vector<16xi32>, vector<16xi32>, vector<16xi32>, vector<16xi32>], vector<16xf32>,
        tpu.vector_store_idx %arg8[%broadcast_in_dim3A_1063, %add3A_60, %select_n3A_29, %parallel_loop3A_1331], %parallel_loop3A_1341 : memref<5x4x8x129xf32, #tpu.memory_space<vmem>>[vector<16xi32>, vector<16xi32>, vector<16xi32>, vector<16xi32>], vector<16xf32>,
      } {sc.loop_unroll_factor = 4 : i64, sc.parallel_access}
      %broadcast_in_dim3A_1067 = arith.constant 2 : i32
      %broadcast_in_dim3A_1068 = vector.broadcast %broadcast_in_dim3A_1067 : i32 to vector<16xi32>
      %parallel_loop3A_1069 = arith.constant 0 : i32
      %parallel_loop3A_1070 = arith.constant 128 : i32
      %parallel_loop3A_1071 = arith.constant 1 : i32
      scf.for %parallel_loop3A_1327 = %parallel_loop3A_1069 to %parallel_loop3A_1070 step %parallel_loop3A_1071  : i32 {
        %parallel_loop3A_1328 = arith.constant 0 : i32
        %parallel_loop3A_1329 = vector.broadcast %parallel_loop3A_1328 : i32 to vector<16xi32>
        %parallel_loop3A_1330 = vector.broadcast %parallel_loop3A_1327 : i32 to vector<16xi32>
        %parallel_loop3A_1331 = arith.addi %parallel_loop3A_1329, %parallel_loop3A_1330 : vector<16xi32>
        %parallel_loop3A_1332 = arith.constant 2 : i32
        %parallel_loop3A_1333 = arith.index_cast %parallel_loop3A_1332 : i32 to index
        %parallel_loop3A_1334 = arith.index_cast %parallel_loop3A_1327 : i32 to index
        %parallel_loop3A_1335 = arith.constant 0 : index
        %parallel_loop3A_1336 = tpu.vector_load %arg6[%parallel_loop3A_1333, %parallel_loop3A_1334, %parallel_loop3A_1335] {strides = array<i32>} : memref<5x128x32xf32, #tpu.memory_space<vmem>>, vector<16xf32>,
        %parallel_loop3A_1337 = arith.constant 2 : i32
        %parallel_loop3A_1338 = arith.index_cast %parallel_loop3A_1337 : i32 to index
        %parallel_loop3A_1339 = arith.index_cast %parallel_loop3A_1327 : i32 to index
        %parallel_loop3A_1340 = arith.constant 16 : index
        %parallel_loop3A_1341 = tpu.vector_load %arg6[%parallel_loop3A_1338, %parallel_loop3A_1339, %parallel_loop3A_1340] {strides = array<i32>} : memref<5x128x32xf32, #tpu.memory_space<vmem>>, vector<16xf32>,
        tpu.vector_store_idx %arg8[%broadcast_in_dim3A_1068, %select_n3A_57, %select_n3A_29, %parallel_loop3A_1331], %parallel_loop3A_1336 : memref<5x4x8x129xf32, #tpu.memory_space<vmem>>[vector<16xi32>, vector<16xi32>, vector<16xi32>, vector<16xi32>], vector<16xf32>,
        tpu.vector_store_idx %arg8[%broadcast_in_dim3A_1068, %add3A_60, %select_n3A_29, %parallel_loop3A_1331], %parallel_loop3A_1341 : memref<5x4x8x129xf32, #tpu.memory_space<vmem>>[vector<16xi32>, vector<16xi32>, vector<16xi32>, vector<16xi32>], vector<16xf32>,
      } {sc.loop_unroll_factor = 4 : i64, sc.parallel_access}
      %broadcast_in_dim3A_1072 = arith.constant 3 : i32
      %broadcast_in_dim3A_1073 = vector.broadcast %broadcast_in_dim3A_1072 : i32 to vector<16xi32>
      %parallel_loop3A_1074 = arith.constant 0 : i32
      %parallel_loop3A_1075 = arith.constant 128 : i32
      %parallel_loop3A_1076 = arith.constant 1 : i32
      scf.for %parallel_loop3A_1327 = %parallel_loop3A_1074 to %parallel_loop3A_1075 step %parallel_loop3A_1076  : i32 {
        %parallel_loop3A_1328 = arith.constant 0 : i32
        %parallel_loop3A_1329 = vector.broadcast %parallel_loop3A_1328 : i32 to vector<16xi32>
        %parallel_loop3A_1330 = vector.broadcast %parallel_loop3A_1327 : i32 to vector<16xi32>
        %parallel_loop3A_1331 = arith.addi %parallel_loop3A_1329, %parallel_loop3A_1330 : vector<16xi32>
        %parallel_loop3A_1332 = arith.constant 3 : i32
        %parallel_loop3A_1333 = arith.index_cast %parallel_loop3A_1332 : i32 to index
        %parallel_loop3A_1334 = arith.index_cast %parallel_loop3A_1327 : i32 to index
        %parallel_loop3A_1335 = arith.constant 0 : index
        %parallel_loop3A_1336 = tpu.vector_load %arg6[%parallel_loop3A_1333, %parallel_loop3A_1334, %parallel_loop3A_1335] {strides = array<i32>} : memref<5x128x32xf32, #tpu.memory_space<vmem>>, vector<16xf32>,
        %parallel_loop3A_1337 = arith.constant 3 : i32
        %parallel_loop3A_1338 = arith.index_cast %parallel_loop3A_1337 : i32 to index
        %parallel_loop3A_1339 = arith.index_cast %parallel_loop3A_1327 : i32 to index
        %parallel_loop3A_1340 = arith.constant 16 : index
        %parallel_loop3A_1341 = tpu.vector_load %arg6[%parallel_loop3A_1338, %parallel_loop3A_1339, %parallel_loop3A_1340] {strides = array<i32>} : memref<5x128x32xf32, #tpu.memory_space<vmem>>, vector<16xf32>,
        tpu.vector_store_idx %arg8[%broadcast_in_dim3A_1073, %select_n3A_57, %select_n3A_29, %parallel_loop3A_1331], %parallel_loop3A_1336 : memref<5x4x8x129xf32, #tpu.memory_space<vmem>>[vector<16xi32>, vector<16xi32>, vector<16xi32>, vector<16xi32>], vector<16xf32>,
        tpu.vector_store_idx %arg8[%broadcast_in_dim3A_1073, %add3A_60, %select_n3A_29, %parallel_loop3A_1331], %parallel_loop3A_1341 : memref<5x4x8x129xf32, #tpu.memory_space<vmem>>[vector<16xi32>, vector<16xi32>, vector<16xi32>, vector<16xi32>], vector<16xf32>,
      } {sc.loop_unroll_factor = 4 : i64, sc.parallel_access}
      %broadcast_in_dim3A_1077 = arith.constant 4 : i32
      %broadcast_in_dim3A_1078 = vector.broadcast %broadcast_in_dim3A_1077 : i32 to vector<16xi32>
      %parallel_loop3A_1079 = arith.constant 0 : i32
      %parallel_loop3A_1080 = arith.constant 128 : i32
      %parallel_loop3A_1081 = arith.constant 1 : i32
      scf.for %parallel_loop3A_1327 = %parallel_loop3A_1079 to %parallel_loop3A_1080 step %parallel_loop3A_1081  : i32 {
        %parallel_loop3A_1328 = arith.constant 0 : i32
        %parallel_loop3A_1329 = vector.broadcast %parallel_loop3A_1328 : i32 to vector<16xi32>
        %parallel_loop3A_1330 = vector.broadcast %parallel_loop3A_1327 : i32 to vector<16xi32>
        %parallel_loop3A_1331 = arith.addi %parallel_loop3A_1329, %parallel_loop3A_1330 : vector<16xi32>
        %parallel_loop3A_1332 = arith.constant 4 : i32
        %parallel_loop3A_1333 = arith.index_cast %parallel_loop3A_1332 : i32 to index
        %parallel_loop3A_1334 = arith.index_cast %parallel_loop3A_1327 : i32 to index
        %parallel_loop3A_1335 = arith.constant 0 : index
        %parallel_loop3A_1336 = tpu.vector_load %arg6[%parallel_loop3A_1333, %parallel_loop3A_1334, %parallel_loop3A_1335] {strides = array<i32>} : memref<5x128x32xf32, #tpu.memory_space<vmem>>, vector<16xf32>,
        %parallel_loop3A_1337 = arith.constant 4 : i32
        %parallel_loop3A_1338 = arith.index_cast %parallel_loop3A_1337 : i32 to index
        %parallel_loop3A_1339 = arith.index_cast %parallel_loop3A_1327 : i32 to index
        %parallel_loop3A_1340 = arith.constant 16 : index
        %parallel_loop3A_1341 = tpu.vector_load %arg6[%parallel_loop3A_1338, %parallel_loop3A_1339, %parallel_loop3A_1340] {strides = array<i32>} : memref<5x128x32xf32, #tpu.memory_space<vmem>>, vector<16xf32>,
        tpu.vector_store_idx %arg8[%broadcast_in_dim3A_1078, %select_n3A_57, %select_n3A_29, %parallel_loop3A_1331], %parallel_loop3A_1336 : memref<5x4x8x129xf32, #tpu.memory_space<vmem>>[vector<16xi32>, vector<16xi32>, vector<16xi32>, vector<16xi32>], vector<16xf32>,
        tpu.vector_store_idx %arg8[%broadcast_in_dim3A_1078, %add3A_60, %select_n3A_29, %parallel_loop3A_1331], %parallel_loop3A_1341 : memref<5x4x8x129xf32, #tpu.memory_space<vmem>>[vector<16xi32>, vector<16xi32>, vector<16xi32>, vector<16xi32>], vector<16xf32>,
      } {sc.loop_unroll_factor = 4 : i64, sc.parallel_access}
      %mul3A_1082 = arith.constant 5 : i32
      %mul3A_1083 = arith.muli %mul3A_882, %mul3A_1082 : i32
      %dma_start3A_1084 = arith.constant 0 : i32
      %dma_start3A_1085 = arith.constant 0 : i32
      %dma_start3A_1086 = arith.constant 0 : i32
      %dma_start3A_1087 = arith.constant 0 : i32
      %dma_start3A_1088 = tpu.memref_slice %arg8[%dma_start3A_1084, %dma_start3A_1085, %dma_start3A_1086, %dma_start3A_1087] : memref<5x4x8x129xf32, #tpu.memory_space<vmem>> -> memref<5x4x8x128xf32, #tpu.memory_space<vmem>>
      %dma_start3A_1089 = arith.constant 0 : i32
      %dma_start3A_1090 = arith.constant 0 : i32
      %dma_start3A_1091 = arith.constant 0 : i32
      %dma_start3A_1092 = tpu.memref_slice %arg4[%mul3A_1083, %dma_start3A_1089, %add3A, %dma_start3A_1090, %dma_start3A_1091] : memref<200x4x32x8x128xf32, #tpu.memory_space<hbm>> -> memref<5x4x1x8x128xf32, #tpu.memory_space<hbm>>
      %dma_start3A_1093 = tpu.memref_squeeze %dma_start3A_1092 : memref<5x4x1x8x128xf32, #tpu.memory_space<hbm>> -> memref<5x4x8x128xf32, #tpu.memory_space<hbm>>
      %dma_start3A_1094 = arith.constant 0 : i32
      %dma_start3A_1095 = arith.constant 0 : i32
      %dma_start3A_1096 = arith.constant 0 : i32
      %dma_start3A_1097 = tpu.memref_slice %arg4[%mul3A_1083, %dma_start3A_1094, %add3A, %dma_start3A_1095, %dma_start3A_1096] : memref<200x4x32x8x128xf32, #tpu.memory_space<hbm>> -> memref<5x4x1x8x128xf32, #tpu.memory_space<hbm>>
      %dma_start3A_1098 = tpu.memref_squeeze %dma_start3A_1097 : memref<5x4x1x8x128xf32, #tpu.memory_space<hbm>> -> memref<5x4x8x128xf32, #tpu.memory_space<hbm>>
      %dma_start3A_1099 = arith.constant 0 : i32
      %dma_start3A_1100 = arith.constant 0 : i32
      %dma_start3A_1101 = arith.constant 0 : i32
      %dma_start3A_1102 = arith.constant 0 : i32
      %dma_start3A_1103 = tpu.memref_slice %arg8[%dma_start3A_1099, %dma_start3A_1100, %dma_start3A_1101, %dma_start3A_1102] : memref<5x4x8x129xf32, #tpu.memory_space<vmem>> -> memref<5x4x8x128xf32, #tpu.memory_space<vmem>>
      tpu.enqueue_dma source(%dma_start3A_1103 : memref<5x4x8x128xf32, #tpu.memory_space<vmem>>) target(%dma_start3A_1098 : memref<5x4x8x128xf32, #tpu.memory_space<hbm>>) target_semaphore(%arg13 : memref<!tpu.dma_semaphore, #tpu.memory_space<semaphore_mem>>)
      %add3A_1104 = arith.constant 1 : i32
      %add3A_1105 = arith.addi %mul3A_882, %add3A_1104 : i32
      %dma_wait3A_1106 = arith.constant 0 : i32
      %dma_wait3A_1107 = arith.constant 0 : i32
      %dma_wait3A_1108 = arith.constant 0 : i32
      %dma_wait3A_1109 = tpu.memref_slice %arg7[%dma_wait3A_1106, %dma_wait3A_1107, %dma_wait3A_1108] : memref<5x128x32xf32, #tpu.memory_space<vmem>> -> memref<1x128x32xf32, #tpu.memory_space<vmem>>
      %dma_wait3A_1110 = tpu.memref_squeeze %dma_wait3A_1109 : memref<1x128x32xf32, #tpu.memory_space<vmem>> -> memref<128x32xf32, #tpu.memory_space<vmem>>
      %dma_wait3A_1111 = arith.constant 0 : i32
      %dma_wait3A_1112 = arith.constant 0 : i32
      %dma_wait3A_1113 = tpu.memref_slice %arg2[%dma_wait3A_1111, %dma_wait3A_1112] : memref<100000x32xf32, #tpu.memory_space<hbm>> -> memref<128x32xf32, #tpu.memory_space<hbm>>
      %dma_wait3A_1114 = arith.constant 0 : i32
      %dma_wait3A_1115 = arith.constant 0 : i32
      %dma_wait3A_1116 = tpu.memref_slice %arg7[%dma_wait3A_1106, %dma_wait3A_1114, %dma_wait3A_1115] : memref<5x128x32xf32, #tpu.memory_space<vmem>> -> memref<1x128x32xf32, #tpu.memory_space<vmem>>
      %dma_wait3A_1117 = tpu.memref_squeeze %dma_wait3A_1116 : memref<1x128x32xf32, #tpu.memory_space<vmem>> -> memref<128x32xf32, #tpu.memory_space<vmem>>
      %dma_wait3A_1118 = arith.constant 0 : i32
      %dma_wait3A_1119 = arith.constant 0 : i32
      %dma_wait3A_1120 = tpu.memref_slice %arg2[%dma_wait3A_1118, %dma_wait3A_1119] : memref<100000x32xf32, #tpu.memory_space<hbm>> -> memref<128x32xf32, #tpu.memory_space<hbm>>
      tpu.wait_dma2 semaphore(%arg12 : memref<!tpu.dma_semaphore, #tpu.memory_space<semaphore_mem>>) src(%dma_wait3A_1120 : memref<128x32xf32, #tpu.memory_space<hbm>>) dst(%dma_wait3A_1117 : memref<128x32xf32, #tpu.memory_space<vmem>>)
      %dma_wait3A_1121 = arith.constant 1 : i32
      %dma_wait3A_1122 = arith.constant 0 : i32
      %dma_wait3A_1123 = arith.constant 0 : i32
      %dma_wait3A_1124 = tpu.memref_slice %arg7[%dma_wait3A_1121, %dma_wait3A_1122, %dma_wait3A_1123] : memref<5x128x32xf32, #tpu.memory_space<vmem>> -> memref<1x128x32xf32, #tpu.memory_space<vmem>>
      %dma_wait3A_1125 = tpu.memref_squeeze %dma_wait3A_1124 : memref<1x128x32xf32, #tpu.memory_space<vmem>> -> memref<128x32xf32, #tpu.memory_space<vmem>>
      %dma_wait3A_1126 = arith.constant 0 : i32
      %dma_wait3A_1127 = arith.constant 0 : i32
      %dma_wait3A_1128 = tpu.memref_slice %arg2[%dma_wait3A_1126, %dma_wait3A_1127] : memref<100000x32xf32, #tpu.memory_space<hbm>> -> memref<128x32xf32, #tpu.memory_space<hbm>>
      %dma_wait3A_1129 = arith.constant 0 : i32
      %dma_wait3A_1130 = arith.constant 0 : i32
      %dma_wait3A_1131 = tpu.memref_slice %arg7[%dma_wait3A_1121, %dma_wait3A_1129, %dma_wait3A_1130] : memref<5x128x32xf32, #tpu.memory_space<vmem>> -> memref<1x128x32xf32, #tpu.memory_space<vmem>>
      %dma_wait3A_1132 = tpu.memref_squeeze %dma_wait3A_1131 : memref<1x128x32xf32, #tpu.memory_space<vmem>> -> memref<128x32xf32, #tpu.memory_space<vmem>>
      %dma_wait3A_1133 = arith.constant 0 : i32
      %dma_wait3A_1134 = arith.constant 0 : i32
      %dma_wait3A_1135 = tpu.memref_slice %arg2[%dma_wait3A_1133, %dma_wait3A_1134] : memref<100000x32xf32, #tpu.memory_space<hbm>> -> memref<128x32xf32, #tpu.memory_space<hbm>>
      tpu.wait_dma2 semaphore(%arg12 : memref<!tpu.dma_semaphore, #tpu.memory_space<semaphore_mem>>) src(%dma_wait3A_1135 : memref<128x32xf32, #tpu.memory_space<hbm>>) dst(%dma_wait3A_1132 : memref<128x32xf32, #tpu.memory_space<vmem>>)
      %dma_wait3A_1136 = arith.constant 2 : i32
      %dma_wait3A_1137 = arith.constant 0 : i32
      %dma_wait3A_1138 = arith.constant 0 : i32
      %dma_wait3A_1139 = tpu.memref_slice %arg7[%dma_wait3A_1136, %dma_wait3A_1137, %dma_wait3A_1138] : memref<5x128x32xf32, #tpu.memory_space<vmem>> -> memref<1x128x32xf32, #tpu.memory_space<vmem>>
      %dma_wait3A_1140 = tpu.memref_squeeze %dma_wait3A_1139 : memref<1x128x32xf32, #tpu.memory_space<vmem>> -> memref<128x32xf32, #tpu.memory_space<vmem>>
      %dma_wait3A_1141 = arith.constant 0 : i32
      %dma_wait3A_1142 = arith.constant 0 : i32
      %dma_wait3A_1143 = tpu.memref_slice %arg2[%dma_wait3A_1141, %dma_wait3A_1142] : memref<100000x32xf32, #tpu.memory_space<hbm>> -> memref<128x32xf32, #tpu.memory_space<hbm>>
      %dma_wait3A_1144 = arith.constant 0 : i32
      %dma_wait3A_1145 = arith.constant 0 : i32
      %dma_wait3A_1146 = tpu.memref_slice %arg7[%dma_wait3A_1136, %dma_wait3A_1144, %dma_wait3A_1145] : memref<5x128x32xf32, #tpu.memory_space<vmem>> -> memref<1x128x32xf32, #tpu.memory_space<vmem>>
      %dma_wait3A_1147 = tpu.memref_squeeze %dma_wait3A_1146 : memref<1x128x32xf32, #tpu.memory_space<vmem>> -> memref<128x32xf32, #tpu.memory_space<vmem>>
      %dma_wait3A_1148 = arith.constant 0 : i32
      %dma_wait3A_1149 = arith.constant 0 : i32
      %dma_wait3A_1150 = tpu.memref_slice %arg2[%dma_wait3A_1148, %dma_wait3A_1149] : memref<100000x32xf32, #tpu.memory_space<hbm>> -> memref<128x32xf32, #tpu.memory_space<hbm>>
      tpu.wait_dma2 semaphore(%arg12 : memref<!tpu.dma_semaphore, #tpu.memory_space<semaphore_mem>>) src(%dma_wait3A_1150 : memref<128x32xf32, #tpu.memory_space<hbm>>) dst(%dma_wait3A_1147 : memref<128x32xf32, #tpu.memory_space<vmem>>)
      %dma_wait3A_1151 = arith.constant 3 : i32
      %dma_wait3A_1152 = arith.constant 0 : i32
      %dma_wait3A_1153 = arith.constant 0 : i32
      %dma_wait3A_1154 = tpu.memref_slice %arg7[%dma_wait3A_1151, %dma_wait3A_1152, %dma_wait3A_1153] : memref<5x128x32xf32, #tpu.memory_space<vmem>> -> memref<1x128x32xf32, #tpu.memory_space<vmem>>
      %dma_wait3A_1155 = tpu.memref_squeeze %dma_wait3A_1154 : memref<1x128x32xf32, #tpu.memory_space<vmem>> -> memref<128x32xf32, #tpu.memory_space<vmem>>
      %dma_wait3A_1156 = arith.constant 0 : i32
      %dma_wait3A_1157 = arith.constant 0 : i32
      %dma_wait3A_1158 = tpu.memref_slice %arg2[%dma_wait3A_1156, %dma_wait3A_1157] : memref<100000x32xf32, #tpu.memory_space<hbm>> -> memref<128x32xf32, #tpu.memory_space<hbm>>
      %dma_wait3A_1159 = arith.constant 0 : i32
      %dma_wait3A_1160 = arith.constant 0 : i32
      %dma_wait3A_1161 = tpu.memref_slice %arg7[%dma_wait3A_1151, %dma_wait3A_1159, %dma_wait3A_1160] : memref<5x128x32xf32, #tpu.memory_space<vmem>> -> memref<1x128x32xf32, #tpu.memory_space<vmem>>
      %dma_wait3A_1162 = tpu.memref_squeeze %dma_wait3A_1161 : memref<1x128x32xf32, #tpu.memory_space<vmem>> -> memref<128x32xf32, #tpu.memory_space<vmem>>
      %dma_wait3A_1163 = arith.constant 0 : i32
      %dma_wait3A_1164 = arith.constant 0 : i32
      %dma_wait3A_1165 = tpu.memref_slice %arg2[%dma_wait3A_1163, %dma_wait3A_1164] : memref<100000x32xf32, #tpu.memory_space<hbm>> -> memref<128x32xf32, #tpu.memory_space<hbm>>
      tpu.wait_dma2 semaphore(%arg12 : memref<!tpu.dma_semaphore, #tpu.memory_space<semaphore_mem>>) src(%dma_wait3A_1165 : memref<128x32xf32, #tpu.memory_space<hbm>>) dst(%dma_wait3A_1162 : memref<128x32xf32, #tpu.memory_space<vmem>>)
      %dma_wait3A_1166 = arith.constant 4 : i32
      %dma_wait3A_1167 = arith.constant 0 : i32
      %dma_wait3A_1168 = arith.constant 0 : i32
      %dma_wait3A_1169 = tpu.memref_slice %arg7[%dma_wait3A_1166, %dma_wait3A_1167, %dma_wait3A_1168] : memref<5x128x32xf32, #tpu.memory_space<vmem>> -> memref<1x128x32xf32, #tpu.memory_space<vmem>>
      %dma_wait3A_1170 = tpu.memref_squeeze %dma_wait3A_1169 : memref<1x128x32xf32, #tpu.memory_space<vmem>> -> memref<128x32xf32, #tpu.memory_space<vmem>>
      %dma_wait3A_1171 = arith.constant 0 : i32
      %dma_wait3A_1172 = arith.constant 0 : i32
      %dma_wait3A_1173 = tpu.memref_slice %arg2[%dma_wait3A_1171, %dma_wait3A_1172] : memref<100000x32xf32, #tpu.memory_space<hbm>> -> memref<128x32xf32, #tpu.memory_space<hbm>>
      %dma_wait3A_1174 = arith.constant 0 : i32
      %dma_wait3A_1175 = arith.constant 0 : i32
      %dma_wait3A_1176 = tpu.memref_slice %arg7[%dma_wait3A_1166, %dma_wait3A_1174, %dma_wait3A_1175] : memref<5x128x32xf32, #tpu.memory_space<vmem>> -> memref<1x128x32xf32, #tpu.memory_space<vmem>>
      %dma_wait3A_1177 = tpu.memref_squeeze %dma_wait3A_1176 : memref<1x128x32xf32, #tpu.memory_space<vmem>> -> memref<128x32xf32, #tpu.memory_space<vmem>>
      %dma_wait3A_1178 = arith.constant 0 : i32
      %dma_wait3A_1179 = arith.constant 0 : i32
      %dma_wait3A_1180 = tpu.memref_slice %arg2[%dma_wait3A_1178, %dma_wait3A_1179] : memref<100000x32xf32, #tpu.memory_space<hbm>> -> memref<128x32xf32, #tpu.memory_space<hbm>>
      tpu.wait_dma2 semaphore(%arg12 : memref<!tpu.dma_semaphore, #tpu.memory_space<semaphore_mem>>) src(%dma_wait3A_1180 : memref<128x32xf32, #tpu.memory_space<hbm>>) dst(%dma_wait3A_1177 : memref<128x32xf32, #tpu.memory_space<vmem>>)
      %add3A_1181 = arith.constant 1 : i32
      %add3A_1182 = arith.addi %add3A_1105, %add3A_1181 : i32
      %mul3A_1183 = arith.constant 5 : i32
      %mul3A_1184 = arith.muli %add3A_1182, %mul3A_1183 : i32
      %add3A_1185 = arith.constant 0 : i32
      %add3A_1186 = arith.addi %mul3A_1184, %add3A_1185 : i32
      %dma_start3A_1187 = arith.constant 0 : i32
      %dma_start3A_1188 = arith.constant 0 : i32
      %dma_start3A_1189 = arith.constant 0 : i32
      %dma_start3A_1190 = tpu.memref_slice %arg6[%dma_start3A_1187, %dma_start3A_1188, %dma_start3A_1189] : memref<5x128x32xf32, #tpu.memory_space<vmem>> -> memref<1x128x32xf32, #tpu.memory_space<vmem>>
      %dma_start3A_1191 = tpu.memref_squeeze %dma_start3A_1190 : memref<1x128x32xf32, #tpu.memory_space<vmem>> -> memref<128x32xf32, #tpu.memory_space<vmem>>
      %dma_start3A_1192 = arith.constant 0 : i32
      %dma_start3A_1193 = tpu.memref_slice %arg5[%add3A_1186, %dma_start3A_1192] : memref<200x128xi32, #tpu.memory_space<vmem>> -> memref<1x128xi32, #tpu.memory_space<vmem>>
      %dma_start3A_1194 = tpu.memref_squeeze %dma_start3A_1193 : memref<1x128xi32, #tpu.memory_space<vmem>> -> memref<128xi32, #tpu.memory_space<vmem>>
      %dma_start3A_1195 = arith.constant 0 : i32
      %dma_start3A_1196 = arith.constant 0 : i32
      %dma_start3A_1197 = tpu.memref_slice %arg2[%dma_start3A_1195, %dma_start3A_1196] : memref<100000x32xf32, #tpu.memory_space<hbm>> -> memref<100000x32xf32, #tpu.memory_space<hbm>>
      tpu.enqueue_indirect_dma source(%dma_start3A_1197 : memref<100000x32xf32, #tpu.memory_space<hbm>>) target(%dma_start3A_1191 : memref<128x32xf32, #tpu.memory_space<vmem>>) offsets(%dma_start3A_1194 : memref<128xi32, #tpu.memory_space<vmem>>) semaphore(%arg11 : memref<!tpu.dma_semaphore, #tpu.memory_space<semaphore_mem>>)
      %mul3A_1198 = arith.constant 5 : i32
      %mul3A_1199 = arith.muli %add3A_1182, %mul3A_1198 : i32
      %add3A_1200 = arith.constant 1 : i32
      %add3A_1201 = arith.addi %mul3A_1199, %add3A_1200 : i32
      %dma_start3A_1202 = arith.constant 1 : i32
      %dma_start3A_1203 = arith.constant 0 : i32
      %dma_start3A_1204 = arith.constant 0 : i32
      %dma_start3A_1205 = tpu.memref_slice %arg6[%dma_start3A_1202, %dma_start3A_1203, %dma_start3A_1204] : memref<5x128x32xf32, #tpu.memory_space<vmem>> -> memref<1x128x32xf32, #tpu.memory_space<vmem>>
      %dma_start3A_1206 = tpu.memref_squeeze %dma_start3A_1205 : memref<1x128x32xf32, #tpu.memory_space<vmem>> -> memref<128x32xf32, #tpu.memory_space<vmem>>
      %dma_start3A_1207 = arith.constant 0 : i32
      %dma_start3A_1208 = tpu.memref_slice %arg5[%add3A_1201, %dma_start3A_1207] : memref<200x128xi32, #tpu.memory_space<vmem>> -> memref<1x128xi32, #tpu.memory_space<vmem>>
      %dma_start3A_1209 = tpu.memref_squeeze %dma_start3A_1208 : memref<1x128xi32, #tpu.memory_space<vmem>> -> memref<128xi32, #tpu.memory_space<vmem>>
      %dma_start3A_1210 = arith.constant 0 : i32
      %dma_start3A_1211 = arith.constant 0 : i32
      %dma_start3A_1212 = tpu.memref_slice %arg2[%dma_start3A_1210, %dma_start3A_1211] : memref<100000x32xf32, #tpu.memory_space<hbm>> -> memref<100000x32xf32, #tpu.memory_space<hbm>>
      tpu.enqueue_indirect_dma source(%dma_start3A_1212 : memref<100000x32xf32, #tpu.memory_space<hbm>>) target(%dma_start3A_1206 : memref<128x32xf32, #tpu.memory_space<vmem>>) offsets(%dma_start3A_1209 : memref<128xi32, #tpu.memory_space<vmem>>) semaphore(%arg11 : memref<!tpu.dma_semaphore, #tpu.memory_space<semaphore_mem>>)
      %mul3A_1213 = arith.constant 5 : i32
      %mul3A_1214 = arith.muli %add3A_1182, %mul3A_1213 : i32
      %add3A_1215 = arith.constant 2 : i32
      %add3A_1216 = arith.addi %mul3A_1214, %add3A_1215 : i32
      %dma_start3A_1217 = arith.constant 2 : i32
      %dma_start3A_1218 = arith.constant 0 : i32
      %dma_start3A_1219 = arith.constant 0 : i32
      %dma_start3A_1220 = tpu.memref_slice %arg6[%dma_start3A_1217, %dma_start3A_1218, %dma_start3A_1219] : memref<5x128x32xf32, #tpu.memory_space<vmem>> -> memref<1x128x32xf32, #tpu.memory_space<vmem>>
      %dma_start3A_1221 = tpu.memref_squeeze %dma_start3A_1220 : memref<1x128x32xf32, #tpu.memory_space<vmem>> -> memref<128x32xf32, #tpu.memory_space<vmem>>
      %dma_start3A_1222 = arith.constant 0 : i32
      %dma_start3A_1223 = tpu.memref_slice %arg5[%add3A_1216, %dma_start3A_1222] : memref<200x128xi32, #tpu.memory_space<vmem>> -> memref<1x128xi32, #tpu.memory_space<vmem>>
      %dma_start3A_1224 = tpu.memref_squeeze %dma_start3A_1223 : memref<1x128xi32, #tpu.memory_space<vmem>> -> memref<128xi32, #tpu.memory_space<vmem>>
      %dma_start3A_1225 = arith.constant 0 : i32
      %dma_start3A_1226 = arith.constant 0 : i32
      %dma_start3A_1227 = tpu.memref_slice %arg2[%dma_start3A_1225, %dma_start3A_1226] : memref<100000x32xf32, #tpu.memory_space<hbm>> -> memref<100000x32xf32, #tpu.memory_space<hbm>>
      tpu.enqueue_indirect_dma source(%dma_start3A_1227 : memref<100000x32xf32, #tpu.memory_space<hbm>>) target(%dma_start3A_1221 : memref<128x32xf32, #tpu.memory_space<vmem>>) offsets(%dma_start3A_1224 : memref<128xi32, #tpu.memory_space<vmem>>) semaphore(%arg11 : memref<!tpu.dma_semaphore, #tpu.memory_space<semaphore_mem>>)
      %mul3A_1228 = arith.constant 5 : i32
      %mul3A_1229 = arith.muli %add3A_1182, %mul3A_1228 : i32
      %add3A_1230 = arith.constant 3 : i32
      %add3A_1231 = arith.addi %mul3A_1229, %add3A_1230 : i32
      %dma_start3A_1232 = arith.constant 3 : i32
      %dma_start3A_1233 = arith.constant 0 : i32
      %dma_start3A_1234 = arith.constant 0 : i32
      %dma_start3A_1235 = tpu.memref_slice %arg6[%dma_start3A_1232, %dma_start3A_1233, %dma_start3A_1234] : memref<5x128x32xf32, #tpu.memory_space<vmem>> -> memref<1x128x32xf32, #tpu.memory_space<vmem>>
      %dma_start3A_1236 = tpu.memref_squeeze %dma_start3A_1235 : memref<1x128x32xf32, #tpu.memory_space<vmem>> -> memref<128x32xf32, #tpu.memory_space<vmem>>
      %dma_start3A_1237 = arith.constant 0 : i32
      %dma_start3A_1238 = tpu.memref_slice %arg5[%add3A_1231, %dma_start3A_1237] : memref<200x128xi32, #tpu.memory_space<vmem>> -> memref<1x128xi32, #tpu.memory_space<vmem>>
      %dma_start3A_1239 = tpu.memref_squeeze %dma_start3A_1238 : memref<1x128xi32, #tpu.memory_space<vmem>> -> memref<128xi32, #tpu.memory_space<vmem>>
      %dma_start3A_1240 = arith.constant 0 : i32
      %dma_start3A_1241 = arith.constant 0 : i32
      %dma_start3A_1242 = tpu.memref_slice %arg2[%dma_start3A_1240, %dma_start3A_1241] : memref<100000x32xf32, #tpu.memory_space<hbm>> -> memref<100000x32xf32, #tpu.memory_space<hbm>>
      tpu.enqueue_indirect_dma source(%dma_start3A_1242 : memref<100000x32xf32, #tpu.memory_space<hbm>>) target(%dma_start3A_1236 : memref<128x32xf32, #tpu.memory_space<vmem>>) offsets(%dma_start3A_1239 : memref<128xi32, #tpu.memory_space<vmem>>) semaphore(%arg11 : memref<!tpu.dma_semaphore, #tpu.memory_space<semaphore_mem>>)
      %mul3A_1243 = arith.constant 5 : i32
      %mul3A_1244 = arith.muli %add3A_1182, %mul3A_1243 : i32
      %add3A_1245 = arith.constant 4 : i32
      %add3A_1246 = arith.addi %mul3A_1244, %add3A_1245 : i32
      %dma_start3A_1247 = arith.constant 4 : i32
      %dma_start3A_1248 = arith.constant 0 : i32
      %dma_start3A_1249 = arith.constant 0 : i32
      %dma_start3A_1250 = tpu.memref_slice %arg6[%dma_start3A_1247, %dma_start3A_1248, %dma_start3A_1249] : memref<5x128x32xf32, #tpu.memory_space<vmem>> -> memref<1x128x32xf32, #tpu.memory_space<vmem>>
      %dma_start3A_1251 = tpu.memref_squeeze %dma_start3A_1250 : memref<1x128x32xf32, #tpu.memory_space<vmem>> -> memref<128x32xf32, #tpu.memory_space<vmem>>
      %dma_start3A_1252 = arith.constant 0 : i32
      %dma_start3A_1253 = tpu.memref_slice %arg5[%add3A_1246, %dma_start3A_1252] : memref<200x128xi32, #tpu.memory_space<vmem>> -> memref<1x128xi32, #tpu.memory_space<vmem>>
      %dma_start3A_1254 = tpu.memref_squeeze %dma_start3A_1253 : memref<1x128xi32, #tpu.memory_space<vmem>> -> memref<128xi32, #tpu.memory_space<vmem>>
      %dma_start3A_1255 = arith.constant 0 : i32
      %dma_start3A_1256 = arith.constant 0 : i32
      %dma_start3A_1257 = tpu.memref_slice %arg2[%dma_start3A_1255, %dma_start3A_1256] : memref<100000x32xf32, #tpu.memory_space<hbm>> -> memref<100000x32xf32, #tpu.memory_space<hbm>>
      tpu.enqueue_indirect_dma source(%dma_start3A_1257 : memref<100000x32xf32, #tpu.memory_space<hbm>>) target(%dma_start3A_1251 : memref<128x32xf32, #tpu.memory_space<vmem>>) offsets(%dma_start3A_1254 : memref<128xi32, #tpu.memory_space<vmem>>) semaphore(%arg11 : memref<!tpu.dma_semaphore, #tpu.memory_space<semaphore_mem>>)
      %dma_wait3A_1258 = arith.constant 0 : i32
      %dma_wait3A_1259 = arith.constant 0 : i32
      %dma_wait3A_1260 = arith.constant 0 : i32
      %dma_wait3A_1261 = arith.constant 0 : i32
      %dma_wait3A_1262 = tpu.memref_slice %arg9[%dma_wait3A_1258, %dma_wait3A_1259, %dma_wait3A_1260, %dma_wait3A_1261] : memref<5x4x8x129xf32, #tpu.memory_space<vmem>> -> memref<5x4x8x128xf32, #tpu.memory_space<vmem>>
      %dma_wait3A_1263 = arith.constant 0 : i32
      %dma_wait3A_1264 = arith.constant 0 : i32
      %dma_wait3A_1265 = arith.constant 0 : i32
      %dma_wait3A_1266 = arith.constant 0 : i32
      %dma_wait3A_1267 = tpu.memref_slice %arg4[%dma_wait3A_1263, %dma_wait3A_1264, %add3A, %dma_wait3A_1265, %dma_wait3A_1266] : memref<200x4x32x8x128xf32, #tpu.memory_space<hbm>> -> memref<5x4x1x8x128xf32, #tpu.memory_space<hbm>>
      %dma_wait3A_1268 = tpu.memref_squeeze %dma_wait3A_1267 : memref<5x4x1x8x128xf32, #tpu.memory_space<hbm>> -> memref<5x4x8x128xf32, #tpu.memory_space<hbm>>
      %dma_wait3A_1269 = arith.constant 0 : i32
      %dma_wait3A_1270 = arith.constant 0 : i32
      %dma_wait3A_1271 = arith.constant 0 : i32
      %dma_wait3A_1272 = arith.constant 0 : i32
      %dma_wait3A_1273 = tpu.memref_slice %arg4[%dma_wait3A_1269, %dma_wait3A_1270, %add3A, %dma_wait3A_1271, %dma_wait3A_1272] : memref<200x4x32x8x128xf32, #tpu.memory_space<hbm>> -> memref<5x4x1x8x128xf32, #tpu.memory_space<hbm>>
      %dma_wait3A_1274 = tpu.memref_squeeze %dma_wait3A_1273 : memref<5x4x1x8x128xf32, #tpu.memory_space<hbm>> -> memref<5x4x8x128xf32, #tpu.memory_space<hbm>>
      %dma_wait3A_1275 = arith.constant 0 : i32
      %dma_wait3A_1276 = arith.constant 0 : i32
      %dma_wait3A_1277 = arith.constant 0 : i32
      %dma_wait3A_1278 = arith.constant 0 : i32
      %dma_wait3A_1279 = tpu.memref_slice %arg9[%dma_wait3A_1275, %dma_wait3A_1276, %dma_wait3A_1277, %dma_wait3A_1278] : memref<5x4x8x129xf32, #tpu.memory_space<vmem>> -> memref<5x4x8x128xf32, #tpu.memory_space<vmem>>
      tpu.wait_dma2 semaphore(%arg14 : memref<!tpu.dma_semaphore, #tpu.memory_space<semaphore_mem>>) src(%dma_wait3A_1279 : memref<5x4x8x128xf32, #tpu.memory_space<vmem>>) dst(%dma_wait3A_1274 : memref<5x4x8x128xf32, #tpu.memory_space<hbm>>)
      %broadcast_in_dim3A_1280 = arith.constant 0 : i32
      %broadcast_in_dim3A_1281 = vector.broadcast %broadcast_in_dim3A_1280 : i32 to vector<16xi32>
      %parallel_loop3A_1282 = arith.constant 0 : i32
      %parallel_loop3A_1283 = arith.constant 128 : i32
      %parallel_loop3A_1284 = arith.constant 1 : i32
      scf.for %parallel_loop3A_1327 = %parallel_loop3A_1282 to %parallel_loop3A_1283 step %parallel_loop3A_1284  : i32 {
        %parallel_loop3A_1328 = arith.constant 0 : i32
        %parallel_loop3A_1329 = vector.broadcast %parallel_loop3A_1328 : i32 to vector<16xi32>
        %parallel_loop3A_1330 = vector.broadcast %parallel_loop3A_1327 : i32 to vector<16xi32>
        %parallel_loop3A_1331 = arith.addi %parallel_loop3A_1329, %parallel_loop3A_1330 : vector<16xi32>
        %parallel_loop3A_1332 = arith.constant 0 : i32
        %parallel_loop3A_1333 = arith.index_cast %parallel_loop3A_1332 : i32 to index
        %parallel_loop3A_1334 = arith.index_cast %parallel_loop3A_1327 : i32 to index
        %parallel_loop3A_1335 = arith.constant 0 : index
        %parallel_loop3A_1336 = tpu.vector_load %arg7[%parallel_loop3A_1333, %parallel_loop3A_1334, %parallel_loop3A_1335] {strides = array<i32>} : memref<5x128x32xf32, #tpu.memory_space<vmem>>, vector<16xf32>,
        %parallel_loop3A_1337 = arith.constant 0 : i32
        %parallel_loop3A_1338 = arith.index_cast %parallel_loop3A_1337 : i32 to index
        %parallel_loop3A_1339 = arith.index_cast %parallel_loop3A_1327 : i32 to index
        %parallel_loop3A_1340 = arith.constant 16 : index
        %parallel_loop3A_1341 = tpu.vector_load %arg7[%parallel_loop3A_1338, %parallel_loop3A_1339, %parallel_loop3A_1340] {strides = array<i32>} : memref<5x128x32xf32, #tpu.memory_space<vmem>>, vector<16xf32>,
        tpu.vector_store_idx %arg9[%broadcast_in_dim3A_1281, %select_n3A_57, %select_n3A_29, %parallel_loop3A_1331], %parallel_loop3A_1336 : memref<5x4x8x129xf32, #tpu.memory_space<vmem>>[vector<16xi32>, vector<16xi32>, vector<16xi32>, vector<16xi32>], vector<16xf32>,
        tpu.vector_store_idx %arg9[%broadcast_in_dim3A_1281, %add3A_60, %select_n3A_29, %parallel_loop3A_1331], %parallel_loop3A_1341 : memref<5x4x8x129xf32, #tpu.memory_space<vmem>>[vector<16xi32>, vector<16xi32>, vector<16xi32>, vector<16xi32>], vector<16xf32>,
      } {sc.loop_unroll_factor = 4 : i64, sc.parallel_access}
      %broadcast_in_dim3A_1285 = arith.constant 1 : i32
      %broadcast_in_dim3A_1286 = vector.broadcast %broadcast_in_dim3A_1285 : i32 to vector<16xi32>
      %parallel_loop3A_1287 = arith.constant 0 : i32
      %parallel_loop3A_1288 = arith.constant 128 : i32
      %parallel_loop3A_1289 = arith.constant 1 : i32
      scf.for %parallel_loop3A_1327 = %parallel_loop3A_1287 to %parallel_loop3A_1288 step %parallel_loop3A_1289  : i32 {
        %parallel_loop3A_1328 = arith.constant 0 : i32
        %parallel_loop3A_1329 = vector.broadcast %parallel_loop3A_1328 : i32 to vector<16xi32>
        %parallel_loop3A_1330 = vector.broadcast %parallel_loop3A_1327 : i32 to vector<16xi32>
        %parallel_loop3A_1331 = arith.addi %parallel_loop3A_1329, %parallel_loop3A_1330 : vector<16xi32>
        %parallel_loop3A_1332 = arith.constant 1 : i32
        %parallel_loop3A_1333 = arith.index_cast %parallel_loop3A_1332 : i32 to index
        %parallel_loop3A_1334 = arith.index_cast %parallel_loop3A_1327 : i32 to index
        %parallel_loop3A_1335 = arith.constant 0 : index
        %parallel_loop3A_1336 = tpu.vector_load %arg7[%parallel_loop3A_1333, %parallel_loop3A_1334, %parallel_loop3A_1335] {strides = array<i32>} : memref<5x128x32xf32, #tpu.memory_space<vmem>>, vector<16xf32>,
        %parallel_loop3A_1337 = arith.constant 1 : i32
        %parallel_loop3A_1338 = arith.index_cast %parallel_loop3A_1337 : i32 to index
        %parallel_loop3A_1339 = arith.index_cast %parallel_loop3A_1327 : i32 to index
        %parallel_loop3A_1340 = arith.constant 16 : index
        %parallel_loop3A_1341 = tpu.vector_load %arg7[%parallel_loop3A_1338, %parallel_loop3A_1339, %parallel_loop3A_1340] {strides = array<i32>} : memref<5x128x32xf32, #tpu.memory_space<vmem>>, vector<16xf32>,
        tpu.vector_store_idx %arg9[%broadcast_in_dim3A_1286, %select_n3A_57, %select_n3A_29, %parallel_loop3A_1331], %parallel_loop3A_1336 : memref<5x4x8x129xf32, #tpu.memory_space<vmem>>[vector<16xi32>, vector<16xi32>, vector<16xi32>, vector<16xi32>], vector<16xf32>,
        tpu.vector_store_idx %arg9[%broadcast_in_dim3A_1286, %add3A_60, %select_n3A_29, %parallel_loop3A_1331], %parallel_loop3A_1341 : memref<5x4x8x129xf32, #tpu.memory_space<vmem>>[vector<16xi32>, vector<16xi32>, vector<16xi32>, vector<16xi32>], vector<16xf32>,
      } {sc.loop_unroll_factor = 4 : i64, sc.parallel_access}
      %broadcast_in_dim3A_1290 = arith.constant 2 : i32
      %broadcast_in_dim3A_1291 = vector.broadcast %broadcast_in_dim3A_1290 : i32 to vector<16xi32>
      %parallel_loop3A_1292 = arith.constant 0 : i32
      %parallel_loop3A_1293 = arith.constant 128 : i32
      %parallel_loop3A_1294 = arith.constant 1 : i32
      scf.for %parallel_loop3A_1327 = %parallel_loop3A_1292 to %parallel_loop3A_1293 step %parallel_loop3A_1294  : i32 {
        %parallel_loop3A_1328 = arith.constant 0 : i32
        %parallel_loop3A_1329 = vector.broadcast %parallel_loop3A_1328 : i32 to vector<16xi32>
        %parallel_loop3A_1330 = vector.broadcast %parallel_loop3A_1327 : i32 to vector<16xi32>
        %parallel_loop3A_1331 = arith.addi %parallel_loop3A_1329, %parallel_loop3A_1330 : vector<16xi32>
        %parallel_loop3A_1332 = arith.constant 2 : i32
        %parallel_loop3A_1333 = arith.index_cast %parallel_loop3A_1332 : i32 to index
        %parallel_loop3A_1334 = arith.index_cast %parallel_loop3A_1327 : i32 to index
        %parallel_loop3A_1335 = arith.constant 0 : index
        %parallel_loop3A_1336 = tpu.vector_load %arg7[%parallel_loop3A_1333, %parallel_loop3A_1334, %parallel_loop3A_1335] {strides = array<i32>} : memref<5x128x32xf32, #tpu.memory_space<vmem>>, vector<16xf32>,
        %parallel_loop3A_1337 = arith.constant 2 : i32
        %parallel_loop3A_1338 = arith.index_cast %parallel_loop3A_1337 : i32 to index
        %parallel_loop3A_1339 = arith.index_cast %parallel_loop3A_1327 : i32 to index
        %parallel_loop3A_1340 = arith.constant 16 : index
        %parallel_loop3A_1341 = tpu.vector_load %arg7[%parallel_loop3A_1338, %parallel_loop3A_1339, %parallel_loop3A_1340] {strides = array<i32>} : memref<5x128x32xf32, #tpu.memory_space<vmem>>, vector<16xf32>,
        tpu.vector_store_idx %arg9[%broadcast_in_dim3A_1291, %select_n3A_57, %select_n3A_29, %parallel_loop3A_1331], %parallel_loop3A_1336 : memref<5x4x8x129xf32, #tpu.memory_space<vmem>>[vector<16xi32>, vector<16xi32>, vector<16xi32>, vector<16xi32>], vector<16xf32>,
        tpu.vector_store_idx %arg9[%broadcast_in_dim3A_1291, %add3A_60, %select_n3A_29, %parallel_loop3A_1331], %parallel_loop3A_1341 : memref<5x4x8x129xf32, #tpu.memory_space<vmem>>[vector<16xi32>, vector<16xi32>, vector<16xi32>, vector<16xi32>], vector<16xf32>,
      } {sc.loop_unroll_factor = 4 : i64, sc.parallel_access}
      %broadcast_in_dim3A_1295 = arith.constant 3 : i32
      %broadcast_in_dim3A_1296 = vector.broadcast %broadcast_in_dim3A_1295 : i32 to vector<16xi32>
      %parallel_loop3A_1297 = arith.constant 0 : i32
      %parallel_loop3A_1298 = arith.constant 128 : i32
      %parallel_loop3A_1299 = arith.constant 1 : i32
      scf.for %parallel_loop3A_1327 = %parallel_loop3A_1297 to %parallel_loop3A_1298 step %parallel_loop3A_1299  : i32 {
        %parallel_loop3A_1328 = arith.constant 0 : i32
        %parallel_loop3A_1329 = vector.broadcast %parallel_loop3A_1328 : i32 to vector<16xi32>
        %parallel_loop3A_1330 = vector.broadcast %parallel_loop3A_1327 : i32 to vector<16xi32>
        %parallel_loop3A_1331 = arith.addi %parallel_loop3A_1329, %parallel_loop3A_1330 : vector<16xi32>
        %parallel_loop3A_1332 = arith.constant 3 : i32
        %parallel_loop3A_1333 = arith.index_cast %parallel_loop3A_1332 : i32 to index
        %parallel_loop3A_1334 = arith.index_cast %parallel_loop3A_1327 : i32 to index
        %parallel_loop3A_1335 = arith.constant 0 : index
        %parallel_loop3A_1336 = tpu.vector_load %arg7[%parallel_loop3A_1333, %parallel_loop3A_1334, %parallel_loop3A_1335] {strides = array<i32>} : memref<5x128x32xf32, #tpu.memory_space<vmem>>, vector<16xf32>,
        %parallel_loop3A_1337 = arith.constant 3 : i32
        %parallel_loop3A_1338 = arith.index_cast %parallel_loop3A_1337 : i32 to index
        %parallel_loop3A_1339 = arith.index_cast %parallel_loop3A_1327 : i32 to index
        %parallel_loop3A_1340 = arith.constant 16 : index
        %parallel_loop3A_1341 = tpu.vector_load %arg7[%parallel_loop3A_1338, %parallel_loop3A_1339, %parallel_loop3A_1340] {strides = array<i32>} : memref<5x128x32xf32, #tpu.memory_space<vmem>>, vector<16xf32>,
        tpu.vector_store_idx %arg9[%broadcast_in_dim3A_1296, %select_n3A_57, %select_n3A_29, %parallel_loop3A_1331], %parallel_loop3A_1336 : memref<5x4x8x129xf32, #tpu.memory_space<vmem>>[vector<16xi32>, vector<16xi32>, vector<16xi32>, vector<16xi32>], vector<16xf32>,
        tpu.vector_store_idx %arg9[%broadcast_in_dim3A_1296, %add3A_60, %select_n3A_29, %parallel_loop3A_1331], %parallel_loop3A_1341 : memref<5x4x8x129xf32, #tpu.memory_space<vmem>>[vector<16xi32>, vector<16xi32>, vector<16xi32>, vector<16xi32>], vector<16xf32>,
      } {sc.loop_unroll_factor = 4 : i64, sc.parallel_access}
      %broadcast_in_dim3A_1300 = arith.constant 4 : i32
      %broadcast_in_dim3A_1301 = vector.broadcast %broadcast_in_dim3A_1300 : i32 to vector<16xi32>
      %parallel_loop3A_1302 = arith.constant 0 : i32
      %parallel_loop3A_1303 = arith.constant 128 : i32
      %parallel_loop3A_1304 = arith.constant 1 : i32
      scf.for %parallel_loop3A_1327 = %parallel_loop3A_1302 to %parallel_loop3A_1303 step %parallel_loop3A_1304  : i32 {
        %parallel_loop3A_1328 = arith.constant 0 : i32
        %parallel_loop3A_1329 = vector.broadcast %parallel_loop3A_1328 : i32 to vector<16xi32>
        %parallel_loop3A_1330 = vector.broadcast %parallel_loop3A_1327 : i32 to vector<16xi32>
        %parallel_loop3A_1331 = arith.addi %parallel_loop3A_1329, %parallel_loop3A_1330 : vector<16xi32>
        %parallel_loop3A_1332 = arith.constant 4 : i32
        %parallel_loop3A_1333 = arith.index_cast %parallel_loop3A_1332 : i32 to index
        %parallel_loop3A_1334 = arith.index_cast %parallel_loop3A_1327 : i32 to index
        %parallel_loop3A_1335 = arith.constant 0 : index
        %parallel_loop3A_1336 = tpu.vector_load %arg7[%parallel_loop3A_1333, %parallel_loop3A_1334, %parallel_loop3A_1335] {strides = array<i32>} : memref<5x128x32xf32, #tpu.memory_space<vmem>>, vector<16xf32>,
        %parallel_loop3A_1337 = arith.constant 4 : i32
        %parallel_loop3A_1338 = arith.index_cast %parallel_loop3A_1337 : i32 to index
        %parallel_loop3A_1339 = arith.index_cast %parallel_loop3A_1327 : i32 to index
        %parallel_loop3A_1340 = arith.constant 16 : index
        %parallel_loop3A_1341 = tpu.vector_load %arg7[%parallel_loop3A_1338, %parallel_loop3A_1339, %parallel_loop3A_1340] {strides = array<i32>} : memref<5x128x32xf32, #tpu.memory_space<vmem>>, vector<16xf32>,
        tpu.vector_store_idx %arg9[%broadcast_in_dim3A_1301, %select_n3A_57, %select_n3A_29, %parallel_loop3A_1331], %parallel_loop3A_1336 : memref<5x4x8x129xf32, #tpu.memory_space<vmem>>[vector<16xi32>, vector<16xi32>, vector<16xi32>, vector<16xi32>], vector<16xf32>,
        tpu.vector_store_idx %arg9[%broadcast_in_dim3A_1301, %add3A_60, %select_n3A_29, %parallel_loop3A_1331], %parallel_loop3A_1341 : memref<5x4x8x129xf32, #tpu.memory_space<vmem>>[vector<16xi32>, vector<16xi32>, vector<16xi32>, vector<16xi32>], vector<16xf32>,
      } {sc.loop_unroll_factor = 4 : i64, sc.parallel_access}
      %mul3A_1305 = arith.constant 5 : i32
      %mul3A_1306 = arith.muli %add3A_1105, %mul3A_1305 : i32
      %dma_start3A_1307 = arith.constant 0 : i32
      %dma_start3A_1308 = arith.constant 0 : i32
      %dma_start3A_1309 = arith.constant 0 : i32
      %dma_start3A_1310 = arith.constant 0 : i32
      %dma_start3A_1311 = tpu.memref_slice %arg9[%dma_start3A_1307, %dma_start3A_1308, %dma_start3A_1309, %dma_start3A_1310] : memref<5x4x8x129xf32, #tpu.memory_space<vmem>> -> memref<5x4x8x128xf32, #tpu.memory_space<vmem>>
      %dma_start3A_1312 = arith.constant 0 : i32
      %dma_start3A_1313 = arith.constant 0 : i32
      %dma_start3A_1314 = arith.constant 0 : i32
      %dma_start3A_1315 = tpu.memref_slice %arg4[%mul3A_1306, %dma_start3A_1312, %add3A, %dma_start3A_1313, %dma_start3A_1314] : memref<200x4x32x8x128xf32, #tpu.memory_space<hbm>> -> memref<5x4x1x8x128xf32, #tpu.memory_space<hbm>>
      %dma_start3A_1316 = tpu.memref_squeeze %dma_start3A_1315 : memref<5x4x1x8x128xf32, #tpu.memory_space<hbm>> -> memref<5x4x8x128xf32, #tpu.memory_space<hbm>>
      %dma_start3A_1317 = arith.constant 0 : i32
      %dma_start3A_1318 = arith.constant 0 : i32
      %dma_start3A_1319 = arith.constant 0 : i32
      %dma_start3A_1320 = tpu.memref_slice %arg4[%mul3A_1306, %dma_start3A_1317, %add3A, %dma_start3A_1318, %dma_start3A_1319] : memref<200x4x32x8x128xf32, #tpu.memory_space<hbm>> -> memref<5x4x1x8x128xf32, #tpu.memory_space<hbm>>
      %dma_start3A_1321 = tpu.memref_squeeze %dma_start3A_1320 : memref<5x4x1x8x128xf32, #tpu.memory_space<hbm>> -> memref<5x4x8x128xf32, #tpu.memory_space<hbm>>
      %dma_start3A_1322 = arith.constant 0 : i32
      %dma_start3A_1323 = arith.constant 0 : i32
      %dma_start3A_1324 = arith.constant 0 : i32
      %dma_start3A_1325 = arith.constant 0 : i32
      %dma_start3A_1326 = tpu.memref_slice %arg9[%dma_start3A_1322, %dma_start3A_1323, %dma_start3A_1324, %dma_start3A_1325] : memref<5x4x8x129xf32, #tpu.memory_space<vmem>> -> memref<5x4x8x128xf32, #tpu.memory_space<vmem>>
      tpu.enqueue_dma source(%dma_start3A_1326 : memref<5x4x8x128xf32, #tpu.memory_space<vmem>>) target(%dma_start3A_1321 : memref<5x4x8x128xf32, #tpu.memory_space<hbm>>) target_semaphore(%arg14 : memref<!tpu.dma_semaphore, #tpu.memory_space<semaphore_mem>>)
    }
    %scan3A_487 = arith.constant 18 : i32
    %dma_wait3A_488 = arith.constant 0 : i32
    %dma_wait3A_489 = arith.constant 0 : i32
    %dma_wait3A_490 = arith.constant 0 : i32
    %dma_wait3A_491 = tpu.memref_slice %arg6[%dma_wait3A_488, %dma_wait3A_489, %dma_wait3A_490] : memref<5x128x32xf32, #tpu.memory_space<vmem>> -> memref<1x128x32xf32, #tpu.memory_space<vmem>>
    %dma_wait3A_492 = tpu.memref_squeeze %dma_wait3A_491 : memref<1x128x32xf32, #tpu.memory_space<vmem>> -> memref<128x32xf32, #tpu.memory_space<vmem>>
    %dma_wait3A_493 = arith.constant 0 : i32
    %dma_wait3A_494 = arith.constant 0 : i32
    %dma_wait3A_495 = tpu.memref_slice %arg2[%dma_wait3A_493, %dma_wait3A_494] : memref<100000x32xf32, #tpu.memory_space<hbm>> -> memref<128x32xf32, #tpu.memory_space<hbm>>
    %dma_wait3A_496 = arith.constant 0 : i32
    %dma_wait3A_497 = arith.constant 0 : i32
    %dma_wait3A_498 = tpu.memref_slice %arg6[%dma_wait3A_488, %dma_wait3A_496, %dma_wait3A_497] : memref<5x128x32xf32, #tpu.memory_space<vmem>> -> memref<1x128x32xf32, #tpu.memory_space<vmem>>
    %dma_wait3A_499 = tpu.memref_squeeze %dma_wait3A_498 : memref<1x128x32xf32, #tpu.memory_space<vmem>> -> memref<128x32xf32, #tpu.memory_space<vmem>>
    %dma_wait3A_500 = arith.constant 0 : i32
    %dma_wait3A_501 = arith.constant 0 : i32
    %dma_wait3A_502 = tpu.memref_slice %arg2[%dma_wait3A_500, %dma_wait3A_501] : memref<100000x32xf32, #tpu.memory_space<hbm>> -> memref<128x32xf32, #tpu.memory_space<hbm>>
    tpu.wait_dma2 semaphore(%arg11 : memref<!tpu.dma_semaphore, #tpu.memory_space<semaphore_mem>>) src(%dma_wait3A_502 : memref<128x32xf32, #tpu.memory_space<hbm>>) dst(%dma_wait3A_499 : memref<128x32xf32, #tpu.memory_space<vmem>>)
    %dma_wait3A_503 = arith.constant 1 : i32
    %dma_wait3A_504 = arith.constant 0 : i32
    %dma_wait3A_505 = arith.constant 0 : i32
    %dma_wait3A_506 = tpu.memref_slice %arg6[%dma_wait3A_503, %dma_wait3A_504, %dma_wait3A_505] : memref<5x128x32xf32, #tpu.memory_space<vmem>> -> memref<1x128x32xf32, #tpu.memory_space<vmem>>
    %dma_wait3A_507 = tpu.memref_squeeze %dma_wait3A_506 : memref<1x128x32xf32, #tpu.memory_space<vmem>> -> memref<128x32xf32, #tpu.memory_space<vmem>>
    %dma_wait3A_508 = arith.constant 0 : i32
    %dma_wait3A_509 = arith.constant 0 : i32
    %dma_wait3A_510 = tpu.memref_slice %arg2[%dma_wait3A_508, %dma_wait3A_509] : memref<100000x32xf32, #tpu.memory_space<hbm>> -> memref<128x32xf32, #tpu.memory_space<hbm>>
    %dma_wait3A_511 = arith.constant 0 : i32
    %dma_wait3A_512 = arith.constant 0 : i32
    %dma_wait3A_513 = tpu.memref_slice %arg6[%dma_wait3A_503, %dma_wait3A_511, %dma_wait3A_512] : memref<5x128x32xf32, #tpu.memory_space<vmem>> -> memref<1x128x32xf32, #tpu.memory_space<vmem>>
    %dma_wait3A_514 = tpu.memref_squeeze %dma_wait3A_513 : memref<1x128x32xf32, #tpu.memory_space<vmem>> -> memref<128x32xf32, #tpu.memory_space<vmem>>
    %dma_wait3A_515 = arith.constant 0 : i32
    %dma_wait3A_516 = arith.constant 0 : i32
    %dma_wait3A_517 = tpu.memref_slice %arg2[%dma_wait3A_515, %dma_wait3A_516] : memref<100000x32xf32, #tpu.memory_space<hbm>> -> memref<128x32xf32, #tpu.memory_space<hbm>>
    tpu.wait_dma2 semaphore(%arg11 : memref<!tpu.dma_semaphore, #tpu.memory_space<semaphore_mem>>) src(%dma_wait3A_517 : memref<128x32xf32, #tpu.memory_space<hbm>>) dst(%dma_wait3A_514 : memref<128x32xf32, #tpu.memory_space<vmem>>)
    %dma_wait3A_518 = arith.constant 2 : i32
    %dma_wait3A_519 = arith.constant 0 : i32
    %dma_wait3A_520 = arith.constant 0 : i32
    %dma_wait3A_521 = tpu.memref_slice %arg6[%dma_wait3A_518, %dma_wait3A_519, %dma_wait3A_520] : memref<5x128x32xf32, #tpu.memory_space<vmem>> -> memref<1x128x32xf32, #tpu.memory_space<vmem>>
    %dma_wait3A_522 = tpu.memref_squeeze %dma_wait3A_521 : memref<1x128x32xf32, #tpu.memory_space<vmem>> -> memref<128x32xf32, #tpu.memory_space<vmem>>
    %dma_wait3A_523 = arith.constant 0 : i32
    %dma_wait3A_524 = arith.constant 0 : i32
    %dma_wait3A_525 = tpu.memref_slice %arg2[%dma_wait3A_523, %dma_wait3A_524] : memref<100000x32xf32, #tpu.memory_space<hbm>> -> memref<128x32xf32, #tpu.memory_space<hbm>>
    %dma_wait3A_526 = arith.constant 0 : i32
    %dma_wait3A_527 = arith.constant 0 : i32
    %dma_wait3A_528 = tpu.memref_slice %arg6[%dma_wait3A_518, %dma_wait3A_526, %dma_wait3A_527] : memref<5x128x32xf32, #tpu.memory_space<vmem>> -> memref<1x128x32xf32, #tpu.memory_space<vmem>>
    %dma_wait3A_529 = tpu.memref_squeeze %dma_wait3A_528 : memref<1x128x32xf32, #tpu.memory_space<vmem>> -> memref<128x32xf32, #tpu.memory_space<vmem>>
    %dma_wait3A_530 = arith.constant 0 : i32
    %dma_wait3A_531 = arith.constant 0 : i32
    %dma_wait3A_532 = tpu.memref_slice %arg2[%dma_wait3A_530, %dma_wait3A_531] : memref<100000x32xf32, #tpu.memory_space<hbm>> -> memref<128x32xf32, #tpu.memory_space<hbm>>
    tpu.wait_dma2 semaphore(%arg11 : memref<!tpu.dma_semaphore, #tpu.memory_space<semaphore_mem>>) src(%dma_wait3A_532 : memref<128x32xf32, #tpu.memory_space<hbm>>) dst(%dma_wait3A_529 : memref<128x32xf32, #tpu.memory_space<vmem>>)
    %dma_wait3A_533 = arith.constant 3 : i32
    %dma_wait3A_534 = arith.constant 0 : i32
    %dma_wait3A_535 = arith.constant 0 : i32
    %dma_wait3A_536 = tpu.memref_slice %arg6[%dma_wait3A_533, %dma_wait3A_534, %dma_wait3A_535] : memref<5x128x32xf32, #tpu.memory_space<vmem>> -> memref<1x128x32xf32, #tpu.memory_space<vmem>>
    %dma_wait3A_537 = tpu.memref_squeeze %dma_wait3A_536 : memref<1x128x32xf32, #tpu.memory_space<vmem>> -> memref<128x32xf32, #tpu.memory_space<vmem>>
    %dma_wait3A_538 = arith.constant 0 : i32
    %dma_wait3A_539 = arith.constant 0 : i32
    %dma_wait3A_540 = tpu.memref_slice %arg2[%dma_wait3A_538, %dma_wait3A_539] : memref<100000x32xf32, #tpu.memory_space<hbm>> -> memref<128x32xf32, #tpu.memory_space<hbm>>
    %dma_wait3A_541 = arith.constant 0 : i32
    %dma_wait3A_542 = arith.constant 0 : i32
    %dma_wait3A_543 = tpu.memref_slice %arg6[%dma_wait3A_533, %dma_wait3A_541, %dma_wait3A_542] : memref<5x128x32xf32, #tpu.memory_space<vmem>> -> memref<1x128x32xf32, #tpu.memory_space<vmem>>
    %dma_wait3A_544 = tpu.memref_squeeze %dma_wait3A_543 : memref<1x128x32xf32, #tpu.memory_space<vmem>> -> memref<128x32xf32, #tpu.memory_space<vmem>>
    %dma_wait3A_545 = arith.constant 0 : i32
    %dma_wait3A_546 = arith.constant 0 : i32
    %dma_wait3A_547 = tpu.memref_slice %arg2[%dma_wait3A_545, %dma_wait3A_546] : memref<100000x32xf32, #tpu.memory_space<hbm>> -> memref<128x32xf32, #tpu.memory_space<hbm>>
    tpu.wait_dma2 semaphore(%arg11 : memref<!tpu.dma_semaphore, #tpu.memory_space<semaphore_mem>>) src(%dma_wait3A_547 : memref<128x32xf32, #tpu.memory_space<hbm>>) dst(%dma_wait3A_544 : memref<128x32xf32, #tpu.memory_space<vmem>>)
    %dma_wait3A_548 = arith.constant 4 : i32
    %dma_wait3A_549 = arith.constant 0 : i32
    %dma_wait3A_550 = arith.constant 0 : i32
    %dma_wait3A_551 = tpu.memref_slice %arg6[%dma_wait3A_548, %dma_wait3A_549, %dma_wait3A_550] : memref<5x128x32xf32, #tpu.memory_space<vmem>> -> memref<1x128x32xf32, #tpu.memory_space<vmem>>
    %dma_wait3A_552 = tpu.memref_squeeze %dma_wait3A_551 : memref<1x128x32xf32, #tpu.memory_space<vmem>> -> memref<128x32xf32, #tpu.memory_space<vmem>>
    %dma_wait3A_553 = arith.constant 0 : i32
    %dma_wait3A_554 = arith.constant 0 : i32
    %dma_wait3A_555 = tpu.memref_slice %arg2[%dma_wait3A_553, %dma_wait3A_554] : memref<100000x32xf32, #tpu.memory_space<hbm>> -> memref<128x32xf32, #tpu.memory_space<hbm>>
    %dma_wait3A_556 = arith.constant 0 : i32
    %dma_wait3A_557 = arith.constant 0 : i32
    %dma_wait3A_558 = tpu.memref_slice %arg6[%dma_wait3A_548, %dma_wait3A_556, %dma_wait3A_557] : memref<5x128x32xf32, #tpu.memory_space<vmem>> -> memref<1x128x32xf32, #tpu.memory_space<vmem>>
    %dma_wait3A_559 = tpu.memref_squeeze %dma_wait3A_558 : memref<1x128x32xf32, #tpu.memory_space<vmem>> -> memref<128x32xf32, #tpu.memory_space<vmem>>
    %dma_wait3A_560 = arith.constant 0 : i32
    %dma_wait3A_561 = arith.constant 0 : i32
    %dma_wait3A_562 = tpu.memref_slice %arg2[%dma_wait3A_560, %dma_wait3A_561] : memref<100000x32xf32, #tpu.memory_space<hbm>> -> memref<128x32xf32, #tpu.memory_space<hbm>>
    tpu.wait_dma2 semaphore(%arg11 : memref<!tpu.dma_semaphore, #tpu.memory_space<semaphore_mem>>) src(%dma_wait3A_562 : memref<128x32xf32, #tpu.memory_space<hbm>>) dst(%dma_wait3A_559 : memref<128x32xf32, #tpu.memory_space<vmem>>)
    %dma_start3A_563 = arith.constant 195 : i32
    %dma_start3A_564 = arith.constant 0 : i32
    %dma_start3A_565 = arith.constant 0 : i32
    %dma_start3A_566 = arith.constant 0 : i32
    %dma_start3A_567 = tpu.memref_slice %arg7[%dma_start3A_564, %dma_start3A_565, %dma_start3A_566] : memref<5x128x32xf32, #tpu.memory_space<vmem>> -> memref<1x128x32xf32, #tpu.memory_space<vmem>>
    %dma_start3A_568 = tpu.memref_squeeze %dma_start3A_567 : memref<1x128x32xf32, #tpu.memory_space<vmem>> -> memref<128x32xf32, #tpu.memory_space<vmem>>
    %dma_start3A_569 = arith.constant 0 : i32
    %dma_start3A_570 = tpu.memref_slice %arg5[%dma_start3A_563, %dma_start3A_569] : memref<200x128xi32, #tpu.memory_space<vmem>> -> memref<1x128xi32, #tpu.memory_space<vmem>>
    %dma_start3A_571 = tpu.memref_squeeze %dma_start3A_570 : memref<1x128xi32, #tpu.memory_space<vmem>> -> memref<128xi32, #tpu.memory_space<vmem>>
    %dma_start3A_572 = arith.constant 0 : i32
    %dma_start3A_573 = arith.constant 0 : i32
    %dma_start3A_574 = tpu.memref_slice %arg2[%dma_start3A_572, %dma_start3A_573] : memref<100000x32xf32, #tpu.memory_space<hbm>> -> memref<100000x32xf32, #tpu.memory_space<hbm>>
    tpu.enqueue_indirect_dma source(%dma_start3A_574 : memref<100000x32xf32, #tpu.memory_space<hbm>>) target(%dma_start3A_568 : memref<128x32xf32, #tpu.memory_space<vmem>>) offsets(%dma_start3A_571 : memref<128xi32, #tpu.memory_space<vmem>>) semaphore(%arg12 : memref<!tpu.dma_semaphore, #tpu.memory_space<semaphore_mem>>)
    %dma_start3A_575 = arith.constant 196 : i32
    %dma_start3A_576 = arith.constant 1 : i32
    %dma_start3A_577 = arith.constant 0 : i32
    %dma_start3A_578 = arith.constant 0 : i32
    %dma_start3A_579 = tpu.memref_slice %arg7[%dma_start3A_576, %dma_start3A_577, %dma_start3A_578] : memref<5x128x32xf32, #tpu.memory_space<vmem>> -> memref<1x128x32xf32, #tpu.memory_space<vmem>>
    %dma_start3A_580 = tpu.memref_squeeze %dma_start3A_579 : memref<1x128x32xf32, #tpu.memory_space<vmem>> -> memref<128x32xf32, #tpu.memory_space<vmem>>
    %dma_start3A_581 = arith.constant 0 : i32
    %dma_start3A_582 = tpu.memref_slice %arg5[%dma_start3A_575, %dma_start3A_581] : memref<200x128xi32, #tpu.memory_space<vmem>> -> memref<1x128xi32, #tpu.memory_space<vmem>>
    %dma_start3A_583 = tpu.memref_squeeze %dma_start3A_582 : memref<1x128xi32, #tpu.memory_space<vmem>> -> memref<128xi32, #tpu.memory_space<vmem>>
    %dma_start3A_584 = arith.constant 0 : i32
    %dma_start3A_585 = arith.constant 0 : i32
    %dma_start3A_586 = tpu.memref_slice %arg2[%dma_start3A_584, %dma_start3A_585] : memref<100000x32xf32, #tpu.memory_space<hbm>> -> memref<100000x32xf32, #tpu.memory_space<hbm>>
    tpu.enqueue_indirect_dma source(%dma_start3A_586 : memref<100000x32xf32, #tpu.memory_space<hbm>>) target(%dma_start3A_580 : memref<128x32xf32, #tpu.memory_space<vmem>>) offsets(%dma_start3A_583 : memref<128xi32, #tpu.memory_space<vmem>>) semaphore(%arg12 : memref<!tpu.dma_semaphore, #tpu.memory_space<semaphore_mem>>)
    %dma_start3A_587 = arith.constant 197 : i32
    %dma_start3A_588 = arith.constant 2 : i32
    %dma_start3A_589 = arith.constant 0 : i32
    %dma_start3A_590 = arith.constant 0 : i32
    %dma_start3A_591 = tpu.memref_slice %arg7[%dma_start3A_588, %dma_start3A_589, %dma_start3A_590] : memref<5x128x32xf32, #tpu.memory_space<vmem>> -> memref<1x128x32xf32, #tpu.memory_space<vmem>>
    %dma_start3A_592 = tpu.memref_squeeze %dma_start3A_591 : memref<1x128x32xf32, #tpu.memory_space<vmem>> -> memref<128x32xf32, #tpu.memory_space<vmem>>
    %dma_start3A_593 = arith.constant 0 : i32
    %dma_start3A_594 = tpu.memref_slice %arg5[%dma_start3A_587, %dma_start3A_593] : memref<200x128xi32, #tpu.memory_space<vmem>> -> memref<1x128xi32, #tpu.memory_space<vmem>>
    %dma_start3A_595 = tpu.memref_squeeze %dma_start3A_594 : memref<1x128xi32, #tpu.memory_space<vmem>> -> memref<128xi32, #tpu.memory_space<vmem>>
    %dma_start3A_596 = arith.constant 0 : i32
    %dma_start3A_597 = arith.constant 0 : i32
    %dma_start3A_598 = tpu.memref_slice %arg2[%dma_start3A_596, %dma_start3A_597] : memref<100000x32xf32, #tpu.memory_space<hbm>> -> memref<100000x32xf32, #tpu.memory_space<hbm>>
    tpu.enqueue_indirect_dma source(%dma_start3A_598 : memref<100000x32xf32, #tpu.memory_space<hbm>>) target(%dma_start3A_592 : memref<128x32xf32, #tpu.memory_space<vmem>>) offsets(%dma_start3A_595 : memref<128xi32, #tpu.memory_space<vmem>>) semaphore(%arg12 : memref<!tpu.dma_semaphore, #tpu.memory_space<semaphore_mem>>)
    %dma_start3A_599 = arith.constant 198 : i32
    %dma_start3A_600 = arith.constant 3 : i32
    %dma_start3A_601 = arith.constant 0 : i32
    %dma_start3A_602 = arith.constant 0 : i32
    %dma_start3A_603 = tpu.memref_slice %arg7[%dma_start3A_600, %dma_start3A_601, %dma_start3A_602] : memref<5x128x32xf32, #tpu.memory_space<vmem>> -> memref<1x128x32xf32, #tpu.memory_space<vmem>>
    %dma_start3A_604 = tpu.memref_squeeze %dma_start3A_603 : memref<1x128x32xf32, #tpu.memory_space<vmem>> -> memref<128x32xf32, #tpu.memory_space<vmem>>
    %dma_start3A_605 = arith.constant 0 : i32
    %dma_start3A_606 = tpu.memref_slice %arg5[%dma_start3A_599, %dma_start3A_605] : memref<200x128xi32, #tpu.memory_space<vmem>> -> memref<1x128xi32, #tpu.memory_space<vmem>>
    %dma_start3A_607 = tpu.memref_squeeze %dma_start3A_606 : memref<1x128xi32, #tpu.memory_space<vmem>> -> memref<128xi32, #tpu.memory_space<vmem>>
    %dma_start3A_608 = arith.constant 0 : i32
    %dma_start3A_609 = arith.constant 0 : i32
    %dma_start3A_610 = tpu.memref_slice %arg2[%dma_start3A_608, %dma_start3A_609] : memref<100000x32xf32, #tpu.memory_space<hbm>> -> memref<100000x32xf32, #tpu.memory_space<hbm>>
    tpu.enqueue_indirect_dma source(%dma_start3A_610 : memref<100000x32xf32, #tpu.memory_space<hbm>>) target(%dma_start3A_604 : memref<128x32xf32, #tpu.memory_space<vmem>>) offsets(%dma_start3A_607 : memref<128xi32, #tpu.memory_space<vmem>>) semaphore(%arg12 : memref<!tpu.dma_semaphore, #tpu.memory_space<semaphore_mem>>)
    %dma_start3A_611 = arith.constant 199 : i32
    %dma_start3A_612 = arith.constant 4 : i32
    %dma_start3A_613 = arith.constant 0 : i32
    %dma_start3A_614 = arith.constant 0 : i32
    %dma_start3A_615 = tpu.memref_slice %arg7[%dma_start3A_612, %dma_start3A_613, %dma_start3A_614] : memref<5x128x32xf32, #tpu.memory_space<vmem>> -> memref<1x128x32xf32, #tpu.memory_space<vmem>>
    %dma_start3A_616 = tpu.memref_squeeze %dma_start3A_615 : memref<1x128x32xf32, #tpu.memory_space<vmem>> -> memref<128x32xf32, #tpu.memory_space<vmem>>
    %dma_start3A_617 = arith.constant 0 : i32
    %dma_start3A_618 = tpu.memref_slice %arg5[%dma_start3A_611, %dma_start3A_617] : memref<200x128xi32, #tpu.memory_space<vmem>> -> memref<1x128xi32, #tpu.memory_space<vmem>>
    %dma_start3A_619 = tpu.memref_squeeze %dma_start3A_618 : memref<1x128xi32, #tpu.memory_space<vmem>> -> memref<128xi32, #tpu.memory_space<vmem>>
    %dma_start3A_620 = arith.constant 0 : i32
    %dma_start3A_621 = arith.constant 0 : i32
    %dma_start3A_622 = tpu.memref_slice %arg2[%dma_start3A_620, %dma_start3A_621] : memref<100000x32xf32, #tpu.memory_space<hbm>> -> memref<100000x32xf32, #tpu.memory_space<hbm>>
    tpu.enqueue_indirect_dma source(%dma_start3A_622 : memref<100000x32xf32, #tpu.memory_space<hbm>>) target(%dma_start3A_616 : memref<128x32xf32, #tpu.memory_space<vmem>>) offsets(%dma_start3A_619 : memref<128xi32, #tpu.memory_space<vmem>>) semaphore(%arg12 : memref<!tpu.dma_semaphore, #tpu.memory_space<semaphore_mem>>)
    %dma_wait3A_623 = arith.constant 0 : i32
    %dma_wait3A_624 = arith.constant 0 : i32
    %dma_wait3A_625 = arith.constant 0 : i32
    %dma_wait3A_626 = arith.constant 0 : i32
    %dma_wait3A_627 = tpu.memref_slice %arg8[%dma_wait3A_623, %dma_wait3A_624, %dma_wait3A_625, %dma_wait3A_626] : memref<5x4x8x129xf32, #tpu.memory_space<vmem>> -> memref<5x4x8x128xf32, #tpu.memory_space<vmem>>
    %dma_wait3A_628 = arith.constant 0 : i32
    %dma_wait3A_629 = arith.constant 0 : i32
    %dma_wait3A_630 = arith.constant 0 : i32
    %dma_wait3A_631 = arith.constant 0 : i32
    %dma_wait3A_632 = tpu.memref_slice %arg4[%dma_wait3A_628, %dma_wait3A_629, %add3A, %dma_wait3A_630, %dma_wait3A_631] : memref<200x4x32x8x128xf32, #tpu.memory_space<hbm>> -> memref<5x4x1x8x128xf32, #tpu.memory_space<hbm>>
    %dma_wait3A_633 = tpu.memref_squeeze %dma_wait3A_632 : memref<5x4x1x8x128xf32, #tpu.memory_space<hbm>> -> memref<5x4x8x128xf32, #tpu.memory_space<hbm>>
    %dma_wait3A_634 = arith.constant 0 : i32
    %dma_wait3A_635 = arith.constant 0 : i32
    %dma_wait3A_636 = arith.constant 0 : i32
    %dma_wait3A_637 = arith.constant 0 : i32
    %dma_wait3A_638 = tpu.memref_slice %arg4[%dma_wait3A_634, %dma_wait3A_635, %add3A, %dma_wait3A_636, %dma_wait3A_637] : memref<200x4x32x8x128xf32, #tpu.memory_space<hbm>> -> memref<5x4x1x8x128xf32, #tpu.memory_space<hbm>>
    %dma_wait3A_639 = tpu.memref_squeeze %dma_wait3A_638 : memref<5x4x1x8x128xf32, #tpu.memory_space<hbm>> -> memref<5x4x8x128xf32, #tpu.memory_space<hbm>>
    %dma_wait3A_640 = arith.constant 0 : i32
    %dma_wait3A_641 = arith.constant 0 : i32
    %dma_wait3A_642 = arith.constant 0 : i32
    %dma_wait3A_643 = arith.constant 0 : i32
    %dma_wait3A_644 = tpu.memref_slice %arg8[%dma_wait3A_640, %dma_wait3A_641, %dma_wait3A_642, %dma_wait3A_643] : memref<5x4x8x129xf32, #tpu.memory_space<vmem>> -> memref<5x4x8x128xf32, #tpu.memory_space<vmem>>
    tpu.wait_dma2 semaphore(%arg13 : memref<!tpu.dma_semaphore, #tpu.memory_space<semaphore_mem>>) src(%dma_wait3A_644 : memref<5x4x8x128xf32, #tpu.memory_space<vmem>>) dst(%dma_wait3A_639 : memref<5x4x8x128xf32, #tpu.memory_space<hbm>>)
    %broadcast_in_dim3A_645 = arith.constant 0 : i32
    %broadcast_in_dim3A_646 = vector.broadcast %broadcast_in_dim3A_645 : i32 to vector<16xi32>
    %parallel_loop3A_647 = arith.constant 0 : i32
    %parallel_loop3A_648 = arith.constant 128 : i32
    %parallel_loop3A_649 = arith.constant 1 : i32
    scf.for %parallel_loop3A_880 = %parallel_loop3A_647 to %parallel_loop3A_648 step %parallel_loop3A_649  : i32 {
      %parallel_loop3A_881 = arith.constant 0 : i32
      %parallel_loop3A_882 = vector.broadcast %parallel_loop3A_881 : i32 to vector<16xi32>
      %parallel_loop3A_883 = vector.broadcast %parallel_loop3A_880 : i32 to vector<16xi32>
      %parallel_loop3A_884 = arith.addi %parallel_loop3A_882, %parallel_loop3A_883 : vector<16xi32>
      %parallel_loop3A_885 = arith.constant 0 : i32
      %parallel_loop3A_886 = arith.index_cast %parallel_loop3A_885 : i32 to index
      %parallel_loop3A_887 = arith.index_cast %parallel_loop3A_880 : i32 to index
      %parallel_loop3A_888 = arith.constant 0 : index
      %parallel_loop3A_889 = tpu.vector_load %arg6[%parallel_loop3A_886, %parallel_loop3A_887, %parallel_loop3A_888] {strides = array<i32>} : memref<5x128x32xf32, #tpu.memory_space<vmem>>, vector<16xf32>,
      %parallel_loop3A_890 = arith.constant 0 : i32
      %parallel_loop3A_891 = arith.index_cast %parallel_loop3A_890 : i32 to index
      %parallel_loop3A_892 = arith.index_cast %parallel_loop3A_880 : i32 to index
      %parallel_loop3A_893 = arith.constant 16 : index
      %parallel_loop3A_894 = tpu.vector_load %arg6[%parallel_loop3A_891, %parallel_loop3A_892, %parallel_loop3A_893] {strides = array<i32>} : memref<5x128x32xf32, #tpu.memory_space<vmem>>, vector<16xf32>,
      tpu.vector_store_idx %arg8[%broadcast_in_dim3A_646, %select_n3A_57, %select_n3A_29, %parallel_loop3A_884], %parallel_loop3A_889 : memref<5x4x8x129xf32, #tpu.memory_space<vmem>>[vector<16xi32>, vector<16xi32>, vector<16xi32>, vector<16xi32>], vector<16xf32>,
      tpu.vector_store_idx %arg8[%broadcast_in_dim3A_646, %add3A_60, %select_n3A_29, %parallel_loop3A_884], %parallel_loop3A_894 : memref<5x4x8x129xf32, #tpu.memory_space<vmem>>[vector<16xi32>, vector<16xi32>, vector<16xi32>, vector<16xi32>], vector<16xf32>,
    } {sc.loop_unroll_factor = 4 : i64, sc.parallel_access}
    %broadcast_in_dim3A_650 = arith.constant 1 : i32
    %broadcast_in_dim3A_651 = vector.broadcast %broadcast_in_dim3A_650 : i32 to vector<16xi32>
    %parallel_loop3A_652 = arith.constant 0 : i32
    %parallel_loop3A_653 = arith.constant 128 : i32
    %parallel_loop3A_654 = arith.constant 1 : i32
    scf.for %parallel_loop3A_880 = %parallel_loop3A_652 to %parallel_loop3A_653 step %parallel_loop3A_654  : i32 {
      %parallel_loop3A_881 = arith.constant 0 : i32
      %parallel_loop3A_882 = vector.broadcast %parallel_loop3A_881 : i32 to vector<16xi32>
      %parallel_loop3A_883 = vector.broadcast %parallel_loop3A_880 : i32 to vector<16xi32>
      %parallel_loop3A_884 = arith.addi %parallel_loop3A_882, %parallel_loop3A_883 : vector<16xi32>
      %parallel_loop3A_885 = arith.constant 1 : i32
      %parallel_loop3A_886 = arith.index_cast %parallel_loop3A_885 : i32 to index
      %parallel_loop3A_887 = arith.index_cast %parallel_loop3A_880 : i32 to index
      %parallel_loop3A_888 = arith.constant 0 : index
      %parallel_loop3A_889 = tpu.vector_load %arg6[%parallel_loop3A_886, %parallel_loop3A_887, %parallel_loop3A_888] {strides = array<i32>} : memref<5x128x32xf32, #tpu.memory_space<vmem>>, vector<16xf32>,
      %parallel_loop3A_890 = arith.constant 1 : i32
      %parallel_loop3A_891 = arith.index_cast %parallel_loop3A_890 : i32 to index
      %parallel_loop3A_892 = arith.index_cast %parallel_loop3A_880 : i32 to index
      %parallel_loop3A_893 = arith.constant 16 : index
      %parallel_loop3A_894 = tpu.vector_load %arg6[%parallel_loop3A_891, %parallel_loop3A_892, %parallel_loop3A_893] {strides = array<i32>} : memref<5x128x32xf32, #tpu.memory_space<vmem>>, vector<16xf32>,
      tpu.vector_store_idx %arg8[%broadcast_in_dim3A_651, %select_n3A_57, %select_n3A_29, %parallel_loop3A_884], %parallel_loop3A_889 : memref<5x4x8x129xf32, #tpu.memory_space<vmem>>[vector<16xi32>, vector<16xi32>, vector<16xi32>, vector<16xi32>], vector<16xf32>,
      tpu.vector_store_idx %arg8[%broadcast_in_dim3A_651, %add3A_60, %select_n3A_29, %parallel_loop3A_884], %parallel_loop3A_894 : memref<5x4x8x129xf32, #tpu.memory_space<vmem>>[vector<16xi32>, vector<16xi32>, vector<16xi32>, vector<16xi32>], vector<16xf32>,
    } {sc.loop_unroll_factor = 4 : i64, sc.parallel_access}
    %broadcast_in_dim3A_655 = arith.constant 2 : i32
    %broadcast_in_dim3A_656 = vector.broadcast %broadcast_in_dim3A_655 : i32 to vector<16xi32>
    %parallel_loop3A_657 = arith.constant 0 : i32
    %parallel_loop3A_658 = arith.constant 128 : i32
    %parallel_loop3A_659 = arith.constant 1 : i32
    scf.for %parallel_loop3A_880 = %parallel_loop3A_657 to %parallel_loop3A_658 step %parallel_loop3A_659  : i32 {
      %parallel_loop3A_881 = arith.constant 0 : i32
      %parallel_loop3A_882 = vector.broadcast %parallel_loop3A_881 : i32 to vector<16xi32>
      %parallel_loop3A_883 = vector.broadcast %parallel_loop3A_880 : i32 to vector<16xi32>
      %parallel_loop3A_884 = arith.addi %parallel_loop3A_882, %parallel_loop3A_883 : vector<16xi32>
      %parallel_loop3A_885 = arith.constant 2 : i32
      %parallel_loop3A_886 = arith.index_cast %parallel_loop3A_885 : i32 to index
      %parallel_loop3A_887 = arith.index_cast %parallel_loop3A_880 : i32 to index
      %parallel_loop3A_888 = arith.constant 0 : index
      %parallel_loop3A_889 = tpu.vector_load %arg6[%parallel_loop3A_886, %parallel_loop3A_887, %parallel_loop3A_888] {strides = array<i32>} : memref<5x128x32xf32, #tpu.memory_space<vmem>>, vector<16xf32>,
      %parallel_loop3A_890 = arith.constant 2 : i32
      %parallel_loop3A_891 = arith.index_cast %parallel_loop3A_890 : i32 to index
      %parallel_loop3A_892 = arith.index_cast %parallel_loop3A_880 : i32 to index
      %parallel_loop3A_893 = arith.constant 16 : index
      %parallel_loop3A_894 = tpu.vector_load %arg6[%parallel_loop3A_891, %parallel_loop3A_892, %parallel_loop3A_893] {strides = array<i32>} : memref<5x128x32xf32, #tpu.memory_space<vmem>>, vector<16xf32>,
      tpu.vector_store_idx %arg8[%broadcast_in_dim3A_656, %select_n3A_57, %select_n3A_29, %parallel_loop3A_884], %parallel_loop3A_889 : memref<5x4x8x129xf32, #tpu.memory_space<vmem>>[vector<16xi32>, vector<16xi32>, vector<16xi32>, vector<16xi32>], vector<16xf32>,
      tpu.vector_store_idx %arg8[%broadcast_in_dim3A_656, %add3A_60, %select_n3A_29, %parallel_loop3A_884], %parallel_loop3A_894 : memref<5x4x8x129xf32, #tpu.memory_space<vmem>>[vector<16xi32>, vector<16xi32>, vector<16xi32>, vector<16xi32>], vector<16xf32>,
    } {sc.loop_unroll_factor = 4 : i64, sc.parallel_access}
    %broadcast_in_dim3A_660 = arith.constant 3 : i32
    %broadcast_in_dim3A_661 = vector.broadcast %broadcast_in_dim3A_660 : i32 to vector<16xi32>
    %parallel_loop3A_662 = arith.constant 0 : i32
    %parallel_loop3A_663 = arith.constant 128 : i32
    %parallel_loop3A_664 = arith.constant 1 : i32
    scf.for %parallel_loop3A_880 = %parallel_loop3A_662 to %parallel_loop3A_663 step %parallel_loop3A_664  : i32 {
      %parallel_loop3A_881 = arith.constant 0 : i32
      %parallel_loop3A_882 = vector.broadcast %parallel_loop3A_881 : i32 to vector<16xi32>
      %parallel_loop3A_883 = vector.broadcast %parallel_loop3A_880 : i32 to vector<16xi32>
      %parallel_loop3A_884 = arith.addi %parallel_loop3A_882, %parallel_loop3A_883 : vector<16xi32>
      %parallel_loop3A_885 = arith.constant 3 : i32
      %parallel_loop3A_886 = arith.index_cast %parallel_loop3A_885 : i32 to index
      %parallel_loop3A_887 = arith.index_cast %parallel_loop3A_880 : i32 to index
      %parallel_loop3A_888 = arith.constant 0 : index
      %parallel_loop3A_889 = tpu.vector_load %arg6[%parallel_loop3A_886, %parallel_loop3A_887, %parallel_loop3A_888] {strides = array<i32>} : memref<5x128x32xf32, #tpu.memory_space<vmem>>, vector<16xf32>,
      %parallel_loop3A_890 = arith.constant 3 : i32
      %parallel_loop3A_891 = arith.index_cast %parallel_loop3A_890 : i32 to index
      %parallel_loop3A_892 = arith.index_cast %parallel_loop3A_880 : i32 to index
      %parallel_loop3A_893 = arith.constant 16 : index
      %parallel_loop3A_894 = tpu.vector_load %arg6[%parallel_loop3A_891, %parallel_loop3A_892, %parallel_loop3A_893] {strides = array<i32>} : memref<5x128x32xf32, #tpu.memory_space<vmem>>, vector<16xf32>,
      tpu.vector_store_idx %arg8[%broadcast_in_dim3A_661, %select_n3A_57, %select_n3A_29, %parallel_loop3A_884], %parallel_loop3A_889 : memref<5x4x8x129xf32, #tpu.memory_space<vmem>>[vector<16xi32>, vector<16xi32>, vector<16xi32>, vector<16xi32>], vector<16xf32>,
      tpu.vector_store_idx %arg8[%broadcast_in_dim3A_661, %add3A_60, %select_n3A_29, %parallel_loop3A_884], %parallel_loop3A_894 : memref<5x4x8x129xf32, #tpu.memory_space<vmem>>[vector<16xi32>, vector<16xi32>, vector<16xi32>, vector<16xi32>], vector<16xf32>,
    } {sc.loop_unroll_factor = 4 : i64, sc.parallel_access}
    %broadcast_in_dim3A_665 = arith.constant 4 : i32
    %broadcast_in_dim3A_666 = vector.broadcast %broadcast_in_dim3A_665 : i32 to vector<16xi32>
    %parallel_loop3A_667 = arith.constant 0 : i32
    %parallel_loop3A_668 = arith.constant 128 : i32
    %parallel_loop3A_669 = arith.constant 1 : i32
    scf.for %parallel_loop3A_880 = %parallel_loop3A_667 to %parallel_loop3A_668 step %parallel_loop3A_669  : i32 {
      %parallel_loop3A_881 = arith.constant 0 : i32
      %parallel_loop3A_882 = vector.broadcast %parallel_loop3A_881 : i32 to vector<16xi32>
      %parallel_loop3A_883 = vector.broadcast %parallel_loop3A_880 : i32 to vector<16xi32>
      %parallel_loop3A_884 = arith.addi %parallel_loop3A_882, %parallel_loop3A_883 : vector<16xi32>
      %parallel_loop3A_885 = arith.constant 4 : i32
      %parallel_loop3A_886 = arith.index_cast %parallel_loop3A_885 : i32 to index
      %parallel_loop3A_887 = arith.index_cast %parallel_loop3A_880 : i32 to index
      %parallel_loop3A_888 = arith.constant 0 : index
      %parallel_loop3A_889 = tpu.vector_load %arg6[%parallel_loop3A_886, %parallel_loop3A_887, %parallel_loop3A_888] {strides = array<i32>} : memref<5x128x32xf32, #tpu.memory_space<vmem>>, vector<16xf32>,
      %parallel_loop3A_890 = arith.constant 4 : i32
      %parallel_loop3A_891 = arith.index_cast %parallel_loop3A_890 : i32 to index
      %parallel_loop3A_892 = arith.index_cast %parallel_loop3A_880 : i32 to index
      %parallel_loop3A_893 = arith.constant 16 : index
      %parallel_loop3A_894 = tpu.vector_load %arg6[%parallel_loop3A_891, %parallel_loop3A_892, %parallel_loop3A_893] {strides = array<i32>} : memref<5x128x32xf32, #tpu.memory_space<vmem>>, vector<16xf32>,
      tpu.vector_store_idx %arg8[%broadcast_in_dim3A_666, %select_n3A_57, %select_n3A_29, %parallel_loop3A_884], %parallel_loop3A_889 : memref<5x4x8x129xf32, #tpu.memory_space<vmem>>[vector<16xi32>, vector<16xi32>, vector<16xi32>, vector<16xi32>], vector<16xf32>,
      tpu.vector_store_idx %arg8[%broadcast_in_dim3A_666, %add3A_60, %select_n3A_29, %parallel_loop3A_884], %parallel_loop3A_894 : memref<5x4x8x129xf32, #tpu.memory_space<vmem>>[vector<16xi32>, vector<16xi32>, vector<16xi32>, vector<16xi32>], vector<16xf32>,
    } {sc.loop_unroll_factor = 4 : i64, sc.parallel_access}
    %dma_start3A_670 = arith.constant 0 : i32
    %dma_start3A_671 = arith.constant 0 : i32
    %dma_start3A_672 = arith.constant 0 : i32
    %dma_start3A_673 = arith.constant 0 : i32
    %dma_start3A_674 = tpu.memref_slice %arg8[%dma_start3A_670, %dma_start3A_671, %dma_start3A_672, %dma_start3A_673] : memref<5x4x8x129xf32, #tpu.memory_space<vmem>> -> memref<5x4x8x128xf32, #tpu.memory_space<vmem>>
    %dma_start3A_675 = arith.constant 190 : i32
    %dma_start3A_676 = arith.constant 0 : i32
    %dma_start3A_677 = arith.constant 0 : i32
    %dma_start3A_678 = arith.constant 0 : i32
    %dma_start3A_679 = tpu.memref_slice %arg4[%dma_start3A_675, %dma_start3A_676, %add3A, %dma_start3A_677, %dma_start3A_678] : memref<200x4x32x8x128xf32, #tpu.memory_space<hbm>> -> memref<5x4x1x8x128xf32, #tpu.memory_space<hbm>>
    %dma_start3A_680 = tpu.memref_squeeze %dma_start3A_679 : memref<5x4x1x8x128xf32, #tpu.memory_space<hbm>> -> memref<5x4x8x128xf32, #tpu.memory_space<hbm>>
    %dma_start3A_681 = arith.constant 190 : i32
    %dma_start3A_682 = arith.constant 0 : i32
    %dma_start3A_683 = arith.constant 0 : i32
    %dma_start3A_684 = arith.constant 0 : i32
    %dma_start3A_685 = tpu.memref_slice %arg4[%dma_start3A_681, %dma_start3A_682, %add3A, %dma_start3A_683, %dma_start3A_684] : memref<200x4x32x8x128xf32, #tpu.memory_space<hbm>> -> memref<5x4x1x8x128xf32, #tpu.memory_space<hbm>>
    %dma_start3A_686 = tpu.memref_squeeze %dma_start3A_685 : memref<5x4x1x8x128xf32, #tpu.memory_space<hbm>> -> memref<5x4x8x128xf32, #tpu.memory_space<hbm>>
    %dma_start3A_687 = arith.constant 0 : i32
    %dma_start3A_688 = arith.constant 0 : i32
    %dma_start3A_689 = arith.constant 0 : i32
    %dma_start3A_690 = arith.constant 0 : i32
    %dma_start3A_691 = tpu.memref_slice %arg8[%dma_start3A_687, %dma_start3A_688, %dma_start3A_689, %dma_start3A_690] : memref<5x4x8x129xf32, #tpu.memory_space<vmem>> -> memref<5x4x8x128xf32, #tpu.memory_space<vmem>>
    tpu.enqueue_dma source(%dma_start3A_691 : memref<5x4x8x128xf32, #tpu.memory_space<vmem>>) target(%dma_start3A_686 : memref<5x4x8x128xf32, #tpu.memory_space<hbm>>) target_semaphore(%arg13 : memref<!tpu.dma_semaphore, #tpu.memory_space<semaphore_mem>>)
    %dma_wait3A_692 = arith.constant 0 : i32
    %dma_wait3A_693 = arith.constant 0 : i32
    %dma_wait3A_694 = arith.constant 0 : i32
    %dma_wait3A_695 = tpu.memref_slice %arg7[%dma_wait3A_692, %dma_wait3A_693, %dma_wait3A_694] : memref<5x128x32xf32, #tpu.memory_space<vmem>> -> memref<1x128x32xf32, #tpu.memory_space<vmem>>
    %dma_wait3A_696 = tpu.memref_squeeze %dma_wait3A_695 : memref<1x128x32xf32, #tpu.memory_space<vmem>> -> memref<128x32xf32, #tpu.memory_space<vmem>>
    %dma_wait3A_697 = arith.constant 0 : i32
    %dma_wait3A_698 = arith.constant 0 : i32
    %dma_wait3A_699 = tpu.memref_slice %arg2[%dma_wait3A_697, %dma_wait3A_698] : memref<100000x32xf32, #tpu.memory_space<hbm>> -> memref<128x32xf32, #tpu.memory_space<hbm>>
    %dma_wait3A_700 = arith.constant 0 : i32
    %dma_wait3A_701 = arith.constant 0 : i32
    %dma_wait3A_702 = tpu.memref_slice %arg7[%dma_wait3A_692, %dma_wait3A_700, %dma_wait3A_701] : memref<5x128x32xf32, #tpu.memory_space<vmem>> -> memref<1x128x32xf32, #tpu.memory_space<vmem>>
    %dma_wait3A_703 = tpu.memref_squeeze %dma_wait3A_702 : memref<1x128x32xf32, #tpu.memory_space<vmem>> -> memref<128x32xf32, #tpu.memory_space<vmem>>
    %dma_wait3A_704 = arith.constant 0 : i32
    %dma_wait3A_705 = arith.constant 0 : i32
    %dma_wait3A_706 = tpu.memref_slice %arg2[%dma_wait3A_704, %dma_wait3A_705] : memref<100000x32xf32, #tpu.memory_space<hbm>> -> memref<128x32xf32, #tpu.memory_space<hbm>>
    tpu.wait_dma2 semaphore(%arg12 : memref<!tpu.dma_semaphore, #tpu.memory_space<semaphore_mem>>) src(%dma_wait3A_706 : memref<128x32xf32, #tpu.memory_space<hbm>>) dst(%dma_wait3A_703 : memref<128x32xf32, #tpu.memory_space<vmem>>)
    %dma_wait3A_707 = arith.constant 1 : i32
    %dma_wait3A_708 = arith.constant 0 : i32
    %dma_wait3A_709 = arith.constant 0 : i32
    %dma_wait3A_710 = tpu.memref_slice %arg7[%dma_wait3A_707, %dma_wait3A_708, %dma_wait3A_709] : memref<5x128x32xf32, #tpu.memory_space<vmem>> -> memref<1x128x32xf32, #tpu.memory_space<vmem>>
    %dma_wait3A_711 = tpu.memref_squeeze %dma_wait3A_710 : memref<1x128x32xf32, #tpu.memory_space<vmem>> -> memref<128x32xf32, #tpu.memory_space<vmem>>
    %dma_wait3A_712 = arith.constant 0 : i32
    %dma_wait3A_713 = arith.constant 0 : i32
    %dma_wait3A_714 = tpu.memref_slice %arg2[%dma_wait3A_712, %dma_wait3A_713] : memref<100000x32xf32, #tpu.memory_space<hbm>> -> memref<128x32xf32, #tpu.memory_space<hbm>>
    %dma_wait3A_715 = arith.constant 0 : i32
    %dma_wait3A_716 = arith.constant 0 : i32
    %dma_wait3A_717 = tpu.memref_slice %arg7[%dma_wait3A_707, %dma_wait3A_715, %dma_wait3A_716] : memref<5x128x32xf32, #tpu.memory_space<vmem>> -> memref<1x128x32xf32, #tpu.memory_space<vmem>>
    %dma_wait3A_718 = tpu.memref_squeeze %dma_wait3A_717 : memref<1x128x32xf32, #tpu.memory_space<vmem>> -> memref<128x32xf32, #tpu.memory_space<vmem>>
    %dma_wait3A_719 = arith.constant 0 : i32
    %dma_wait3A_720 = arith.constant 0 : i32
    %dma_wait3A_721 = tpu.memref_slice %arg2[%dma_wait3A_719, %dma_wait3A_720] : memref<100000x32xf32, #tpu.memory_space<hbm>> -> memref<128x32xf32, #tpu.memory_space<hbm>>
    tpu.wait_dma2 semaphore(%arg12 : memref<!tpu.dma_semaphore, #tpu.memory_space<semaphore_mem>>) src(%dma_wait3A_721 : memref<128x32xf32, #tpu.memory_space<hbm>>) dst(%dma_wait3A_718 : memref<128x32xf32, #tpu.memory_space<vmem>>)
    %dma_wait3A_722 = arith.constant 2 : i32
    %dma_wait3A_723 = arith.constant 0 : i32
    %dma_wait3A_724 = arith.constant 0 : i32
    %dma_wait3A_725 = tpu.memref_slice %arg7[%dma_wait3A_722, %dma_wait3A_723, %dma_wait3A_724] : memref<5x128x32xf32, #tpu.memory_space<vmem>> -> memref<1x128x32xf32, #tpu.memory_space<vmem>>
    %dma_wait3A_726 = tpu.memref_squeeze %dma_wait3A_725 : memref<1x128x32xf32, #tpu.memory_space<vmem>> -> memref<128x32xf32, #tpu.memory_space<vmem>>
    %dma_wait3A_727 = arith.constant 0 : i32
    %dma_wait3A_728 = arith.constant 0 : i32
    %dma_wait3A_729 = tpu.memref_slice %arg2[%dma_wait3A_727, %dma_wait3A_728] : memref<100000x32xf32, #tpu.memory_space<hbm>> -> memref<128x32xf32, #tpu.memory_space<hbm>>
    %dma_wait3A_730 = arith.constant 0 : i32
    %dma_wait3A_731 = arith.constant 0 : i32
    %dma_wait3A_732 = tpu.memref_slice %arg7[%dma_wait3A_722, %dma_wait3A_730, %dma_wait3A_731] : memref<5x128x32xf32, #tpu.memory_space<vmem>> -> memref<1x128x32xf32, #tpu.memory_space<vmem>>
    %dma_wait3A_733 = tpu.memref_squeeze %dma_wait3A_732 : memref<1x128x32xf32, #tpu.memory_space<vmem>> -> memref<128x32xf32, #tpu.memory_space<vmem>>
    %dma_wait3A_734 = arith.constant 0 : i32
    %dma_wait3A_735 = arith.constant 0 : i32
    %dma_wait3A_736 = tpu.memref_slice %arg2[%dma_wait3A_734, %dma_wait3A_735] : memref<100000x32xf32, #tpu.memory_space<hbm>> -> memref<128x32xf32, #tpu.memory_space<hbm>>
    tpu.wait_dma2 semaphore(%arg12 : memref<!tpu.dma_semaphore, #tpu.memory_space<semaphore_mem>>) src(%dma_wait3A_736 : memref<128x32xf32, #tpu.memory_space<hbm>>) dst(%dma_wait3A_733 : memref<128x32xf32, #tpu.memory_space<vmem>>)
    %dma_wait3A_737 = arith.constant 3 : i32
    %dma_wait3A_738 = arith.constant 0 : i32
    %dma_wait3A_739 = arith.constant 0 : i32
    %dma_wait3A_740 = tpu.memref_slice %arg7[%dma_wait3A_737, %dma_wait3A_738, %dma_wait3A_739] : memref<5x128x32xf32, #tpu.memory_space<vmem>> -> memref<1x128x32xf32, #tpu.memory_space<vmem>>
    %dma_wait3A_741 = tpu.memref_squeeze %dma_wait3A_740 : memref<1x128x32xf32, #tpu.memory_space<vmem>> -> memref<128x32xf32, #tpu.memory_space<vmem>>
    %dma_wait3A_742 = arith.constant 0 : i32
    %dma_wait3A_743 = arith.constant 0 : i32
    %dma_wait3A_744 = tpu.memref_slice %arg2[%dma_wait3A_742, %dma_wait3A_743] : memref<100000x32xf32, #tpu.memory_space<hbm>> -> memref<128x32xf32, #tpu.memory_space<hbm>>
    %dma_wait3A_745 = arith.constant 0 : i32
    %dma_wait3A_746 = arith.constant 0 : i32
    %dma_wait3A_747 = tpu.memref_slice %arg7[%dma_wait3A_737, %dma_wait3A_745, %dma_wait3A_746] : memref<5x128x32xf32, #tpu.memory_space<vmem>> -> memref<1x128x32xf32, #tpu.memory_space<vmem>>
    %dma_wait3A_748 = tpu.memref_squeeze %dma_wait3A_747 : memref<1x128x32xf32, #tpu.memory_space<vmem>> -> memref<128x32xf32, #tpu.memory_space<vmem>>
    %dma_wait3A_749 = arith.constant 0 : i32
    %dma_wait3A_750 = arith.constant 0 : i32
    %dma_wait3A_751 = tpu.memref_slice %arg2[%dma_wait3A_749, %dma_wait3A_750] : memref<100000x32xf32, #tpu.memory_space<hbm>> -> memref<128x32xf32, #tpu.memory_space<hbm>>
    tpu.wait_dma2 semaphore(%arg12 : memref<!tpu.dma_semaphore, #tpu.memory_space<semaphore_mem>>) src(%dma_wait3A_751 : memref<128x32xf32, #tpu.memory_space<hbm>>) dst(%dma_wait3A_748 : memref<128x32xf32, #tpu.memory_space<vmem>>)
    %dma_wait3A_752 = arith.constant 4 : i32
    %dma_wait3A_753 = arith.constant 0 : i32
    %dma_wait3A_754 = arith.constant 0 : i32
    %dma_wait3A_755 = tpu.memref_slice %arg7[%dma_wait3A_752, %dma_wait3A_753, %dma_wait3A_754] : memref<5x128x32xf32, #tpu.memory_space<vmem>> -> memref<1x128x32xf32, #tpu.memory_space<vmem>>
    %dma_wait3A_756 = tpu.memref_squeeze %dma_wait3A_755 : memref<1x128x32xf32, #tpu.memory_space<vmem>> -> memref<128x32xf32, #tpu.memory_space<vmem>>
    %dma_wait3A_757 = arith.constant 0 : i32
    %dma_wait3A_758 = arith.constant 0 : i32
    %dma_wait3A_759 = tpu.memref_slice %arg2[%dma_wait3A_757, %dma_wait3A_758] : memref<100000x32xf32, #tpu.memory_space<hbm>> -> memref<128x32xf32, #tpu.memory_space<hbm>>
    %dma_wait3A_760 = arith.constant 0 : i32
    %dma_wait3A_761 = arith.constant 0 : i32
    %dma_wait3A_762 = tpu.memref_slice %arg7[%dma_wait3A_752, %dma_wait3A_760, %dma_wait3A_761] : memref<5x128x32xf32, #tpu.memory_space<vmem>> -> memref<1x128x32xf32, #tpu.memory_space<vmem>>
    %dma_wait3A_763 = tpu.memref_squeeze %dma_wait3A_762 : memref<1x128x32xf32, #tpu.memory_space<vmem>> -> memref<128x32xf32, #tpu.memory_space<vmem>>
    %dma_wait3A_764 = arith.constant 0 : i32
    %dma_wait3A_765 = arith.constant 0 : i32
    %dma_wait3A_766 = tpu.memref_slice %arg2[%dma_wait3A_764, %dma_wait3A_765] : memref<100000x32xf32, #tpu.memory_space<hbm>> -> memref<128x32xf32, #tpu.memory_space<hbm>>
    tpu.wait_dma2 semaphore(%arg12 : memref<!tpu.dma_semaphore, #tpu.memory_space<semaphore_mem>>) src(%dma_wait3A_766 : memref<128x32xf32, #tpu.memory_space<hbm>>) dst(%dma_wait3A_763 : memref<128x32xf32, #tpu.memory_space<vmem>>)
    %dma_wait3A_767 = arith.constant 0 : i32
    %dma_wait3A_768 = arith.constant 0 : i32
    %dma_wait3A_769 = arith.constant 0 : i32
    %dma_wait3A_770 = arith.constant 0 : i32
    %dma_wait3A_771 = tpu.memref_slice %arg9[%dma_wait3A_767, %dma_wait3A_768, %dma_wait3A_769, %dma_wait3A_770] : memref<5x4x8x129xf32, #tpu.memory_space<vmem>> -> memref<5x4x8x128xf32, #tpu.memory_space<vmem>>
    %dma_wait3A_772 = arith.constant 0 : i32
    %dma_wait3A_773 = arith.constant 0 : i32
    %dma_wait3A_774 = arith.constant 0 : i32
    %dma_wait3A_775 = arith.constant 0 : i32
    %dma_wait3A_776 = tpu.memref_slice %arg4[%dma_wait3A_772, %dma_wait3A_773, %add3A, %dma_wait3A_774, %dma_wait3A_775] : memref<200x4x32x8x128xf32, #tpu.memory_space<hbm>> -> memref<5x4x1x8x128xf32, #tpu.memory_space<hbm>>
    %dma_wait3A_777 = tpu.memref_squeeze %dma_wait3A_776 : memref<5x4x1x8x128xf32, #tpu.memory_space<hbm>> -> memref<5x4x8x128xf32, #tpu.memory_space<hbm>>
    %dma_wait3A_778 = arith.constant 0 : i32
    %dma_wait3A_779 = arith.constant 0 : i32
    %dma_wait3A_780 = arith.constant 0 : i32
    %dma_wait3A_781 = arith.constant 0 : i32
    %dma_wait3A_782 = tpu.memref_slice %arg4[%dma_wait3A_778, %dma_wait3A_779, %add3A, %dma_wait3A_780, %dma_wait3A_781] : memref<200x4x32x8x128xf32, #tpu.memory_space<hbm>> -> memref<5x4x1x8x128xf32, #tpu.memory_space<hbm>>
    %dma_wait3A_783 = tpu.memref_squeeze %dma_wait3A_782 : memref<5x4x1x8x128xf32, #tpu.memory_space<hbm>> -> memref<5x4x8x128xf32, #tpu.memory_space<hbm>>
    %dma_wait3A_784 = arith.constant 0 : i32
    %dma_wait3A_785 = arith.constant 0 : i32
    %dma_wait3A_786 = arith.constant 0 : i32
    %dma_wait3A_787 = arith.constant 0 : i32
    %dma_wait3A_788 = tpu.memref_slice %arg9[%dma_wait3A_784, %dma_wait3A_785, %dma_wait3A_786, %dma_wait3A_787] : memref<5x4x8x129xf32, #tpu.memory_space<vmem>> -> memref<5x4x8x128xf32, #tpu.memory_space<vmem>>
    tpu.wait_dma2 semaphore(%arg14 : memref<!tpu.dma_semaphore, #tpu.memory_space<semaphore_mem>>) src(%dma_wait3A_788 : memref<5x4x8x128xf32, #tpu.memory_space<vmem>>) dst(%dma_wait3A_783 : memref<5x4x8x128xf32, #tpu.memory_space<hbm>>)
    %broadcast_in_dim3A_789 = arith.constant 0 : i32
    %broadcast_in_dim3A_790 = vector.broadcast %broadcast_in_dim3A_789 : i32 to vector<16xi32>
    %parallel_loop3A_791 = arith.constant 0 : i32
    %parallel_loop3A_792 = arith.constant 128 : i32
    %parallel_loop3A_793 = arith.constant 1 : i32
    scf.for %parallel_loop3A_880 = %parallel_loop3A_791 to %parallel_loop3A_792 step %parallel_loop3A_793  : i32 {
      %parallel_loop3A_881 = arith.constant 0 : i32
      %parallel_loop3A_882 = vector.broadcast %parallel_loop3A_881 : i32 to vector<16xi32>
      %parallel_loop3A_883 = vector.broadcast %parallel_loop3A_880 : i32 to vector<16xi32>
      %parallel_loop3A_884 = arith.addi %parallel_loop3A_882, %parallel_loop3A_883 : vector<16xi32>
      %parallel_loop3A_885 = arith.constant 0 : i32
      %parallel_loop3A_886 = arith.index_cast %parallel_loop3A_885 : i32 to index
      %parallel_loop3A_887 = arith.index_cast %parallel_loop3A_880 : i32 to index
      %parallel_loop3A_888 = arith.constant 0 : index
      %parallel_loop3A_889 = tpu.vector_load %arg7[%parallel_loop3A_886, %parallel_loop3A_887, %parallel_loop3A_888] {strides = array<i32>} : memref<5x128x32xf32, #tpu.memory_space<vmem>>, vector<16xf32>,
      %parallel_loop3A_890 = arith.constant 0 : i32
      %parallel_loop3A_891 = arith.index_cast %parallel_loop3A_890 : i32 to index
      %parallel_loop3A_892 = arith.index_cast %parallel_loop3A_880 : i32 to index
      %parallel_loop3A_893 = arith.constant 16 : index
      %parallel_loop3A_894 = tpu.vector_load %arg7[%parallel_loop3A_891, %parallel_loop3A_892, %parallel_loop3A_893] {strides = array<i32>} : memref<5x128x32xf32, #tpu.memory_space<vmem>>, vector<16xf32>,
      tpu.vector_store_idx %arg9[%broadcast_in_dim3A_790, %select_n3A_57, %select_n3A_29, %parallel_loop3A_884], %parallel_loop3A_889 : memref<5x4x8x129xf32, #tpu.memory_space<vmem>>[vector<16xi32>, vector<16xi32>, vector<16xi32>, vector<16xi32>], vector<16xf32>,
      tpu.vector_store_idx %arg9[%broadcast_in_dim3A_790, %add3A_60, %select_n3A_29, %parallel_loop3A_884], %parallel_loop3A_894 : memref<5x4x8x129xf32, #tpu.memory_space<vmem>>[vector<16xi32>, vector<16xi32>, vector<16xi32>, vector<16xi32>], vector<16xf32>,
    } {sc.loop_unroll_factor = 4 : i64, sc.parallel_access}
    %broadcast_in_dim3A_794 = arith.constant 1 : i32
    %broadcast_in_dim3A_795 = vector.broadcast %broadcast_in_dim3A_794 : i32 to vector<16xi32>
    %parallel_loop3A_796 = arith.constant 0 : i32
    %parallel_loop3A_797 = arith.constant 128 : i32
    %parallel_loop3A_798 = arith.constant 1 : i32
    scf.for %parallel_loop3A_880 = %parallel_loop3A_796 to %parallel_loop3A_797 step %parallel_loop3A_798  : i32 {
      %parallel_loop3A_881 = arith.constant 0 : i32
      %parallel_loop3A_882 = vector.broadcast %parallel_loop3A_881 : i32 to vector<16xi32>
      %parallel_loop3A_883 = vector.broadcast %parallel_loop3A_880 : i32 to vector<16xi32>
      %parallel_loop3A_884 = arith.addi %parallel_loop3A_882, %parallel_loop3A_883 : vector<16xi32>
      %parallel_loop3A_885 = arith.constant 1 : i32
      %parallel_loop3A_886 = arith.index_cast %parallel_loop3A_885 : i32 to index
      %parallel_loop3A_887 = arith.index_cast %parallel_loop3A_880 : i32 to index
      %parallel_loop3A_888 = arith.constant 0 : index
      %parallel_loop3A_889 = tpu.vector_load %arg7[%parallel_loop3A_886, %parallel_loop3A_887, %parallel_loop3A_888] {strides = array<i32>} : memref<5x128x32xf32, #tpu.memory_space<vmem>>, vector<16xf32>,
      %parallel_loop3A_890 = arith.constant 1 : i32
      %parallel_loop3A_891 = arith.index_cast %parallel_loop3A_890 : i32 to index
      %parallel_loop3A_892 = arith.index_cast %parallel_loop3A_880 : i32 to index
      %parallel_loop3A_893 = arith.constant 16 : index
      %parallel_loop3A_894 = tpu.vector_load %arg7[%parallel_loop3A_891, %parallel_loop3A_892, %parallel_loop3A_893] {strides = array<i32>} : memref<5x128x32xf32, #tpu.memory_space<vmem>>, vector<16xf32>,
      tpu.vector_store_idx %arg9[%broadcast_in_dim3A_795, %select_n3A_57, %select_n3A_29, %parallel_loop3A_884], %parallel_loop3A_889 : memref<5x4x8x129xf32, #tpu.memory_space<vmem>>[vector<16xi32>, vector<16xi32>, vector<16xi32>, vector<16xi32>], vector<16xf32>,
      tpu.vector_store_idx %arg9[%broadcast_in_dim3A_795, %add3A_60, %select_n3A_29, %parallel_loop3A_884], %parallel_loop3A_894 : memref<5x4x8x129xf32, #tpu.memory_space<vmem>>[vector<16xi32>, vector<16xi32>, vector<16xi32>, vector<16xi32>], vector<16xf32>,
    } {sc.loop_unroll_factor = 4 : i64, sc.parallel_access}
    %broadcast_in_dim3A_799 = arith.constant 2 : i32
    %broadcast_in_dim3A_800 = vector.broadcast %broadcast_in_dim3A_799 : i32 to vector<16xi32>
    %parallel_loop3A_801 = arith.constant 0 : i32
    %parallel_loop3A_802 = arith.constant 128 : i32
    %parallel_loop3A_803 = arith.constant 1 : i32
    scf.for %parallel_loop3A_880 = %parallel_loop3A_801 to %parallel_loop3A_802 step %parallel_loop3A_803  : i32 {
      %parallel_loop3A_881 = arith.constant 0 : i32
      %parallel_loop3A_882 = vector.broadcast %parallel_loop3A_881 : i32 to vector<16xi32>
      %parallel_loop3A_883 = vector.broadcast %parallel_loop3A_880 : i32 to vector<16xi32>
      %parallel_loop3A_884 = arith.addi %parallel_loop3A_882, %parallel_loop3A_883 : vector<16xi32>
      %parallel_loop3A_885 = arith.constant 2 : i32
      %parallel_loop3A_886 = arith.index_cast %parallel_loop3A_885 : i32 to index
      %parallel_loop3A_887 = arith.index_cast %parallel_loop3A_880 : i32 to index
      %parallel_loop3A_888 = arith.constant 0 : index
      %parallel_loop3A_889 = tpu.vector_load %arg7[%parallel_loop3A_886, %parallel_loop3A_887, %parallel_loop3A_888] {strides = array<i32>} : memref<5x128x32xf32, #tpu.memory_space<vmem>>, vector<16xf32>,
      %parallel_loop3A_890 = arith.constant 2 : i32
      %parallel_loop3A_891 = arith.index_cast %parallel_loop3A_890 : i32 to index
      %parallel_loop3A_892 = arith.index_cast %parallel_loop3A_880 : i32 to index
      %parallel_loop3A_893 = arith.constant 16 : index
      %parallel_loop3A_894 = tpu.vector_load %arg7[%parallel_loop3A_891, %parallel_loop3A_892, %parallel_loop3A_893] {strides = array<i32>} : memref<5x128x32xf32, #tpu.memory_space<vmem>>, vector<16xf32>,
      tpu.vector_store_idx %arg9[%broadcast_in_dim3A_800, %select_n3A_57, %select_n3A_29, %parallel_loop3A_884], %parallel_loop3A_889 : memref<5x4x8x129xf32, #tpu.memory_space<vmem>>[vector<16xi32>, vector<16xi32>, vector<16xi32>, vector<16xi32>], vector<16xf32>,
      tpu.vector_store_idx %arg9[%broadcast_in_dim3A_800, %add3A_60, %select_n3A_29, %parallel_loop3A_884], %parallel_loop3A_894 : memref<5x4x8x129xf32, #tpu.memory_space<vmem>>[vector<16xi32>, vector<16xi32>, vector<16xi32>, vector<16xi32>], vector<16xf32>,
    } {sc.loop_unroll_factor = 4 : i64, sc.parallel_access}
    %broadcast_in_dim3A_804 = arith.constant 3 : i32
    %broadcast_in_dim3A_805 = vector.broadcast %broadcast_in_dim3A_804 : i32 to vector<16xi32>
    %parallel_loop3A_806 = arith.constant 0 : i32
    %parallel_loop3A_807 = arith.constant 128 : i32
    %parallel_loop3A_808 = arith.constant 1 : i32
    scf.for %parallel_loop3A_880 = %parallel_loop3A_806 to %parallel_loop3A_807 step %parallel_loop3A_808  : i32 {
      %parallel_loop3A_881 = arith.constant 0 : i32
      %parallel_loop3A_882 = vector.broadcast %parallel_loop3A_881 : i32 to vector<16xi32>
      %parallel_loop3A_883 = vector.broadcast %parallel_loop3A_880 : i32 to vector<16xi32>
      %parallel_loop3A_884 = arith.addi %parallel_loop3A_882, %parallel_loop3A_883 : vector<16xi32>
      %parallel_loop3A_885 = arith.constant 3 : i32
      %parallel_loop3A_886 = arith.index_cast %parallel_loop3A_885 : i32 to index
      %parallel_loop3A_887 = arith.index_cast %parallel_loop3A_880 : i32 to index
      %parallel_loop3A_888 = arith.constant 0 : index
      %parallel_loop3A_889 = tpu.vector_load %arg7[%parallel_loop3A_886, %parallel_loop3A_887, %parallel_loop3A_888] {strides = array<i32>} : memref<5x128x32xf32, #tpu.memory_space<vmem>>, vector<16xf32>,
      %parallel_loop3A_890 = arith.constant 3 : i32
      %parallel_loop3A_891 = arith.index_cast %parallel_loop3A_890 : i32 to index
      %parallel_loop3A_892 = arith.index_cast %parallel_loop3A_880 : i32 to index
      %parallel_loop3A_893 = arith.constant 16 : index
      %parallel_loop3A_894 = tpu.vector_load %arg7[%parallel_loop3A_891, %parallel_loop3A_892, %parallel_loop3A_893] {strides = array<i32>} : memref<5x128x32xf32, #tpu.memory_space<vmem>>, vector<16xf32>,
      tpu.vector_store_idx %arg9[%broadcast_in_dim3A_805, %select_n3A_57, %select_n3A_29, %parallel_loop3A_884], %parallel_loop3A_889 : memref<5x4x8x129xf32, #tpu.memory_space<vmem>>[vector<16xi32>, vector<16xi32>, vector<16xi32>, vector<16xi32>], vector<16xf32>,
      tpu.vector_store_idx %arg9[%broadcast_in_dim3A_805, %add3A_60, %select_n3A_29, %parallel_loop3A_884], %parallel_loop3A_894 : memref<5x4x8x129xf32, #tpu.memory_space<vmem>>[vector<16xi32>, vector<16xi32>, vector<16xi32>, vector<16xi32>], vector<16xf32>,
    } {sc.loop_unroll_factor = 4 : i64, sc.parallel_access}
    %broadcast_in_dim3A_809 = arith.constant 4 : i32
    %broadcast_in_dim3A_810 = vector.broadcast %broadcast_in_dim3A_809 : i32 to vector<16xi32>
    %parallel_loop3A_811 = arith.constant 0 : i32
    %parallel_loop3A_812 = arith.constant 128 : i32
    %parallel_loop3A_813 = arith.constant 1 : i32
    scf.for %parallel_loop3A_880 = %parallel_loop3A_811 to %parallel_loop3A_812 step %parallel_loop3A_813  : i32 {
      %parallel_loop3A_881 = arith.constant 0 : i32
      %parallel_loop3A_882 = vector.broadcast %parallel_loop3A_881 : i32 to vector<16xi32>
      %parallel_loop3A_883 = vector.broadcast %parallel_loop3A_880 : i32 to vector<16xi32>
      %parallel_loop3A_884 = arith.addi %parallel_loop3A_882, %parallel_loop3A_883 : vector<16xi32>
      %parallel_loop3A_885 = arith.constant 4 : i32
      %parallel_loop3A_886 = arith.index_cast %parallel_loop3A_885 : i32 to index
      %parallel_loop3A_887 = arith.index_cast %parallel_loop3A_880 : i32 to index
      %parallel_loop3A_888 = arith.constant 0 : index
      %parallel_loop3A_889 = tpu.vector_load %arg7[%parallel_loop3A_886, %parallel_loop3A_887, %parallel_loop3A_888] {strides = array<i32>} : memref<5x128x32xf32, #tpu.memory_space<vmem>>, vector<16xf32>,
      %parallel_loop3A_890 = arith.constant 4 : i32
      %parallel_loop3A_891 = arith.index_cast %parallel_loop3A_890 : i32 to index
      %parallel_loop3A_892 = arith.index_cast %parallel_loop3A_880 : i32 to index
      %parallel_loop3A_893 = arith.constant 16 : index
      %parallel_loop3A_894 = tpu.vector_load %arg7[%parallel_loop3A_891, %parallel_loop3A_892, %parallel_loop3A_893] {strides = array<i32>} : memref<5x128x32xf32, #tpu.memory_space<vmem>>, vector<16xf32>,
      tpu.vector_store_idx %arg9[%broadcast_in_dim3A_810, %select_n3A_57, %select_n3A_29, %parallel_loop3A_884], %parallel_loop3A_889 : memref<5x4x8x129xf32, #tpu.memory_space<vmem>>[vector<16xi32>, vector<16xi32>, vector<16xi32>, vector<16xi32>], vector<16xf32>,
      tpu.vector_store_idx %arg9[%broadcast_in_dim3A_810, %add3A_60, %select_n3A_29, %parallel_loop3A_884], %parallel_loop3A_894 : memref<5x4x8x129xf32, #tpu.memory_space<vmem>>[vector<16xi32>, vector<16xi32>, vector<16xi32>, vector<16xi32>], vector<16xf32>,
    } {sc.loop_unroll_factor = 4 : i64, sc.parallel_access}
    %dma_start3A_814 = arith.constant 0 : i32
    %dma_start3A_815 = arith.constant 0 : i32
    %dma_start3A_816 = arith.constant 0 : i32
    %dma_start3A_817 = arith.constant 0 : i32
    %dma_start3A_818 = tpu.memref_slice %arg9[%dma_start3A_814, %dma_start3A_815, %dma_start3A_816, %dma_start3A_817] : memref<5x4x8x129xf32, #tpu.memory_space<vmem>> -> memref<5x4x8x128xf32, #tpu.memory_space<vmem>>
    %dma_start3A_819 = arith.constant 195 : i32
    %dma_start3A_820 = arith.constant 0 : i32
    %dma_start3A_821 = arith.constant 0 : i32
    %dma_start3A_822 = arith.constant 0 : i32
    %dma_start3A_823 = tpu.memref_slice %arg4[%dma_start3A_819, %dma_start3A_820, %add3A, %dma_start3A_821, %dma_start3A_822] : memref<200x4x32x8x128xf32, #tpu.memory_space<hbm>> -> memref<5x4x1x8x128xf32, #tpu.memory_space<hbm>>
    %dma_start3A_824 = tpu.memref_squeeze %dma_start3A_823 : memref<5x4x1x8x128xf32, #tpu.memory_space<hbm>> -> memref<5x4x8x128xf32, #tpu.memory_space<hbm>>
    %dma_start3A_825 = arith.constant 195 : i32
    %dma_start3A_826 = arith.constant 0 : i32
    %dma_start3A_827 = arith.constant 0 : i32
    %dma_start3A_828 = arith.constant 0 : i32
    %dma_start3A_829 = tpu.memref_slice %arg4[%dma_start3A_825, %dma_start3A_826, %add3A, %dma_start3A_827, %dma_start3A_828] : memref<200x4x32x8x128xf32, #tpu.memory_space<hbm>> -> memref<5x4x1x8x128xf32, #tpu.memory_space<hbm>>
    %dma_start3A_830 = tpu.memref_squeeze %dma_start3A_829 : memref<5x4x1x8x128xf32, #tpu.memory_space<hbm>> -> memref<5x4x8x128xf32, #tpu.memory_space<hbm>>
    %dma_start3A_831 = arith.constant 0 : i32
    %dma_start3A_832 = arith.constant 0 : i32
    %dma_start3A_833 = arith.constant 0 : i32
    %dma_start3A_834 = arith.constant 0 : i32
    %dma_start3A_835 = tpu.memref_slice %arg9[%dma_start3A_831, %dma_start3A_832, %dma_start3A_833, %dma_start3A_834] : memref<5x4x8x129xf32, #tpu.memory_space<vmem>> -> memref<5x4x8x128xf32, #tpu.memory_space<vmem>>
    tpu.enqueue_dma source(%dma_start3A_835 : memref<5x4x8x128xf32, #tpu.memory_space<vmem>>) target(%dma_start3A_830 : memref<5x4x8x128xf32, #tpu.memory_space<hbm>>) target_semaphore(%arg14 : memref<!tpu.dma_semaphore, #tpu.memory_space<semaphore_mem>>)
    %dma_wait3A_836 = arith.constant 0 : i32
    %dma_wait3A_837 = arith.constant 0 : i32
    %dma_wait3A_838 = arith.constant 0 : i32
    %dma_wait3A_839 = arith.constant 0 : i32
    %dma_wait3A_840 = tpu.memref_slice %arg8[%dma_wait3A_836, %dma_wait3A_837, %dma_wait3A_838, %dma_wait3A_839] : memref<5x4x8x129xf32, #tpu.memory_space<vmem>> -> memref<5x4x8x128xf32, #tpu.memory_space<vmem>>
    %dma_wait3A_841 = arith.constant 0 : i32
    %dma_wait3A_842 = arith.constant 0 : i32
    %dma_wait3A_843 = arith.constant 0 : i32
    %dma_wait3A_844 = arith.constant 0 : i32
    %dma_wait3A_845 = tpu.memref_slice %arg4[%dma_wait3A_841, %dma_wait3A_842, %add3A, %dma_wait3A_843, %dma_wait3A_844] : memref<200x4x32x8x128xf32, #tpu.memory_space<hbm>> -> memref<5x4x1x8x128xf32, #tpu.memory_space<hbm>>
    %dma_wait3A_846 = tpu.memref_squeeze %dma_wait3A_845 : memref<5x4x1x8x128xf32, #tpu.memory_space<hbm>> -> memref<5x4x8x128xf32, #tpu.memory_space<hbm>>
    %dma_wait3A_847 = arith.constant 0 : i32
    %dma_wait3A_848 = arith.constant 0 : i32
    %dma_wait3A_849 = arith.constant 0 : i32
    %dma_wait3A_850 = arith.constant 0 : i32
    %dma_wait3A_851 = tpu.memref_slice %arg4[%dma_wait3A_847, %dma_wait3A_848, %add3A, %dma_wait3A_849, %dma_wait3A_850] : memref<200x4x32x8x128xf32, #tpu.memory_space<hbm>> -> memref<5x4x1x8x128xf32, #tpu.memory_space<hbm>>
    %dma_wait3A_852 = tpu.memref_squeeze %dma_wait3A_851 : memref<5x4x1x8x128xf32, #tpu.memory_space<hbm>> -> memref<5x4x8x128xf32, #tpu.memory_space<hbm>>
    %dma_wait3A_853 = arith.constant 0 : i32
    %dma_wait3A_854 = arith.constant 0 : i32
    %dma_wait3A_855 = arith.constant 0 : i32
    %dma_wait3A_856 = arith.constant 0 : i32
    %dma_wait3A_857 = tpu.memref_slice %arg8[%dma_wait3A_853, %dma_wait3A_854, %dma_wait3A_855, %dma_wait3A_856] : memref<5x4x8x129xf32, #tpu.memory_space<vmem>> -> memref<5x4x8x128xf32, #tpu.memory_space<vmem>>
    tpu.wait_dma2 semaphore(%arg13 : memref<!tpu.dma_semaphore, #tpu.memory_space<semaphore_mem>>) src(%dma_wait3A_857 : memref<5x4x8x128xf32, #tpu.memory_space<vmem>>) dst(%dma_wait3A_852 : memref<5x4x8x128xf32, #tpu.memory_space<hbm>>)
    %dma_wait3A_858 = arith.constant 0 : i32
    %dma_wait3A_859 = arith.constant 0 : i32
    %dma_wait3A_860 = arith.constant 0 : i32
    %dma_wait3A_861 = arith.constant 0 : i32
    %dma_wait3A_862 = tpu.memref_slice %arg9[%dma_wait3A_858, %dma_wait3A_859, %dma_wait3A_860, %dma_wait3A_861] : memref<5x4x8x129xf32, #tpu.memory_space<vmem>> -> memref<5x4x8x128xf32, #tpu.memory_space<vmem>>
    %dma_wait3A_863 = arith.constant 0 : i32
    %dma_wait3A_864 = arith.constant 0 : i32
    %dma_wait3A_865 = arith.constant 0 : i32
    %dma_wait3A_866 = arith.constant 0 : i32
    %dma_wait3A_867 = tpu.memref_slice %arg4[%dma_wait3A_863, %dma_wait3A_864, %add3A, %dma_wait3A_865, %dma_wait3A_866] : memref<200x4x32x8x128xf32, #tpu.memory_space<hbm>> -> memref<5x4x1x8x128xf32, #tpu.memory_space<hbm>>
    %dma_wait3A_868 = tpu.memref_squeeze %dma_wait3A_867 : memref<5x4x1x8x128xf32, #tpu.memory_space<hbm>> -> memref<5x4x8x128xf32, #tpu.memory_space<hbm>>
    %dma_wait3A_869 = arith.constant 0 : i32
    %dma_wait3A_870 = arith.constant 0 : i32
    %dma_wait3A_871 = arith.constant 0 : i32
    %dma_wait3A_872 = arith.constant 0 : i32
    %dma_wait3A_873 = tpu.memref_slice %arg4[%dma_wait3A_869, %dma_wait3A_870, %add3A, %dma_wait3A_871, %dma_wait3A_872] : memref<200x4x32x8x128xf32, #tpu.memory_space<hbm>> -> memref<5x4x1x8x128xf32, #tpu.memory_space<hbm>>
    %dma_wait3A_874 = tpu.memref_squeeze %dma_wait3A_873 : memref<5x4x1x8x128xf32, #tpu.memory_space<hbm>> -> memref<5x4x8x128xf32, #tpu.memory_space<hbm>>
    %dma_wait3A_875 = arith.constant 0 : i32
    %dma_wait3A_876 = arith.constant 0 : i32
    %dma_wait3A_877 = arith.constant 0 : i32
    %dma_wait3A_878 = arith.constant 0 : i32
    %dma_wait3A_879 = tpu.memref_slice %arg9[%dma_wait3A_875, %dma_wait3A_876, %dma_wait3A_877, %dma_wait3A_878] : memref<5x4x8x129xf32, #tpu.memory_space<vmem>> -> memref<5x4x8x128xf32, #tpu.memory_space<vmem>>
    tpu.wait_dma2 semaphore(%arg14 : memref<!tpu.dma_semaphore, #tpu.memory_space<semaphore_mem>>) src(%dma_wait3A_879 : memref<5x4x8x128xf32, #tpu.memory_space<vmem>>) dst(%dma_wait3A_874 : memref<5x4x8x128xf32, #tpu.memory_space<hbm>>)
    return
  }
}

</mosaic_0001>

<sc_bundles>
// kernel: kernel.3.cloned.1.call-start
scs
__scs_entry_jumppad:
0x0: {  	(pc) =	sbr.rel $0x88, $3  }
0x1: {  	(tag) =	ssettag $0x0;
	lr =	simm.s32 $0x1  }
0x2: {  	[smem:$0x3F9F] =	sst lr;
	_ =	strace $0xD0000000  }
0x3: {  	_ = 	snop  }
0x4: {  	_ = 	snop  }
0x5: {  	_ = 	snop  }
0x6: {  	_ = 	snop  }
0x7: {  	_ = 	snop  }
__scs_overlays_trampoline_lowered:
0x8: {  	[smem:$0x3FAE] =	sst s0  }
0x9: {  	[smem:$0x3FAF] =	sst s1  }
0xa: {  	[smem:$0x3FB0] =	sst s2  }
0xb: {  	[smem:$0x3FB1] =	sst s3  }
0xc: {  	[smem:$0x3FB2] =	sst s4  }
0xd: {  	[smem:$0x3FB3] =	sst s5  }
0xe: {  	[smem:$0x3FB4] =	sst s6  }
0xf: {  	[smem:$0x3FB5] =	sst s7  }
0x10: {  	[smem:$0x3FB6] =	sst s8  }
0x11: {  	[smem:$0x3FB7] =	sst s9;
	s0 =	simm.s32 @!p0 $0x0  }
0x12: {  	s1 =	sld [smem:$0x3F9D];
	s0 =	simm.s32 @p0 $0x1  }
0x13: {  	[smem:$0x3FB8] =	sst s0;
	s0 =	simm.s32 @!p1 $0x0  }
0x14: {  	s2 =	sld [smem:$0x3F9C];
	s0 =	simm.s32 @p1 $0x1  }
0x15: {  	[smem:$0x3FB9] =	sst s0;
	s0 =	simm.s32 @!p2 $0x0  }
0x16: {  	s3 =	sld [smem:$0x3FDB];
	s0 =	simm.s32 @p2 $0x1  }
0x17: {  	s4 =	simm.s32 $0x1BF5;
	[smem:$0x3FBB] =	sst s0  }
0x18: {  	s0 =	sld [smem:$0x3F9E];
	_ =	swait.ge [sflag:s4], $0x0  }
0x19: {  	s7 =	sld [smem:$0x3F9F]  }
0x1a: {  	s8 =	sadd.s32 $0xFFFFE003, lr  }
0x1b: {  	s9 =	sadd.s32 $0xFFFFFEF7, lr;
	s5 =	simm.s32 $0xFFFFFFFF;
	p2 =	slt.u32 s8, $0xFFFFF086  }
0x1c: {  	p1 =	slt.u32 s9, $0xF7A;
	s5 =	simm.s32 @!p2 $0x0  }
0x1d: {  	s5 =	simm.s32 @p1 $0x1;
	p0 =	seq.s32 s7, s2  }
0x1e: {  	s7 =	smul.u32 @!p0 $0xF7A, s2;
	p2 =	seq.s32 @!p0 s5, $0x0  }
0x1f: {  	s9 =	smul.u32 $0xF7A, s1;
	s8 =	simm.s32 @!p0 $0x1BF5;
	p2 =	por !p2, p0  }
0x20: {  	[sflag:s8] =	ssyncset.s32 @!p0 $0xFFFFF086;
	s6 =	sadd.s32 @!p0 s3, s7;
	s7 =	simm.s32 @!p0 $0x108  }
0x21: {  	s3 =	sadd.s32 s3, s9;
	s6 =	sadd.s32 @!p0 $0x88, s6;
	s7 =	simm.s32 @p2 $0x1082  }
0x22: {  	[simem:s7], [sflag:s8] =	dma.local @!p0 [hbm:s6], $0xF7A  }
0x23: {  	s9 =	sor.u32 $0xD0000000, s2;
	s6 =	simm.s32 $0x108;
	_ =	swait.ge @!p0 [sflag:s8], $0x0  }
0x24: {  	s3 =	sadd.s32 $0x88, s3;
	s6 =	simm.s32 @!p1 $0x1082;
	[sflag:s4] =	ssyncset.s32 $0xFFFFF086  }
0x25: {  	[simem:s6], [sflag:s4] =	dma.local [hbm:s3], $0xF7A  }
0x26: {  	[smem:$0x3F9F] =	sst s1;
	(tag) =	ssettag s2;
	_ =	strace s9  }
0x27: {  	s1 =	sld [smem:$0x3FAF]  }
0x28: {  	s2 =	sld [smem:$0x3FB0]  }
0x29: {  	s4 =	sld [smem:$0x3FB2]  }
0x2a: {  	p0 =	seq.s32 s5, $0x0;
	s5 =	sld [smem:$0x3FB3]  }
0x2b: {  	s6 =	sld [smem:$0x3FB4]  }
0x2c: {  	s7 =	sld [smem:$0x3FB5]  }
0x2d: {  	s3 =	simm.s32 $0x108;
	s8 =	sld [smem:$0x3FB6]  }
0x2e: {  	s3 =	simm.s32 @!p0 $0x1082;
	s9 =	sld [smem:$0x3FB7]  }
0x2f: {  	lr =	sadd.s32 s0, s3;
	s0 =	sld [smem:$0x3FAE]  }
0x30: {  	s3 =	sld [smem:$0x3FB1]  }
0x31: {  	[smem:$0x3FBA] =	sst s10  }
0x32: {  	s10 =	sld [smem:$0x3FB8];
	_ =	sdelay $0x3  }
0x33: {  	p0 =	seq.s32 s10, $0x1;
	s10 =	sld [smem:$0x3FBA];
	_ =	sdelay $0x3  }
0x34: {  	[smem:$0x3FBA] =	sst s10  }
0x35: {  	s10 =	sld [smem:$0x3FB9];
	_ =	sdelay $0x3  }
0x36: {  	p1 =	seq.s32 s10, $0x1;
	s10 =	sld [smem:$0x3FBA];
	_ =	sdelay $0x3  }
0x37: {  	[smem:$0x3FBA] =	sst s10  }
0x38: {  	s10 =	sld [smem:$0x3FBB]  }
0x39: {  	_ = 	snop;
	(pc) =	sbr.ind lr, $3  }
0x3a: {  	_ = 	snop  }
0x3b: {  	_ = 	snop  }
0x3c: {  	p2 =	seq.s32 s10, $0x1;
	s10 =	sld [smem:$0x3FBA]  }
0x3d: {  	_ =	shalt  }
0x3e: {  	_ =	shalt  }
0x3f: {  	_ =	shalt  }
0x40: {  	_ =	shalt  }
0x41: {  	_ =	shalt  }
0x42: {  	_ =	shalt  }
0x43: {  	_ =	shalt  }
0x44: {  	_ =	shalt  }
0x45: {  	_ =	shalt  }
0x46: {  	_ =	shalt  }
0x47: {  	_ =	shalt  }
0x48: {  	_ =	shalt  }
0x49: {  	_ =	shalt  }
0x4a: {  	_ =	shalt  }
0x4b: {  	_ =	shalt  }
0x4c: {  	_ =	shalt  }
0x4d: {  	_ =	shalt  }
0x4e: {  	_ =	shalt  }
0x4f: {  	_ =	shalt  }
0x50: {  	_ =	shalt  }
0x51: {  	_ =	shalt  }
0x52: {  	_ =	shalt  }
0x53: {  	_ =	shalt  }
0x54: {  	_ =	shalt  }
0x55: {  	_ =	shalt  }
0x56: {  	_ =	shalt  }
0x57: {  	_ =	shalt  }
0x58: {  	_ =	shalt  }
0x59: {  	_ =	shalt  }
0x5a: {  	_ =	shalt  }
0x5b: {  	_ =	shalt  }
0x5c: {  	_ =	shalt  }
0x5d: {  	_ =	shalt  }
0x5e: {  	_ =	shalt  }
0x5f: {  	_ =	shalt  }
0x60: {  	_ =	shalt  }
0x61: {  	_ =	shalt  }
0x62: {  	_ =	shalt  }
0x63: {  	_ =	shalt  }
0x64: {  	_ =	shalt  }
0x65: {  	_ =	shalt  }
0x66: {  	_ =	shalt  }
0x67: {  	_ =	shalt  }
0x68: {  	_ =	shalt  }
0x69: {  	_ =	shalt  }
0x6a: {  	_ =	shalt  }
0x6b: {  	_ =	shalt  }
0x6c: {  	_ =	shalt  }
0x6d: {  	_ =	shalt  }
0x6e: {  	_ =	shalt  }
0x6f: {  	_ =	shalt  }
0x70: {  	_ =	shalt  }
0x71: {  	_ =	shalt  }
0x72: {  	_ =	shalt  }
0x73: {  	_ =	shalt  }
0x74: {  	_ =	shalt  }
0x75: {  	_ =	shalt  }
0x76: {  	_ =	shalt  }
0x77: {  	_ =	shalt  }
0x78: {  	_ =	shalt  }
0x79: {  	_ =	shalt  }
0x7a: {  	_ =	shalt  }
0x7b: {  	_ =	shalt  }
0x7c: {  	_ =	shalt  }
0x7d: {  	_ =	shalt  }
0x7e: {  	_ =	shalt  }
0x7f: {  	_ =	shalt  }
0x80: {  	_ =	shalt  }
0x81: {  	_ =	shalt  }
0x82: {  	_ =	shalt  }
0x83: {  	_ =	shalt  }
0x84: {  	_ =	shalt  }
0x85: {  	_ =	shalt  }
0x86: {  	_ =	shalt  }
0x87: {  	_ =	shalt  }
.Lfunc_end0:
.L_simem_size_0:
called_computation_lowered:
.L_overlay_start_0:
0x88: {  	s2 =	sld [smem:$0x3FD9]  }
0x89: {  	s3 =	sld [smem:$0x3FFE];
	_ =	sdelay $0x1  }
0x8a: {  	s1 =	srdreg.scid  }
0x8b: {  	s0 =	sand.u32 $0x1, s1  }
0x8c: {  	s17 =	sshll.u32 s0, $0xA;
	s2 =	sadd.s32 s3, s2  }
0x8d: {  	s2 =	sadd.s32 s2, s17  }
0x8e: {  	[smem:$0x3FC6] =	sst s2  }
0x8f: {  	_ = 	snop  }
0x90: {  	s2 =	sld [smem:$0x3FD0];
	(tm) =	ssettm $0x1  }
0x91: {  	s18 =	sld [smem:$0x3FFB];
	_ =	sdelay $0x3  }
0x92: {  	_ =	strace s18  }
0x93: {  	s3 =	sld [smem:$0x3FFC];
	_ =	sdelay $0x3  }
0x94: {  	_ =	strace s3  }
0x95: {  	s3 =	sld [smem:$0x3FFD];
	_ =	sdelay $0x3  }
0x96: {  	_ =	strace s3  }
0x97: {  	_ =	strace $0x8FFFFFFF  }
0x98: {  	s19 =	sld [smem:$0x3FDB];
	_ =	sdelay $0x1  }
0x99: {  	s4 =	simm.s32 $_scs_section_size  }
0x9a: {  	s5 =	simm.s32 $_size__tile_overlayer_lowered;
	s6 =	simm.s32 $_tile_overlayer_lowered  }
0x9b: {  	s22 =	simm.s32 $0x1BFF;
	s21 =	sshll.u32 s6, $0x1;
	s3 =	sadd.s32 s4, s19  }
0x9c: {  	s7 =	simm.s32 $0x0;
	s20 =	sshll.u32 s5, $0x1;
	s5 =	sadd.s32 s21, s3  }
0x9d: {  	[timem:s7], [sflag:s22] =	dma.local [hbm:s5], s20  }
0x9e: {  	_ =	swait.ge [sflag:s22], s20  }
0x9f: {  	s4 =	ssub.s32 $0x0, s20;
	[sflag:s22] =	ssyncset.done $0x0  }
0xa0: {  	[sflag:s22] =	ssyncadd.s32 s4;
	_ =	sdelay $0x1  }
0xa1: {  	s23 =	simm.s32 $0x1B8B  }
0xa2: {  	_ =	swait.ge [sflag:s23], $0x1  }
0xa3: {  	[sflag:s23] =	ssyncset.done $0x0  }
0xa4: {  	s25 =	simm.s32 $0x1B8E;
	s24 =	sld [smem:$0x3FFE];
	[sflag:s23] =	ssyncadd.s32 $0xFFFFFFFF  }
0xa5: {  	s26 =	simm.s32 $execute0_lowered;
	[smem:$0x3FD2] =	sst s25  }
0xa6: {  	s5 =	sshll.u32 s26, $0x1;
	_ =	strace $0x80000046;
	[dreg:$0x1] =	wrdreg $0xFFFFFFFF  }
0xa7: {  	s28 =	simm.s32 $_size_execute0_lowered;
	s3 =	sadd.s32 s3, s5;
	[dreg:$0x0] =	wrdreg $0x0  }
0xa8: {  	s5 =	sshll.u32 s28, $0x1;
	[dreg:$0x2] =	wrdreg s3  }
0xa9: {  	[dreg:$0x3] =	wrdreg s5  }
0xaa: {  	[dreg:$0x4] =	wrdreg $0xC0  }
0xab: {  	_ =	task [dreg:s7], $0x5FFFF  }
0xac: {  	[dreg:$0x1] =	wrdreg $0xFFFFFFFF  }
0xad: {  	[dreg:$0x0] =	wrdreg $0x60  }
0xae: {  	[dreg:$0x2] =	wrdreg s24  }
0xaf: {  	[dreg:$0x3] =	wrdreg s2  }
0xb0: {  	[dreg:$0x4] =	wrdreg $0x9  }
0xb1: {  	_ =	task.clear_ibuf [dreg:s7], $0x5FFFF;
	_ =	strace $0x90000046  }
0xb2: {  	s29 =	simm.s32 $0x9;
	_ =	strace $0x80000048  }
0xb3: {  	_ =	swait.ge [sflag:s29], $0x1  }
0xb4: {  	[sflag:s29] =	ssyncadd.s32 $0xFFFFFFFF  }
0xb5: {  	_ =	strace $0x90000048  }
0xb6: {  	_ =	sfence  }
0xb7: {  	s30 =	sld [smem:$0x0];
	_ =	sdelay $0x2  }
0xb8: {  	s31 =	sshll.u32 s1, $0xD;
	s1 =	sshrl.u32 s1, $0x2  }
0xb9: {  	s3 =	sand.u32 $0x4000, s31;
	s1 =	sadd.s32 s1, s30  }
0xba: {  	s0 =	sor.u32 s3, s0;
	s1 =	sshll.u32 s1, $0x11  }
0xbb: {  	s0 =	sor.u32 s1, s0  }
0xbc: {  	s0 =	sadd.s32 $0x8F2B, s0  }
0xbd: {  	[sflag:s0] =	ssyncadd.remote.s32 $0x1  }
0xbe: {  	_ =	sfence.sel $0xFFFF  }
0xbf: {  	[dreg:$0x0] =	wrdreg $0xFFFFFFFF;
	(pc) =	sbr.abs _section_cstart, $3  }
0xc0: {  	[dreg:$0x1] =	wrdreg $0xFFFFFFFF  }
0xc1: {  	_ =	task.clear_ibuf [dreg:s7], $0x2FFFF;
	_ =	strace $0x9FFFFFFF  }
0xc2: {  	(tm) =	ssettm $0x7FFFFFFF  }
0xc3: {  	_ =	shalt  }
tec
execute0_lowered:
.L_overlay_start_1:
0x0: {  	(tag) =	ssettag $0x1  }
0x1: {  	s0 =	rddreg [dreg:$0x0]  }
0x2: {  	s2 =	rddreg [dreg:$0x1];
	s3 =	simm.s32 $0x0  }
0x3: {  	s1 =	srdreg.scid;
	s4 =	stileid.u32;
	s12 =	simm.s32 $0x80  }
0x4: {  	s15 =	simm.s32 $0x6400;
	s16 =	simm.s32 $0x7400;
	s18 =	simm.s32 $0x8400  }
0x5: {  	s20 =	simm.s32 $0x9400;
	s22 =	simm.s32 $0xA400;
	s23 =	simm.s32 $0x2  }
0x6: {  	s28 =	simm.s32 $0xC400;
	s30 =	simm.s32 $0xD400;
	s13 =	simm.s32 $0xF400  }
0x7: {  	s17 =	simm.s32 $0x10400;
	s19 =	simm.s32 $0x3;
	s21 =	simm.s32 $0x4  }
0x8: {  	[smem:$0x7FF] =	sst s3;
	s1 =	sand.u32 $0x1, s1;
	s4 =	sshll.u32 s4, $0x1  }
0x9: {  	_ =	strace $0x80000047;
	s5 =	sor.u32 s1, s4;
	s1 =	ssub.s32 $0x2, s1  }
0xa: {  	s4 =	sadd.s32 $0x19400, s0;
	s6 =	sshll.u32 s5, $0x4;
	s24 =	sshll.u32 s5, $0x7  }
0xb: {  	s7 =	sshrl.u32 s1, $0x1;
	s0 =	sadd.s32 s6, s0;
	s25 =	sadd.s32 s2, s24  }
0xc: {  	v0 =	vlaneseq.u32;
	s1 =	ssub.s32 s1, s7;
	s0 =	sadd.s32 $0x400, s0;
	[dreg:$0x4] =	wrdreg s25  }
0xd: {  	v0 =	vmul.u32 $0x88, v0;
	s6 =	sshll.u32 s5, $0xA;
	s26 =	sadd.s32 $0x14000, s25;
	[dreg:$0x3] =	wrdreg s0  }
0xe: {  	s24 =	simm.s32 $0x5;
	s29 =	sadd.s32 $0x2F8000, s25;
	[dreg:$0x5] =	wrdreg s26  }
0xf: {  	v1 =	vadd.s32 $0x880, v0;
	v2 =	vadd.s32 $0x1100, v0;
	v3 =	vadd.s32 $0x1980, v0;
	s7 =	simm.s32 $0x0;
	s31 =	smax.u32 s1, $0x1;
	[dreg:$0x6] =	wrdreg s29  }
0x10: {  	v4 =	vadd.s32 $0x2200, v0;
	v5 =	vadd.s32 $0x2A80, v0;
	v6 =	vadd.s32 $0x3300, v0;
	s1 =	simm.s32 $0x15900;
	s0 =	sadd.s32 $0x30C000, s25;
	[dreg:$0x8] =	wrdreg s31  }
0x11: {  	v7 =	vadd.s32 $0x3B80, v0;
	v8 =	vadd.s32 $0x4400, v0;
	v9 =	vadd.s32 $0x4C80, v0;
	s25 =	simm.s32 $0xB400;
	[dreg:$0x7] =	wrdreg s0;
	s0 =	simm.s32 $0xE400  }
.LBB2_1:
0x12: {  	[dreg:$0x9] =	wrdreg s7  }
0x13: {  	s5 =	rddreg [dreg:$0x3];
	s26 =	simm.s32 $0x1000;
	s29 =	simm.s32 $0x1  }
0x14: {  	[tilespmem:s3], [sflag:$0x1] =	stream.strided.gather [hbm4b:s5+s12], $0x6400, s26, s12, $0x38;
	[tilespmem:$0x1AE00] =	vst v63  }
0x15: {  	_ =	swait.ge [sflag:s29], $0x6400  }
0x16: {  	[sflag:s29] =	ssyncset.done $0x0  }
0x17: {  	[sflag:s29] =	ssyncadd.s32 $0xFFFF9C00  }
0x18: {  	[tilespmem:s15], [sflag:$0x2] =	stream.indirect.gather [hbm4b:s4+s12], $0x20, s3, s12, $0xb8;
	[tilespmem:$0x1AE00] =	vst v63  }
0x19: {  	_ = 	snop  }
0x1a: {  	[tilespmem:s16], [sflag:$0x2] =	stream.indirect.gather [hbm4b:s4+s12], $0x20, s12, s12, $0xb8;
	[tilespmem:$0x1AE00] =	vst v63  }
0x1b: {  	s31 =	simm.s32 $0x100  }
0x1c: {  	[tilespmem:s18], [sflag:$0x2] =	stream.indirect.gather [hbm4b:s4+s12], $0x20, s31, s12, $0xb8;
	[tilespmem:$0x1AE00] =	vst v63  }
0x1d: {  	s7 =	simm.s32 $0x180  }
0x1e: {  	[tilespmem:s20], [sflag:$0x2] =	stream.indirect.gather [hbm4b:s4+s12], $0x20, s7, s12, $0xb8;
	[tilespmem:$0x1AE00] =	vst v63  }
0x1f: {  	s8 =	simm.s32 $0x200  }
0x20: {  	[tilespmem:s22], [sflag:$0x2] =	stream.indirect.gather [hbm4b:s4+s12], $0x20, s8, s12, $0xb8;
	[tilespmem:$0x1AE00] =	vst v63  }
0x21: {  	_ =	swait.ge [sflag:s23], $0x1000  }
0x22: {  	[sflag:s23] =	ssyncset.done $0x0  }
0x23: {  	[sflag:s23] =	ssyncadd.s32 $0xFFFFF000  }
0x24: {  	_ =	swait.ge [sflag:s23], $0x1000  }
0x25: {  	[sflag:s23] =	ssyncset.done $0x0  }
0x26: {  	[sflag:s23] =	ssyncadd.s32 $0xFFFFF000  }
0x27: {  	_ =	swait.ge [sflag:s23], $0x1000  }
0x28: {  	[sflag:s23] =	ssyncset.done $0x0  }
0x29: {  	[sflag:s23] =	ssyncadd.s32 $0xFFFFF000  }
0x2a: {  	_ =	swait.ge [sflag:s23], $0x1000  }
0x2b: {  	[sflag:s23] =	ssyncset.done $0x0  }
0x2c: {  	[sflag:s23] =	ssyncadd.s32 $0xFFFFF000  }
0x2d: {  	_ =	swait.ge [sflag:s23], $0x1000  }
0x2e: {  	[sflag:s23] =	ssyncset.done $0x0  }
0x2f: {  	s9 =	simm.s32 $0x280;
	[sflag:s23] =	ssyncadd.s32 $0xFFFFF000  }
0x30: {  	[tilespmem:s25], [sflag:$0x3] =	stream.indirect.gather [hbm4b:s4+s12], $0x20, s9, s12, $0xb8;
	[tilespmem:$0x1AE00] =	vst v63  }
0x31: {  	s10 =	simm.s32 $0x300  }
0x32: {  	[tilespmem:s28], [sflag:$0x3] =	stream.indirect.gather [hbm4b:s4+s12], $0x20, s10, s12, $0xb8;
	[tilespmem:$0x1AE00] =	vst v63  }
0x33: {  	s11 =	simm.s32 $0x380  }
0x34: {  	[tilespmem:s30], [sflag:$0x3] =	stream.indirect.gather [hbm4b:s4+s12], $0x20, s11, s12, $0xb8;
	[tilespmem:$0x1AE00] =	vst v63  }
0x35: {  	s14 =	simm.s32 $0x400;
	s26 =	simm.s32 $0x3  }
0x36: {  	[tilespmem:s0], [sflag:$0x3] =	stream.indirect.gather [hbm4b:s4+s12], $0x20, s14, s12, $0xb8;
	[tilespmem:$0x1AE00] =	vst v63  }
0x37: {  	s5 =	simm.s32 $0x6440;
	v10 =	vmov s26;
	s29 =	simm.s32 $0x480  }
0x38: {  	v10 =	vand.u32 $0x7F, v10;
	[tilespmem:s13], [sflag:$0x3] =	stream.indirect.gather [hbm4b:s4+s12], $0x20, s29, s12, $0xb8;
	[tilespmem:$0x1AE00] =	vst v63  }
0x39: {  	v17 =	vadd.s32 v0, v10;
	v23 =	vadd.s32 v1, v10;
	v10 =	vmov s3;
	v14 =	vld [tilespmem:s5+$0x20]  }
0x3a: {  	v12 =	vand.u32 $0x7C, v10;
	s8 =	simm.s32 $0x1;
	v22 =	vld [tilespmem:s5+$0x30]  }
0x3b: {  	v19 =	vadd.s32 v0, v12;
	v11 =	vmov s8;
	v15 =	vld [tilespmem:s5+$0xFFFFFFC0]  }
0x3c: {  	v16 =	vadd.s32 v1, v12;
	s31 =	simm.s32 $0x2;
	v18 =	vand.u32 $0x7D, v11;
	v10 =	vld [tilespmem:s5+$0xFFFFFFD0]  }
0x3d: {  	v20 =	vmov s31;
	v13 =	vadd.s32 v0, v18;
	v11 =	vld [tilespmem:s5+$0xFFFFFFE0]  }
0x3e: {  	v20 =	vand.u32 $0x7E, v20;
	s9 =	simm.s32 $0x7;
	v12 =	vld [tilespmem:s5+$0xFFFFFFF0];
	[tilespmem:v17+s17+$0x0] =	vst.idx.msk $0xffff, v14;
	v17 =	vadd.s32 v1, v18  }
0x3f: {  	s8 =	simm.s32 $0x4;
	v21 =	vmov s9;
	s9 =	simm.s32 $0x8;
	v14 =	vld [tilespmem:s5+$0x0];
	v18 =	vadd.s32 v0, v20;
	[tilespmem:v23+s17+$0x0] =	vst.idx.msk $0xffff, v22  }
.LBB2_2:
0x40: {  	p0 =	slt.u32 s9, $0x7C;
	v21 =	vand.u32 $0x7F, v21;
	[tilespmem:v19+s17+$0x0] =	vst.idx.msk $0xffff, v15;
	v22 =	vld [tilespmem:s5+$0x10];
	v20 =	vadd.s32 v1, v20;
	s5 =	sadd.s32 $0x80, s5  }
0x41: {  	v15 =	vmov s8;
	v23 =	vld [tilespmem:s5+$0x20];
	v24 =	vadd.s32 v0, v21;
	[tilespmem:v16+s17+$0x0] =	vst.idx.msk $0xffff, v10  }
0x42: {  	s10 =	sadd.s32 $0x1, s8;
	v16 =	vand.u32 $0x7C, v15;
	v26 =	vadd.s32 v1, v21;
	v25 =	vld [tilespmem:s5+$0x30];
	[tilespmem:v13+s17+$0x0] =	vst.idx.msk $0xffff, v11  }
.Ltmp0:
0x43: {  	v19 =	vadd.s32 v0, v16;
	v11 =	vmov s10;
	v15 =	vld [tilespmem:s5+$0xFFFFFFC0];
	[tilespmem:v17+s17+$0x0] =	vst.idx.msk $0xffff, v12;
	(pc) =	sbr.rel @p0 .LBB2_2-.Ltmp0, $4  }
0x44: {  	v16 =	vadd.s32 v1, v16;
	s10 =	sadd.s32 $0x2, s8;
	s8 =	smov.u32 s9;
	v17 =	vand.u32 $0x7D, v11;
	v10 =	vld [tilespmem:s5+$0xFFFFFFD0];
	[tilespmem:v18+s17+$0x0] =	vst.idx.msk $0xffff, v14  }
0x45: {  	v13 =	vadd.s32 v0, v17;
	v14 =	vmov s10;
	v11 =	vld [tilespmem:s5+$0xFFFFFFE0];
	[tilespmem:v20+s17+$0x0] =	vst.idx.msk $0xffff, v22  }
0x46: {  	s10 =	sadd.s32 $0x3, s9;
	v17 =	vadd.s32 v1, v17;
	v20 =	vand.u32 $0x7E, v14;
	v12 =	vld [tilespmem:s5+$0xFFFFFFF0];
	[tilespmem:v24+s17+$0x0] =	vst.idx.msk $0xffff, v23  }
0x47: {  	s9 =	sadd.s32 $0x4, s9;
	v21 =	vmov s10;
	v18 =	vadd.s32 v0, v20;
	v14 =	vld [tilespmem:s5+$0x0];
	[tilespmem:v26+s17+$0x0] =	vst.idx.msk $0xffff, v25  }
0x48: {  	_ =	sdelay $0x3  }
0x49: {  	v21 =	vand.u32 $0x7F, v21;
	[tilespmem:v19+s17+$0x0] =	vst.idx.msk $0xffff, v15;
	v15 =	vld [tilespmem:s5+$0x10];
	v19 =	vadd.s32 v1, v20;
	s26 =	sadd.s32 $0x80, s5  }
0x4a: {  	v20 =	vmov s8;
	v22 =	vld [tilespmem:s26+$0x20];
	v23 =	vadd.s32 v0, v21;
	[tilespmem:v16+s17+$0x0] =	vst.idx.msk $0xffff, v10  }
0x4b: {  	s9 =	sadd.s32 $0x1, s8;
	v10 =	vand.u32 $0x7C, v20;
	v16 =	vld [tilespmem:s26+$0x30];
	v20 =	vadd.s32 v1, v21;
	[tilespmem:v13+s17+$0x0] =	vst.idx.msk $0xffff, v11  }
0x4c: {  	v21 =	vmov s9;
	v11 =	vld [tilespmem:s26+$0xFFFFFFC0];
	v13 =	vadd.s32 v0, v10;
	[tilespmem:v17+s17+$0x0] =	vst.idx.msk $0xffff, v12  }
0x4d: {  	s29 =	sadd.s32 $0x2, s8;
	v10 =	vadd.s32 v1, v10;
	v12 =	vld [tilespmem:s26+$0xFFFFFFD0];
	v17 =	vand.u32 $0x7D, v21;
	[tilespmem:v18+s17+$0x0] =	vst.idx.msk $0xffff, v14  }
0x4e: {  	v21 =	vmov s29;
	v14 =	vld [tilespmem:s26+$0xFFFFFFE0];
	v18 =	vadd.s32 v0, v17;
	[tilespmem:v19+s17+$0x0] =	vst.idx.msk $0xffff, v15  }
0x4f: {  	v17 =	vadd.s32 v1, v17;
	v15 =	vld [tilespmem:s26+$0xFFFFFFF0];
	v19 =	vand.u32 $0x7E, v21;
	[tilespmem:v23+s17+$0x0] =	vst.idx.msk $0xffff, v22  }
0x50: {  	v21 =	vld [tilespmem:s26+$0x0];
	v22 =	vadd.s32 v0, v19;
	[tilespmem:v20+s17+$0x0] =	vst.idx.msk $0xffff, v16  }
0x51: {  	p1 =	por $0x1, $0x1;
	[tilespmem:v13+s17+$0x0] =	vst.idx.msk $0xffff, v11;
	v11 =	vld [tilespmem:s26+$0x10];
	v13 =	vadd.s32 v1, v19  }
.Ltmp1:
0x52: {  	[tilespmem:v10+s17+$0x0] =	vst.idx.msk $0xffff, v12;
	(pc) =	sbr.rel @!p1 .LBB2_7-.Ltmp1, $4  }
0x53: {  	[tilespmem:v18+s17+$0x0] =	vst.idx.msk $0xffff, v14  }
0x54: {  	s11 =	simm.s32 $0x0;
	s31 =	simm.s32 $0x3;
	[tilespmem:v17+s17+$0x0] =	vst.idx.msk $0xffff, v15  }
0x55: {  	s14 =	simm.s32 $0x7470;
	s5 =	simm.s32 $0x4;
	p0 =	por $0x0, $0x0;
	v10 =	vmov s31;
	[tilespmem:v22+s17+$0x0] =	vst.idx.msk $0xffff, v21  }
0x56: {  	s8 =	simm.s32 $0x7470;
	p2 =	por $0x0, $0x0;
	s26 =	simm.s32 $0x0;
	v22 =	vmov v10;
	[tilespmem:v13+s17+$0x0] =	vst.idx.msk $0xffff, v11  }
0x57: {  	v11 =	vand.u32 $0x7F, v10  }
0x58: {  	v18 =	vld [tilespmem:s14+$0xFFFFFFF0];
	v19 =	vadd.s32 v2, v11;
	v24 =	vadd.s32 v3, v11;
	v11 =	vmov s11  }
0x59: {  	v23 =	vld [tilespmem:s14+$0x0];
	s8 =	simm.s32 $0x1;
	p3 =	por $0x1, $0x1;
	v14 =	vand.u32 $0x7C, v11  }
.Ltmp2:
0x5a: {  	v12 =	vld [tilespmem:s14+$0xFFFFFF90];
	v13 =	vmov s8;
	v15 =	vadd.s32 v2, v14;
	(pc) =	sbr.rel @!p3 .LBB2_5-.Ltmp2, $4  }
0x5b: {  	s29 =	simm.s32 $0x2;
	v11 =	vld [tilespmem:s14+$0xFFFFFFA0];
	v20 =	vand.u32 $0x7D, v13;
	v17 =	vadd.s32 v3, v14  }
0x5c: {  	v21 =	vmov s29;
	v13 =	vld [tilespmem:s14+$0xFFFFFFB0];
	v16 =	vadd.s32 v2, v20  }
0x5d: {  	s31 =	simm.s32 $0x7;
	s9 =	simm.s32 $0x8;
	v21 =	vand.u32 $0x7E, v21;
	v14 =	vld [tilespmem:s14+$0xFFFFFFC0];
	[tilespmem:v19+s17+$0x0] =	vst.idx.msk $0xffff, v18;
	v19 =	vadd.s32 v3, v20  }
0x5e: {  	p2 =	por $0x1, $0x1;
	s26 =	simm.s32 $0x4;
	v22 =	vmov s31;
	s8 =	simm.s32 $0x7470;
	v18 =	vld [tilespmem:s14+$0xFFFFFFD0];
	v20 =	vadd.s32 v2, v21;
	[tilespmem:v24+s17+$0x0] =	vst.idx.msk $0xffff, v23  }
.LBB2_6:
0x5f: {  	p3 =	slt.u32 s9, $0x7C;
	v22 =	vand.u32 $0x7F, v22;
	[tilespmem:v15+s17+$0x0] =	vst.idx.msk $0xffff, v12;
	v23 =	vld [tilespmem:s8+$0xFFFFFFE0];
	v21 =	vadd.s32 v3, v21;
	s8 =	sadd.s32 $0x80, s8  }
0x60: {  	v12 =	vmov s26;
	v24 =	vld [tilespmem:s8+$0xFFFFFFF0];
	v25 =	vadd.s32 v2, v22;
	[tilespmem:v17+s17+$0x0] =	vst.idx.msk $0xffff, v11  }
0x61: {  	s10 =	sadd.s32 $0x1, s26;
	v17 =	vand.u32 $0x7C, v12;
	v27 =	vadd.s32 v3, v22;
	v26 =	vld [tilespmem:s8+$0x0];
	[tilespmem:v16+s17+$0x0] =	vst.idx.msk $0xffff, v13  }
.Ltmp3:
0x62: {  	v15 =	vadd.s32 v2, v17;
	v13 =	vmov s10;
	v12 =	vld [tilespmem:s8+$0xFFFFFF90];
	[tilespmem:v19+s17+$0x0] =	vst.idx.msk $0xffff, v14;
	(pc) =	sbr.rel @p3 .LBB2_6-.Ltmp3, $4  }
0x63: {  	v17 =	vadd.s32 v3, v17;
	s10 =	sadd.s32 $0x2, s26;
	s26 =	smov.u32 s9;
	v19 =	vand.u32 $0x7D, v13;
	v11 =	vld [tilespmem:s8+$0xFFFFFFA0];
	[tilespmem:v20+s17+$0x0] =	vst.idx.msk $0xffff, v18  }
0x64: {  	v16 =	vadd.s32 v2, v19;
	v18 =	vmov s10;
	v13 =	vld [tilespmem:s8+$0xFFFFFFB0];
	[tilespmem:v21+s17+$0x0] =	vst.idx.msk $0xffff, v23  }
0x65: {  	s10 =	sadd.s32 $0x3, s9;
	v19 =	vadd.s32 v3, v19;
	v21 =	vand.u32 $0x7E, v18;
	v14 =	vld [tilespmem:s8+$0xFFFFFFC0];
	[tilespmem:v25+s17+$0x0] =	vst.idx.msk $0xffff, v24  }
0x66: {  	s9 =	sadd.s32 $0x4, s9;
	v22 =	vmov s10;
	v20 =	vadd.s32 v2, v21;
	v18 =	vld [tilespmem:s8+$0xFFFFFFD0];
	[tilespmem:v27+s17+$0x0] =	vst.idx.msk $0xffff, v26  }
.LBB2_7:
0x67: {  	_ =	sdelay $0x2  }
0x68: {  	s9 =	sadd.s32 @p2 $0x80, s8  }
0x69: {  	v23 =	vld @p2 [tilespmem:s8+$0xFFFFFFE0];
	v22 =	vand.u32 $0x7F, v22;
	[tilespmem:v15+s17+$0x0] =	vst.idx.msk @p2 $0xffff, v12;
	v12 =	vadd.s32 @p2 v3, v21;
	v47 =	vmov s26;
	s14 =	smov.u32 @p2 s9  }
0x6a: {  	v24 =	vadd.s32 v2, v22;
	[tilespmem:v17+s17+$0x0] =	vst.idx.msk @p2 $0xffff, v11;
	v11 =	vand.u32 $0x7C, v47;
	v48 =	vld [tilespmem:s14+$0xFFFFFFF0]  }
0x6b: {  	s29 =	sadd.s32 $0x1, s26;
	[tilespmem:v16+s17+$0x0] =	vst.idx.msk @p2 $0xffff, v13;
	v51 =	vld [tilespmem:s14+$0xFFFFFF90];
	v52 =	vadd.s32 v2, v11  }
0x6c: {  	s31 =	sadd.s32 $0x2, s26;
	v50 =	vadd.s32 v3, v22;
	v53 =	vmov s29;
	v49 =	vld [tilespmem:s14+$0x0];
	[tilespmem:v19+s17+$0x0] =	vst.idx.msk @p2 $0xffff, v14  }
0x6d: {  	v58 =	vmov s31;
	v54 =	vld [tilespmem:s14+$0xFFFFFFA0];
	v11 =	vadd.s32 v3, v11;
	v55 =	vand.u32 $0x7D, v53;
	[tilespmem:v20+s17+$0x0] =	vst.idx.msk @p2 $0xffff, v18  }
0x6e: {  	v56 =	vld [tilespmem:s14+$0xFFFFFFB0];
	v22 =	vand.u32 $0x7E, v58;
	v57 =	vadd.s32 v2, v55;
	[tilespmem:v12+s17+$0x0] =	vst.idx.msk @p2 $0xffff, v23  }
0x6f: {  	v60 =	vld [tilespmem:s14+$0xFFFFFFD0];
	v61 =	vadd.s32 v2, v22;
	[tilespmem:v24+s17+$0x0] =	vst.idx.msk $0xffff, v48  }
0x70: {  	v59 =	vld [tilespmem:s14+$0xFFFFFFC0];
	v19 =	vadd.s32 v3, v55;
	[tilespmem:v52+s17+$0x0] =	vst.idx.msk $0xffff, v51  }
0x71: {  	v62 =	vld [tilespmem:s14+$0xFFFFFFE0];
	v63 =	vadd.s32 v3, v22;
	[tilespmem:v50+s17+$0x0] =	vst.idx.msk $0xffff, v49  }
.Ltmp4:
0x72: {  	[tilespmem:v11+s17+$0x0] =	vst.idx.msk $0xffff, v54;
	(pc) =	sbr.rel @!p1 .LBB2_8-.Ltmp4, $4  }
0x73: {  	[tilespmem:v57+s17+$0x0] =	vst.idx.msk $0xffff, v56  }
0x74: {  	[tilespmem:v61+s17+$0x0] =	vst.idx.msk $0xffff, v60  }
0x75: {  	[tilespmem:v19+s17+$0x0] =	vst.idx.msk $0xffff, v59  }
0x76: {  	s14 =	simm.s32 $0x8470;
	[tilespmem:v63+s17+$0x0] =	vst.idx.msk $0xffff, v62  }
0x77: {  	v10 =	vand.u32 $0x7F, v10  }
0x78: {  	v18 =	vld [tilespmem:s14+$0xFFFFFFF0];
	v19 =	vadd.s32 v4, v10;
	v23 =	vadd.s32 v5, v10;
	v10 =	vmov s11  }
0x79: {  	v22 =	vld [tilespmem:s14+$0x0];
	s8 =	simm.s32 $0x1;
	p1 =	por $0x1, $0x1;
	v10 =	vand.u32 $0x7C, v10  }
.Ltmp5:
0x7a: {  	v13 =	vld [tilespmem:s14+$0xFFFFFF90];
	v12 =	vmov s8;
	v17 =	vadd.s32 v4, v10;
	(pc) =	sbr.rel @!p1 .LBB2_10-.Ltmp5, $4  }
0x7b: {  	v11 =	vld [tilespmem:s14+$0xFFFFFFA0];
	s29 =	simm.s32 $0x2;
	v20 =	vand.u32 $0x7D, v12;
	v16 =	vadd.s32 v5, v10  }
0x7c: {  	v21 =	vmov s29;
	v12 =	vld [tilespmem:s14+$0xFFFFFFB0];
	v15 =	vadd.s32 v4, v20  }
0x7d: {  	s31 =	simm.s32 $0x7;
	v14 =	vld [tilespmem:s14+$0xFFFFFFC0];
	v21 =	vand.u32 $0x7E, v21;
	[tilespmem:v19+s17+$0x0] =	vst.idx.msk $0xffff, v18;
	v19 =	vadd.s32 v5, v20  }
0x7e: {  	s9 =	simm.s32 $0x8;
	p0 =	por $0x1, $0x1;
	s8 =	simm.s32 $0x8470;
	v10 =	vmov s31;
	v18 =	vld [tilespmem:s14+$0xFFFFFFD0];
	v20 =	vadd.s32 v4, v21;
	[tilespmem:v23+s17+$0x0] =	vst.idx.msk $0xffff, v22  }
.LBB2_11:
0x7f: {  	p1 =	slt.u32 s9, $0x7C;
	v10 =	vand.u32 $0x7F, v10;
	[tilespmem:v17+s17+$0x0] =	vst.idx.msk $0xffff, v13;
	v22 =	vld [tilespmem:s8+$0xFFFFFFE0];
	v21 =	vadd.s32 v5, v21;
	s8 =	sadd.s32 $0x80, s8  }
0x80: {  	v13 =	vmov s5;
	v23 =	vld [tilespmem:s8+$0xFFFFFFF0];
	v24 =	vadd.s32 v4, v10;
	[tilespmem:v16+s17+$0x0] =	vst.idx.msk $0xffff, v11  }
0x81: {  	s10 =	sadd.s32 $0x1, s5;
	v16 =	vand.u32 $0x7C, v13;
	v26 =	vadd.s32 v5, v10;
	v25 =	vld [tilespmem:s8+$0x0];
	[tilespmem:v15+s17+$0x0] =	vst.idx.msk $0xffff, v12  }
.Ltmp6:
0x82: {  	v10 =	vmov s10;
	v17 =	vadd.s32 v4, v16;
	v13 =	vld [tilespmem:s8+$0xFFFFFF90];
	[tilespmem:v19+s17+$0x0] =	vst.idx.msk $0xffff, v14;
	(pc) =	sbr.rel @p1 .LBB2_11-.Ltmp6, $4  }
0x83: {  	s10 =	sadd.s32 $0x2, s5;
	s5 =	smov.u32 s9;
	v16 =	vadd.s32 v5, v16;
	v10 =	vand.u32 $0x7D, v10;
	v11 =	vld [tilespmem:s8+$0xFFFFFFA0];
	[tilespmem:v20+s17+$0x0] =	vst.idx.msk $0xffff, v18  }
0x84: {  	v15 =	vadd.s32 v4, v10;
	v18 =	vmov s10;
	v12 =	vld [tilespmem:s8+$0xFFFFFFB0];
	[tilespmem:v21+s17+$0x0] =	vst.idx.msk $0xffff, v22  }
0x85: {  	v19 =	vadd.s32 v5, v10;
	s10 =	sadd.s32 $0x3, s9;
	v21 =	vand.u32 $0x7E, v18;
	v14 =	vld [tilespmem:s8+$0xFFFFFFC0];
	[tilespmem:v24+s17+$0x0] =	vst.idx.msk $0xffff, v23  }
0x86: {  	s9 =	sadd.s32 $0x4, s9;
	v10 =	vmov s10;
	v20 =	vadd.s32 v4, v21;
	v18 =	vld [tilespmem:s8+$0xFFFFFFD0];
	[tilespmem:v26+s17+$0x0] =	vst.idx.msk $0xffff, v25  }
0x87: {  	s11 =	smov.u32 s5  }
.LBB2_13:
0x88: {  	_ =	sdelay $0x2  }
0x89: {  	s5 =	sadd.s32 @p0 $0x80, s8  }
0x8a: {  	v10 =	vand.u32 $0x7F, v10;
	[tilespmem:v17+s17+$0x0] =	vst.idx.msk @p0 $0xffff, v13;
	v13 =	vld @p0 [tilespmem:s8+$0xFFFFFFE0];
	v17 =	vadd.s32 @p0 v5, v21;
	v21 =	vmov s11;
	s14 =	smov.u32 @p0 s5  }
0x8b: {  	v23 =	vadd.s32 v4, v10;
	[tilespmem:v16+s17+$0x0] =	vst.idx.msk @p0 $0xffff, v11;
	v11 =	vand.u32 $0x7C, v21;
	v22 =	vld [tilespmem:s14+$0xFFFFFFF0]  }
0x8c: {  	s26 =	sadd.s32 $0x1, s11;
	[tilespmem:v15+s17+$0x0] =	vst.idx.msk @p0 $0xffff, v12;
	v12 =	vld [tilespmem:s14+$0xFFFFFF90];
	v15 =	vadd.s32 v4, v11  }
0x8d: {  	v10 =	vadd.s32 v5, v10;
	v21 =	vmov s26;
	v16 =	vld [tilespmem:s14+$0x0];
	[tilespmem:v19+s17+$0x0] =	vst.idx.msk @p0 $0xffff, v14  }
0x8e: {  	s29 =	sadd.s32 $0x2, s11;
	v14 =	vld [tilespmem:s14+$0xFFFFFFA0];
	v11 =	vadd.s32 v5, v11;
	v19 =	vand.u32 $0x7D, v21;
	[tilespmem:v20+s17+$0x0] =	vst.idx.msk @p0 $0xffff, v18  }
0x8f: {  	v21 =	vmov s29;
	v18 =	vld [tilespmem:s14+$0xFFFFFFB0];
	v20 =	vadd.s32 v4, v19;
	[tilespmem:v17+s17+$0x0] =	vst.idx.msk @p0 $0xffff, v13  }
0x90: {  	v13 =	vld [tilespmem:s14+$0xFFFFFFC0];
	v17 =	vadd.s32 v5, v19;
	v19 =	vand.u32 $0x7E, v21;
	[tilespmem:v23+s17+$0x0] =	vst.idx.msk $0xffff, v22  }
0x91: {  	v21 =	vld [tilespmem:s14+$0xFFFFFFD0];
	v22 =	vadd.s32 v4, v19;
	[tilespmem:v15+s17+$0x0] =	vst.idx.msk $0xffff, v12  }
0x92: {  	p1 =	por $0x1, $0x1;
	v12 =	vld [tilespmem:s14+$0xFFFFFFE0];
	v15 =	vadd.s32 v5, v19;
	[tilespmem:v10+s17+$0x0] =	vst.idx.msk $0xffff, v16  }
.Ltmp7:
0x93: {  	[tilespmem:v11+s17+$0x0] =	vst.idx.msk $0xffff, v14;
	(pc) =	sbr.rel @!p1 .LBB2_17-.Ltmp7, $4  }
0x94: {  	[tilespmem:v20+s17+$0x0] =	vst.idx.msk $0xffff, v18  }
0x95: {  	s11 =	simm.s32 $0x0;
	s31 =	simm.s32 $0x3;
	[tilespmem:v17+s17+$0x0] =	vst.idx.msk $0xffff, v13  }
0x96: {  	s8 =	simm.s32 $0x9470;
	p2 =	por $0x0, $0x0;
	s5 =	simm.s32 $0x4;
	v10 =	vmov s31;
	[tilespmem:v22+s17+$0x0] =	vst.idx.msk $0xffff, v21  }
0x97: {  	s26 =	simm.s32 $0x0;
	p0 =	por $0x0, $0x0;
	s14 =	simm.s32 $0x9470;
	v22 =	vmov v10;
	[tilespmem:v15+s17+$0x0] =	vst.idx.msk $0xffff, v12  }
0x98: {  	v11 =	vand.u32 $0x7F, v10  }
0x99: {  	v18 =	vld [tilespmem:s14+$0xFFFFFFF0];
	v19 =	vadd.s32 v6, v11;
	v24 =	vadd.s32 v7, v11;
	v11 =	vmov s11  }
0x9a: {  	v23 =	vld [tilespmem:s14+$0x0];
	s8 =	simm.s32 $0x1;
	p3 =	por $0x1, $0x1;
	v14 =	vand.u32 $0x7C, v11  }
.Ltmp8:
0x9b: {  	v12 =	vld [tilespmem:s14+$0xFFFFFF90];
	v13 =	vmov s8;
	v15 =	vadd.s32 v6, v14;
	(pc) =	sbr.rel @!p3 .LBB2_15-.Ltmp8, $4  }
0x9c: {  	s29 =	simm.s32 $0x2;
	v11 =	vld [tilespmem:s14+$0xFFFFFFA0];
	v20 =	vand.u32 $0x7D, v13;
	v17 =	vadd.s32 v7, v14  }
0x9d: {  	v21 =	vmov s29;
	v13 =	vld [tilespmem:s14+$0xFFFFFFB0];
	v16 =	vadd.s32 v6, v20  }
0x9e: {  	s31 =	simm.s32 $0x7;
	s9 =	simm.s32 $0x8;
	v21 =	vand.u32 $0x7E, v21;
	v14 =	vld [tilespmem:s14+$0xFFFFFFC0];
	[tilespmem:v19+s17+$0x0] =	vst.idx.msk $0xffff, v18;
	v19 =	vadd.s32 v7, v20  }
0x9f: {  	p2 =	por $0x1, $0x1;
	s26 =	simm.s32 $0x4;
	v22 =	vmov s31;
	s8 =	simm.s32 $0x9470;
	v18 =	vld [tilespmem:s14+$0xFFFFFFD0];
	v20 =	vadd.s32 v6, v21;
	[tilespmem:v24+s17+$0x0] =	vst.idx.msk $0xffff, v23  }
.LBB2_16:
0xa0: {  	p3 =	slt.u32 s9, $0x7C;
	v22 =	vand.u32 $0x7F, v22;
	[tilespmem:v15+s17+$0x0] =	vst.idx.msk $0xffff, v12;
	v23 =	vld [tilespmem:s8+$0xFFFFFFE0];
	v21 =	vadd.s32 v7, v21;
	s8 =	sadd.s32 $0x80, s8  }
0xa1: {  	v12 =	vmov s26;
	v24 =	vld [tilespmem:s8+$0xFFFFFFF0];
	v25 =	vadd.s32 v6, v22;
	[tilespmem:v17+s17+$0x0] =	vst.idx.msk $0xffff, v11  }
0xa2: {  	s10 =	sadd.s32 $0x1, s26;
	v17 =	vand.u32 $0x7C, v12;
	v27 =	vadd.s32 v7, v22;
	v26 =	vld [tilespmem:s8+$0x0];
	[tilespmem:v16+s17+$0x0] =	vst.idx.msk $0xffff, v13  }
.Ltmp9:
0xa3: {  	v15 =	vadd.s32 v6, v17;
	v13 =	vmov s10;
	v12 =	vld [tilespmem:s8+$0xFFFFFF90];
	[tilespmem:v19+s17+$0x0] =	vst.idx.msk $0xffff, v14;
	(pc) =	sbr.rel @p3 .LBB2_16-.Ltmp9, $4  }
0xa4: {  	v17 =	vadd.s32 v7, v17;
	s10 =	sadd.s32 $0x2, s26;
	s26 =	smov.u32 s9;
	v19 =	vand.u32 $0x7D, v13;
	v11 =	vld [tilespmem:s8+$0xFFFFFFA0];
	[tilespmem:v20+s17+$0x0] =	vst.idx.msk $0xffff, v18  }
0xa5: {  	v16 =	vadd.s32 v6, v19;
	v18 =	vmov s10;
	v13 =	vld [tilespmem:s8+$0xFFFFFFB0];
	[tilespmem:v21+s17+$0x0] =	vst.idx.msk $0xffff, v23  }
0xa6: {  	s10 =	sadd.s32 $0x3, s9;
	v19 =	vadd.s32 v7, v19;
	v21 =	vand.u32 $0x7E, v18;
	v14 =	vld [tilespmem:s8+$0xFFFFFFC0];
	[tilespmem:v25+s17+$0x0] =	vst.idx.msk $0xffff, v24  }
0xa7: {  	s9 =	sadd.s32 $0x4, s9;
	v22 =	vmov s10;
	v20 =	vadd.s32 v6, v21;
	v18 =	vld [tilespmem:s8+$0xFFFFFFD0];
	[tilespmem:v27+s17+$0x0] =	vst.idx.msk $0xffff, v26  }
.LBB2_17:
0xa8: {  	_ =	sdelay $0x2  }
0xa9: {  	s9 =	sadd.s32 @p2 $0x80, s8  }
0xaa: {  	v23 =	vld @p2 [tilespmem:s8+$0xFFFFFFE0];
	v22 =	vand.u32 $0x7F, v22;
	[tilespmem:v15+s17+$0x0] =	vst.idx.msk @p2 $0xffff, v12;
	v12 =	vadd.s32 @p2 v7, v21;
	v47 =	vmov s26;
	s14 =	smov.u32 @p2 s9  }
0xab: {  	v24 =	vadd.s32 v6, v22;
	[tilespmem:v17+s17+$0x0] =	vst.idx.msk @p2 $0xffff, v11;
	v11 =	vand.u32 $0x7C, v47;
	v48 =	vld [tilespmem:s14+$0xFFFFFFF0]  }
0xac: {  	s29 =	sadd.s32 $0x1, s26;
	[tilespmem:v16+s17+$0x0] =	vst.idx.msk @p2 $0xffff, v13;
	v51 =	vld [tilespmem:s14+$0xFFFFFF90];
	v52 =	vadd.s32 v6, v11  }
0xad: {  	s31 =	sadd.s32 $0x2, s26;
	v50 =	vadd.s32 v7, v22;
	v53 =	vmov s29;
	v49 =	vld [tilespmem:s14+$0x0];
	[tilespmem:v19+s17+$0x0] =	vst.idx.msk @p2 $0xffff, v14  }
0xae: {  	v58 =	vmov s31;
	v54 =	vld [tilespmem:s14+$0xFFFFFFA0];
	v11 =	vadd.s32 v7, v11;
	v55 =	vand.u32 $0x7D, v53;
	[tilespmem:v20+s17+$0x0] =	vst.idx.msk @p2 $0xffff, v18  }
0xaf: {  	v56 =	vld [tilespmem:s14+$0xFFFFFFB0];
	v22 =	vand.u32 $0x7E, v58;
	v57 =	vadd.s32 v6, v55;
	[tilespmem:v12+s17+$0x0] =	vst.idx.msk @p2 $0xffff, v23  }
0xb0: {  	v60 =	vld [tilespmem:s14+$0xFFFFFFD0];
	v61 =	vadd.s32 v6, v22;
	[tilespmem:v24+s17+$0x0] =	vst.idx.msk $0xffff, v48  }
0xb1: {  	v59 =	vld [tilespmem:s14+$0xFFFFFFC0];
	v19 =	vadd.s32 v7, v55;
	[tilespmem:v52+s17+$0x0] =	vst.idx.msk $0xffff, v51  }
0xb2: {  	v62 =	vld [tilespmem:s14+$0xFFFFFFE0];
	v63 =	vadd.s32 v7, v22;
	[tilespmem:v50+s17+$0x0] =	vst.idx.msk $0xffff, v49  }
.Ltmp10:
0xb3: {  	[tilespmem:v11+s17+$0x0] =	vst.idx.msk $0xffff, v54;
	(pc) =	sbr.rel @!p1 .LBB2_18-.Ltmp10, $4  }
0xb4: {  	[tilespmem:v57+s17+$0x0] =	vst.idx.msk $0xffff, v56  }
0xb5: {  	[tilespmem:v61+s17+$0x0] =	vst.idx.msk $0xffff, v60  }
0xb6: {  	[tilespmem:v19+s17+$0x0] =	vst.idx.msk $0xffff, v59  }
0xb7: {  	s14 =	simm.s32 $0xA470;
	[tilespmem:v63+s17+$0x0] =	vst.idx.msk $0xffff, v62  }
0xb8: {  	v10 =	vand.u32 $0x7F, v10  }
0xb9: {  	v18 =	vld [tilespmem:s14+$0xFFFFFFF0];
	v19 =	vadd.s32 v8, v10;
	v23 =	vadd.s32 v9, v10;
	v10 =	vmov s11  }
0xba: {  	v22 =	vld [tilespmem:s14+$0x0];
	s8 =	simm.s32 $0x1;
	p1 =	por $0x1, $0x1;
	v10 =	vand.u32 $0x7C, v10  }
.Ltmp11:
0xbb: {  	v13 =	vld [tilespmem:s14+$0xFFFFFF90];
	v12 =	vmov s8;
	v17 =	vadd.s32 v8, v10;
	(pc) =	sbr.rel @!p1 .LBB2_20-.Ltmp11, $4  }
0xbc: {  	v11 =	vld [tilespmem:s14+$0xFFFFFFA0];
	s29 =	simm.s32 $0x2;
	v20 =	vand.u32 $0x7D, v12;
	v16 =	vadd.s32 v9, v10  }
0xbd: {  	v21 =	vmov s29;
	v12 =	vld [tilespmem:s14+$0xFFFFFFB0];
	v15 =	vadd.s32 v8, v20  }
0xbe: {  	s31 =	simm.s32 $0x7;
	v14 =	vld [tilespmem:s14+$0xFFFFFFC0];
	v21 =	vand.u32 $0x7E, v21;
	[tilespmem:v19+s17+$0x0] =	vst.idx.msk $0xffff, v18;
	v19 =	vadd.s32 v9, v20  }
0xbf: {  	s9 =	simm.s32 $0x8;
	p0 =	por $0x1, $0x1;
	s8 =	simm.s32 $0xA470;
	v10 =	vmov s31;
	v18 =	vld [tilespmem:s14+$0xFFFFFFD0];
	v20 =	vadd.s32 v8, v21;
	[tilespmem:v23+s17+$0x0] =	vst.idx.msk $0xffff, v22  }
.LBB2_21:
0xc0: {  	p1 =	slt.u32 s9, $0x7C;
	v10 =	vand.u32 $0x7F, v10;
	[tilespmem:v17+s17+$0x0] =	vst.idx.msk $0xffff, v13;
	v22 =	vld [tilespmem:s8+$0xFFFFFFE0];
	v21 =	vadd.s32 v9, v21;
	s8 =	sadd.s32 $0x80, s8  }
0xc1: {  	v13 =	vmov s5;
	v23 =	vld [tilespmem:s8+$0xFFFFFFF0];
	v24 =	vadd.s32 v8, v10;
	[tilespmem:v16+s17+$0x0] =	vst.idx.msk $0xffff, v11  }
0xc2: {  	s10 =	sadd.s32 $0x1, s5;
	v16 =	vand.u32 $0x7C, v13;
	v26 =	vadd.s32 v9, v10;
	v25 =	vld [tilespmem:s8+$0x0];
	[tilespmem:v15+s17+$0x0] =	vst.idx.msk $0xffff, v12  }
.Ltmp12:
0xc3: {  	v10 =	vmov s10;
	v17 =	vadd.s32 v8, v16;
	v13 =	vld [tilespmem:s8+$0xFFFFFF90];
	[tilespmem:v19+s17+$0x0] =	vst.idx.msk $0xffff, v14;
	(pc) =	sbr.rel @p1 .LBB2_21-.Ltmp12, $4  }
0xc4: {  	s10 =	sadd.s32 $0x2, s5;
	s5 =	smov.u32 s9;
	v16 =	vadd.s32 v9, v16;
	v10 =	vand.u32 $0x7D, v10;
	v11 =	vld [tilespmem:s8+$0xFFFFFFA0];
	[tilespmem:v20+s17+$0x0] =	vst.idx.msk $0xffff, v18  }
0xc5: {  	v15 =	vadd.s32 v8, v10;
	v18 =	vmov s10;
	v12 =	vld [tilespmem:s8+$0xFFFFFFB0];
	[tilespmem:v21+s17+$0x0] =	vst.idx.msk $0xffff, v22  }
0xc6: {  	v19 =	vadd.s32 v9, v10;
	s10 =	sadd.s32 $0x3, s9;
	v21 =	vand.u32 $0x7E, v18;
	v14 =	vld [tilespmem:s8+$0xFFFFFFC0];
	[tilespmem:v24+s17+$0x0] =	vst.idx.msk $0xffff, v23  }
0xc7: {  	s9 =	sadd.s32 $0x4, s9;
	v10 =	vmov s10;
	v20 =	vadd.s32 v8, v21;
	v18 =	vld [tilespmem:s8+$0xFFFFFFD0];
	[tilespmem:v26+s17+$0x0] =	vst.idx.msk $0xffff, v25  }
0xc8: {  	s11 =	smov.u32 s5  }
.LBB2_23:
0xc9: {  	_ =	sdelay $0x2  }
0xca: {  	s5 =	sadd.s32 @p0 $0x80, s8  }
0xcb: {  	v10 =	vand.u32 $0x7F, v10;
	[tilespmem:v17+s17+$0x0] =	vst.idx.msk @p0 $0xffff, v13;
	v13 =	vld @p0 [tilespmem:s8+$0xFFFFFFE0];
	v17 =	vadd.s32 @p0 v9, v21;
	v48 =	vmov s11;
	s14 =	smov.u32 @p0 s5  }
0xcc: {  	v23 =	vadd.s32 v8, v10;
	[tilespmem:v16+s17+$0x0] =	vst.idx.msk @p0 $0xffff, v11;
	v11 =	vand.u32 $0x7C, v48;
	v22 =	vld [tilespmem:s14+$0xFFFFFFF0]  }
0xcd: {  	s9 =	sadd.s32 $0x1, s11;
	[tilespmem:v15+s17+$0x0] =	vst.idx.msk @p0 $0xffff, v12;
	v50 =	vld [tilespmem:s14+$0xFFFFFF90];
	v51 =	vadd.s32 v8, v11  }
0xce: {  	s10 =	sadd.s32 $0x2, s11;
	v10 =	vadd.s32 v9, v10;
	v52 =	vmov s9;
	v49 =	vld [tilespmem:s14+$0x0];
	[tilespmem:v19+s17+$0x0] =	vst.idx.msk @p0 $0xffff, v14  }
0xcf: {  	v57 =	vmov s10;
	v53 =	vld [tilespmem:s14+$0xFFFFFFA0];
	v11 =	vadd.s32 v9, v11;
	v54 =	vand.u32 $0x7D, v52;
	[tilespmem:v20+s17+$0x0] =	vst.idx.msk @p0 $0xffff, v18  }
0xd0: {  	v55 =	vld [tilespmem:s14+$0xFFFFFFB0];
	v60 =	vand.u32 $0x7E, v57;
	v56 =	vadd.s32 v8, v54;
	[tilespmem:v17+s17+$0x0] =	vst.idx.msk @p0 $0xffff, v13  }
0xd1: {  	v61 =	vld [tilespmem:s14+$0xFFFFFFD0];
	v62 =	vadd.s32 v8, v60;
	[tilespmem:v23+s17+$0x0] =	vst.idx.msk $0xffff, v22  }
0xd2: {  	v58 =	vld [tilespmem:s14+$0xFFFFFFC0];
	v59 =	vadd.s32 v9, v54;
	[tilespmem:v51+s17+$0x0] =	vst.idx.msk $0xffff, v50  }
0xd3: {  	v63 =	vadd.s32 v9, v60;
	[tilespmem:v10+s17+$0x0] =	vst.idx.msk $0xffff, v49;
	v10 =	vld [tilespmem:s14+$0xFFFFFFE0]  }
0xd4: {  	[tilespmem:v11+s17+$0x0] =	vst.idx.msk $0xffff, v53  }
0xd5: {  	[tilespmem:v56+s17+$0x0] =	vst.idx.msk $0xffff, v55  }
0xd6: {  	[tilespmem:v62+s17+$0x0] =	vst.idx.msk $0xffff, v61  }
0xd7: {  	[tilespmem:v59+s17+$0x0] =	vst.idx.msk $0xffff, v58  }
0xd8: {  	[tilespmem:v63+s17+$0x0] =	vst.idx.msk $0xffff, v10  }
0xd9: {  	s11 =	simm.s32 $0x10400;
	s7 =	rddreg [dreg:$0x4]  }
0xda: {  	[hbm4b:s7+s3] =	stream.linear.scatter [tilespmem:s11], [sflag:$0x4], $0x80, $0x38;
	[tilespmem:$0x1AE00] =	vst v63  }
0xdb: {  	s14 =	simm.s32 $0x10488;
	s26 =	sadd.s32 $0x10, s7  }
0xdc: {  	[hbm4b:s26+s3] =	stream.linear.scatter [tilespmem:s14], [sflag:$0x4], $0x80, $0x38;
	[tilespmem:$0x1AE00] =	vst v63  }
0xdd: {  	s29 =	simm.s32 $0x10510;
	s8 =	simm.s32 $0x10598;
	s31 =	sadd.s32 $0x20, s7  }
0xde: {  	[hbm4b:s31+s3] =	stream.linear.scatter [tilespmem:s29], [sflag:$0x4], $0x80, $0x38;
	[tilespmem:$0x1AE00] =	vst v63  }
0xdf: {  	s10 =	simm.s32 $0x10620;
	s5 =	simm.s32 $0x440;
	s9 =	sadd.s32 $0x30, s7  }
0xe0: {  	[hbm4b:s9+s3] =	stream.linear.scatter [tilespmem:s8], [sflag:$0x4], $0x80, $0x38;
	[tilespmem:$0x1AE00] =	vst v63  }
0xe1: {  	s11 =	sadd.s32 $0x40, s7;
	s14 =	simm.s32 $0x106A8;
	s26 =	sadd.s32 $0x50, s7  }
0xe2: {  	[hbm4b:s11+s3] =	stream.linear.scatter [tilespmem:s10], [sflag:$0x4], $0x80, $0x38;
	[tilespmem:$0x1AE00] =	vst v63  }
0xe3: {  	s29 =	simm.s32 $0x10730;
	s31 =	sadd.s32 $0x60, s7;
	s9 =	simm.s32 $0x2200  }
0xe4: {  	[hbm4b:s26+s3] =	stream.linear.scatter [tilespmem:s14], [sflag:$0x4], $0x80, $0x38;
	[tilespmem:$0x1AE00] =	vst v63  }
0xe5: {  	s8 =	sadd.s32 $0x1000, s7;
	s10 =	simm.s32 $0x107B8;
	s11 =	sadd.s32 $0x70, s7  }
0xe6: {  	[hbm4b:s31+s3] =	stream.linear.scatter [tilespmem:s29], [sflag:$0x4], $0x80, $0x38;
	[tilespmem:$0x1AE00] =	vst v63  }
.LBB2_24:
0xe7: {  	[hbm4b:s11+s3] =	stream.linear.scatter [tilespmem:s10], [sflag:$0x4], $0x80, $0x38;
	[tilespmem:$0x1AE00] =	vst v63  }
0xe8: {  	s10 =	smov.u32 s5;
	s5 =	smov.u32 s9  }
0xe9: {  	s14 =	sadd.s32 $0x1100, s9;
	s5 =	sshra.s32 s5, $0x2;
	s11 =	sadd.s32 $0x10400, s10  }
0xea: {  	[hbm4b:s8+s3] =	stream.linear.scatter [tilespmem:s11], [sflag:$0x4], $0x80, $0x38;
	[tilespmem:$0x1AE00] =	vst v63  }
0xeb: {  	p0 =	sne.s32 s9, $0x14300;
	s9 =	sadd.s32 $0x10488, s10;
	s11 =	sadd.s32 $0x10, s8  }
0xec: {  	[hbm4b:s11+s3] =	stream.linear.scatter [tilespmem:s9], [sflag:$0x4], $0x80, $0x38;
	[tilespmem:$0x1AE00] =	vst v63  }
0xed: {  	s9 =	sadd.s32 $0x10510, s10;
	s11 =	sadd.s32 $0x20, s8  }
0xee: {  	[hbm4b:s11+s3] =	stream.linear.scatter [tilespmem:s9], [sflag:$0x4], $0x80, $0x38;
	[tilespmem:$0x1AE00] =	vst v63  }
0xef: {  	s9 =	sadd.s32 $0x10598, s10;
	s11 =	sadd.s32 $0x30, s8  }
0xf0: {  	[hbm4b:s11+s3] =	stream.linear.scatter [tilespmem:s9], [sflag:$0x4], $0x80, $0x38;
	[tilespmem:$0x1AE00] =	vst v63  }
0xf1: {  	s9 =	sadd.s32 $0x10620, s10;
	s11 =	sadd.s32 $0x40, s8  }
0xf2: {  	[hbm4b:s11+s3] =	stream.linear.scatter [tilespmem:s9], [sflag:$0x4], $0x80, $0x38;
	[tilespmem:$0x1AE00] =	vst v63  }
.Ltmp13:
0xf3: {  	s9 =	sadd.s32 $0x106A8, s10;
	s11 =	sadd.s32 $0x50, s8;
	(pc) =	sbr.rel @p0 .LBB2_24-.Ltmp13, $4  }
0xf4: {  	[hbm4b:s11+s3] =	stream.linear.scatter [tilespmem:s9], [sflag:$0x4], $0x80, $0x38;
	[tilespmem:$0x1AE00] =	vst v63  }
0xf5: {  	s9 =	sadd.s32 $0x10730, s10;
	s11 =	sadd.s32 $0x60, s8;
	s10 =	sadd.s32 $0x107B8, s10  }
0xf6: {  	[hbm4b:s11+s3] =	stream.linear.scatter [tilespmem:s9], [sflag:$0x4], $0x80, $0x38;
	[tilespmem:$0x1AE00] =	vst v63  }
0xf7: {  	s11 =	sadd.s32 $0x70, s8;
	s8 =	sadd.s32 $0x1000, s8;
	s9 =	smov.u32 s14  }
0xf8: {  	[hbm4b:s11+s3] =	stream.linear.scatter [tilespmem:s10], [sflag:$0x4], $0x80, $0x38;
	[tilespmem:$0x1AE00] =	vst v63  }
0xf9: {  	s9 =	sadd.s32 $0x10400, s5  }
0xfa: {  	[hbm4b:s8+s3] =	stream.linear.scatter [tilespmem:s9], [sflag:$0x4], $0x80, $0x38;
	[tilespmem:$0x1AE00] =	vst v63  }
0xfb: {  	s31 =	sadd.s32 $0x10488, s5;
	s7 =	sadd.s32 $0x10, s8  }
0xfc: {  	[hbm4b:s7+s3] =	stream.linear.scatter [tilespmem:s31], [sflag:$0x4], $0x80, $0x38;
	[tilespmem:$0x1AE00] =	vst v63  }
0xfd: {  	s11 =	sadd.s32 $0x10510, s5;
	s14 =	sadd.s32 $0x20, s8  }
0xfe: {  	[hbm4b:s14+s3] =	stream.linear.scatter [tilespmem:s11], [sflag:$0x4], $0x80, $0x38;
	[tilespmem:$0x1AE00] =	vst v63  }
0xff: {  	s26 =	sadd.s32 $0x10598, s5;
	s29 =	sadd.s32 $0x30, s8  }
0x100: {  	[hbm4b:s29+s3] =	stream.linear.scatter [tilespmem:s26], [sflag:$0x4], $0x80, $0x38;
	[tilespmem:$0x1AE00] =	vst v63  }
0x101: {  	s31 =	sadd.s32 $0x10620, s5;
	s7 =	sadd.s32 $0x40, s8  }
0x102: {  	[hbm4b:s7+s3] =	stream.linear.scatter [tilespmem:s31], [sflag:$0x4], $0x80, $0x38;
	[tilespmem:$0x1AE00] =	vst v63  }
0x103: {  	s11 =	sadd.s32 $0x106A8, s5;
	s14 =	sadd.s32 $0x50, s8  }
0x104: {  	[hbm4b:s14+s3] =	stream.linear.scatter [tilespmem:s11], [sflag:$0x4], $0x80, $0x38;
	[tilespmem:$0x1AE00] =	vst v63  }
0x105: {  	s26 =	sadd.s32 $0x10730, s5;
	s29 =	sadd.s32 $0x60, s8  }
0x106: {  	[hbm4b:s29+s3] =	stream.linear.scatter [tilespmem:s26], [sflag:$0x4], $0x80, $0x38;
	[tilespmem:$0x1AE00] =	vst v63  }
0x107: {  	s31 =	sadd.s32 $0x107B8, s5;
	s7 =	sadd.s32 $0x70, s8  }
0x108: {  	[hbm4b:s7+s3] =	stream.linear.scatter [tilespmem:s31], [sflag:$0x4], $0x80, $0x38;
	[tilespmem:$0x1AE00] =	vst v63  }
0x109: {  	_ =	swait.ge [sflag:s19], $0x1000  }
0x10a: {  	[sflag:s19] =	ssyncset.done $0x0  }
0x10b: {  	[sflag:s19] =	ssyncadd.s32 $0xFFFFF000  }
0x10c: {  	_ =	swait.ge [sflag:s19], $0x1000  }
0x10d: {  	[sflag:s19] =	ssyncset.done $0x0  }
0x10e: {  	[sflag:s19] =	ssyncadd.s32 $0xFFFFF000  }
0x10f: {  	_ =	swait.ge [sflag:s19], $0x1000  }
0x110: {  	[sflag:s19] =	ssyncset.done $0x0  }
0x111: {  	[sflag:s19] =	ssyncadd.s32 $0xFFFFF000  }
0x112: {  	_ =	swait.ge [sflag:s19], $0x1000  }
0x113: {  	[sflag:s19] =	ssyncset.done $0x0  }
0x114: {  	[sflag:s19] =	ssyncadd.s32 $0xFFFFF000  }
0x115: {  	_ =	swait.ge [sflag:s19], $0x1000  }
0x116: {  	[sflag:s19] =	ssyncset.done $0x0  }
0x117: {  	s8 =	simm.s32 $0x500;
	[sflag:s19] =	ssyncadd.s32 $0xFFFFF000  }
0x118: {  	[tilespmem:s15], [sflag:$0x2] =	stream.indirect.gather [hbm4b:s4+s12], $0x20, s8, s12, $0xb8;
	[tilespmem:$0x1AE00] =	vst v63  }
0x119: {  	s9 =	simm.s32 $0x580  }
0x11a: {  	[tilespmem:s16], [sflag:$0x2] =	stream.indirect.gather [hbm4b:s4+s12], $0x20, s9, s12, $0xb8;
	[tilespmem:$0x1AE00] =	vst v63  }
0x11b: {  	s10 =	simm.s32 $0x600  }
0x11c: {  	[tilespmem:s18], [sflag:$0x2] =	stream.indirect.gather [hbm4b:s4+s12], $0x20, s10, s12, $0xb8;
	[tilespmem:$0x1AE00] =	vst v63  }
0x11d: {  	s11 =	simm.s32 $0x680;
	s14 =	simm.s32 $0x3  }
0x11e: {  	[tilespmem:s20], [sflag:$0x2] =	stream.indirect.gather [hbm4b:s4+s12], $0x20, s11, s12, $0xb8;
	[tilespmem:$0x1AE00] =	vst v63  }
0x11f: {  	v10 =	vmov s14;
	s14 =	simm.s32 $0xB440;
	s26 =	simm.s32 $0x0;
	s7 =	simm.s32 $0x700  }
0x120: {  	v10 =	vand.u32 $0x7F, v10;
	[tilespmem:s22], [sflag:$0x2] =	stream.indirect.gather [hbm4b:s4+s12], $0x20, s7, s12, $0xb8;
	[tilespmem:$0x1AE00] =	vst v63  }
0x121: {  	v21 =	vadd.s32 v0, v10;
	v11 =	vmov s26;
	v18 =	vld [tilespmem:s14+$0x20]  }
0x122: {  	s29 =	simm.s32 $0x1;
	v27 =	vadd.s32 v1, v10;
	v11 =	vand.u32 $0x7C, v11;
	v26 =	vld [tilespmem:s14+$0x30]  }
0x123: {  	v12 =	vmov s29;
	v23 =	vadd.s32 v0, v11;
	v19 =	vld [tilespmem:s14+$0xFFFFFFC0]  }
0x124: {  	s31 =	simm.s32 $0x2;
	v12 =	vand.u32 $0x7D, v12;
	v20 =	vadd.s32 v1, v11;
	v14 =	vld [tilespmem:s14+$0xFFFFFFD0]  }
0x125: {  	v13 =	vmov s31;
	v17 =	vadd.s32 v0, v12;
	v15 =	vld [tilespmem:s14+$0xFFFFFFE0]  }
0x126: {  	v24 =	vand.u32 $0x7E, v13;
	s11 =	simm.s32 $0x7;
	v16 =	vld [tilespmem:s14+$0xFFFFFFF0];
	[tilespmem:v21+s1+$0x0] =	vst.idx.msk $0xffff, v18;
	v21 =	vadd.s32 v1, v12  }
0x127: {  	s5 =	simm.s32 $0x4;
	v22 =	vadd.s32 v0, v24;
	s8 =	simm.s32 $0x4;
	s9 =	simm.s32 $0x8;
	v25 =	vmov s11;
	v18 =	vld [tilespmem:s14+$0x0];
	[tilespmem:v27+s1+$0x0] =	vst.idx.msk $0xffff, v26  }
.LBB2_26:
0x128: {  	p0 =	slt.u32 s9, $0x7C;
	v25 =	vand.u32 $0x7F, v25;
	[tilespmem:v23+s1+$0x0] =	vst.idx.msk $0xffff, v19;
	v26 =	vld [tilespmem:s14+$0x10];
	v24 =	vadd.s32 v1, v24;
	s14 =	sadd.s32 $0x80, s14  }
0x129: {  	v19 =	vmov s8;
	v27 =	vld [tilespmem:s14+$0x20];
	v28 =	vadd.s32 v0, v25;
	[tilespmem:v20+s1+$0x0] =	vst.idx.msk $0xffff, v14  }
0x12a: {  	s10 =	sadd.s32 $0x1, s8;
	v20 =	vand.u32 $0x7C, v19;
	v30 =	vadd.s32 v1, v25;
	v29 =	vld [tilespmem:s14+$0x30];
	[tilespmem:v17+s1+$0x0] =	vst.idx.msk $0xffff, v15  }
.Ltmp14:
0x12b: {  	v23 =	vadd.s32 v0, v20;
	v15 =	vmov s10;
	v19 =	vld [tilespmem:s14+$0xFFFFFFC0];
	[tilespmem:v21+s1+$0x0] =	vst.idx.msk $0xffff, v16;
	(pc) =	sbr.rel @p0 .LBB2_26-.Ltmp14, $4  }
0x12c: {  	v20 =	vadd.s32 v1, v20;
	s10 =	sadd.s32 $0x2, s8;
	s8 =	smov.u32 s9;
	v21 =	vand.u32 $0x7D, v15;
	v14 =	vld [tilespmem:s14+$0xFFFFFFD0];
	[tilespmem:v22+s1+$0x0] =	vst.idx.msk $0xffff, v18  }
0x12d: {  	v17 =	vadd.s32 v0, v21;
	v18 =	vmov s10;
	v15 =	vld [tilespmem:s14+$0xFFFFFFE0];
	[tilespmem:v24+s1+$0x0] =	vst.idx.msk $0xffff, v26  }
0x12e: {  	s10 =	sadd.s32 $0x3, s9;
	v21 =	vadd.s32 v1, v21;
	v24 =	vand.u32 $0x7E, v18;
	v16 =	vld [tilespmem:s14+$0xFFFFFFF0];
	[tilespmem:v28+s1+$0x0] =	vst.idx.msk $0xffff, v27  }
0x12f: {  	s9 =	sadd.s32 $0x4, s9;
	v25 =	vmov s10;
	v22 =	vadd.s32 v0, v24;
	v18 =	vld [tilespmem:s14+$0x0];
	[tilespmem:v30+s1+$0x0] =	vst.idx.msk $0xffff, v29  }
0x130: {  	_ =	sdelay $0x3  }
0x131: {  	v25 =	vand.u32 $0x7F, v25;
	[tilespmem:v23+s1+$0x0] =	vst.idx.msk $0xffff, v19;
	v19 =	vld [tilespmem:s14+$0x10];
	v23 =	vadd.s32 v1, v24;
	s9 =	sadd.s32 $0x80, s14  }
0x132: {  	v58 =	vmov s8;
	v26 =	vld [tilespmem:s9+$0x20];
	v27 =	vadd.s32 v0, v25;
	[tilespmem:v20+s1+$0x0] =	vst.idx.msk $0xffff, v14  }
0x133: {  	s10 =	sadd.s32 $0x1, s8;
	v14 =	vand.u32 $0x7C, v58;
	v20 =	vld [tilespmem:s9+$0x30];
	v59 =	vadd.s32 v1, v25;
	[tilespmem:v17+s1+$0x0] =	vst.idx.msk $0xffff, v15  }
0x134: {  	v60 =	vmov s10;
	v15 =	vld [tilespmem:s9+$0xFFFFFFC0];
	v17 =	vadd.s32 v0, v14;
	[tilespmem:v21+s1+$0x0] =	vst.idx.msk $0xffff, v16  }
0x135: {  	s31 =	sadd.s32 $0x2, s8;
	v14 =	vadd.s32 v1, v14;
	v16 =	vld [tilespmem:s9+$0xFFFFFFD0];
	v21 =	vand.u32 $0x7D, v60;
	[tilespmem:v22+s1+$0x0] =	vst.idx.msk $0xffff, v18  }
0x136: {  	v61 =	vmov s31;
	v18 =	vld [tilespmem:s9+$0xFFFFFFE0];
	v22 =	vadd.s32 v0, v21;
	[tilespmem:v23+s1+$0x0] =	vst.idx.msk $0xffff, v19  }
0x137: {  	v21 =	vadd.s32 v1, v21;
	v19 =	vld [tilespmem:s9+$0xFFFFFFF0];
	v23 =	vand.u32 $0x7E, v61;
	[tilespmem:v27+s1+$0x0] =	vst.idx.msk $0xffff, v26  }
0x138: {  	v62 =	vld [tilespmem:s9+$0x0];
	v63 =	vadd.s32 v0, v23;
	[tilespmem:v59+s1+$0x0] =	vst.idx.msk $0xffff, v20  }
0x139: {  	[tilespmem:v17+s1+$0x0] =	vst.idx.msk $0xffff, v15;
	v15 =	vld [tilespmem:s9+$0x10];
	v17 =	vadd.s32 v1, v23  }
0x13a: {  	[tilespmem:v14+s1+$0x0] =	vst.idx.msk $0xffff, v16  }
0x13b: {  	[tilespmem:v22+s1+$0x0] =	vst.idx.msk $0xffff, v18  }
0x13c: {  	[tilespmem:v21+s1+$0x0] =	vst.idx.msk $0xffff, v19  }
0x13d: {  	[tilespmem:v63+s1+$0x0] =	vst.idx.msk $0xffff, v62  }
0x13e: {  	s8 =	simm.s32 $0xC470;
	[tilespmem:v17+s1+$0x0] =	vst.idx.msk $0xffff, v15  }
0x13f: {  	v21 =	vadd.s32 v2, v10;
	v16 =	vld [tilespmem:s8+$0xFFFFFFF0]  }
0x140: {  	v23 =	vadd.s32 v3, v10;
	v22 =	vld [tilespmem:s8+$0x0]  }
0x141: {  	v19 =	vadd.s32 v2, v11;
	v18 =	vld [tilespmem:s8+$0xFFFFFF90]  }
0x142: {  	v17 =	vadd.s32 v3, v11;
	v14 =	vld [tilespmem:s8+$0xFFFFFFA0]  }
0x143: {  	v15 =	vadd.s32 v2, v12;
	v10 =	vld [tilespmem:s8+$0xFFFFFFB0]  }
0x144: {  	v20 =	vand.u32 $0x7E, v13;
	v13 =	vadd.s32 v3, v12;
	v11 =	vld [tilespmem:s8+$0xFFFFFFC0];
	[tilespmem:v21+s1+$0x0] =	vst.idx.msk $0xffff, v16  }
0x145: {  	s9 =	simm.s32 $0x8;
	v12 =	vld [tilespmem:s8+$0xFFFFFFD0];
	v21 =	vmov s11;
	v16 =	vadd.s32 v2, v20;
	[tilespmem:v23+s1+$0x0] =	vst.idx.msk $0xffff, v22  }
.LBB2_28:
0x146: {  	p0 =	slt.u32 s9, $0x7C;
	v21 =	vand.u32 $0x7F, v21;
	[tilespmem:v19+s1+$0x0] =	vst.idx.msk $0xffff, v18;
	v22 =	vld [tilespmem:s8+$0xFFFFFFE0];
	v20 =	vadd.s32 v3, v20;
	s8 =	sadd.s32 $0x80, s8  }
0x147: {  	v18 =	vmov s5;
	v23 =	vld [tilespmem:s8+$0xFFFFFFF0];
	v24 =	vadd.s32 v2, v21;
	[tilespmem:v17+s1+$0x0] =	vst.idx.msk $0xffff, v14  }
0x148: {  	s10 =	sadd.s32 $0x1, s5;
	v17 =	vand.u32 $0x7C, v18;
	v26 =	vadd.s32 v3, v21;
	v25 =	vld [tilespmem:s8+$0x0];
	[tilespmem:v15+s1+$0x0] =	vst.idx.msk $0xffff, v10  }
.Ltmp15:
0x149: {  	v19 =	vadd.s32 v2, v17;
	v10 =	vmov s10;
	v18 =	vld [tilespmem:s8+$0xFFFFFF90];
	[tilespmem:v13+s1+$0x0] =	vst.idx.msk $0xffff, v11;
	(pc) =	sbr.rel @p0 .LBB2_28-.Ltmp15, $4  }
0x14a: {  	v17 =	vadd.s32 v3, v17;
	s10 =	sadd.s32 $0x2, s5;
	s5 =	smov.u32 s9;
	v13 =	vand.u32 $0x7D, v10;
	v14 =	vld [tilespmem:s8+$0xFFFFFFA0];
	[tilespmem:v16+s1+$0x0] =	vst.idx.msk $0xffff, v12  }
0x14b: {  	v15 =	vadd.s32 v2, v13;
	v12 =	vmov s10;
	v10 =	vld [tilespmem:s8+$0xFFFFFFB0];
	[tilespmem:v20+s1+$0x0] =	vst.idx.msk $0xffff, v22  }
0x14c: {  	s10 =	sadd.s32 $0x3, s9;
	v13 =	vadd.s32 v3, v13;
	v20 =	vand.u32 $0x7E, v12;
	v11 =	vld [tilespmem:s8+$0xFFFFFFC0];
	[tilespmem:v24+s1+$0x0] =	vst.idx.msk $0xffff, v23  }
0x14d: {  	s9 =	sadd.s32 $0x4, s9;
	v21 =	vmov s10;
	v16 =	vadd.s32 v2, v20;
	v12 =	vld [tilespmem:s8+$0xFFFFFFD0];
	[tilespmem:v26+s1+$0x0] =	vst.idx.msk $0xffff, v25  }
0x14e: {  	_ =	sdelay $0x3  }
0x14f: {  	v21 =	vand.u32 $0x7F, v21;
	[tilespmem:v19+s1+$0x0] =	vst.idx.msk $0xffff, v18;
	v18 =	vld [tilespmem:s8+$0xFFFFFFE0];
	v19 =	vadd.s32 v3, v20;
	s26 =	sadd.s32 $0x80, s8  }
0x150: {  	v20 =	vmov s5;
	v22 =	vld [tilespmem:s26+$0xFFFFFFF0];
	v23 =	vadd.s32 v2, v21;
	[tilespmem:v17+s1+$0x0] =	vst.idx.msk $0xffff, v14  }
0x151: {  	s9 =	sadd.s32 $0x1, s5;
	v14 =	vand.u32 $0x7C, v20;
	v17 =	vld [tilespmem:s26+$0x0];
	v20 =	vadd.s32 v3, v21;
	[tilespmem:v15+s1+$0x0] =	vst.idx.msk $0xffff, v10  }
0x152: {  	v21 =	vmov s9;
	v10 =	vld [tilespmem:s26+$0xFFFFFF90];
	v15 =	vadd.s32 v2, v14;
	[tilespmem:v13+s1+$0x0] =	vst.idx.msk $0xffff, v11  }
0x153: {  	s29 =	sadd.s32 $0x2, s5;
	v11 =	vld [tilespmem:s26+$0xFFFFFFA0];
	v13 =	vadd.s32 v3, v14;
	v14 =	vand.u32 $0x7D, v21;
	[tilespmem:v16+s1+$0x0] =	vst.idx.msk $0xffff, v12  }
0x154: {  	v21 =	vmov s29;
	v12 =	vld [tilespmem:s26+$0xFFFFFFB0];
	v16 =	vadd.s32 v2, v14;
	[tilespmem:v19+s1+$0x0] =	vst.idx.msk $0xffff, v18  }
0x155: {  	v14 =	vadd.s32 v3, v14;
	v18 =	vld [tilespmem:s26+$0xFFFFFFC0];
	v19 =	vand.u32 $0x7E, v21;
	[tilespmem:v23+s1+$0x0] =	vst.idx.msk $0xffff, v22  }
0x156: {  	v21 =	vld [tilespmem:s26+$0xFFFFFFD0];
	v22 =	vadd.s32 v2, v19;
	[tilespmem:v20+s1+$0x0] =	vst.idx.msk $0xffff, v17  }
0x157: {  	p1 =	por $0x1, $0x1;
	[tilespmem:v15+s1+$0x0] =	vst.idx.msk $0xffff, v10;
	v15 =	vld [tilespmem:s26+$0xFFFFFFE0];
	v17 =	vadd.s32 v3, v19  }
.Ltmp16:
0x158: {  	[tilespmem:v13+s1+$0x0] =	vst.idx.msk $0xffff, v11;
	(pc) =	sbr.rel @!p1 .LBB2_33-.Ltmp16, $4  }
0x159: {  	[tilespmem:v16+s1+$0x0] =	vst.idx.msk $0xffff, v12  }
0x15a: {  	s11 =	simm.s32 $0x0;
	s31 =	simm.s32 $0x3;
	[tilespmem:v14+s1+$0x0] =	vst.idx.msk $0xffff, v18  }
0x15b: {  	s14 =	simm.s32 $0xD470;
	s5 =	simm.s32 $0x4;
	p0 =	por $0x0, $0x0;
	v10 =	vmov s31;
	[tilespmem:v22+s1+$0x0] =	vst.idx.msk $0xffff, v21  }
0x15c: {  	s8 =	simm.s32 $0xD470;
	p2 =	por $0x0, $0x0;
	s26 =	simm.s32 $0x0;
	v22 =	vmov v10;
	[tilespmem:v17+s1+$0x0] =	vst.idx.msk $0xffff, v15  }
0x15d: {  	v11 =	vand.u32 $0x7F, v10  }
0x15e: {  	v18 =	vld [tilespmem:s14+$0xFFFFFFF0];
	v19 =	vadd.s32 v4, v11;
	v24 =	vadd.s32 v5, v11;
	v11 =	vmov s11  }
0x15f: {  	v23 =	vld [tilespmem:s14+$0x0];
	s8 =	simm.s32 $0x1;
	p3 =	por $0x1, $0x1;
	v14 =	vand.u32 $0x7C, v11  }
.Ltmp17:
0x160: {  	v12 =	vld [tilespmem:s14+$0xFFFFFF90];
	v13 =	vmov s8;
	v15 =	vadd.s32 v4, v14;
	(pc) =	sbr.rel @!p3 .LBB2_31-.Ltmp17, $4  }
0x161: {  	s29 =	simm.s32 $0x2;
	v11 =	vld [tilespmem:s14+$0xFFFFFFA0];
	v20 =	vand.u32 $0x7D, v13;
	v17 =	vadd.s32 v5, v14  }
0x162: {  	v21 =	vmov s29;
	v13 =	vld [tilespmem:s14+$0xFFFFFFB0];
	v16 =	vadd.s32 v4, v20  }
0x163: {  	s31 =	simm.s32 $0x7;
	s9 =	simm.s32 $0x8;
	v21 =	vand.u32 $0x7E, v21;
	v14 =	vld [tilespmem:s14+$0xFFFFFFC0];
	[tilespmem:v19+s1+$0x0] =	vst.idx.msk $0xffff, v18;
	v19 =	vadd.s32 v5, v20  }
0x164: {  	p2 =	por $0x1, $0x1;
	s26 =	simm.s32 $0x4;
	v22 =	vmov s31;
	s8 =	simm.s32 $0xD470;
	v18 =	vld [tilespmem:s14+$0xFFFFFFD0];
	v20 =	vadd.s32 v4, v21;
	[tilespmem:v24+s1+$0x0] =	vst.idx.msk $0xffff, v23  }
.LBB2_32:
0x165: {  	p3 =	slt.u32 s9, $0x7C;
	v22 =	vand.u32 $0x7F, v22;
	[tilespmem:v15+s1+$0x0] =	vst.idx.msk $0xffff, v12;
	v23 =	vld [tilespmem:s8+$0xFFFFFFE0];
	v21 =	vadd.s32 v5, v21;
	s8 =	sadd.s32 $0x80, s8  }
0x166: {  	v12 =	vmov s26;
	v24 =	vld [tilespmem:s8+$0xFFFFFFF0];
	v25 =	vadd.s32 v4, v22;
	[tilespmem:v17+s1+$0x0] =	vst.idx.msk $0xffff, v11  }
0x167: {  	s10 =	sadd.s32 $0x1, s26;
	v17 =	vand.u32 $0x7C, v12;
	v27 =	vadd.s32 v5, v22;
	v26 =	vld [tilespmem:s8+$0x0];
	[tilespmem:v16+s1+$0x0] =	vst.idx.msk $0xffff, v13  }
.Ltmp18:
0x168: {  	v15 =	vadd.s32 v4, v17;
	v13 =	vmov s10;
	v12 =	vld [tilespmem:s8+$0xFFFFFF90];
	[tilespmem:v19+s1+$0x0] =	vst.idx.msk $0xffff, v14;
	(pc) =	sbr.rel @p3 .LBB2_32-.Ltmp18, $4  }
0x169: {  	v17 =	vadd.s32 v5, v17;
	s10 =	sadd.s32 $0x2, s26;
	s26 =	smov.u32 s9;
	v19 =	vand.u32 $0x7D, v13;
	v11 =	vld [tilespmem:s8+$0xFFFFFFA0];
	[tilespmem:v20+s1+$0x0] =	vst.idx.msk $0xffff, v18  }
0x16a: {  	v16 =	vadd.s32 v4, v19;
	v18 =	vmov s10;
	v13 =	vld [tilespmem:s8+$0xFFFFFFB0];
	[tilespmem:v21+s1+$0x0] =	vst.idx.msk $0xffff, v23  }
0x16b: {  	s10 =	sadd.s32 $0x3, s9;
	v19 =	vadd.s32 v5, v19;
	v21 =	vand.u32 $0x7E, v18;
	v14 =	vld [tilespmem:s8+$0xFFFFFFC0];
	[tilespmem:v25+s1+$0x0] =	vst.idx.msk $0xffff, v24  }
0x16c: {  	s9 =	sadd.s32 $0x4, s9;
	v22 =	vmov s10;
	v20 =	vadd.s32 v4, v21;
	v18 =	vld [tilespmem:s8+$0xFFFFFFD0];
	[tilespmem:v27+s1+$0x0] =	vst.idx.msk $0xffff, v26  }
.LBB2_33:
0x16d: {  	_ =	sdelay $0x2  }
0x16e: {  	s9 =	sadd.s32 @p2 $0x80, s8  }
0x16f: {  	v23 =	vld @p2 [tilespmem:s8+$0xFFFFFFE0];
	v22 =	vand.u32 $0x7F, v22;
	[tilespmem:v15+s1+$0x0] =	vst.idx.msk @p2 $0xffff, v12;
	v12 =	vadd.s32 @p2 v5, v21;
	v47 =	vmov s26;
	s14 =	smov.u32 @p2 s9  }
0x170: {  	v24 =	vadd.s32 v4, v22;
	[tilespmem:v17+s1+$0x0] =	vst.idx.msk @p2 $0xffff, v11;
	v11 =	vand.u32 $0x7C, v47;
	v48 =	vld [tilespmem:s14+$0xFFFFFFF0]  }
0x171: {  	s29 =	sadd.s32 $0x1, s26;
	[tilespmem:v16+s1+$0x0] =	vst.idx.msk @p2 $0xffff, v13;
	v51 =	vld [tilespmem:s14+$0xFFFFFF90];
	v52 =	vadd.s32 v4, v11  }
0x172: {  	s31 =	sadd.s32 $0x2, s26;
	v50 =	vadd.s32 v5, v22;
	v53 =	vmov s29;
	v49 =	vld [tilespmem:s14+$0x0];
	[tilespmem:v19+s1+$0x0] =	vst.idx.msk @p2 $0xffff, v14  }
0x173: {  	v58 =	vmov s31;
	v54 =	vld [tilespmem:s14+$0xFFFFFFA0];
	v11 =	vadd.s32 v5, v11;
	v55 =	vand.u32 $0x7D, v53;
	[tilespmem:v20+s1+$0x0] =	vst.idx.msk @p2 $0xffff, v18  }
0x174: {  	v56 =	vld [tilespmem:s14+$0xFFFFFFB0];
	v22 =	vand.u32 $0x7E, v58;
	v57 =	vadd.s32 v4, v55;
	[tilespmem:v12+s1+$0x0] =	vst.idx.msk @p2 $0xffff, v23  }
0x175: {  	v60 =	vld [tilespmem:s14+$0xFFFFFFD0];
	v61 =	vadd.s32 v4, v22;
	[tilespmem:v24+s1+$0x0] =	vst.idx.msk $0xffff, v48  }
0x176: {  	v59 =	vld [tilespmem:s14+$0xFFFFFFC0];
	v19 =	vadd.s32 v5, v55;
	[tilespmem:v52+s1+$0x0] =	vst.idx.msk $0xffff, v51  }
0x177: {  	v62 =	vld [tilespmem:s14+$0xFFFFFFE0];
	v63 =	vadd.s32 v5, v22;
	[tilespmem:v50+s1+$0x0] =	vst.idx.msk $0xffff, v49  }
.Ltmp19:
0x178: {  	[tilespmem:v11+s1+$0x0] =	vst.idx.msk $0xffff, v54;
	(pc) =	sbr.rel @!p1 .LBB2_34-.Ltmp19, $4  }
0x179: {  	[tilespmem:v57+s1+$0x0] =	vst.idx.msk $0xffff, v56  }
0x17a: {  	[tilespmem:v61+s1+$0x0] =	vst.idx.msk $0xffff, v60  }
0x17b: {  	[tilespmem:v19+s1+$0x0] =	vst.idx.msk $0xffff, v59  }
0x17c: {  	s14 =	simm.s32 $0xE470;
	[tilespmem:v63+s1+$0x0] =	vst.idx.msk $0xffff, v62  }
0x17d: {  	v10 =	vand.u32 $0x7F, v10  }
0x17e: {  	v18 =	vld [tilespmem:s14+$0xFFFFFFF0];
	v19 =	vadd.s32 v6, v10;
	v23 =	vadd.s32 v7, v10;
	v10 =	vmov s11  }
0x17f: {  	v22 =	vld [tilespmem:s14+$0x0];
	s8 =	simm.s32 $0x1;
	p1 =	por $0x1, $0x1;
	v10 =	vand.u32 $0x7C, v10  }
.Ltmp20:
0x180: {  	v12 =	vld [tilespmem:s14+$0xFFFFFF90];
	v13 =	vmov s8;
	v16 =	vadd.s32 v6, v10;
	(pc) =	sbr.rel @!p1 .LBB2_36-.Ltmp20, $4  }
0x181: {  	v11 =	vld [tilespmem:s14+$0xFFFFFFA0];
	s29 =	simm.s32 $0x2;
	v20 =	vand.u32 $0x7D, v13;
	v17 =	vadd.s32 v7, v10  }
0x182: {  	v21 =	vmov s29;
	v13 =	vld [tilespmem:s14+$0xFFFFFFB0];
	v15 =	vadd.s32 v6, v20  }
0x183: {  	s31 =	simm.s32 $0x7;
	v14 =	vld [tilespmem:s14+$0xFFFFFFC0];
	v21 =	vand.u32 $0x7E, v21;
	[tilespmem:v19+s1+$0x0] =	vst.idx.msk $0xffff, v18;
	v19 =	vadd.s32 v7, v20  }
0x184: {  	s9 =	simm.s32 $0x8;
	p0 =	por $0x1, $0x1;
	s8 =	simm.s32 $0xE470;
	v10 =	vmov s31;
	v18 =	vld [tilespmem:s14+$0xFFFFFFD0];
	v20 =	vadd.s32 v6, v21;
	[tilespmem:v23+s1+$0x0] =	vst.idx.msk $0xffff, v22  }
.LBB2_37:
0x185: {  	p1 =	slt.u32 s9, $0x7C;
	v10 =	vand.u32 $0x7F, v10;
	[tilespmem:v16+s1+$0x0] =	vst.idx.msk $0xffff, v12;
	v22 =	vld [tilespmem:s8+$0xFFFFFFE0];
	v21 =	vadd.s32 v7, v21;
	s8 =	sadd.s32 $0x80, s8  }
0x186: {  	v12 =	vmov s5;
	v23 =	vld [tilespmem:s8+$0xFFFFFFF0];
	v24 =	vadd.s32 v6, v10;
	[tilespmem:v17+s1+$0x0] =	vst.idx.msk $0xffff, v11  }
0x187: {  	s10 =	sadd.s32 $0x1, s5;
	v17 =	vand.u32 $0x7C, v12;
	v26 =	vadd.s32 v7, v10;
	v25 =	vld [tilespmem:s8+$0x0];
	[tilespmem:v15+s1+$0x0] =	vst.idx.msk $0xffff, v13  }
.Ltmp21:
0x188: {  	v10 =	vmov s10;
	v16 =	vadd.s32 v6, v17;
	v12 =	vld [tilespmem:s8+$0xFFFFFF90];
	[tilespmem:v19+s1+$0x0] =	vst.idx.msk $0xffff, v14;
	(pc) =	sbr.rel @p1 .LBB2_37-.Ltmp21, $4  }
0x189: {  	s10 =	sadd.s32 $0x2, s5;
	s5 =	smov.u32 s9;
	v17 =	vadd.s32 v7, v17;
	v10 =	vand.u32 $0x7D, v10;
	v11 =	vld [tilespmem:s8+$0xFFFFFFA0];
	[tilespmem:v20+s1+$0x0] =	vst.idx.msk $0xffff, v18  }
0x18a: {  	v15 =	vadd.s32 v6, v10;
	v18 =	vmov s10;
	v13 =	vld [tilespmem:s8+$0xFFFFFFB0];
	[tilespmem:v21+s1+$0x0] =	vst.idx.msk $0xffff, v22  }
0x18b: {  	v19 =	vadd.s32 v7, v10;
	s10 =	sadd.s32 $0x3, s9;
	v21 =	vand.u32 $0x7E, v18;
	v14 =	vld [tilespmem:s8+$0xFFFFFFC0];
	[tilespmem:v24+s1+$0x0] =	vst.idx.msk $0xffff, v23  }
0x18c: {  	s9 =	sadd.s32 $0x4, s9;
	v10 =	vmov s10;
	v20 =	vadd.s32 v6, v21;
	v18 =	vld [tilespmem:s8+$0xFFFFFFD0];
	[tilespmem:v26+s1+$0x0] =	vst.idx.msk $0xffff, v25  }
0x18d: {  	s11 =	smov.u32 s5  }
.LBB2_39:
0x18e: {  	_ =	sdelay $0x2  }
0x18f: {  	s5 =	sadd.s32 @p0 $0x80, s8  }
0x190: {  	v22 =	vld @p0 [tilespmem:s8+$0xFFFFFFE0];
	v10 =	vand.u32 $0x7F, v10;
	[tilespmem:v16+s1+$0x0] =	vst.idx.msk @p0 $0xffff, v12;
	v12 =	vadd.s32 @p0 v7, v21;
	v54 =	vmov s11;
	s14 =	smov.u32 @p0 s5  }
0x191: {  	v23 =	vadd.s32 v6, v10;
	[tilespmem:v17+s1+$0x0] =	vst.idx.msk @p0 $0xffff, v11;
	v11 =	vand.u32 $0x7C, v54;
	v21 =	vld [tilespmem:s14+$0xFFFFFFF0]  }
0x192: {  	s26 =	sadd.s32 $0x1, s11;
	[tilespmem:v15+s1+$0x0] =	vst.idx.msk @p0 $0xffff, v13;
	v56 =	vld [tilespmem:s14+$0xFFFFFF90];
	v57 =	vadd.s32 v6, v11  }
0x193: {  	v10 =	vadd.s32 v7, v10;
	v58 =	vmov s26;
	v55 =	vld [tilespmem:s14+$0x0];
	[tilespmem:v19+s1+$0x0] =	vst.idx.msk @p0 $0xffff, v14  }
0x194: {  	s29 =	sadd.s32 $0x2, s11;
	v59 =	vld [tilespmem:s14+$0xFFFFFFA0];
	v11 =	vadd.s32 v7, v11;
	v17 =	vand.u32 $0x7D, v58;
	[tilespmem:v20+s1+$0x0] =	vst.idx.msk @p0 $0xffff, v18  }
0x195: {  	v60 =	vld [tilespmem:s14+$0xFFFFFFB0];
	v61 =	vadd.s32 v6, v17;
	v20 =	vmov s29;
	[tilespmem:v12+s1+$0x0] =	vst.idx.msk @p0 $0xffff, v22  }
0x196: {  	v62 =	vld [tilespmem:s14+$0xFFFFFFC0];
	v17 =	vadd.s32 v7, v17;
	v20 =	vand.u32 $0x7E, v20;
	[tilespmem:v23+s1+$0x0] =	vst.idx.msk $0xffff, v21  }
0x197: {  	v22 =	vadd.s32 v6, v20;
	v21 =	vld [tilespmem:s14+$0xFFFFFFD0];
	[tilespmem:v57+s1+$0x0] =	vst.idx.msk $0xffff, v56  }
0x198: {  	p1 =	por $0x1, $0x1;
	v63 =	vadd.s32 v7, v20;
	[tilespmem:v10+s1+$0x0] =	vst.idx.msk $0xffff, v55;
	v10 =	vld [tilespmem:s14+$0xFFFFFFE0]  }
.Ltmp22:
0x199: {  	[tilespmem:v11+s1+$0x0] =	vst.idx.msk $0xffff, v59;
	(pc) =	sbr.rel @!p1 .LBB2_40-.Ltmp22, $4  }
0x19a: {  	[tilespmem:v61+s1+$0x0] =	vst.idx.msk $0xffff, v60  }
0x19b: {  	[tilespmem:v17+s1+$0x0] =	vst.idx.msk $0xffff, v62  }
0x19c: {  	s10 =	simm.s32 $0x0;
	s31 =	simm.s32 $0x3;
	[tilespmem:v22+s1+$0x0] =	vst.idx.msk $0xffff, v21  }
0x19d: {  	s8 =	simm.s32 $0x4;
	s5 =	simm.s32 $0xF470;
	p0 =	por $0x0, $0x0;
	v21 =	vmov s31;
	[tilespmem:v63+s1+$0x0] =	vst.idx.msk $0xffff, v10  }
0x19e: {  	v10 =	vand.u32 $0x7F, v21  }
0x19f: {  	v17 =	vld [tilespmem:s5+$0xFFFFFFF0];
	v18 =	vadd.s32 v8, v10;
	v23 =	vadd.s32 v9, v10;
	v10 =	vmov s10  }
0x1a0: {  	v22 =	vld [tilespmem:s5+$0x0];
	s9 =	simm.s32 $0x1;
	p1 =	por $0x1, $0x1;
	v13 =	vand.u32 $0x7C, v10  }
.Ltmp23:
0x1a1: {  	v12 =	vld [tilespmem:s5+$0xFFFFFF90];
	v11 =	vmov s9;
	v16 =	vadd.s32 v8, v13;
	(pc) =	sbr.rel @!p1 .LBB2_42-.Ltmp23, $4  }
0x1a2: {  	s29 =	simm.s32 $0x2;
	v10 =	vld [tilespmem:s5+$0xFFFFFFA0];
	v19 =	vand.u32 $0x7D, v11;
	v15 =	vadd.s32 v9, v13  }
0x1a3: {  	v20 =	vmov s29;
	v11 =	vld [tilespmem:s5+$0xFFFFFFB0];
	v14 =	vadd.s32 v8, v19  }
0x1a4: {  	s31 =	simm.s32 $0x7;
	v20 =	vand.u32 $0x7E, v20;
	v13 =	vld [tilespmem:s5+$0xFFFFFFC0];
	[tilespmem:v18+s1+$0x0] =	vst.idx.msk $0xffff, v17;
	v18 =	vadd.s32 v9, v19  }
0x1a5: {  	p0 =	por $0x1, $0x1;
	v21 =	vmov s31;
	s10 =	simm.s32 $0x8;
	s9 =	simm.s32 $0xF470;
	v17 =	vld [tilespmem:s5+$0xFFFFFFD0];
	v19 =	vadd.s32 v8, v20;
	[tilespmem:v23+s1+$0x0] =	vst.idx.msk $0xffff, v22  }
.LBB2_43:
0x1a6: {  	p1 =	slt.u32 s10, $0x7C;
	v21 =	vand.u32 $0x7F, v21;
	[tilespmem:v16+s1+$0x0] =	vst.idx.msk $0xffff, v12;
	v22 =	vld [tilespmem:s9+$0xFFFFFFE0];
	v20 =	vadd.s32 v9, v20;
	s9 =	sadd.s32 $0x80, s9  }
0x1a7: {  	v12 =	vmov s8;
	v23 =	vld [tilespmem:s9+$0xFFFFFFF0];
	v24 =	vadd.s32 v8, v21;
	[tilespmem:v15+s1+$0x0] =	vst.idx.msk $0xffff, v10  }
0x1a8: {  	s11 =	sadd.s32 $0x1, s8;
	v15 =	vand.u32 $0x7C, v12;
	v26 =	vadd.s32 v9, v21;
	v25 =	vld [tilespmem:s9+$0x0];
	[tilespmem:v14+s1+$0x0] =	vst.idx.msk $0xffff, v11  }
.Ltmp24:
0x1a9: {  	v16 =	vadd.s32 v8, v15;
	v11 =	vmov s11;
	v12 =	vld [tilespmem:s9+$0xFFFFFF90];
	[tilespmem:v18+s1+$0x0] =	vst.idx.msk $0xffff, v13;
	(pc) =	sbr.rel @p1 .LBB2_43-.Ltmp24, $4  }
0x1aa: {  	v15 =	vadd.s32 v9, v15;
	s11 =	sadd.s32 $0x2, s8;
	s8 =	smov.u32 s10;
	v18 =	vand.u32 $0x7D, v11;
	v10 =	vld [tilespmem:s9+$0xFFFFFFA0];
	[tilespmem:v19+s1+$0x0] =	vst.idx.msk $0xffff, v17  }
0x1ab: {  	v14 =	vadd.s32 v8, v18;
	v17 =	vmov s11;
	v11 =	vld [tilespmem:s9+$0xFFFFFFB0];
	[tilespmem:v20+s1+$0x0] =	vst.idx.msk $0xffff, v22  }
0x1ac: {  	s11 =	sadd.s32 $0x3, s10;
	v18 =	vadd.s32 v9, v18;
	v20 =	vand.u32 $0x7E, v17;
	v13 =	vld [tilespmem:s9+$0xFFFFFFC0];
	[tilespmem:v24+s1+$0x0] =	vst.idx.msk $0xffff, v23  }
0x1ad: {  	s10 =	sadd.s32 $0x4, s10;
	v21 =	vmov s11;
	v19 =	vadd.s32 v8, v20;
	v17 =	vld [tilespmem:s9+$0xFFFFFFD0];
	[tilespmem:v26+s1+$0x0] =	vst.idx.msk $0xffff, v25  }
0x1ae: {  	s10 =	smov.u32 s8  }
.LBB2_45:
0x1af: {  	_ =	sdelay $0x2  }
0x1b0: {  	s8 =	sadd.s32 @p0 $0x80, s9  }
0x1b1: {  	v21 =	vand.u32 $0x7F, v21;
	[tilespmem:v16+s1+$0x0] =	vst.idx.msk @p0 $0xffff, v12;
	v12 =	vld @p0 [tilespmem:s9+$0xFFFFFFE0];
	v16 =	vadd.s32 @p0 v9, v20;
	v48 =	vmov s10;
	s5 =	smov.u32 @p0 s8  }
0x1b2: {  	v23 =	vadd.s32 v8, v21;
	[tilespmem:v15+s1+$0x0] =	vst.idx.msk @p0 $0xffff, v10;
	v10 =	vand.u32 $0x7C, v48;
	v22 =	vld [tilespmem:s5+$0xFFFFFFF0]  }
0x1b3: {  	s9 =	sadd.s32 $0x1, s10;
	[tilespmem:v14+s1+$0x0] =	vst.idx.msk @p0 $0xffff, v11;
	v11 =	vld [tilespmem:s5+$0xFFFFFF90];
	v51 =	vadd.s32 v8, v10  }
0x1b4: {  	s10 =	sadd.s32 $0x2, s10;
	v50 =	vadd.s32 v9, v21;
	v52 =	vmov s9;
	v49 =	vld [tilespmem:s5+$0x0];
	[tilespmem:v18+s1+$0x0] =	vst.idx.msk @p0 $0xffff, v13  }
0x1b5: {  	v57 =	vmov s10;
	v53 =	vld [tilespmem:s5+$0xFFFFFFA0];
	v10 =	vadd.s32 v9, v10;
	v54 =	vand.u32 $0x7D, v52;
	[tilespmem:v19+s1+$0x0] =	vst.idx.msk @p0 $0xffff, v17  }
0x1b6: {  	v55 =	vld [tilespmem:s5+$0xFFFFFFB0];
	v60 =	vand.u32 $0x7E, v57;
	v56 =	vadd.s32 v8, v54;
	[tilespmem:v16+s1+$0x0] =	vst.idx.msk @p0 $0xffff, v12  }
0x1b7: {  	v61 =	vld [tilespmem:s5+$0xFFFFFFD0];
	v62 =	vadd.s32 v8, v60;
	[tilespmem:v23+s1+$0x0] =	vst.idx.msk $0xffff, v22  }
0x1b8: {  	v58 =	vld [tilespmem:s5+$0xFFFFFFC0];
	v59 =	vadd.s32 v9, v54;
	[tilespmem:v51+s1+$0x0] =	vst.idx.msk $0xffff, v11  }
0x1b9: {  	v63 =	vadd.s32 v9, v60;
	v11 =	vld [tilespmem:s5+$0xFFFFFFE0];
	[tilespmem:v50+s1+$0x0] =	vst.idx.msk $0xffff, v49  }
0x1ba: {  	[tilespmem:v10+s1+$0x0] =	vst.idx.msk $0xffff, v53  }
0x1bb: {  	[tilespmem:v56+s1+$0x0] =	vst.idx.msk $0xffff, v55  }
0x1bc: {  	[tilespmem:v62+s1+$0x0] =	vst.idx.msk $0xffff, v61  }
0x1bd: {  	[tilespmem:v59+s1+$0x0] =	vst.idx.msk $0xffff, v58  }
0x1be: {  	[tilespmem:v63+s1+$0x0] =	vst.idx.msk $0xffff, v11  }
0x1bf: {  	s11 =	simm.s32 $0x15900;
	s7 =	rddreg [dreg:$0x5]  }
0x1c0: {  	[hbm4b:s7+s3] =	stream.linear.scatter [tilespmem:s11], [sflag:$0x5], $0x80, $0x38;
	[tilespmem:$0x1AE00] =	vst v63  }
0x1c1: {  	s14 =	simm.s32 $0x15988;
	s26 =	sadd.s32 $0x10, s7  }
0x1c2: {  	[hbm4b:s26+s3] =	stream.linear.scatter [tilespmem:s14], [sflag:$0x5], $0x80, $0x38;
	[tilespmem:$0x1AE00] =	vst v63  }
0x1c3: {  	s29 =	simm.s32 $0x15A10;
	s8 =	simm.s32 $0x15A98;
	s31 =	sadd.s32 $0x20, s7  }
0x1c4: {  	[hbm4b:s31+s3] =	stream.linear.scatter [tilespmem:s29], [sflag:$0x5], $0x80, $0x38;
	[tilespmem:$0x1AE00] =	vst v63  }
0x1c5: {  	s10 =	simm.s32 $0x15B20;
	s5 =	simm.s32 $0x440;
	s9 =	sadd.s32 $0x30, s7  }
0x1c6: {  	[hbm4b:s9+s3] =	stream.linear.scatter [tilespmem:s8], [sflag:$0x5], $0x80, $0x38;
	[tilespmem:$0x1AE00] =	vst v63  }
0x1c7: {  	s11 =	sadd.s32 $0x40, s7;
	s14 =	simm.s32 $0x15BA8;
	s26 =	sadd.s32 $0x50, s7  }
0x1c8: {  	[hbm4b:s11+s3] =	stream.linear.scatter [tilespmem:s10], [sflag:$0x5], $0x80, $0x38;
	[tilespmem:$0x1AE00] =	vst v63  }
0x1c9: {  	s29 =	simm.s32 $0x15C30;
	s31 =	sadd.s32 $0x60, s7;
	s9 =	simm.s32 $0x2200  }
0x1ca: {  	[hbm4b:s26+s3] =	stream.linear.scatter [tilespmem:s14], [sflag:$0x5], $0x80, $0x38;
	[tilespmem:$0x1AE00] =	vst v63  }
0x1cb: {  	s8 =	sadd.s32 $0x1000, s7;
	s10 =	simm.s32 $0x15CB8;
	s11 =	sadd.s32 $0x70, s7  }
0x1cc: {  	[hbm4b:s31+s3] =	stream.linear.scatter [tilespmem:s29], [sflag:$0x5], $0x80, $0x38;
	[tilespmem:$0x1AE00] =	vst v63  }
.LBB2_46:
0x1cd: {  	[hbm4b:s11+s3] =	stream.linear.scatter [tilespmem:s10], [sflag:$0x5], $0x80, $0x38;
	[tilespmem:$0x1AE00] =	vst v63  }
0x1ce: {  	s10 =	smov.u32 s5;
	s5 =	smov.u32 s9  }
0x1cf: {  	s14 =	sadd.s32 $0x1100, s9;
	s5 =	sshra.s32 s5, $0x2;
	s11 =	sadd.s32 $0x15900, s10  }
0x1d0: {  	[hbm4b:s8+s3] =	stream.linear.scatter [tilespmem:s11], [sflag:$0x5], $0x80, $0x38;
	[tilespmem:$0x1AE00] =	vst v63  }
0x1d1: {  	p0 =	sne.s32 s9, $0x14300;
	s9 =	sadd.s32 $0x15988, s10;
	s11 =	sadd.s32 $0x10, s8  }
0x1d2: {  	[hbm4b:s11+s3] =	stream.linear.scatter [tilespmem:s9], [sflag:$0x5], $0x80, $0x38;
	[tilespmem:$0x1AE00] =	vst v63  }
0x1d3: {  	s9 =	sadd.s32 $0x15A10, s10;
	s11 =	sadd.s32 $0x20, s8  }
0x1d4: {  	[hbm4b:s11+s3] =	stream.linear.scatter [tilespmem:s9], [sflag:$0x5], $0x80, $0x38;
	[tilespmem:$0x1AE00] =	vst v63  }
0x1d5: {  	s9 =	sadd.s32 $0x15A98, s10;
	s11 =	sadd.s32 $0x30, s8  }
0x1d6: {  	[hbm4b:s11+s3] =	stream.linear.scatter [tilespmem:s9], [sflag:$0x5], $0x80, $0x38;
	[tilespmem:$0x1AE00] =	vst v63  }
0x1d7: {  	s9 =	sadd.s32 $0x15B20, s10;
	s11 =	sadd.s32 $0x40, s8  }
0x1d8: {  	[hbm4b:s11+s3] =	stream.linear.scatter [tilespmem:s9], [sflag:$0x5], $0x80, $0x38;
	[tilespmem:$0x1AE00] =	vst v63  }
.Ltmp25:
0x1d9: {  	s9 =	sadd.s32 $0x15BA8, s10;
	s11 =	sadd.s32 $0x50, s8;
	(pc) =	sbr.rel @p0 .LBB2_46-.Ltmp25, $4  }
0x1da: {  	[hbm4b:s11+s3] =	stream.linear.scatter [tilespmem:s9], [sflag:$0x5], $0x80, $0x38;
	[tilespmem:$0x1AE00] =	vst v63  }
0x1db: {  	s9 =	sadd.s32 $0x15C30, s10;
	s11 =	sadd.s32 $0x60, s8;
	s10 =	sadd.s32 $0x15CB8, s10  }
0x1dc: {  	[hbm4b:s11+s3] =	stream.linear.scatter [tilespmem:s9], [sflag:$0x5], $0x80, $0x38;
	[tilespmem:$0x1AE00] =	vst v63  }
0x1dd: {  	s11 =	sadd.s32 $0x70, s8;
	s8 =	sadd.s32 $0x1000, s8;
	s9 =	smov.u32 s14  }
0x1de: {  	[hbm4b:s11+s3] =	stream.linear.scatter [tilespmem:s10], [sflag:$0x5], $0x80, $0x38;
	[tilespmem:$0x1AE00] =	vst v63  }
0x1df: {  	s9 =	sadd.s32 $0x15900, s5  }
0x1e0: {  	[hbm4b:s8+s3] =	stream.linear.scatter [tilespmem:s9], [sflag:$0x5], $0x80, $0x38;
	[tilespmem:$0x1AE00] =	vst v63  }
0x1e1: {  	s31 =	sadd.s32 $0x15988, s5;
	s7 =	sadd.s32 $0x10, s8  }
0x1e2: {  	[hbm4b:s7+s3] =	stream.linear.scatter [tilespmem:s31], [sflag:$0x5], $0x80, $0x38;
	[tilespmem:$0x1AE00] =	vst v63  }
0x1e3: {  	s11 =	sadd.s32 $0x15A10, s5;
	s14 =	sadd.s32 $0x20, s8  }
0x1e4: {  	[hbm4b:s14+s3] =	stream.linear.scatter [tilespmem:s11], [sflag:$0x5], $0x80, $0x38;
	[tilespmem:$0x1AE00] =	vst v63  }
0x1e5: {  	s26 =	sadd.s32 $0x15A98, s5;
	s29 =	sadd.s32 $0x30, s8  }
0x1e6: {  	[hbm4b:s29+s3] =	stream.linear.scatter [tilespmem:s26], [sflag:$0x5], $0x80, $0x38;
	[tilespmem:$0x1AE00] =	vst v63  }
0x1e7: {  	s31 =	sadd.s32 $0x15B20, s5;
	s7 =	sadd.s32 $0x40, s8  }
0x1e8: {  	[hbm4b:s7+s3] =	stream.linear.scatter [tilespmem:s31], [sflag:$0x5], $0x80, $0x38;
	[tilespmem:$0x1AE00] =	vst v63  }
0x1e9: {  	s10 =	sadd.s32 $0x15BA8, s5;
	s11 =	sadd.s32 $0x50, s8  }
0x1ea: {  	[hbm4b:s11+s3] =	stream.linear.scatter [tilespmem:s10], [sflag:$0x5], $0x80, $0x38;
	[tilespmem:$0x1AE00] =	vst v63  }
0x1eb: {  	s14 =	sadd.s32 $0x15C30, s5;
	s26 =	sadd.s32 $0x60, s8  }
0x1ec: {  	[hbm4b:s26+s3] =	stream.linear.scatter [tilespmem:s14], [sflag:$0x5], $0x80, $0x38;
	[tilespmem:$0x1AE00] =	vst v63  }
0x1ed: {  	s29 =	sadd.s32 $0x15CB8, s5;
	s31 =	sadd.s32 $0x70, s8;
	s26 =	simm.s32 $0x1  }
0x1ee: {  	[hbm4b:s31+s3] =	stream.linear.scatter [tilespmem:s29], [sflag:$0x5], $0x80, $0x38;
	[tilespmem:$0x1AE00] =	vst v63  }
.LBB2_48:
0x1ef: {  	_ =	swait.ge [sflag:s23], $0x1000  }
0x1f0: {  	[sflag:s23] =	ssyncset.done $0x0  }
0x1f1: {  	[sflag:s23] =	ssyncadd.s32 $0xFFFFF000  }
0x1f2: {  	_ =	swait.ge [sflag:s23], $0x1000  }
0x1f3: {  	[sflag:s23] =	ssyncset.done $0x0  }
0x1f4: {  	[sflag:s23] =	ssyncadd.s32 $0xFFFFF000  }
0x1f5: {  	_ =	swait.ge [sflag:s23], $0x1000  }
0x1f6: {  	[sflag:s23] =	ssyncset.done $0x0  }
0x1f7: {  	[sflag:s23] =	ssyncadd.s32 $0xFFFFF000  }
0x1f8: {  	_ =	swait.ge [sflag:s23], $0x1000  }
0x1f9: {  	s5 =	smul.u32 $0xA, s26;
	[sflag:s23] =	ssyncset.done $0x0  }
0x1fa: {  	[sflag:s23] =	ssyncadd.s32 $0xFFFFF000  }
0x1fb: {  	s29 =	sadd.s32 $0x5, s5;
	_ =	swait.ge [sflag:s23], $0x1000  }
0x1fc: {  	s5 =	sshll.u32 s29, $0x7;
	[sflag:s23] =	ssyncset.done $0x0  }
0x1fd: {  	s8 =	smul.u32 $0x1400, s26;
	s5 =	sand.u32 $0x3FFFFF80, s5;
	[sflag:s23] =	ssyncadd.s32 $0xFFFFF000  }
0x1fe: {  	[tilespmem:s25], [sflag:$0x3] =	stream.indirect.gather [hbm4b:s4+s12], $0x20, s5, s12, $0xb8;
	[tilespmem:$0x1AE00] =	vst v63  }
0x1ff: {  	s5 =	sshra.s32 s8, $0x2  }
0x200: {  	s8 =	sadd.s32 $0x300, s5  }
0x201: {  	[tilespmem:s28], [sflag:$0x3] =	stream.indirect.gather [hbm4b:s4+s12], $0x20, s8, s12, $0xb8;
	[tilespmem:$0x1AE00] =	vst v63  }
0x202: {  	s11 =	sadd.s32 $0x380, s5  }
0x203: {  	[tilespmem:s30], [sflag:$0x3] =	stream.indirect.gather [hbm4b:s4+s12], $0x20, s11, s12, $0xb8;
	[tilespmem:$0x1AE00] =	vst v63  }
0x204: {  	s14 =	sadd.s32 $0x400, s5  }
0x205: {  	[tilespmem:s0], [sflag:$0x3] =	stream.indirect.gather [hbm4b:s4+s12], $0x20, s14, s12, $0xb8;
	[tilespmem:$0x1AE00] =	vst v63  }
0x206: {  	s7 =	sadd.s32 $0x480, s5  }
0x207: {  	[tilespmem:s13], [sflag:$0x3] =	stream.indirect.gather [hbm4b:s4+s12], $0x20, s7, s12, $0xb8;
	[tilespmem:$0x1AE00] =	vst v63  }
0x208: {  	s9 =	simm.s32 $0x3;
	_ =	swait.ge [sflag:s21], $0x5000  }
0x209: {  	v10 =	vmov s9;
	[sflag:s21] =	ssyncset.done $0x0  }
0x20a: {  	s31 =	simm.s32 $0x6440;
	s10 =	simm.s32 $0x0;
	v10 =	vand.u32 $0x7F, v10;
	[sflag:s21] =	ssyncadd.s32 $0xFFFFB000  }
0x20b: {  	v11 =	vmov s10;
	v21 =	vadd.s32 v0, v10;
	v18 =	vld [tilespmem:s31+$0x20]  }
0x20c: {  	v11 =	vand.u32 $0x7C, v11;
	v27 =	vadd.s32 v1, v10;
	s11 =	simm.s32 $0x1;
	v26 =	vld [tilespmem:s31+$0x30]  }
0x20d: {  	v23 =	vadd.s32 v0, v11;
	v12 =	vmov s11;
	v19 =	vld [tilespmem:s31+$0xFFFFFFC0]  }
0x20e: {  	v20 =	vadd.s32 v1, v11;
	s14 =	simm.s32 $0x2;
	v12 =	vand.u32 $0x7D, v12;
	v14 =	vld [tilespmem:s31+$0xFFFFFFD0]  }
0x20f: {  	v13 =	vmov s14;
	v17 =	vadd.s32 v0, v12;
	v15 =	vld [tilespmem:s31+$0xFFFFFFE0]  }
0x210: {  	s14 =	simm.s32 $0x7;
	v24 =	vand.u32 $0x7E, v13;
	v16 =	vld [tilespmem:s31+$0xFFFFFFF0];
	[tilespmem:v21+s17+$0x0] =	vst.idx.msk $0xffff, v18;
	v21 =	vadd.s32 v1, v12  }
0x211: {  	s9 =	simm.s32 $0x8;
	s8 =	simm.s32 $0x4;
	s11 =	simm.s32 $0x4;
	v25 =	vmov s14;
	v22 =	vadd.s32 v0, v24;
	v18 =	vld [tilespmem:s31+$0x0];
	[tilespmem:v27+s17+$0x0] =	vst.idx.msk $0xffff, v26  }
.LBB2_49:
0x212: {  	p0 =	slt.u32 s9, $0x7C;
	v25 =	vand.u32 $0x7F, v25;
	[tilespmem:v23+s17+$0x0] =	vst.idx.msk $0xffff, v19;
	v26 =	vld [tilespmem:s31+$0x10];
	v24 =	vadd.s32 v1, v24;
	s31 =	sadd.s32 $0x80, s31  }
0x213: {  	v19 =	vmov s8;
	v27 =	vld [tilespmem:s31+$0x20];
	v28 =	vadd.s32 v0, v25;
	[tilespmem:v20+s17+$0x0] =	vst.idx.msk $0xffff, v14  }
0x214: {  	s10 =	sadd.s32 $0x1, s8;
	v20 =	vand.u32 $0x7C, v19;
	v30 =	vadd.s32 v1, v25;
	v29 =	vld [tilespmem:s31+$0x30];
	[tilespmem:v17+s17+$0x0] =	vst.idx.msk $0xffff, v15  }
.Ltmp26:
0x215: {  	v23 =	vadd.s32 v0, v20;
	v15 =	vmov s10;
	v19 =	vld [tilespmem:s31+$0xFFFFFFC0];
	[tilespmem:v21+s17+$0x0] =	vst.idx.msk $0xffff, v16;
	(pc) =	sbr.rel @p0 .LBB2_49-.Ltmp26, $4  }
0x216: {  	v20 =	vadd.s32 v1, v20;
	s10 =	sadd.s32 $0x2, s8;
	s8 =	smov.u32 s9;
	v21 =	vand.u32 $0x7D, v15;
	v14 =	vld [tilespmem:s31+$0xFFFFFFD0];
	[tilespmem:v22+s17+$0x0] =	vst.idx.msk $0xffff, v18  }
0x217: {  	v17 =	vadd.s32 v0, v21;
	v18 =	vmov s10;
	v15 =	vld [tilespmem:s31+$0xFFFFFFE0];
	[tilespmem:v24+s17+$0x0] =	vst.idx.msk $0xffff, v26  }
0x218: {  	s10 =	sadd.s32 $0x3, s9;
	v21 =	vadd.s32 v1, v21;
	v24 =	vand.u32 $0x7E, v18;
	v16 =	vld [tilespmem:s31+$0xFFFFFFF0];
	[tilespmem:v28+s17+$0x0] =	vst.idx.msk $0xffff, v27  }
0x219: {  	s9 =	sadd.s32 $0x4, s9;
	v25 =	vmov s10;
	v22 =	vadd.s32 v0, v24;
	v18 =	vld [tilespmem:s31+$0x0];
	[tilespmem:v30+s17+$0x0] =	vst.idx.msk $0xffff, v29  }
0x21a: {  	_ =	sdelay $0x3  }
0x21b: {  	v25 =	vand.u32 $0x7F, v25;
	[tilespmem:v23+s17+$0x0] =	vst.idx.msk $0xffff, v19;
	v19 =	vld [tilespmem:s31+$0x10];
	v23 =	vadd.s32 v1, v24;
	s9 =	sadd.s32 $0x80, s31  }
0x21c: {  	v58 =	vmov s8;
	v26 =	vld [tilespmem:s9+$0x20];
	v27 =	vadd.s32 v0, v25;
	[tilespmem:v20+s17+$0x0] =	vst.idx.msk $0xffff, v14  }
0x21d: {  	s10 =	sadd.s32 $0x1, s8;
	v14 =	vand.u32 $0x7C, v58;
	v20 =	vld [tilespmem:s9+$0x30];
	v59 =	vadd.s32 v1, v25;
	[tilespmem:v17+s17+$0x0] =	vst.idx.msk $0xffff, v15  }
0x21e: {  	v60 =	vmov s10;
	v15 =	vld [tilespmem:s9+$0xFFFFFFC0];
	v17 =	vadd.s32 v0, v14;
	[tilespmem:v21+s17+$0x0] =	vst.idx.msk $0xffff, v16  }
0x21f: {  	s31 =	sadd.s32 $0x2, s8;
	v14 =	vadd.s32 v1, v14;
	v16 =	vld [tilespmem:s9+$0xFFFFFFD0];
	v21 =	vand.u32 $0x7D, v60;
	[tilespmem:v22+s17+$0x0] =	vst.idx.msk $0xffff, v18  }
0x220: {  	v61 =	vmov s31;
	v18 =	vld [tilespmem:s9+$0xFFFFFFE0];
	v22 =	vadd.s32 v0, v21;
	[tilespmem:v23+s17+$0x0] =	vst.idx.msk $0xffff, v19  }
0x221: {  	v21 =	vadd.s32 v1, v21;
	v19 =	vld [tilespmem:s9+$0xFFFFFFF0];
	v23 =	vand.u32 $0x7E, v61;
	[tilespmem:v27+s17+$0x0] =	vst.idx.msk $0xffff, v26  }
0x222: {  	v62 =	vld [tilespmem:s9+$0x0];
	v63 =	vadd.s32 v0, v23;
	[tilespmem:v59+s17+$0x0] =	vst.idx.msk $0xffff, v20  }
0x223: {  	[tilespmem:v17+s17+$0x0] =	vst.idx.msk $0xffff, v15;
	v15 =	vld [tilespmem:s9+$0x10];
	v17 =	vadd.s32 v1, v23  }
0x224: {  	[tilespmem:v14+s17+$0x0] =	vst.idx.msk $0xffff, v16  }
0x225: {  	[tilespmem:v22+s17+$0x0] =	vst.idx.msk $0xffff, v18  }
0x226: {  	[tilespmem:v21+s17+$0x0] =	vst.idx.msk $0xffff, v19  }
0x227: {  	[tilespmem:v63+s17+$0x0] =	vst.idx.msk $0xffff, v62  }
0x228: {  	s8 =	simm.s32 $0x7470;
	[tilespmem:v17+s17+$0x0] =	vst.idx.msk $0xffff, v15  }
0x229: {  	v21 =	vadd.s32 v2, v10;
	v16 =	vld [tilespmem:s8+$0xFFFFFFF0]  }
0x22a: {  	v23 =	vadd.s32 v3, v10;
	v22 =	vld [tilespmem:s8+$0x0]  }
0x22b: {  	v19 =	vadd.s32 v2, v11;
	v18 =	vld [tilespmem:s8+$0xFFFFFF90]  }
0x22c: {  	v17 =	vadd.s32 v3, v11;
	v14 =	vld [tilespmem:s8+$0xFFFFFFA0]  }
0x22d: {  	v15 =	vadd.s32 v2, v12;
	v10 =	vld [tilespmem:s8+$0xFFFFFFB0]  }
0x22e: {  	v20 =	vand.u32 $0x7E, v13;
	v13 =	vadd.s32 v3, v12;
	v11 =	vld [tilespmem:s8+$0xFFFFFFC0];
	[tilespmem:v21+s17+$0x0] =	vst.idx.msk $0xffff, v16  }
0x22f: {  	s9 =	simm.s32 $0x8;
	v12 =	vld [tilespmem:s8+$0xFFFFFFD0];
	v21 =	vmov s14;
	v16 =	vadd.s32 v2, v20;
	[tilespmem:v23+s17+$0x0] =	vst.idx.msk $0xffff, v22  }
.LBB2_51:
0x230: {  	p0 =	slt.u32 s9, $0x7C;
	v21 =	vand.u32 $0x7F, v21;
	[tilespmem:v19+s17+$0x0] =	vst.idx.msk $0xffff, v18;
	v22 =	vld [tilespmem:s8+$0xFFFFFFE0];
	v20 =	vadd.s32 v3, v20;
	s8 =	sadd.s32 $0x80, s8  }
0x231: {  	v18 =	vmov s11;
	v23 =	vld [tilespmem:s8+$0xFFFFFFF0];
	v24 =	vadd.s32 v2, v21;
	[tilespmem:v17+s17+$0x0] =	vst.idx.msk $0xffff, v14  }
0x232: {  	s10 =	sadd.s32 $0x1, s11;
	v17 =	vand.u32 $0x7C, v18;
	v26 =	vadd.s32 v3, v21;
	v25 =	vld [tilespmem:s8+$0x0];
	[tilespmem:v15+s17+$0x0] =	vst.idx.msk $0xffff, v10  }
.Ltmp27:
0x233: {  	v19 =	vadd.s32 v2, v17;
	v10 =	vmov s10;
	v18 =	vld [tilespmem:s8+$0xFFFFFF90];
	[tilespmem:v13+s17+$0x0] =	vst.idx.msk $0xffff, v11;
	(pc) =	sbr.rel @p0 .LBB2_51-.Ltmp27, $4  }
0x234: {  	v17 =	vadd.s32 v3, v17;
	s10 =	sadd.s32 $0x2, s11;
	s11 =	smov.u32 s9;
	v13 =	vand.u32 $0x7D, v10;
	v14 =	vld [tilespmem:s8+$0xFFFFFFA0];
	[tilespmem:v16+s17+$0x0] =	vst.idx.msk $0xffff, v12  }
0x235: {  	v15 =	vadd.s32 v2, v13;
	v12 =	vmov s10;
	v10 =	vld [tilespmem:s8+$0xFFFFFFB0];
	[tilespmem:v20+s17+$0x0] =	vst.idx.msk $0xffff, v22  }
0x236: {  	s10 =	sadd.s32 $0x3, s9;
	v13 =	vadd.s32 v3, v13;
	v20 =	vand.u32 $0x7E, v12;
	v11 =	vld [tilespmem:s8+$0xFFFFFFC0];
	[tilespmem:v24+s17+$0x0] =	vst.idx.msk $0xffff, v23  }
0x237: {  	s9 =	sadd.s32 $0x4, s9;
	v21 =	vmov s10;
	v16 =	vadd.s32 v2, v20;
	v12 =	vld [tilespmem:s8+$0xFFFFFFD0];
	[tilespmem:v26+s17+$0x0] =	vst.idx.msk $0xffff, v25  }
0x238: {  	_ =	sdelay $0x3  }
0x239: {  	v21 =	vand.u32 $0x7F, v21;
	[tilespmem:v19+s17+$0x0] =	vst.idx.msk $0xffff, v18;
	v18 =	vld [tilespmem:s8+$0xFFFFFFE0];
	v19 =	vadd.s32 v3, v20;
	s7 =	sadd.s32 $0x80, s8  }
0x23a: {  	v20 =	vmov s11;
	v22 =	vld [tilespmem:s7+$0xFFFFFFF0];
	v23 =	vadd.s32 v2, v21;
	[tilespmem:v17+s17+$0x0] =	vst.idx.msk $0xffff, v14  }
0x23b: {  	s9 =	sadd.s32 $0x1, s11;
	v14 =	vand.u32 $0x7C, v20;
	v17 =	vld [tilespmem:s7+$0x0];
	v20 =	vadd.s32 v3, v21;
	[tilespmem:v15+s17+$0x0] =	vst.idx.msk $0xffff, v10  }
0x23c: {  	v21 =	vmov s9;
	v10 =	vld [tilespmem:s7+$0xFFFFFF90];
	v15 =	vadd.s32 v2, v14;
	[tilespmem:v13+s17+$0x0] =	vst.idx.msk $0xffff, v11  }
0x23d: {  	s10 =	sadd.s32 $0x2, s11;
	v11 =	vld [tilespmem:s7+$0xFFFFFFA0];
	v13 =	vadd.s32 v3, v14;
	v14 =	vand.u32 $0x7D, v21;
	[tilespmem:v16+s17+$0x0] =	vst.idx.msk $0xffff, v12  }
0x23e: {  	v21 =	vmov s10;
	v12 =	vld [tilespmem:s7+$0xFFFFFFB0];
	v16 =	vadd.s32 v2, v14;
	[tilespmem:v19+s17+$0x0] =	vst.idx.msk $0xffff, v18  }
0x23f: {  	v14 =	vadd.s32 v3, v14;
	v18 =	vld [tilespmem:s7+$0xFFFFFFC0];
	v19 =	vand.u32 $0x7E, v21;
	[tilespmem:v23+s17+$0x0] =	vst.idx.msk $0xffff, v22  }
0x240: {  	v21 =	vld [tilespmem:s7+$0xFFFFFFD0];
	v22 =	vadd.s32 v2, v19;
	[tilespmem:v20+s17+$0x0] =	vst.idx.msk $0xffff, v17  }
0x241: {  	p1 =	por $0x1, $0x1;
	[tilespmem:v15+s17+$0x0] =	vst.idx.msk $0xffff, v10;
	v15 =	vld [tilespmem:s7+$0xFFFFFFE0];
	v17 =	vadd.s32 v3, v19  }
.Ltmp28:
0x242: {  	[tilespmem:v13+s17+$0x0] =	vst.idx.msk $0xffff, v11;
	(pc) =	sbr.rel @!p1 .LBB2_56-.Ltmp28, $4  }
0x243: {  	[tilespmem:v16+s17+$0x0] =	vst.idx.msk $0xffff, v12  }
0x244: {  	s14 =	simm.s32 $0x0;
	s11 =	simm.s32 $0x3;
	[tilespmem:v14+s17+$0x0] =	vst.idx.msk $0xffff, v18  }
0x245: {  	s31 =	simm.s32 $0x8470;
	p0 =	por $0x0, $0x0;
	s8 =	simm.s32 $0x0;
	v10 =	vmov s11;
	[tilespmem:v22+s17+$0x0] =	vst.idx.msk $0xffff, v21  }
0x246: {  	p2 =	por $0x0, $0x0;
	s9 =	simm.s32 $0x8470;
	s11 =	simm.s32 $0x4;
	v22 =	vmov v10;
	[tilespmem:v17+s17+$0x0] =	vst.idx.msk $0xffff, v15  }
0x247: {  	v11 =	vand.u32 $0x7F, v10  }
0x248: {  	v18 =	vld [tilespmem:s31+$0xFFFFFFF0];
	v19 =	vadd.s32 v4, v11;
	v24 =	vadd.s32 v5, v11;
	v11 =	vmov s14  }
0x249: {  	v23 =	vld [tilespmem:s31+$0x0];
	s8 =	simm.s32 $0x1;
	p3 =	por $0x1, $0x1;
	v14 =	vand.u32 $0x7C, v11  }
.Ltmp29:
0x24a: {  	v12 =	vld [tilespmem:s31+$0xFFFFFF90];
	v13 =	vmov s8;
	v15 =	vadd.s32 v4, v14;
	(pc) =	sbr.rel @!p3 .LBB2_54-.Ltmp29, $4  }
0x24b: {  	s7 =	simm.s32 $0x2;
	v11 =	vld [tilespmem:s31+$0xFFFFFFA0];
	v20 =	vand.u32 $0x7D, v13;
	v17 =	vadd.s32 v5, v14  }
0x24c: {  	v21 =	vmov s7;
	v13 =	vld [tilespmem:s31+$0xFFFFFFB0];
	v16 =	vadd.s32 v4, v20  }
0x24d: {  	s9 =	simm.s32 $0x7;
	s10 =	simm.s32 $0x8;
	v21 =	vand.u32 $0x7E, v21;
	v14 =	vld [tilespmem:s31+$0xFFFFFFC0];
	[tilespmem:v19+s17+$0x0] =	vst.idx.msk $0xffff, v18;
	v19 =	vadd.s32 v5, v20  }
0x24e: {  	p2 =	por $0x1, $0x1;
	v22 =	vmov s9;
	s9 =	simm.s32 $0x8470;
	s8 =	simm.s32 $0x4;
	v18 =	vld [tilespmem:s31+$0xFFFFFFD0];
	v20 =	vadd.s32 v4, v21;
	[tilespmem:v24+s17+$0x0] =	vst.idx.msk $0xffff, v23  }
.LBB2_55:
0x24f: {  	p3 =	slt.u32 s10, $0x7C;
	v22 =	vand.u32 $0x7F, v22;
	[tilespmem:v15+s17+$0x0] =	vst.idx.msk $0xffff, v12;
	v23 =	vld [tilespmem:s9+$0xFFFFFFE0];
	v21 =	vadd.s32 v5, v21;
	s9 =	sadd.s32 $0x80, s9  }
0x250: {  	v12 =	vmov s8;
	v24 =	vld [tilespmem:s9+$0xFFFFFFF0];
	v25 =	vadd.s32 v4, v22;
	[tilespmem:v17+s17+$0x0] =	vst.idx.msk $0xffff, v11  }
0x251: {  	s7 =	sadd.s32 $0x1, s8;
	v17 =	vand.u32 $0x7C, v12;
	v27 =	vadd.s32 v5, v22;
	v26 =	vld [tilespmem:s9+$0x0];
	[tilespmem:v16+s17+$0x0] =	vst.idx.msk $0xffff, v13  }
.Ltmp30:
0x252: {  	v15 =	vadd.s32 v4, v17;
	v13 =	vmov s7;
	v12 =	vld [tilespmem:s9+$0xFFFFFF90];
	[tilespmem:v19+s17+$0x0] =	vst.idx.msk $0xffff, v14;
	(pc) =	sbr.rel @p3 .LBB2_55-.Ltmp30, $4  }
0x253: {  	v17 =	vadd.s32 v5, v17;
	s7 =	sadd.s32 $0x2, s8;
	s8 =	smov.u32 s10;
	v19 =	vand.u32 $0x7D, v13;
	v11 =	vld [tilespmem:s9+$0xFFFFFFA0];
	[tilespmem:v20+s17+$0x0] =	vst.idx.msk $0xffff, v18  }
0x254: {  	v16 =	vadd.s32 v4, v19;
	v18 =	vmov s7;
	v13 =	vld [tilespmem:s9+$0xFFFFFFB0];
	[tilespmem:v21+s17+$0x0] =	vst.idx.msk $0xffff, v23  }
0x255: {  	s7 =	sadd.s32 $0x3, s10;
	v19 =	vadd.s32 v5, v19;
	v21 =	vand.u32 $0x7E, v18;
	v14 =	vld [tilespmem:s9+$0xFFFFFFC0];
	[tilespmem:v25+s17+$0x0] =	vst.idx.msk $0xffff, v24  }
0x256: {  	s10 =	sadd.s32 $0x4, s10;
	v22 =	vmov s7;
	v20 =	vadd.s32 v4, v21;
	v18 =	vld [tilespmem:s9+$0xFFFFFFD0];
	[tilespmem:v27+s17+$0x0] =	vst.idx.msk $0xffff, v26  }
.LBB2_56:
0x257: {  	_ =	sdelay $0x2  }
0x258: {  	s7 =	sadd.s32 @p2 $0x80, s9  }
0x259: {  	v23 =	vld @p2 [tilespmem:s9+$0xFFFFFFE0];
	v22 =	vand.u32 $0x7F, v22;
	[tilespmem:v15+s17+$0x0] =	vst.idx.msk @p2 $0xffff, v12;
	v12 =	vadd.s32 @p2 v5, v21;
	v47 =	vmov s8;
	s31 =	smov.u32 @p2 s7  }
0x25a: {  	v24 =	vadd.s32 v4, v22;
	[tilespmem:v17+s17+$0x0] =	vst.idx.msk @p2 $0xffff, v11;
	v11 =	vand.u32 $0x7C, v47;
	v48 =	vld [tilespmem:s31+$0xFFFFFFF0]  }
0x25b: {  	s9 =	sadd.s32 $0x1, s8;
	[tilespmem:v16+s17+$0x0] =	vst.idx.msk @p2 $0xffff, v13;
	v51 =	vld [tilespmem:s31+$0xFFFFFF90];
	v52 =	vadd.s32 v4, v11  }
0x25c: {  	s10 =	sadd.s32 $0x2, s8;
	v50 =	vadd.s32 v5, v22;
	v53 =	vmov s9;
	v49 =	vld [tilespmem:s31+$0x0];
	[tilespmem:v19+s17+$0x0] =	vst.idx.msk @p2 $0xffff, v14  }
0x25d: {  	v58 =	vmov s10;
	v54 =	vld [tilespmem:s31+$0xFFFFFFA0];
	v11 =	vadd.s32 v5, v11;
	v55 =	vand.u32 $0x7D, v53;
	[tilespmem:v20+s17+$0x0] =	vst.idx.msk @p2 $0xffff, v18  }
0x25e: {  	v56 =	vld [tilespmem:s31+$0xFFFFFFB0];
	v22 =	vand.u32 $0x7E, v58;
	v57 =	vadd.s32 v4, v55;
	[tilespmem:v12+s17+$0x0] =	vst.idx.msk @p2 $0xffff, v23  }
0x25f: {  	v60 =	vld [tilespmem:s31+$0xFFFFFFD0];
	v61 =	vadd.s32 v4, v22;
	[tilespmem:v24+s17+$0x0] =	vst.idx.msk $0xffff, v48  }
0x260: {  	v59 =	vld [tilespmem:s31+$0xFFFFFFC0];
	v19 =	vadd.s32 v5, v55;
	[tilespmem:v52+s17+$0x0] =	vst.idx.msk $0xffff, v51  }
0x261: {  	v62 =	vld [tilespmem:s31+$0xFFFFFFE0];
	v63 =	vadd.s32 v5, v22;
	[tilespmem:v50+s17+$0x0] =	vst.idx.msk $0xffff, v49  }
.Ltmp31:
0x262: {  	[tilespmem:v11+s17+$0x0] =	vst.idx.msk $0xffff, v54;
	(pc) =	sbr.rel @!p1 .LBB2_57-.Ltmp31, $4  }
0x263: {  	[tilespmem:v57+s17+$0x0] =	vst.idx.msk $0xffff, v56  }
0x264: {  	[tilespmem:v61+s17+$0x0] =	vst.idx.msk $0xffff, v60  }
0x265: {  	[tilespmem:v19+s17+$0x0] =	vst.idx.msk $0xffff, v59  }
0x266: {  	s31 =	simm.s32 $0x9470;
	[tilespmem:v63+s17+$0x0] =	vst.idx.msk $0xffff, v62  }
0x267: {  	v10 =	vand.u32 $0x7F, v10  }
0x268: {  	v18 =	vld [tilespmem:s31+$0xFFFFFFF0];
	v19 =	vadd.s32 v6, v10;
	v23 =	vadd.s32 v7, v10;
	v10 =	vmov s14  }
0x269: {  	v22 =	vld [tilespmem:s31+$0x0];
	s7 =	simm.s32 $0x1;
	p1 =	por $0x1, $0x1;
	v10 =	vand.u32 $0x7C, v10  }
.Ltmp32:
0x26a: {  	v12 =	vld [tilespmem:s31+$0xFFFFFF90];
	v13 =	vmov s7;
	v16 =	vadd.s32 v6, v10;
	(pc) =	sbr.rel @!p1 .LBB2_59-.Ltmp32, $4  }
0x26b: {  	v11 =	vld [tilespmem:s31+$0xFFFFFFA0];
	s10 =	simm.s32 $0x2;
	v20 =	vand.u32 $0x7D, v13;
	v17 =	vadd.s32 v7, v10  }
0x26c: {  	v21 =	vmov s10;
	v13 =	vld [tilespmem:s31+$0xFFFFFFB0];
	v15 =	vadd.s32 v6, v20  }
0x26d: {  	v14 =	vld [tilespmem:s31+$0xFFFFFFC0];
	s14 =	simm.s32 $0x7;
	v21 =	vand.u32 $0x7E, v21;
	[tilespmem:v19+s17+$0x0] =	vst.idx.msk $0xffff, v18;
	v19 =	vadd.s32 v7, v20  }
0x26e: {  	s9 =	simm.s32 $0x8;
	p0 =	por $0x1, $0x1;
	s8 =	simm.s32 $0x9470;
	v10 =	vmov s14;
	v18 =	vld [tilespmem:s31+$0xFFFFFFD0];
	v20 =	vadd.s32 v6, v21;
	[tilespmem:v23+s17+$0x0] =	vst.idx.msk $0xffff, v22  }
.LBB2_60:
0x26f: {  	p1 =	slt.u32 s9, $0x7C;
	v10 =	vand.u32 $0x7F, v10;
	[tilespmem:v16+s17+$0x0] =	vst.idx.msk $0xffff, v12;
	v22 =	vld [tilespmem:s8+$0xFFFFFFE0];
	v21 =	vadd.s32 v7, v21;
	s8 =	sadd.s32 $0x80, s8  }
0x270: {  	v12 =	vmov s11;
	v23 =	vld [tilespmem:s8+$0xFFFFFFF0];
	v24 =	vadd.s32 v6, v10;
	[tilespmem:v17+s17+$0x0] =	vst.idx.msk $0xffff, v11  }
0x271: {  	s7 =	sadd.s32 $0x1, s11;
	v17 =	vand.u32 $0x7C, v12;
	v26 =	vadd.s32 v7, v10;
	v25 =	vld [tilespmem:s8+$0x0];
	[tilespmem:v15+s17+$0x0] =	vst.idx.msk $0xffff, v13  }
.Ltmp33:
0x272: {  	v10 =	vmov s7;
	v16 =	vadd.s32 v6, v17;
	v12 =	vld [tilespmem:s8+$0xFFFFFF90];
	[tilespmem:v19+s17+$0x0] =	vst.idx.msk $0xffff, v14;
	(pc) =	sbr.rel @p1 .LBB2_60-.Ltmp33, $4  }
0x273: {  	s7 =	sadd.s32 $0x2, s11;
	s11 =	smov.u32 s9;
	v17 =	vadd.s32 v7, v17;
	v10 =	vand.u32 $0x7D, v10;
	v11 =	vld [tilespmem:s8+$0xFFFFFFA0];
	[tilespmem:v20+s17+$0x0] =	vst.idx.msk $0xffff, v18  }
0x274: {  	v15 =	vadd.s32 v6, v10;
	v18 =	vmov s7;
	v13 =	vld [tilespmem:s8+$0xFFFFFFB0];
	[tilespmem:v21+s17+$0x0] =	vst.idx.msk $0xffff, v22  }
0x275: {  	v19 =	vadd.s32 v7, v10;
	s7 =	sadd.s32 $0x3, s9;
	v21 =	vand.u32 $0x7E, v18;
	v14 =	vld [tilespmem:s8+$0xFFFFFFC0];
	[tilespmem:v24+s17+$0x0] =	vst.idx.msk $0xffff, v23  }
0x276: {  	s9 =	sadd.s32 $0x4, s9;
	v10 =	vmov s7;
	v20 =	vadd.s32 v6, v21;
	v18 =	vld [tilespmem:s8+$0xFFFFFFD0];
	[tilespmem:v26+s17+$0x0] =	vst.idx.msk $0xffff, v25  }
0x277: {  	s14 =	smov.u32 s11  }
.LBB2_62:
0x278: {  	_ =	sdelay $0x2  }
0x279: {  	s7 =	sadd.s32 @p0 $0x80, s8  }
0x27a: {  	v22 =	vld @p0 [tilespmem:s8+$0xFFFFFFE0];
	v10 =	vand.u32 $0x7F, v10;
	[tilespmem:v16+s17+$0x0] =	vst.idx.msk @p0 $0xffff, v12;
	v12 =	vadd.s32 @p0 v7, v21;
	v54 =	vmov s14;
	s31 =	smov.u32 @p0 s7  }
0x27b: {  	v23 =	vadd.s32 v6, v10;
	[tilespmem:v17+s17+$0x0] =	vst.idx.msk @p0 $0xffff, v11;
	v11 =	vand.u32 $0x7C, v54;
	v21 =	vld [tilespmem:s31+$0xFFFFFFF0]  }
0x27c: {  	s11 =	sadd.s32 $0x1, s14;
	[tilespmem:v15+s17+$0x0] =	vst.idx.msk @p0 $0xffff, v13;
	v56 =	vld [tilespmem:s31+$0xFFFFFF90];
	v57 =	vadd.s32 v6, v11  }
0x27d: {  	v10 =	vadd.s32 v7, v10;
	v58 =	vmov s11;
	v55 =	vld [tilespmem:s31+$0x0];
	[tilespmem:v19+s17+$0x0] =	vst.idx.msk @p0 $0xffff, v14  }
0x27e: {  	s14 =	sadd.s32 $0x2, s14;
	v59 =	vld [tilespmem:s31+$0xFFFFFFA0];
	v11 =	vadd.s32 v7, v11;
	v17 =	vand.u32 $0x7D, v58;
	[tilespmem:v20+s17+$0x0] =	vst.idx.msk @p0 $0xffff, v18  }
0x27f: {  	v60 =	vld [tilespmem:s31+$0xFFFFFFB0];
	v61 =	vadd.s32 v6, v17;
	v20 =	vmov s14;
	[tilespmem:v12+s17+$0x0] =	vst.idx.msk @p0 $0xffff, v22  }
0x280: {  	v62 =	vld [tilespmem:s31+$0xFFFFFFC0];
	v17 =	vadd.s32 v7, v17;
	v20 =	vand.u32 $0x7E, v20;
	[tilespmem:v23+s17+$0x0] =	vst.idx.msk $0xffff, v21  }
0x281: {  	v22 =	vadd.s32 v6, v20;
	v21 =	vld [tilespmem:s31+$0xFFFFFFD0];
	[tilespmem:v57+s17+$0x0] =	vst.idx.msk $0xffff, v56  }
0x282: {  	p1 =	por $0x1, $0x1;
	v63 =	vadd.s32 v7, v20;
	[tilespmem:v10+s17+$0x0] =	vst.idx.msk $0xffff, v55;
	v10 =	vld [tilespmem:s31+$0xFFFFFFE0]  }
.Ltmp34:
0x283: {  	[tilespmem:v11+s17+$0x0] =	vst.idx.msk $0xffff, v59;
	(pc) =	sbr.rel @!p1 .LBB2_63-.Ltmp34, $4  }
0x284: {  	[tilespmem:v61+s17+$0x0] =	vst.idx.msk $0xffff, v60  }
0x285: {  	[tilespmem:v17+s17+$0x0] =	vst.idx.msk $0xffff, v62  }
0x286: {  	s10 =	simm.s32 $0x0;
	s31 =	simm.s32 $0x3;
	[tilespmem:v22+s17+$0x0] =	vst.idx.msk $0xffff, v21  }
0x287: {  	s8 =	simm.s32 $0x4;
	s11 =	simm.s32 $0xA470;
	p0 =	por $0x0, $0x0;
	v21 =	vmov s31;
	[tilespmem:v63+s17+$0x0] =	vst.idx.msk $0xffff, v10  }
0x288: {  	v10 =	vand.u32 $0x7F, v21  }
0x289: {  	v17 =	vld [tilespmem:s11+$0xFFFFFFF0];
	v18 =	vadd.s32 v8, v10;
	v23 =	vadd.s32 v9, v10;
	v10 =	vmov s10  }
0x28a: {  	v22 =	vld [tilespmem:s11+$0x0];
	s7 =	simm.s32 $0x1;
	p1 =	por $0x1, $0x1;
	v13 =	vand.u32 $0x7C, v10  }
.Ltmp35:
0x28b: {  	v12 =	vld [tilespmem:s11+$0xFFFFFF90];
	v11 =	vmov s7;
	v16 =	vadd.s32 v8, v13;
	(pc) =	sbr.rel @!p1 .LBB2_65-.Ltmp35, $4  }
0x28c: {  	s14 =	simm.s32 $0x2;
	v10 =	vld [tilespmem:s11+$0xFFFFFFA0];
	v19 =	vand.u32 $0x7D, v11;
	v15 =	vadd.s32 v9, v13  }
0x28d: {  	v20 =	vmov s14;
	v11 =	vld [tilespmem:s11+$0xFFFFFFB0];
	v14 =	vadd.s32 v8, v19  }
0x28e: {  	s31 =	simm.s32 $0x7;
	v20 =	vand.u32 $0x7E, v20;
	v13 =	vld [tilespmem:s11+$0xFFFFFFC0];
	[tilespmem:v18+s17+$0x0] =	vst.idx.msk $0xffff, v17;
	v18 =	vadd.s32 v9, v19  }
0x28f: {  	p0 =	por $0x1, $0x1;
	s9 =	simm.s32 $0xA470;
	v21 =	vmov s31;
	s10 =	simm.s32 $0x8;
	v17 =	vld [tilespmem:s11+$0xFFFFFFD0];
	v19 =	vadd.s32 v8, v20;
	[tilespmem:v23+s17+$0x0] =	vst.idx.msk $0xffff, v22  }
.LBB2_66:
0x290: {  	p1 =	slt.u32 s10, $0x7C;
	v21 =	vand.u32 $0x7F, v21;
	[tilespmem:v16+s17+$0x0] =	vst.idx.msk $0xffff, v12;
	v22 =	vld [tilespmem:s9+$0xFFFFFFE0];
	v20 =	vadd.s32 v9, v20;
	s9 =	sadd.s32 $0x80, s9  }
0x291: {  	v12 =	vmov s8;
	v23 =	vld [tilespmem:s9+$0xFFFFFFF0];
	v24 =	vadd.s32 v8, v21;
	[tilespmem:v15+s17+$0x0] =	vst.idx.msk $0xffff, v10  }
0x292: {  	s7 =	sadd.s32 $0x1, s8;
	v15 =	vand.u32 $0x7C, v12;
	v26 =	vadd.s32 v9, v21;
	v25 =	vld [tilespmem:s9+$0x0];
	[tilespmem:v14+s17+$0x0] =	vst.idx.msk $0xffff, v11  }
.Ltmp36:
0x293: {  	v16 =	vadd.s32 v8, v15;
	v11 =	vmov s7;
	v12 =	vld [tilespmem:s9+$0xFFFFFF90];
	[tilespmem:v18+s17+$0x0] =	vst.idx.msk $0xffff, v13;
	(pc) =	sbr.rel @p1 .LBB2_66-.Ltmp36, $4  }
0x294: {  	v15 =	vadd.s32 v9, v15;
	s7 =	sadd.s32 $0x2, s8;
	s8 =	smov.u32 s10;
	v18 =	vand.u32 $0x7D, v11;
	v10 =	vld [tilespmem:s9+$0xFFFFFFA0];
	[tilespmem:v19+s17+$0x0] =	vst.idx.msk $0xffff, v17  }
0x295: {  	v14 =	vadd.s32 v8, v18;
	v17 =	vmov s7;
	v11 =	vld [tilespmem:s9+$0xFFFFFFB0];
	[tilespmem:v20+s17+$0x0] =	vst.idx.msk $0xffff, v22  }
0x296: {  	s7 =	sadd.s32 $0x3, s10;
	v18 =	vadd.s32 v9, v18;
	v20 =	vand.u32 $0x7E, v17;
	v13 =	vld [tilespmem:s9+$0xFFFFFFC0];
	[tilespmem:v24+s17+$0x0] =	vst.idx.msk $0xffff, v23  }
0x297: {  	s10 =	sadd.s32 $0x4, s10;
	v21 =	vmov s7;
	v19 =	vadd.s32 v8, v20;
	v17 =	vld [tilespmem:s9+$0xFFFFFFD0];
	[tilespmem:v26+s17+$0x0] =	vst.idx.msk $0xffff, v25  }
0x298: {  	s10 =	smov.u32 s8  }
.LBB2_68:
0x299: {  	_ =	sdelay $0x2  }
0x29a: {  	s7 =	sadd.s32 @p0 $0x80, s9  }
0x29b: {  	v21 =	vand.u32 $0x7F, v21;
	[tilespmem:v16+s17+$0x0] =	vst.idx.msk @p0 $0xffff, v12;
	v12 =	vld @p0 [tilespmem:s9+$0xFFFFFFE0];
	v16 =	vadd.s32 @p0 v9, v20;
	v48 =	vmov s10;
	s11 =	smov.u32 @p0 s7  }
0x29c: {  	v23 =	vadd.s32 v8, v21;
	[tilespmem:v15+s17+$0x0] =	vst.idx.msk @p0 $0xffff, v10;
	v10 =	vand.u32 $0x7C, v48;
	v22 =	vld [tilespmem:s11+$0xFFFFFFF0]  }
0x29d: {  	s31 =	sadd.s32 $0x1, s10;
	[tilespmem:v14+s17+$0x0] =	vst.idx.msk @p0 $0xffff, v11;
	v11 =	vld [tilespmem:s11+$0xFFFFFF90];
	v51 =	vadd.s32 v8, v10  }
0x29e: {  	s8 =	sadd.s32 $0x2, s10;
	v50 =	vadd.s32 v9, v21;
	v52 =	vmov s31;
	v49 =	vld [tilespmem:s11+$0x0];
	[tilespmem:v18+s17+$0x0] =	vst.idx.msk @p0 $0xffff, v13  }
0x29f: {  	v57 =	vmov s8;
	v53 =	vld [tilespmem:s11+$0xFFFFFFA0];
	v10 =	vadd.s32 v9, v10;
	v54 =	vand.u32 $0x7D, v52;
	[tilespmem:v19+s17+$0x0] =	vst.idx.msk @p0 $0xffff, v17  }
0x2a0: {  	v55 =	vld [tilespmem:s11+$0xFFFFFFB0];
	v60 =	vand.u32 $0x7E, v57;
	v56 =	vadd.s32 v8, v54;
	[tilespmem:v16+s17+$0x0] =	vst.idx.msk @p0 $0xffff, v12  }
0x2a1: {  	v61 =	vld [tilespmem:s11+$0xFFFFFFD0];
	v62 =	vadd.s32 v8, v60;
	[tilespmem:v23+s17+$0x0] =	vst.idx.msk $0xffff, v22  }
0x2a2: {  	v58 =	vld [tilespmem:s11+$0xFFFFFFC0];
	v59 =	vadd.s32 v9, v54;
	[tilespmem:v51+s17+$0x0] =	vst.idx.msk $0xffff, v11  }
0x2a3: {  	v63 =	vadd.s32 v9, v60;
	v11 =	vld [tilespmem:s11+$0xFFFFFFE0];
	[tilespmem:v50+s17+$0x0] =	vst.idx.msk $0xffff, v49  }
0x2a4: {  	s9 =	smul.u32 $0x140000, s26;
	[tilespmem:v10+s17+$0x0] =	vst.idx.msk $0xffff, v53  }
0x2a5: {  	[tilespmem:v56+s17+$0x0] =	vst.idx.msk $0xffff, v55  }
0x2a6: {  	s7 =	sor.u32 s6, s9;
	[tilespmem:v62+s17+$0x0] =	vst.idx.msk $0xffff, v61  }
0x2a7: {  	s7 =	sshrl.u32 s7, $0x3;
	[tilespmem:v59+s17+$0x0] =	vst.idx.msk $0xffff, v58  }
0x2a8: {  	s8 =	simm.s32 $0x10400;
	s7 =	sadd.s32 s2, s7;
	[tilespmem:v63+s17+$0x0] =	vst.idx.msk $0xffff, v11  }
0x2a9: {  	[hbm4b:s7+s3] =	stream.linear.scatter [tilespmem:s8], [sflag:$0x4], $0x80, $0x38;
	[tilespmem:$0x1AE00] =	vst v63  }
0x2aa: {  	s10 =	simm.s32 $0x10488;
	s11 =	sadd.s32 $0x10, s7  }
0x2ab: {  	[hbm4b:s11+s3] =	stream.linear.scatter [tilespmem:s10], [sflag:$0x4], $0x80, $0x38;
	[tilespmem:$0x1AE00] =	vst v63  }
0x2ac: {  	s14 =	simm.s32 $0x10510;
	s31 =	sadd.s32 $0x20, s7  }
0x2ad: {  	[hbm4b:s31+s3] =	stream.linear.scatter [tilespmem:s14], [sflag:$0x4], $0x80, $0x38;
	[tilespmem:$0x1AE00] =	vst v63  }
0x2ae: {  	s10 =	simm.s32 $0x10598;
	s11 =	sadd.s32 $0x30, s7  }
0x2af: {  	[hbm4b:s11+s3] =	stream.linear.scatter [tilespmem:s10], [sflag:$0x4], $0x80, $0x38;
	[tilespmem:$0x1AE00] =	vst v63  }
0x2b0: {  	s14 =	simm.s32 $0x10620;
	s31 =	sadd.s32 $0x40, s7  }
0x2b1: {  	[hbm4b:s31+s3] =	stream.linear.scatter [tilespmem:s14], [sflag:$0x4], $0x80, $0x38;
	[tilespmem:$0x1AE00] =	vst v63  }
0x2b2: {  	s9 =	simm.s32 $0x2200;
	s10 =	simm.s32 $0x106A8;
	s11 =	sadd.s32 $0x50, s7  }
0x2b3: {  	[hbm4b:s11+s3] =	stream.linear.scatter [tilespmem:s10], [sflag:$0x4], $0x80, $0x38;
	[tilespmem:$0x1AE00] =	vst v63  }
0x2b4: {  	s8 =	simm.s32 $0x440;
	s14 =	simm.s32 $0x10730;
	s31 =	sadd.s32 $0x60, s7  }
0x2b5: {  	[hbm4b:s31+s3] =	stream.linear.scatter [tilespmem:s14], [sflag:$0x4], $0x80, $0x38;
	[tilespmem:$0x1AE00] =	vst v63  }
0x2b6: {  	s10 =	simm.s32 $0x107B8;
	s11 =	sadd.s32 $0x1000, s7;
	s14 =	sadd.s32 $0x70, s7  }
.LBB2_69:
0x2b7: {  	[hbm4b:s14+s3] =	stream.linear.scatter [tilespmem:s10], [sflag:$0x4], $0x80, $0x38;
	[tilespmem:$0x1AE00] =	vst v63  }
0x2b8: {  	s7 =	smov.u32 s8;
	s8 =	smov.u32 s9  }
0x2b9: {  	s31 =	sadd.s32 $0x1100, s9;
	s8 =	sshra.s32 s8, $0x2;
	s10 =	sadd.s32 $0x10400, s7  }
0x2ba: {  	[hbm4b:s11+s3] =	stream.linear.scatter [tilespmem:s10], [sflag:$0x4], $0x80, $0x38;
	[tilespmem:$0x1AE00] =	vst v63  }
0x2bb: {  	p0 =	sne.s32 s9, $0x14300;
	s9 =	sadd.s32 $0x10488, s7;
	s10 =	sadd.s32 $0x10, s11  }
0x2bc: {  	[hbm4b:s10+s3] =	stream.linear.scatter [tilespmem:s9], [sflag:$0x4], $0x80, $0x38;
	[tilespmem:$0x1AE00] =	vst v63  }
0x2bd: {  	s9 =	sadd.s32 $0x10510, s7;
	s10 =	sadd.s32 $0x20, s11  }
0x2be: {  	[hbm4b:s10+s3] =	stream.linear.scatter [tilespmem:s9], [sflag:$0x4], $0x80, $0x38;
	[tilespmem:$0x1AE00] =	vst v63  }
0x2bf: {  	s9 =	sadd.s32 $0x10598, s7;
	s10 =	sadd.s32 $0x30, s11  }
0x2c0: {  	[hbm4b:s10+s3] =	stream.linear.scatter [tilespmem:s9], [sflag:$0x4], $0x80, $0x38;
	[tilespmem:$0x1AE00] =	vst v63  }
0x2c1: {  	s9 =	sadd.s32 $0x10620, s7;
	s10 =	sadd.s32 $0x40, s11  }
0x2c2: {  	[hbm4b:s10+s3] =	stream.linear.scatter [tilespmem:s9], [sflag:$0x4], $0x80, $0x38;
	[tilespmem:$0x1AE00] =	vst v63  }
.Ltmp37:
0x2c3: {  	s9 =	sadd.s32 $0x106A8, s7;
	s10 =	sadd.s32 $0x50, s11;
	(pc) =	sbr.rel @p0 .LBB2_69-.Ltmp37, $4  }
0x2c4: {  	[hbm4b:s10+s3] =	stream.linear.scatter [tilespmem:s9], [sflag:$0x4], $0x80, $0x38;
	[tilespmem:$0x1AE00] =	vst v63  }
0x2c5: {  	s14 =	sadd.s32 $0x70, s11;
	s9 =	sadd.s32 $0x10730, s7;
	s10 =	sadd.s32 $0x60, s11  }
0x2c6: {  	[hbm4b:s10+s3] =	stream.linear.scatter [tilespmem:s9], [sflag:$0x4], $0x80, $0x38;
	[tilespmem:$0x1AE00] =	vst v63  }
0x2c7: {  	s11 =	sadd.s32 $0x1000, s11;
	s10 =	sadd.s32 $0x107B8, s7;
	s9 =	smov.u32 s31  }
0x2c8: {  	[hbm4b:s14+s3] =	stream.linear.scatter [tilespmem:s10], [sflag:$0x4], $0x80, $0x38;
	[tilespmem:$0x1AE00] =	vst v63  }
0x2c9: {  	s7 =	sadd.s32 $0x10400, s8  }
0x2ca: {  	[hbm4b:s11+s3] =	stream.linear.scatter [tilespmem:s7], [sflag:$0x4], $0x80, $0x38;
	[tilespmem:$0x1AE00] =	vst v63  }
0x2cb: {  	s10 =	sadd.s32 $0x10488, s8;
	s9 =	sadd.s32 $0x10, s11  }
0x2cc: {  	[hbm4b:s9+s3] =	stream.linear.scatter [tilespmem:s10], [sflag:$0x4], $0x80, $0x38;
	[tilespmem:$0x1AE00] =	vst v63  }
0x2cd: {  	s14 =	sadd.s32 $0x10510, s8;
	s31 =	sadd.s32 $0x20, s11  }
0x2ce: {  	[hbm4b:s31+s3] =	stream.linear.scatter [tilespmem:s14], [sflag:$0x4], $0x80, $0x38;
	[tilespmem:$0x1AE00] =	vst v63  }
0x2cf: {  	s9 =	sadd.s32 $0x10598, s8;
	s10 =	sadd.s32 $0x30, s11  }
0x2d0: {  	[hbm4b:s10+s3] =	stream.linear.scatter [tilespmem:s9], [sflag:$0x4], $0x80, $0x38;
	[tilespmem:$0x1AE00] =	vst v63  }
0x2d1: {  	s14 =	sadd.s32 $0x10620, s8;
	s31 =	sadd.s32 $0x40, s11  }
0x2d2: {  	[hbm4b:s31+s3] =	stream.linear.scatter [tilespmem:s14], [sflag:$0x4], $0x80, $0x38;
	[tilespmem:$0x1AE00] =	vst v63  }
0x2d3: {  	s9 =	sadd.s32 $0x106A8, s8;
	s10 =	sadd.s32 $0x50, s11  }
0x2d4: {  	[hbm4b:s10+s3] =	stream.linear.scatter [tilespmem:s9], [sflag:$0x4], $0x80, $0x38;
	[tilespmem:$0x1AE00] =	vst v63  }
0x2d5: {  	s14 =	sadd.s32 $0x10730, s8;
	s31 =	sadd.s32 $0x60, s11  }
0x2d6: {  	[hbm4b:s31+s3] =	stream.linear.scatter [tilespmem:s14], [sflag:$0x4], $0x80, $0x38;
	[tilespmem:$0x1AE00] =	vst v63  }
0x2d7: {  	s8 =	sadd.s32 $0x107B8, s8;
	s9 =	sadd.s32 $0x70, s11  }
0x2d8: {  	[hbm4b:s9+s3] =	stream.linear.scatter [tilespmem:s8], [sflag:$0x4], $0x80, $0x38;
	[tilespmem:$0x1AE00] =	vst v63  }
0x2d9: {  	_ =	swait.ge [sflag:s19], $0x1000  }
0x2da: {  	[sflag:s19] =	ssyncset.done $0x0  }
0x2db: {  	[sflag:s19] =	ssyncadd.s32 $0xFFFFF000  }
0x2dc: {  	_ =	swait.ge [sflag:s19], $0x1000  }
0x2dd: {  	[sflag:s19] =	ssyncset.done $0x0  }
0x2de: {  	[sflag:s19] =	ssyncadd.s32 $0xFFFFF000  }
0x2df: {  	_ =	swait.ge [sflag:s19], $0x1000  }
0x2e0: {  	[sflag:s19] =	ssyncset.done $0x0  }
0x2e1: {  	[sflag:s19] =	ssyncadd.s32 $0xFFFFF000  }
0x2e2: {  	_ =	swait.ge [sflag:s19], $0x1000  }
0x2e3: {  	[sflag:s19] =	ssyncset.done $0x0  }
0x2e4: {  	[sflag:s19] =	ssyncadd.s32 $0xFFFFF000  }
0x2e5: {  	_ =	swait.ge [sflag:s19], $0x1000  }
0x2e6: {  	[sflag:s19] =	ssyncset.done $0x0  }
0x2e7: {  	s10 =	sadd.s32 $0x500, s5;
	[sflag:s19] =	ssyncadd.s32 $0xFFFFF000  }
0x2e8: {  	[tilespmem:s15], [sflag:$0x2] =	stream.indirect.gather [hbm4b:s4+s12], $0x20, s10, s12, $0xb8;
	[tilespmem:$0x1AE00] =	vst v63  }
0x2e9: {  	s11 =	sadd.s32 $0x580, s5  }
0x2ea: {  	[tilespmem:s16], [sflag:$0x2] =	stream.indirect.gather [hbm4b:s4+s12], $0x20, s11, s12, $0xb8;
	[tilespmem:$0x1AE00] =	vst v63  }
0x2eb: {  	s14 =	sadd.s32 $0x600, s5  }
0x2ec: {  	[tilespmem:s18], [sflag:$0x2] =	stream.indirect.gather [hbm4b:s4+s12], $0x20, s14, s12, $0xb8;
	[tilespmem:$0x1AE00] =	vst v63  }
0x2ed: {  	s31 =	sadd.s32 $0x680, s5  }
0x2ee: {  	[tilespmem:s20], [sflag:$0x2] =	stream.indirect.gather [hbm4b:s4+s12], $0x20, s31, s12, $0xb8;
	[tilespmem:$0x1AE00] =	vst v63  }
0x2ef: {  	s8 =	sadd.s32 $0x700, s5  }
0x2f0: {  	[tilespmem:s22], [sflag:$0x2] =	stream.indirect.gather [hbm4b:s4+s12], $0x20, s8, s12, $0xb8;
	[tilespmem:$0x1AE00] =	vst v63  }
0x2f1: {  	s9 =	simm.s32 $0x3;
	_ =	swait.ge [sflag:s24], $0x5000  }
0x2f2: {  	v10 =	vmov s9;
	[sflag:s24] =	ssyncset.done $0x0  }
0x2f3: {  	v10 =	vand.u32 $0x7F, v10;
	s10 =	simm.s32 $0x0;
	s14 =	simm.s32 $0xB440;
	[sflag:s24] =	ssyncadd.s32 $0xFFFFB000  }
0x2f4: {  	v21 =	vadd.s32 v0, v10;
	v11 =	vmov s10;
	v18 =	vld [tilespmem:s14+$0x20]  }
0x2f5: {  	v27 =	vadd.s32 v1, v10;
	s11 =	simm.s32 $0x1;
	v11 =	vand.u32 $0x7C, v11;
	v26 =	vld [tilespmem:s14+$0x30]  }
0x2f6: {  	v12 =	vmov s11;
	v23 =	vadd.s32 v0, v11;
	v19 =	vld [tilespmem:s14+$0xFFFFFFC0]  }
0x2f7: {  	v20 =	vadd.s32 v1, v11;
	v12 =	vand.u32 $0x7D, v12;
	s31 =	simm.s32 $0x2;
	v14 =	vld [tilespmem:s14+$0xFFFFFFD0]  }
0x2f8: {  	v17 =	vadd.s32 v0, v12;
	v13 =	vmov s31;
	v15 =	vld [tilespmem:s14+$0xFFFFFFE0]  }
0x2f9: {  	s11 =	simm.s32 $0x7;
	v24 =	vand.u32 $0x7E, v13;
	v16 =	vld [tilespmem:s14+$0xFFFFFFF0];
	[tilespmem:v21+s1+$0x0] =	vst.idx.msk $0xffff, v18;
	v21 =	vadd.s32 v1, v12  }
0x2fa: {  	s5 =	simm.s32 $0x4;
	s9 =	simm.s32 $0x8;
	v25 =	vmov s11;
	s8 =	simm.s32 $0x4;
	v22 =	vadd.s32 v0, v24;
	v18 =	vld [tilespmem:s14+$0x0];
	[tilespmem:v27+s1+$0x0] =	vst.idx.msk $0xffff, v26  }
.LBB2_71:
0x2fb: {  	p0 =	slt.u32 s9, $0x7C;
	v25 =	vand.u32 $0x7F, v25;
	[tilespmem:v23+s1+$0x0] =	vst.idx.msk $0xffff, v19;
	v26 =	vld [tilespmem:s14+$0x10];
	v24 =	vadd.s32 v1, v24;
	s14 =	sadd.s32 $0x80, s14  }
0x2fc: {  	v19 =	vmov s8;
	v27 =	vld [tilespmem:s14+$0x20];
	v28 =	vadd.s32 v0, v25;
	[tilespmem:v20+s1+$0x0] =	vst.idx.msk $0xffff, v14  }
0x2fd: {  	s7 =	sadd.s32 $0x1, s8;
	v20 =	vand.u32 $0x7C, v19;
	v30 =	vadd.s32 v1, v25;
	v29 =	vld [tilespmem:s14+$0x30];
	[tilespmem:v17+s1+$0x0] =	vst.idx.msk $0xffff, v15  }
.Ltmp38:
0x2fe: {  	v23 =	vadd.s32 v0, v20;
	v15 =	vmov s7;
	v19 =	vld [tilespmem:s14+$0xFFFFFFC0];
	[tilespmem:v21+s1+$0x0] =	vst.idx.msk $0xffff, v16;
	(pc) =	sbr.rel @p0 .LBB2_71-.Ltmp38, $4  }
0x2ff: {  	v20 =	vadd.s32 v1, v20;
	s7 =	sadd.s32 $0x2, s8;
	s8 =	smov.u32 s9;
	v21 =	vand.u32 $0x7D, v15;
	v14 =	vld [tilespmem:s14+$0xFFFFFFD0];
	[tilespmem:v22+s1+$0x0] =	vst.idx.msk $0xffff, v18  }
0x300: {  	v17 =	vadd.s32 v0, v21;
	v18 =	vmov s7;
	v15 =	vld [tilespmem:s14+$0xFFFFFFE0];
	[tilespmem:v24+s1+$0x0] =	vst.idx.msk $0xffff, v26  }
0x301: {  	s7 =	sadd.s32 $0x3, s9;
	v21 =	vadd.s32 v1, v21;
	v24 =	vand.u32 $0x7E, v18;
	v16 =	vld [tilespmem:s14+$0xFFFFFFF0];
	[tilespmem:v28+s1+$0x0] =	vst.idx.msk $0xffff, v27  }
0x302: {  	s9 =	sadd.s32 $0x4, s9;
	v25 =	vmov s7;
	v22 =	vadd.s32 v0, v24;
	v18 =	vld [tilespmem:s14+$0x0];
	[tilespmem:v30+s1+$0x0] =	vst.idx.msk $0xffff, v29  }
0x303: {  	_ =	sdelay $0x3  }
0x304: {  	v25 =	vand.u32 $0x7F, v25;
	[tilespmem:v23+s1+$0x0] =	vst.idx.msk $0xffff, v19;
	v19 =	vld [tilespmem:s14+$0x10];
	v23 =	vadd.s32 v1, v24;
	s7 =	sadd.s32 $0x80, s14  }
0x305: {  	v58 =	vmov s8;
	v26 =	vld [tilespmem:s7+$0x20];
	v27 =	vadd.s32 v0, v25;
	[tilespmem:v20+s1+$0x0] =	vst.idx.msk $0xffff, v14  }
0x306: {  	s9 =	sadd.s32 $0x1, s8;
	v14 =	vand.u32 $0x7C, v58;
	v20 =	vld [tilespmem:s7+$0x30];
	v59 =	vadd.s32 v1, v25;
	[tilespmem:v17+s1+$0x0] =	vst.idx.msk $0xffff, v15  }
0x307: {  	v60 =	vmov s9;
	v15 =	vld [tilespmem:s7+$0xFFFFFFC0];
	v17 =	vadd.s32 v0, v14;
	[tilespmem:v21+s1+$0x0] =	vst.idx.msk $0xffff, v16  }
0x308: {  	s31 =	sadd.s32 $0x2, s8;
	v14 =	vadd.s32 v1, v14;
	v16 =	vld [tilespmem:s7+$0xFFFFFFD0];
	v21 =	vand.u32 $0x7D, v60;
	[tilespmem:v22+s1+$0x0] =	vst.idx.msk $0xffff, v18  }
0x309: {  	v61 =	vmov s31;
	v18 =	vld [tilespmem:s7+$0xFFFFFFE0];
	v22 =	vadd.s32 v0, v21;
	[tilespmem:v23+s1+$0x0] =	vst.idx.msk $0xffff, v19  }
0x30a: {  	v21 =	vadd.s32 v1, v21;
	v19 =	vld [tilespmem:s7+$0xFFFFFFF0];
	v23 =	vand.u32 $0x7E, v61;
	[tilespmem:v27+s1+$0x0] =	vst.idx.msk $0xffff, v26  }
0x30b: {  	v62 =	vld [tilespmem:s7+$0x0];
	v63 =	vadd.s32 v0, v23;
	[tilespmem:v59+s1+$0x0] =	vst.idx.msk $0xffff, v20  }
0x30c: {  	[tilespmem:v17+s1+$0x0] =	vst.idx.msk $0xffff, v15;
	v15 =	vld [tilespmem:s7+$0x10];
	v17 =	vadd.s32 v1, v23  }
0x30d: {  	[tilespmem:v14+s1+$0x0] =	vst.idx.msk $0xffff, v16  }
0x30e: {  	[tilespmem:v22+s1+$0x0] =	vst.idx.msk $0xffff, v18  }
0x30f: {  	[tilespmem:v21+s1+$0x0] =	vst.idx.msk $0xffff, v19  }
0x310: {  	[tilespmem:v63+s1+$0x0] =	vst.idx.msk $0xffff, v62  }
0x311: {  	s8 =	simm.s32 $0xC470;
	[tilespmem:v17+s1+$0x0] =	vst.idx.msk $0xffff, v15  }
0x312: {  	v21 =	vadd.s32 v2, v10;
	v16 =	vld [tilespmem:s8+$0xFFFFFFF0]  }
0x313: {  	v23 =	vadd.s32 v3, v10;
	v22 =	vld [tilespmem:s8+$0x0]  }
0x314: {  	v19 =	vadd.s32 v2, v11;
	v18 =	vld [tilespmem:s8+$0xFFFFFF90]  }
0x315: {  	v17 =	vadd.s32 v3, v11;
	v14 =	vld [tilespmem:s8+$0xFFFFFFA0]  }
0x316: {  	v15 =	vadd.s32 v2, v12;
	v10 =	vld [tilespmem:s8+$0xFFFFFFB0]  }
0x317: {  	v20 =	vand.u32 $0x7E, v13;
	v13 =	vadd.s32 v3, v12;
	v11 =	vld [tilespmem:s8+$0xFFFFFFC0];
	[tilespmem:v21+s1+$0x0] =	vst.idx.msk $0xffff, v16  }
0x318: {  	s9 =	simm.s32 $0x8;
	v12 =	vld [tilespmem:s8+$0xFFFFFFD0];
	v21 =	vmov s11;
	v16 =	vadd.s32 v2, v20;
	[tilespmem:v23+s1+$0x0] =	vst.idx.msk $0xffff, v22  }
.LBB2_73:
0x319: {  	p0 =	slt.u32 s9, $0x7C;
	v21 =	vand.u32 $0x7F, v21;
	[tilespmem:v19+s1+$0x0] =	vst.idx.msk $0xffff, v18;
	v22 =	vld [tilespmem:s8+$0xFFFFFFE0];
	v20 =	vadd.s32 v3, v20;
	s8 =	sadd.s32 $0x80, s8  }
0x31a: {  	v18 =	vmov s5;
	v23 =	vld [tilespmem:s8+$0xFFFFFFF0];
	v24 =	vadd.s32 v2, v21;
	[tilespmem:v17+s1+$0x0] =	vst.idx.msk $0xffff, v14  }
0x31b: {  	s7 =	sadd.s32 $0x1, s5;
	v17 =	vand.u32 $0x7C, v18;
	v26 =	vadd.s32 v3, v21;
	v25 =	vld [tilespmem:s8+$0x0];
	[tilespmem:v15+s1+$0x0] =	vst.idx.msk $0xffff, v10  }
.Ltmp39:
0x31c: {  	v19 =	vadd.s32 v2, v17;
	v10 =	vmov s7;
	v18 =	vld [tilespmem:s8+$0xFFFFFF90];
	[tilespmem:v13+s1+$0x0] =	vst.idx.msk $0xffff, v11;
	(pc) =	sbr.rel @p0 .LBB2_73-.Ltmp39, $4  }
0x31d: {  	v17 =	vadd.s32 v3, v17;
	s7 =	sadd.s32 $0x2, s5;
	s5 =	smov.u32 s9;
	v13 =	vand.u32 $0x7D, v10;
	v14 =	vld [tilespmem:s8+$0xFFFFFFA0];
	[tilespmem:v16+s1+$0x0] =	vst.idx.msk $0xffff, v12  }
0x31e: {  	v15 =	vadd.s32 v2, v13;
	v12 =	vmov s7;
	v10 =	vld [tilespmem:s8+$0xFFFFFFB0];
	[tilespmem:v20+s1+$0x0] =	vst.idx.msk $0xffff, v22  }
0x31f: {  	s7 =	sadd.s32 $0x3, s9;
	v13 =	vadd.s32 v3, v13;
	v20 =	vand.u32 $0x7E, v12;
	v11 =	vld [tilespmem:s8+$0xFFFFFFC0];
	[tilespmem:v24+s1+$0x0] =	vst.idx.msk $0xffff, v23  }
0x320: {  	s9 =	sadd.s32 $0x4, s9;
	v21 =	vmov s7;
	v16 =	vadd.s32 v2, v20;
	v12 =	vld [tilespmem:s8+$0xFFFFFFD0];
	[tilespmem:v26+s1+$0x0] =	vst.idx.msk $0xffff, v25  }
0x321: {  	_ =	sdelay $0x3  }
0x322: {  	v21 =	vand.u32 $0x7F, v21;
	[tilespmem:v19+s1+$0x0] =	vst.idx.msk $0xffff, v18;
	v18 =	vld [tilespmem:s8+$0xFFFFFFE0];
	v19 =	vadd.s32 v3, v20;
	s7 =	sadd.s32 $0x80, s8  }
0x323: {  	v20 =	vmov s5;
	v22 =	vld [tilespmem:s7+$0xFFFFFFF0];
	v23 =	vadd.s32 v2, v21;
	[tilespmem:v17+s1+$0x0] =	vst.idx.msk $0xffff, v14  }
0x324: {  	s11 =	sadd.s32 $0x1, s5;
	v14 =	vand.u32 $0x7C, v20;
	v17 =	vld [tilespmem:s7+$0x0];
	v20 =	vadd.s32 v3, v21;
	[tilespmem:v15+s1+$0x0] =	vst.idx.msk $0xffff, v10  }
0x325: {  	v21 =	vmov s11;
	v10 =	vld [tilespmem:s7+$0xFFFFFF90];
	v15 =	vadd.s32 v2, v14;
	[tilespmem:v13+s1+$0x0] =	vst.idx.msk $0xffff, v11  }
0x326: {  	s14 =	sadd.s32 $0x2, s5;
	v11 =	vld [tilespmem:s7+$0xFFFFFFA0];
	v13 =	vadd.s32 v3, v14;
	v14 =	vand.u32 $0x7D, v21;
	[tilespmem:v16+s1+$0x0] =	vst.idx.msk $0xffff, v12  }
0x327: {  	v21 =	vmov s14;
	v12 =	vld [tilespmem:s7+$0xFFFFFFB0];
	v16 =	vadd.s32 v2, v14;
	[tilespmem:v19+s1+$0x0] =	vst.idx.msk $0xffff, v18  }
0x328: {  	v14 =	vadd.s32 v3, v14;
	v18 =	vld [tilespmem:s7+$0xFFFFFFC0];
	v19 =	vand.u32 $0x7E, v21;
	[tilespmem:v23+s1+$0x0] =	vst.idx.msk $0xffff, v22  }
0x329: {  	v21 =	vld [tilespmem:s7+$0xFFFFFFD0];
	v22 =	vadd.s32 v2, v19;
	[tilespmem:v20+s1+$0x0] =	vst.idx.msk $0xffff, v17  }
0x32a: {  	p1 =	por $0x1, $0x1;
	[tilespmem:v15+s1+$0x0] =	vst.idx.msk $0xffff, v10;
	v15 =	vld [tilespmem:s7+$0xFFFFFFE0];
	v17 =	vadd.s32 v3, v19  }
.Ltmp40:
0x32b: {  	[tilespmem:v13+s1+$0x0] =	vst.idx.msk $0xffff, v11;
	(pc) =	sbr.rel @!p1 .LBB2_78-.Ltmp40, $4  }
0x32c: {  	[tilespmem:v16+s1+$0x0] =	vst.idx.msk $0xffff, v12  }
0x32d: {  	s31 =	simm.s32 $0x3;
	s5 =	simm.s32 $0x4;
	[tilespmem:v14+s1+$0x0] =	vst.idx.msk $0xffff, v18  }
0x32e: {  	p0 =	por $0x0, $0x0;
	s9 =	simm.s32 $0xD470;
	s8 =	simm.s32 $0x0;
	v10 =	vmov s31;
	[tilespmem:v22+s1+$0x0] =	vst.idx.msk $0xffff, v21  }
0x32f: {  	p2 =	por $0x0, $0x0;
	s11 =	simm.s32 $0x0;
	s14 =	simm.s32 $0xD470;
	v22 =	vmov v10;
	[tilespmem:v17+s1+$0x0] =	vst.idx.msk $0xffff, v15  }
0x330: {  	v11 =	vand.u32 $0x7F, v10  }
0x331: {  	v18 =	vld [tilespmem:s14+$0xFFFFFFF0];
	v19 =	vadd.s32 v4, v11;
	v24 =	vadd.s32 v5, v11;
	v11 =	vmov s11  }
0x332: {  	v23 =	vld [tilespmem:s14+$0x0];
	s7 =	simm.s32 $0x1;
	p3 =	por $0x1, $0x1;
	v14 =	vand.u32 $0x7C, v11  }
.Ltmp41:
0x333: {  	v12 =	vld [tilespmem:s14+$0xFFFFFF90];
	v13 =	vmov s7;
	v15 =	vadd.s32 v4, v14;
	(pc) =	sbr.rel @!p3 .LBB2_76-.Ltmp41, $4  }
0x334: {  	s10 =	simm.s32 $0x2;
	v11 =	vld [tilespmem:s14+$0xFFFFFFA0];
	v20 =	vand.u32 $0x7D, v13;
	v17 =	vadd.s32 v5, v14  }
0x335: {  	v21 =	vmov s10;
	v13 =	vld [tilespmem:s14+$0xFFFFFFB0];
	v16 =	vadd.s32 v4, v20  }
0x336: {  	s31 =	simm.s32 $0x7;
	p2 =	por $0x1, $0x1;
	v21 =	vand.u32 $0x7E, v21;
	v14 =	vld [tilespmem:s14+$0xFFFFFFC0];
	[tilespmem:v19+s1+$0x0] =	vst.idx.msk $0xffff, v18;
	v19 =	vadd.s32 v5, v20  }
0x337: {  	s9 =	simm.s32 $0xD470;
	s8 =	simm.s32 $0x4;
	s10 =	simm.s32 $0x8;
	v22 =	vmov s31;
	v18 =	vld [tilespmem:s14+$0xFFFFFFD0];
	v20 =	vadd.s32 v4, v21;
	[tilespmem:v24+s1+$0x0] =	vst.idx.msk $0xffff, v23  }
.LBB2_77:
0x338: {  	p3 =	slt.u32 s10, $0x7C;
	v22 =	vand.u32 $0x7F, v22;
	[tilespmem:v15+s1+$0x0] =	vst.idx.msk $0xffff, v12;
	v23 =	vld [tilespmem:s9+$0xFFFFFFE0];
	v21 =	vadd.s32 v5, v21;
	s9 =	sadd.s32 $0x80, s9  }
0x339: {  	v12 =	vmov s8;
	v24 =	vld [tilespmem:s9+$0xFFFFFFF0];
	v25 =	vadd.s32 v4, v22;
	[tilespmem:v17+s1+$0x0] =	vst.idx.msk $0xffff, v11  }
0x33a: {  	s7 =	sadd.s32 $0x1, s8;
	v17 =	vand.u32 $0x7C, v12;
	v27 =	vadd.s32 v5, v22;
	v26 =	vld [tilespmem:s9+$0x0];
	[tilespmem:v16+s1+$0x0] =	vst.idx.msk $0xffff, v13  }
.Ltmp42:
0x33b: {  	v15 =	vadd.s32 v4, v17;
	v13 =	vmov s7;
	v12 =	vld [tilespmem:s9+$0xFFFFFF90];
	[tilespmem:v19+s1+$0x0] =	vst.idx.msk $0xffff, v14;
	(pc) =	sbr.rel @p3 .LBB2_77-.Ltmp42, $4  }
0x33c: {  	v17 =	vadd.s32 v5, v17;
	s7 =	sadd.s32 $0x2, s8;
	s8 =	smov.u32 s10;
	v19 =	vand.u32 $0x7D, v13;
	v11 =	vld [tilespmem:s9+$0xFFFFFFA0];
	[tilespmem:v20+s1+$0x0] =	vst.idx.msk $0xffff, v18  }
0x33d: {  	v16 =	vadd.s32 v4, v19;
	v18 =	vmov s7;
	v13 =	vld [tilespmem:s9+$0xFFFFFFB0];
	[tilespmem:v21+s1+$0x0] =	vst.idx.msk $0xffff, v23  }
0x33e: {  	s7 =	sadd.s32 $0x3, s10;
	v19 =	vadd.s32 v5, v19;
	v21 =	vand.u32 $0x7E, v18;
	v14 =	vld [tilespmem:s9+$0xFFFFFFC0];
	[tilespmem:v25+s1+$0x0] =	vst.idx.msk $0xffff, v24  }
0x33f: {  	s10 =	sadd.s32 $0x4, s10;
	v22 =	vmov s7;
	v20 =	vadd.s32 v4, v21;
	v18 =	vld [tilespmem:s9+$0xFFFFFFD0];
	[tilespmem:v27+s1+$0x0] =	vst.idx.msk $0xffff, v26  }
.LBB2_78:
0x340: {  	_ =	sdelay $0x2  }
0x341: {  	s7 =	sadd.s32 @p2 $0x80, s9  }
0x342: {  	v23 =	vld @p2 [tilespmem:s9+$0xFFFFFFE0];
	v22 =	vand.u32 $0x7F, v22;
	[tilespmem:v15+s1+$0x0] =	vst.idx.msk @p2 $0xffff, v12;
	v12 =	vadd.s32 @p2 v5, v21;
	v47 =	vmov s8;
	s14 =	smov.u32 @p2 s7  }
0x343: {  	v24 =	vadd.s32 v4, v22;
	[tilespmem:v17+s1+$0x0] =	vst.idx.msk @p2 $0xffff, v11;
	v11 =	vand.u32 $0x7C, v47;
	v48 =	vld [tilespmem:s14+$0xFFFFFFF0]  }
0x344: {  	s10 =	sadd.s32 $0x1, s8;
	[tilespmem:v16+s1+$0x0] =	vst.idx.msk @p2 $0xffff, v13;
	v51 =	vld [tilespmem:s14+$0xFFFFFF90];
	v52 =	vadd.s32 v4, v11  }
0x345: {  	s31 =	sadd.s32 $0x2, s8;
	v50 =	vadd.s32 v5, v22;
	v53 =	vmov s10;
	v49 =	vld [tilespmem:s14+$0x0];
	[tilespmem:v19+s1+$0x0] =	vst.idx.msk @p2 $0xffff, v14  }
0x346: {  	v58 =	vmov s31;
	v54 =	vld [tilespmem:s14+$0xFFFFFFA0];
	v11 =	vadd.s32 v5, v11;
	v55 =	vand.u32 $0x7D, v53;
	[tilespmem:v20+s1+$0x0] =	vst.idx.msk @p2 $0xffff, v18  }
0x347: {  	v56 =	vld [tilespmem:s14+$0xFFFFFFB0];
	v22 =	vand.u32 $0x7E, v58;
	v57 =	vadd.s32 v4, v55;
	[tilespmem:v12+s1+$0x0] =	vst.idx.msk @p2 $0xffff, v23  }
0x348: {  	v60 =	vld [tilespmem:s14+$0xFFFFFFD0];
	v61 =	vadd.s32 v4, v22;
	[tilespmem:v24+s1+$0x0] =	vst.idx.msk $0xffff, v48  }
0x349: {  	v59 =	vld [tilespmem:s14+$0xFFFFFFC0];
	v19 =	vadd.s32 v5, v55;
	[tilespmem:v52+s1+$0x0] =	vst.idx.msk $0xffff, v51  }
0x34a: {  	v62 =	vld [tilespmem:s14+$0xFFFFFFE0];
	v63 =	vadd.s32 v5, v22;
	[tilespmem:v50+s1+$0x0] =	vst.idx.msk $0xffff, v49  }
.Ltmp43:
0x34b: {  	[tilespmem:v11+s1+$0x0] =	vst.idx.msk $0xffff, v54;
	(pc) =	sbr.rel @!p1 .LBB2_79-.Ltmp43, $4  }
0x34c: {  	[tilespmem:v57+s1+$0x0] =	vst.idx.msk $0xffff, v56  }
0x34d: {  	[tilespmem:v61+s1+$0x0] =	vst.idx.msk $0xffff, v60  }
0x34e: {  	[tilespmem:v19+s1+$0x0] =	vst.idx.msk $0xffff, v59  }
0x34f: {  	s14 =	simm.s32 $0xE470;
	[tilespmem:v63+s1+$0x0] =	vst.idx.msk $0xffff, v62  }
0x350: {  	v10 =	vand.u32 $0x7F, v10  }
0x351: {  	v18 =	vld [tilespmem:s14+$0xFFFFFFF0];
	v19 =	vadd.s32 v6, v10;
	v23 =	vadd.s32 v7, v10;
	v10 =	vmov s11  }
0x352: {  	v22 =	vld [tilespmem:s14+$0x0];
	s7 =	simm.s32 $0x1;
	p1 =	por $0x1, $0x1;
	v10 =	vand.u32 $0x7C, v10  }
.Ltmp44:
0x353: {  	v12 =	vld [tilespmem:s14+$0xFFFFFF90];
	v13 =	vmov s7;
	v16 =	vadd.s32 v6, v10;
	(pc) =	sbr.rel @!p1 .LBB2_81-.Ltmp44, $4  }
0x354: {  	v11 =	vld [tilespmem:s14+$0xFFFFFFA0];
	s11 =	simm.s32 $0x2;
	v20 =	vand.u32 $0x7D, v13;
	v17 =	vadd.s32 v7, v10  }
0x355: {  	v13 =	vld [tilespmem:s14+$0xFFFFFFB0];
	v21 =	vmov s11;
	v15 =	vadd.s32 v6, v20  }
0x356: {  	s31 =	simm.s32 $0x7;
	v14 =	vld [tilespmem:s14+$0xFFFFFFC0];
	v21 =	vand.u32 $0x7E, v21;
	[tilespmem:v19+s1+$0x0] =	vst.idx.msk $0xffff, v18;
	v19 =	vadd.s32 v7, v20  }
0x357: {  	s9 =	simm.s32 $0x8;
	p0 =	por $0x1, $0x1;
	s8 =	simm.s32 $0xE470;
	v10 =	vmov s31;
	v18 =	vld [tilespmem:s14+$0xFFFFFFD0];
	v20 =	vadd.s32 v6, v21;
	[tilespmem:v23+s1+$0x0] =	vst.idx.msk $0xffff, v22  }
.LBB2_82:
0x358: {  	p1 =	slt.u32 s9, $0x7C;
	v10 =	vand.u32 $0x7F, v10;
	[tilespmem:v16+s1+$0x0] =	vst.idx.msk $0xffff, v12;
	v22 =	vld [tilespmem:s8+$0xFFFFFFE0];
	v21 =	vadd.s32 v7, v21;
	s8 =	sadd.s32 $0x80, s8  }
0x359: {  	v12 =	vmov s5;
	v23 =	vld [tilespmem:s8+$0xFFFFFFF0];
	v24 =	vadd.s32 v6, v10;
	[tilespmem:v17+s1+$0x0] =	vst.idx.msk $0xffff, v11  }
0x35a: {  	s7 =	sadd.s32 $0x1, s5;
	v17 =	vand.u32 $0x7C, v12;
	v26 =	vadd.s32 v7, v10;
	v25 =	vld [tilespmem:s8+$0x0];
	[tilespmem:v15+s1+$0x0] =	vst.idx.msk $0xffff, v13  }
.Ltmp45:
0x35b: {  	v10 =	vmov s7;
	v16 =	vadd.s32 v6, v17;
	v12 =	vld [tilespmem:s8+$0xFFFFFF90];
	[tilespmem:v19+s1+$0x0] =	vst.idx.msk $0xffff, v14;
	(pc) =	sbr.rel @p1 .LBB2_82-.Ltmp45, $4  }
0x35c: {  	s7 =	sadd.s32 $0x2, s5;
	s5 =	smov.u32 s9;
	v17 =	vadd.s32 v7, v17;
	v10 =	vand.u32 $0x7D, v10;
	v11 =	vld [tilespmem:s8+$0xFFFFFFA0];
	[tilespmem:v20+s1+$0x0] =	vst.idx.msk $0xffff, v18  }
0x35d: {  	v15 =	vadd.s32 v6, v10;
	v18 =	vmov s7;
	v13 =	vld [tilespmem:s8+$0xFFFFFFB0];
	[tilespmem:v21+s1+$0x0] =	vst.idx.msk $0xffff, v22  }
0x35e: {  	v19 =	vadd.s32 v7, v10;
	s7 =	sadd.s32 $0x3, s9;
	v21 =	vand.u32 $0x7E, v18;
	v14 =	vld [tilespmem:s8+$0xFFFFFFC0];
	[tilespmem:v24+s1+$0x0] =	vst.idx.msk $0xffff, v23  }
0x35f: {  	s9 =	sadd.s32 $0x4, s9;
	v10 =	vmov s7;
	v20 =	vadd.s32 v6, v21;
	v18 =	vld [tilespmem:s8+$0xFFFFFFD0];
	[tilespmem:v26+s1+$0x0] =	vst.idx.msk $0xffff, v25  }
0x360: {  	s11 =	smov.u32 s5  }
.LBB2_84:
0x361: {  	_ =	sdelay $0x2  }
0x362: {  	s5 =	sadd.s32 @p0 $0x80, s8  }
0x363: {  	v22 =	vld @p0 [tilespmem:s8+$0xFFFFFFE0];
	v10 =	vand.u32 $0x7F, v10;
	[tilespmem:v16+s1+$0x0] =	vst.idx.msk @p0 $0xffff, v12;
	v12 =	vadd.s32 @p0 v7, v21;
	v54 =	vmov s11;
	s14 =	smov.u32 @p0 s5  }
0x364: {  	v23 =	vadd.s32 v6, v10;
	[tilespmem:v17+s1+$0x0] =	vst.idx.msk @p0 $0xffff, v11;
	v11 =	vand.u32 $0x7C, v54;
	v21 =	vld [tilespmem:s14+$0xFFFFFFF0]  }
0x365: {  	s10 =	sadd.s32 $0x1, s11;
	[tilespmem:v15+s1+$0x0] =	vst.idx.msk @p0 $0xffff, v13;
	v56 =	vld [tilespmem:s14+$0xFFFFFF90];
	v57 =	vadd.s32 v6, v11  }
0x366: {  	v10 =	vadd.s32 v7, v10;
	v58 =	vmov s10;
	v55 =	vld [tilespmem:s14+$0x0];
	[tilespmem:v19+s1+$0x0] =	vst.idx.msk @p0 $0xffff, v14  }
0x367: {  	s31 =	sadd.s32 $0x2, s11;
	v59 =	vld [tilespmem:s14+$0xFFFFFFA0];
	v11 =	vadd.s32 v7, v11;
	v17 =	vand.u32 $0x7D, v58;
	[tilespmem:v20+s1+$0x0] =	vst.idx.msk @p0 $0xffff, v18  }
0x368: {  	v60 =	vld [tilespmem:s14+$0xFFFFFFB0];
	v61 =	vadd.s32 v6, v17;
	v20 =	vmov s31;
	[tilespmem:v12+s1+$0x0] =	vst.idx.msk @p0 $0xffff, v22  }
0x369: {  	v62 =	vld [tilespmem:s14+$0xFFFFFFC0];
	v17 =	vadd.s32 v7, v17;
	v20 =	vand.u32 $0x7E, v20;
	[tilespmem:v23+s1+$0x0] =	vst.idx.msk $0xffff, v21  }
0x36a: {  	v22 =	vadd.s32 v6, v20;
	v21 =	vld [tilespmem:s14+$0xFFFFFFD0];
	[tilespmem:v57+s1+$0x0] =	vst.idx.msk $0xffff, v56  }
0x36b: {  	p1 =	por $0x1, $0x1;
	v63 =	vadd.s32 v7, v20;
	[tilespmem:v10+s1+$0x0] =	vst.idx.msk $0xffff, v55;
	v10 =	vld [tilespmem:s14+$0xFFFFFFE0]  }
.Ltmp46:
0x36c: {  	[tilespmem:v11+s1+$0x0] =	vst.idx.msk $0xffff, v59;
	(pc) =	sbr.rel @!p1 .LBB2_85-.Ltmp46, $4  }
0x36d: {  	[tilespmem:v61+s1+$0x0] =	vst.idx.msk $0xffff, v60  }
0x36e: {  	[tilespmem:v17+s1+$0x0] =	vst.idx.msk $0xffff, v62  }
0x36f: {  	s7 =	simm.s32 $0x3;
	s8 =	simm.s32 $0x4;
	[tilespmem:v22+s1+$0x0] =	vst.idx.msk $0xffff, v21  }
0x370: {  	s10 =	simm.s32 $0x0;
	s5 =	simm.s32 $0xF470;
	p0 =	por $0x0, $0x0;
	v21 =	vmov s7;
	[tilespmem:v63+s1+$0x0] =	vst.idx.msk $0xffff, v10  }
0x371: {  	v10 =	vand.u32 $0x7F, v21  }
0x372: {  	v17 =	vld [tilespmem:s5+$0xFFFFFFF0];
	v18 =	vadd.s32 v8, v10;
	v23 =	vadd.s32 v9, v10;
	v10 =	vmov s10  }
0x373: {  	v22 =	vld [tilespmem:s5+$0x0];
	s7 =	simm.s32 $0x1;
	p1 =	por $0x1, $0x1;
	v13 =	vand.u32 $0x7C, v10  }
.Ltmp47:
0x374: {  	v12 =	vld [tilespmem:s5+$0xFFFFFF90];
	v11 =	vmov s7;
	v16 =	vadd.s32 v8, v13;
	(pc) =	sbr.rel @!p1 .LBB2_87-.Ltmp47, $4  }
0x375: {  	s14 =	simm.s32 $0x2;
	v10 =	vld [tilespmem:s5+$0xFFFFFFA0];
	v19 =	vand.u32 $0x7D, v11;
	v15 =	vadd.s32 v9, v13  }
0x376: {  	v20 =	vmov s14;
	v11 =	vld [tilespmem:s5+$0xFFFFFFB0];
	v14 =	vadd.s32 v8, v19  }
0x377: {  	s31 =	simm.s32 $0x7;
	v20 =	vand.u32 $0x7E, v20;
	v13 =	vld [tilespmem:s5+$0xFFFFFFC0];
	[tilespmem:v18+s1+$0x0] =	vst.idx.msk $0xffff, v17;
	v18 =	vadd.s32 v9, v19  }
0x378: {  	p0 =	por $0x1, $0x1;
	s9 =	simm.s32 $0xF470;
	v21 =	vmov s31;
	s10 =	simm.s32 $0x8;
	v17 =	vld [tilespmem:s5+$0xFFFFFFD0];
	v19 =	vadd.s32 v8, v20;
	[tilespmem:v23+s1+$0x0] =	vst.idx.msk $0xffff, v22  }
.LBB2_88:
0x379: {  	p1 =	slt.u32 s10, $0x7C;
	v21 =	vand.u32 $0x7F, v21;
	[tilespmem:v16+s1+$0x0] =	vst.idx.msk $0xffff, v12;
	v22 =	vld [tilespmem:s9+$0xFFFFFFE0];
	v20 =	vadd.s32 v9, v20;
	s9 =	sadd.s32 $0x80, s9  }
0x37a: {  	v12 =	vmov s8;
	v23 =	vld [tilespmem:s9+$0xFFFFFFF0];
	v24 =	vadd.s32 v8, v21;
	[tilespmem:v15+s1+$0x0] =	vst.idx.msk $0xffff, v10  }
0x37b: {  	s7 =	sadd.s32 $0x1, s8;
	v15 =	vand.u32 $0x7C, v12;
	v26 =	vadd.s32 v9, v21;
	v25 =	vld [tilespmem:s9+$0x0];
	[tilespmem:v14+s1+$0x0] =	vst.idx.msk $0xffff, v11  }
.Ltmp48:
0x37c: {  	v16 =	vadd.s32 v8, v15;
	v11 =	vmov s7;
	v12 =	vld [tilespmem:s9+$0xFFFFFF90];
	[tilespmem:v18+s1+$0x0] =	vst.idx.msk $0xffff, v13;
	(pc) =	sbr.rel @p1 .LBB2_88-.Ltmp48, $4  }
0x37d: {  	v15 =	vadd.s32 v9, v15;
	s7 =	sadd.s32 $0x2, s8;
	s8 =	smov.u32 s10;
	v18 =	vand.u32 $0x7D, v11;
	v10 =	vld [tilespmem:s9+$0xFFFFFFA0];
	[tilespmem:v19+s1+$0x0] =	vst.idx.msk $0xffff, v17  }
0x37e: {  	v14 =	vadd.s32 v8, v18;
	v17 =	vmov s7;
	v11 =	vld [tilespmem:s9+$0xFFFFFFB0];
	[tilespmem:v20+s1+$0x0] =	vst.idx.msk $0xffff, v22  }
0x37f: {  	s7 =	sadd.s32 $0x3, s10;
	v18 =	vadd.s32 v9, v18;
	v20 =	vand.u32 $0x7E, v17;
	v13 =	vld [tilespmem:s9+$0xFFFFFFC0];
	[tilespmem:v24+s1+$0x0] =	vst.idx.msk $0xffff, v23  }
0x380: {  	s10 =	sadd.s32 $0x4, s10;
	v21 =	vmov s7;
	v19 =	vadd.s32 v8, v20;
	v17 =	vld [tilespmem:s9+$0xFFFFFFD0];
	[tilespmem:v26+s1+$0x0] =	vst.idx.msk $0xffff, v25  }
0x381: {  	s10 =	smov.u32 s8  }
.LBB2_90:
0x382: {  	_ =	sdelay $0x2  }
0x383: {  	s7 =	sadd.s32 @p0 $0x80, s9  }
0x384: {  	v21 =	vand.u32 $0x7F, v21;
	[tilespmem:v16+s1+$0x0] =	vst.idx.msk @p0 $0xffff, v12;
	v12 =	vld @p0 [tilespmem:s9+$0xFFFFFFE0];
	v16 =	vadd.s32 @p0 v9, v20;
	v48 =	vmov s10;
	s5 =	smov.u32 @p0 s7  }
0x385: {  	v23 =	vadd.s32 v8, v21;
	[tilespmem:v15+s1+$0x0] =	vst.idx.msk @p0 $0xffff, v10;
	v10 =	vand.u32 $0x7C, v48;
	v22 =	vld [tilespmem:s5+$0xFFFFFFF0]  }
0x386: {  	s14 =	sadd.s32 $0x1, s10;
	[tilespmem:v14+s1+$0x0] =	vst.idx.msk @p0 $0xffff, v11;
	v11 =	vld [tilespmem:s5+$0xFFFFFF90];
	v51 =	vadd.s32 v8, v10  }
0x387: {  	s31 =	sadd.s32 $0x2, s10;
	v50 =	vadd.s32 v9, v21;
	v52 =	vmov s14;
	v49 =	vld [tilespmem:s5+$0x0];
	[tilespmem:v18+s1+$0x0] =	vst.idx.msk @p0 $0xffff, v13  }
0x388: {  	v57 =	vmov s31;
	v53 =	vld [tilespmem:s5+$0xFFFFFFA0];
	v10 =	vadd.s32 v9, v10;
	v54 =	vand.u32 $0x7D, v52;
	[tilespmem:v19+s1+$0x0] =	vst.idx.msk @p0 $0xffff, v17  }
0x389: {  	v55 =	vld [tilespmem:s5+$0xFFFFFFB0];
	v60 =	vand.u32 $0x7E, v57;
	v56 =	vadd.s32 v8, v54;
	[tilespmem:v16+s1+$0x0] =	vst.idx.msk @p0 $0xffff, v12  }
0x38a: {  	v61 =	vld [tilespmem:s5+$0xFFFFFFD0];
	v62 =	vadd.s32 v8, v60;
	[tilespmem:v23+s1+$0x0] =	vst.idx.msk $0xffff, v22  }
0x38b: {  	v58 =	vld [tilespmem:s5+$0xFFFFFFC0];
	v59 =	vadd.s32 v9, v54;
	[tilespmem:v51+s1+$0x0] =	vst.idx.msk $0xffff, v11  }
0x38c: {  	v63 =	vadd.s32 v9, v60;
	v11 =	vld [tilespmem:s5+$0xFFFFFFE0];
	[tilespmem:v50+s1+$0x0] =	vst.idx.msk $0xffff, v49  }
0x38d: {  	[tilespmem:v10+s1+$0x0] =	vst.idx.msk $0xffff, v53  }
0x38e: {  	s8 =	sshll.u32 s29, $0x11;
	[tilespmem:v56+s1+$0x0] =	vst.idx.msk $0xffff, v55  }
0x38f: {  	s5 =	sor.u32 s6, s8;
	[tilespmem:v62+s1+$0x0] =	vst.idx.msk $0xffff, v61  }
0x390: {  	s5 =	sshrl.u32 s5, $0x3;
	[tilespmem:v59+s1+$0x0] =	vst.idx.msk $0xffff, v58  }
0x391: {  	s9 =	simm.s32 $0x15900;
	s7 =	sadd.s32 s2, s5;
	[tilespmem:v63+s1+$0x0] =	vst.idx.msk $0xffff, v11  }
0x392: {  	[hbm4b:s7+s3] =	stream.linear.scatter [tilespmem:s9], [sflag:$0x5], $0x80, $0x38;
	[tilespmem:$0x1AE00] =	vst v63  }
0x393: {  	s10 =	simm.s32 $0x15988;
	s8 =	sadd.s32 $0x10, s7  }
0x394: {  	[hbm4b:s8+s3] =	stream.linear.scatter [tilespmem:s10], [sflag:$0x5], $0x80, $0x38;
	[tilespmem:$0x1AE00] =	vst v63  }
0x395: {  	s11 =	simm.s32 $0x15A10;
	s29 =	simm.s32 $0x15A98;
	s14 =	sadd.s32 $0x20, s7  }
0x396: {  	[hbm4b:s14+s3] =	stream.linear.scatter [tilespmem:s11], [sflag:$0x5], $0x80, $0x38;
	[tilespmem:$0x1AE00] =	vst v63  }
0x397: {  	s5 =	simm.s32 $0x440;
	s31 =	sadd.s32 $0x30, s7;
	s9 =	simm.s32 $0x15B20  }
0x398: {  	[hbm4b:s31+s3] =	stream.linear.scatter [tilespmem:s29], [sflag:$0x5], $0x80, $0x38;
	[tilespmem:$0x1AE00] =	vst v63  }
0x399: {  	s10 =	sadd.s32 $0x40, s7;
	s8 =	sadd.s32 $0x1000, s7;
	s11 =	simm.s32 $0x15BA8  }
0x39a: {  	[hbm4b:s10+s3] =	stream.linear.scatter [tilespmem:s9], [sflag:$0x5], $0x80, $0x38;
	[tilespmem:$0x1AE00] =	vst v63  }
0x39b: {  	s14 =	sadd.s32 $0x50, s7;
	s29 =	simm.s32 $0x15C30;
	s31 =	sadd.s32 $0x60, s7  }
0x39c: {  	[hbm4b:s14+s3] =	stream.linear.scatter [tilespmem:s11], [sflag:$0x5], $0x80, $0x38;
	[tilespmem:$0x1AE00] =	vst v63  }
0x39d: {  	s9 =	simm.s32 $0x2200;
	s10 =	simm.s32 $0x15CB8;
	s11 =	sadd.s32 $0x70, s7  }
0x39e: {  	[hbm4b:s31+s3] =	stream.linear.scatter [tilespmem:s29], [sflag:$0x5], $0x80, $0x38;
	[tilespmem:$0x1AE00] =	vst v63  }
.LBB2_91:
0x39f: {  	[hbm4b:s11+s3] =	stream.linear.scatter [tilespmem:s10], [sflag:$0x5], $0x80, $0x38;
	[tilespmem:$0x1AE00] =	vst v63  }
0x3a0: {  	s7 =	smov.u32 s5;
	s5 =	smov.u32 s9  }
0x3a1: {  	s14 =	sadd.s32 $0x1100, s9;
	s5 =	sshra.s32 s5, $0x2;
	s10 =	sadd.s32 $0x15900, s7  }
0x3a2: {  	[hbm4b:s8+s3] =	stream.linear.scatter [tilespmem:s10], [sflag:$0x5], $0x80, $0x38;
	[tilespmem:$0x1AE00] =	vst v63  }
0x3a3: {  	p0 =	sne.s32 s9, $0x14300;
	s9 =	sadd.s32 $0x15988, s7;
	s10 =	sadd.s32 $0x10, s8  }
0x3a4: {  	[hbm4b:s10+s3] =	stream.linear.scatter [tilespmem:s9], [sflag:$0x5], $0x80, $0x38;
	[tilespmem:$0x1AE00] =	vst v63  }
0x3a5: {  	s9 =	sadd.s32 $0x15A10, s7;
	s10 =	sadd.s32 $0x20, s8  }
0x3a6: {  	[hbm4b:s10+s3] =	stream.linear.scatter [tilespmem:s9], [sflag:$0x5], $0x80, $0x38;
	[tilespmem:$0x1AE00] =	vst v63  }
0x3a7: {  	s9 =	sadd.s32 $0x15A98, s7;
	s10 =	sadd.s32 $0x30, s8  }
0x3a8: {  	[hbm4b:s10+s3] =	stream.linear.scatter [tilespmem:s9], [sflag:$0x5], $0x80, $0x38;
	[tilespmem:$0x1AE00] =	vst v63  }
0x3a9: {  	s9 =	sadd.s32 $0x15B20, s7;
	s10 =	sadd.s32 $0x40, s8  }
0x3aa: {  	[hbm4b:s10+s3] =	stream.linear.scatter [tilespmem:s9], [sflag:$0x5], $0x80, $0x38;
	[tilespmem:$0x1AE00] =	vst v63  }
.Ltmp49:
0x3ab: {  	s9 =	sadd.s32 $0x15BA8, s7;
	s10 =	sadd.s32 $0x50, s8;
	(pc) =	sbr.rel @p0 .LBB2_91-.Ltmp49, $4  }
0x3ac: {  	[hbm4b:s10+s3] =	stream.linear.scatter [tilespmem:s9], [sflag:$0x5], $0x80, $0x38;
	[tilespmem:$0x1AE00] =	vst v63  }
0x3ad: {  	s11 =	sadd.s32 $0x70, s8;
	s9 =	sadd.s32 $0x15C30, s7;
	s10 =	sadd.s32 $0x60, s8  }
0x3ae: {  	[hbm4b:s10+s3] =	stream.linear.scatter [tilespmem:s9], [sflag:$0x5], $0x80, $0x38;
	[tilespmem:$0x1AE00] =	vst v63  }
0x3af: {  	s8 =	sadd.s32 $0x1000, s8;
	s10 =	sadd.s32 $0x15CB8, s7;
	s9 =	smov.u32 s14  }
0x3b0: {  	[hbm4b:s11+s3] =	stream.linear.scatter [tilespmem:s10], [sflag:$0x5], $0x80, $0x38;
	[tilespmem:$0x1AE00] =	vst v63  }
0x3b1: {  	s7 =	sadd.s32 $0x15900, s5  }
0x3b2: {  	[hbm4b:s8+s3] =	stream.linear.scatter [tilespmem:s7], [sflag:$0x5], $0x80, $0x38;
	[tilespmem:$0x1AE00] =	vst v63  }
0x3b3: {  	s31 =	sadd.s32 $0x15988, s5;
	s9 =	sadd.s32 $0x10, s8  }
0x3b4: {  	[hbm4b:s9+s3] =	stream.linear.scatter [tilespmem:s31], [sflag:$0x5], $0x80, $0x38;
	[tilespmem:$0x1AE00] =	vst v63  }
0x3b5: {  	s10 =	sadd.s32 $0x20, s8;
	s9 =	sadd.s32 $0x15A10, s5  }
0x3b6: {  	[hbm4b:s10+s3] =	stream.linear.scatter [tilespmem:s9], [sflag:$0x5], $0x80, $0x38;
	[tilespmem:$0x1AE00] =	vst v63  }
0x3b7: {  	s11 =	sadd.s32 $0x15A98, s5;
	s14 =	sadd.s32 $0x30, s8  }
0x3b8: {  	[hbm4b:s14+s3] =	stream.linear.scatter [tilespmem:s11], [sflag:$0x5], $0x80, $0x38;
	[tilespmem:$0x1AE00] =	vst v63  }
0x3b9: {  	s29 =	sadd.s32 $0x15B20, s5;
	s26 =	sadd.s32 $0x1, s26;
	s31 =	sadd.s32 $0x40, s8  }
0x3ba: {  	[hbm4b:s31+s3] =	stream.linear.scatter [tilespmem:s29], [sflag:$0x5], $0x80, $0x38;
	[tilespmem:$0x1AE00] =	vst v63  }
0x3bb: {  	p0 =	sne.s32 s26, $0x13;
	s9 =	sadd.s32 $0x15BA8, s5;
	s10 =	sadd.s32 $0x50, s8  }
0x3bc: {  	[hbm4b:s10+s3] =	stream.linear.scatter [tilespmem:s9], [sflag:$0x5], $0x80, $0x38;
	[tilespmem:$0x1AE00] =	vst v63  }
.Ltmp50:
0x3bd: {  	_ = 	snop;
	(pc) =	sbr.rel @p0 .LBB2_48-.Ltmp50, $4  }
.Ltmp51:
0x3be: {  	s11 =	sadd.s32 $0x15C30, s5;
	s14 =	sadd.s32 $0x60, s8;
	(pc) =	sbr.rel @!p0 .LBB2_93-.Ltmp51, $4  }
0x3bf: {  	[hbm4b:s14+s3] =	stream.linear.scatter [tilespmem:s11], [sflag:$0x5], $0x80, $0x38;
	[tilespmem:$0x1AE00] =	vst v63  }
0x3c0: {  	s29 =	sadd.s32 $0x15CB8, s5;
	s31 =	sadd.s32 $0x70, s8  }
0x3c1: {  	[hbm4b:s31+s3] =	stream.linear.scatter [tilespmem:s29], [sflag:$0x5], $0x80, $0x38;
	[tilespmem:$0x1AE00] =	vst v63  }
0x3c2: {  	_ = 	snop  }
.LBB2_57:
.Ltmp52:
0x3c3: {  	(pc) =	sbr.rel .LBB2_62-.Ltmp52, $2  }
0x3c4: {  	_ =	sdelay $0x2  }
0x3c5: {  	s8 =	simm.s32 $0x9470  }
.LBB2_63:
.Ltmp53:
0x3c6: {  	(pc) =	sbr.rel .LBB2_68-.Ltmp53, $2  }
0x3c7: {  	_ =	sdelay $0x2  }
0x3c8: {  	s9 =	simm.s32 $0xA470  }
.LBB2_79:
.Ltmp54:
0x3c9: {  	(pc) =	sbr.rel .LBB2_84-.Ltmp54, $2  }
0x3ca: {  	_ =	sdelay $0x2  }
0x3cb: {  	s8 =	simm.s32 $0xE470  }
.LBB2_85:
.Ltmp55:
0x3cc: {  	(pc) =	sbr.rel .LBB2_90-.Ltmp55, $2  }
0x3cd: {  	_ =	sdelay $0x2  }
0x3ce: {  	s9 =	simm.s32 $0xF470  }
.LBB2_54:
.Ltmp56:
0x3cf: {  	(pc) =	sbr.rel .LBB2_56-.Ltmp56, $2  }
0x3d0: {  	_ =	sdelay $0x2  }
0x3d1: {  	s9 =	simm.s32 $0x8470;
	s8 =	simm.s32 $0x4  }
.LBB2_59:
.Ltmp57:
0x3d2: {  	(pc) =	sbr.rel .LBB2_62-.Ltmp57, $2  }
0x3d3: {  	_ =	sdelay $0x2  }
0x3d4: {  	s8 =	simm.s32 $0x9470;
	s14 =	simm.s32 $0x4  }
.LBB2_65:
.Ltmp58:
0x3d5: {  	(pc) =	sbr.rel .LBB2_68-.Ltmp58, $2  }
0x3d6: {  	_ =	sdelay $0x2  }
0x3d7: {  	s9 =	simm.s32 $0xA470;
	s10 =	simm.s32 $0x4  }
.LBB2_76:
.Ltmp59:
0x3d8: {  	(pc) =	sbr.rel .LBB2_78-.Ltmp59, $2  }
0x3d9: {  	_ =	sdelay $0x2  }
0x3da: {  	s9 =	simm.s32 $0xD470;
	s8 =	simm.s32 $0x4  }
.LBB2_81:
.Ltmp60:
0x3db: {  	(pc) =	sbr.rel .LBB2_84-.Ltmp60, $2  }
0x3dc: {  	_ =	sdelay $0x2  }
0x3dd: {  	s8 =	simm.s32 $0xE470;
	s11 =	simm.s32 $0x4  }
.LBB2_87:
.Ltmp61:
0x3de: {  	(pc) =	sbr.rel .LBB2_90-.Ltmp61, $2  }
0x3df: {  	_ =	sdelay $0x2  }
0x3e0: {  	s9 =	simm.s32 $0xF470;
	s10 =	simm.s32 $0x4  }
.LBB2_93:
0x3e1: {  	_ =	swait.ge [sflag:s23], $0x1000  }
0x3e2: {  	[sflag:s23] =	ssyncset.done $0x0  }
0x3e3: {  	[sflag:s23] =	ssyncadd.s32 $0xFFFFF000  }
0x3e4: {  	_ =	swait.ge [sflag:s23], $0x1000  }
0x3e5: {  	[sflag:s23] =	ssyncset.done $0x0  }
0x3e6: {  	[sflag:s23] =	ssyncadd.s32 $0xFFFFF000  }
0x3e7: {  	_ =	swait.ge [sflag:s23], $0x1000  }
0x3e8: {  	[sflag:s23] =	ssyncset.done $0x0  }
0x3e9: {  	[sflag:s23] =	ssyncadd.s32 $0xFFFFF000  }
0x3ea: {  	_ =	swait.ge [sflag:s23], $0x1000  }
0x3eb: {  	[sflag:s23] =	ssyncset.done $0x0  }
0x3ec: {  	[sflag:s23] =	ssyncadd.s32 $0xFFFFF000  }
0x3ed: {  	_ =	swait.ge [sflag:s23], $0x1000  }
0x3ee: {  	[sflag:s23] =	ssyncset.done $0x0  }
0x3ef: {  	s5 =	simm.s32 $0x6180;
	[sflag:s23] =	ssyncadd.s32 $0xFFFFF000  }
0x3f0: {  	[tilespmem:s25], [sflag:$0x3] =	stream.indirect.gather [hbm4b:s4+s12], $0x20, s5, s12, $0xb8;
	[tilespmem:$0x1AE00] =	vst v63  }
0x3f1: {  	s8 =	simm.s32 $0x6200  }
0x3f2: {  	[tilespmem:s28], [sflag:$0x3] =	stream.indirect.gather [hbm4b:s4+s12], $0x20, s8, s12, $0xb8;
	[tilespmem:$0x1AE00] =	vst v63  }
0x3f3: {  	s9 =	simm.s32 $0x6280  }
0x3f4: {  	[tilespmem:s30], [sflag:$0x3] =	stream.indirect.gather [hbm4b:s4+s12], $0x20, s9, s12, $0xb8;
	[tilespmem:$0x1AE00] =	vst v63  }
0x3f5: {  	s10 =	simm.s32 $0x6300  }
0x3f6: {  	[tilespmem:s0], [sflag:$0x3] =	stream.indirect.gather [hbm4b:s4+s12], $0x20, s10, s12, $0xb8;
	[tilespmem:$0x1AE00] =	vst v63  }
0x3f7: {  	s11 =	simm.s32 $0x6380  }
0x3f8: {  	[tilespmem:s13], [sflag:$0x3] =	stream.indirect.gather [hbm4b:s4+s12], $0x20, s11, s12, $0xb8;
	[tilespmem:$0x1AE00] =	vst v63  }
0x3f9: {  	s14 =	simm.s32 $0x3;
	_ =	swait.ge [sflag:s21], $0x5000  }
0x3fa: {  	v10 =	vmov s14;
	[sflag:s21] =	ssyncset.done $0x0  }
0x3fb: {  	s26 =	simm.s32 $0x0;
	s14 =	simm.s32 $0x6440;
	v10 =	vand.u32 $0x7F, v10;
	[sflag:s21] =	ssyncadd.s32 $0xFFFFB000  }
0x3fc: {  	v11 =	vmov s26;
	v21 =	vadd.s32 v0, v10;
	v18 =	vld [tilespmem:s14+$0x20]  }
0x3fd: {  	s29 =	simm.s32 $0x1;
	v11 =	vand.u32 $0x7C, v11;
	v27 =	vadd.s32 v1, v10;
	v26 =	vld [tilespmem:s14+$0x30]  }
0x3fe: {  	v12 =	vmov s29;
	v23 =	vadd.s32 v0, v11;
	v19 =	vld [tilespmem:s14+$0xFFFFFFC0]  }
0x3ff: {  	s31 =	simm.s32 $0x2;
	v12 =	vand.u32 $0x7D, v12;
	v20 =	vadd.s32 v1, v11;
	v14 =	vld [tilespmem:s14+$0xFFFFFFD0]  }
0x400: {  	v13 =	vmov s31;
	v17 =	vadd.s32 v0, v12;
	v15 =	vld [tilespmem:s14+$0xFFFFFFE0]  }
0x401: {  	v24 =	vand.u32 $0x7E, v13;
	s11 =	simm.s32 $0x7;
	v16 =	vld [tilespmem:s14+$0xFFFFFFF0];
	[tilespmem:v21+s17+$0x0] =	vst.idx.msk $0xffff, v18;
	v21 =	vadd.s32 v1, v12  }
0x402: {  	v22 =	vadd.s32 v0, v24;
	s5 =	simm.s32 $0x4;
	s8 =	simm.s32 $0x4;
	s9 =	simm.s32 $0x8;
	v25 =	vmov s11;
	v18 =	vld [tilespmem:s14+$0x0];
	[tilespmem:v27+s17+$0x0] =	vst.idx.msk $0xffff, v26  }
.LBB2_94:
0x403: {  	p0 =	slt.u32 s9, $0x7C;
	v25 =	vand.u32 $0x7F, v25;
	[tilespmem:v23+s17+$0x0] =	vst.idx.msk $0xffff, v19;
	v26 =	vld [tilespmem:s14+$0x10];
	v24 =	vadd.s32 v1, v24;
	s14 =	sadd.s32 $0x80, s14  }
0x404: {  	v19 =	vmov s8;
	v27 =	vld [tilespmem:s14+$0x20];
	v28 =	vadd.s32 v0, v25;
	[tilespmem:v20+s17+$0x0] =	vst.idx.msk $0xffff, v14  }
0x405: {  	s7 =	sadd.s32 $0x1, s8;
	v20 =	vand.u32 $0x7C, v19;
	v30 =	vadd.s32 v1, v25;
	v29 =	vld [tilespmem:s14+$0x30];
	[tilespmem:v17+s17+$0x0] =	vst.idx.msk $0xffff, v15  }
.Ltmp62:
0x406: {  	v23 =	vadd.s32 v0, v20;
	v15 =	vmov s7;
	v19 =	vld [tilespmem:s14+$0xFFFFFFC0];
	[tilespmem:v21+s17+$0x0] =	vst.idx.msk $0xffff, v16;
	(pc) =	sbr.rel @p0 .LBB2_94-.Ltmp62, $4  }
0x407: {  	v20 =	vadd.s32 v1, v20;
	s7 =	sadd.s32 $0x2, s8;
	s8 =	smov.u32 s9;
	v21 =	vand.u32 $0x7D, v15;
	v14 =	vld [tilespmem:s14+$0xFFFFFFD0];
	[tilespmem:v22+s17+$0x0] =	vst.idx.msk $0xffff, v18  }
0x408: {  	v17 =	vadd.s32 v0, v21;
	v18 =	vmov s7;
	v15 =	vld [tilespmem:s14+$0xFFFFFFE0];
	[tilespmem:v24+s17+$0x0] =	vst.idx.msk $0xffff, v26  }
0x409: {  	s7 =	sadd.s32 $0x3, s9;
	v21 =	vadd.s32 v1, v21;
	v24 =	vand.u32 $0x7E, v18;
	v16 =	vld [tilespmem:s14+$0xFFFFFFF0];
	[tilespmem:v28+s17+$0x0] =	vst.idx.msk $0xffff, v27  }
0x40a: {  	s9 =	sadd.s32 $0x4, s9;
	v25 =	vmov s7;
	v22 =	vadd.s32 v0, v24;
	v18 =	vld [tilespmem:s14+$0x0];
	[tilespmem:v30+s17+$0x0] =	vst.idx.msk $0xffff, v29  }
0x40b: {  	_ =	sdelay $0x3  }
0x40c: {  	v25 =	vand.u32 $0x7F, v25;
	[tilespmem:v23+s17+$0x0] =	vst.idx.msk $0xffff, v19;
	v19 =	vld [tilespmem:s14+$0x10];
	v23 =	vadd.s32 v1, v24;
	s7 =	sadd.s32 $0x80, s14  }
0x40d: {  	v58 =	vmov s8;
	v26 =	vld [tilespmem:s7+$0x20];
	v27 =	vadd.s32 v0, v25;
	[tilespmem:v20+s17+$0x0] =	vst.idx.msk $0xffff, v14  }
0x40e: {  	s9 =	sadd.s32 $0x1, s8;
	v14 =	vand.u32 $0x7C, v58;
	v20 =	vld [tilespmem:s7+$0x30];
	v59 =	vadd.s32 v1, v25;
	[tilespmem:v17+s17+$0x0] =	vst.idx.msk $0xffff, v15  }
0x40f: {  	v60 =	vmov s9;
	v15 =	vld [tilespmem:s7+$0xFFFFFFC0];
	v17 =	vadd.s32 v0, v14;
	[tilespmem:v21+s17+$0x0] =	vst.idx.msk $0xffff, v16  }
0x410: {  	s31 =	sadd.s32 $0x2, s8;
	v14 =	vadd.s32 v1, v14;
	v16 =	vld [tilespmem:s7+$0xFFFFFFD0];
	v21 =	vand.u32 $0x7D, v60;
	[tilespmem:v22+s17+$0x0] =	vst.idx.msk $0xffff, v18  }
0x411: {  	v61 =	vmov s31;
	v18 =	vld [tilespmem:s7+$0xFFFFFFE0];
	v22 =	vadd.s32 v0, v21;
	[tilespmem:v23+s17+$0x0] =	vst.idx.msk $0xffff, v19  }
0x412: {  	v21 =	vadd.s32 v1, v21;
	v19 =	vld [tilespmem:s7+$0xFFFFFFF0];
	v23 =	vand.u32 $0x7E, v61;
	[tilespmem:v27+s17+$0x0] =	vst.idx.msk $0xffff, v26  }
0x413: {  	v62 =	vld [tilespmem:s7+$0x0];
	v63 =	vadd.s32 v0, v23;
	[tilespmem:v59+s17+$0x0] =	vst.idx.msk $0xffff, v20  }
0x414: {  	[tilespmem:v17+s17+$0x0] =	vst.idx.msk $0xffff, v15;
	v15 =	vld [tilespmem:s7+$0x10];
	v17 =	vadd.s32 v1, v23  }
0x415: {  	[tilespmem:v14+s17+$0x0] =	vst.idx.msk $0xffff, v16  }
0x416: {  	[tilespmem:v22+s17+$0x0] =	vst.idx.msk $0xffff, v18  }
0x417: {  	[tilespmem:v21+s17+$0x0] =	vst.idx.msk $0xffff, v19  }
0x418: {  	[tilespmem:v63+s17+$0x0] =	vst.idx.msk $0xffff, v62  }
0x419: {  	s8 =	simm.s32 $0x7470;
	[tilespmem:v17+s17+$0x0] =	vst.idx.msk $0xffff, v15  }
0x41a: {  	v21 =	vadd.s32 v2, v10;
	v16 =	vld [tilespmem:s8+$0xFFFFFFF0]  }
0x41b: {  	v23 =	vadd.s32 v3, v10;
	v22 =	vld [tilespmem:s8+$0x0]  }
0x41c: {  	v19 =	vadd.s32 v2, v11;
	v18 =	vld [tilespmem:s8+$0xFFFFFF90]  }
0x41d: {  	v17 =	vadd.s32 v3, v11;
	v14 =	vld [tilespmem:s8+$0xFFFFFFA0]  }
0x41e: {  	v15 =	vadd.s32 v2, v12;
	v10 =	vld [tilespmem:s8+$0xFFFFFFB0]  }
0x41f: {  	v20 =	vand.u32 $0x7E, v13;
	v13 =	vadd.s32 v3, v12;
	v11 =	vld [tilespmem:s8+$0xFFFFFFC0];
	[tilespmem:v21+s17+$0x0] =	vst.idx.msk $0xffff, v16  }
0x420: {  	s9 =	simm.s32 $0x8;
	v12 =	vld [tilespmem:s8+$0xFFFFFFD0];
	v21 =	vmov s11;
	v16 =	vadd.s32 v2, v20;
	[tilespmem:v23+s17+$0x0] =	vst.idx.msk $0xffff, v22  }
.LBB2_96:
0x421: {  	p0 =	slt.u32 s9, $0x7C;
	v21 =	vand.u32 $0x7F, v21;
	[tilespmem:v19+s17+$0x0] =	vst.idx.msk $0xffff, v18;
	v22 =	vld [tilespmem:s8+$0xFFFFFFE0];
	v20 =	vadd.s32 v3, v20;
	s8 =	sadd.s32 $0x80, s8  }
0x422: {  	v18 =	vmov s5;
	v23 =	vld [tilespmem:s8+$0xFFFFFFF0];
	v24 =	vadd.s32 v2, v21;
	[tilespmem:v17+s17+$0x0] =	vst.idx.msk $0xffff, v14  }
0x423: {  	s7 =	sadd.s32 $0x1, s5;
	v17 =	vand.u32 $0x7C, v18;
	v26 =	vadd.s32 v3, v21;
	v25 =	vld [tilespmem:s8+$0x0];
	[tilespmem:v15+s17+$0x0] =	vst.idx.msk $0xffff, v10  }
.Ltmp63:
0x424: {  	v19 =	vadd.s32 v2, v17;
	v10 =	vmov s7;
	v18 =	vld [tilespmem:s8+$0xFFFFFF90];
	[tilespmem:v13+s17+$0x0] =	vst.idx.msk $0xffff, v11;
	(pc) =	sbr.rel @p0 .LBB2_96-.Ltmp63, $4  }
0x425: {  	v17 =	vadd.s32 v3, v17;
	s7 =	sadd.s32 $0x2, s5;
	s5 =	smov.u32 s9;
	v13 =	vand.u32 $0x7D, v10;
	v14 =	vld [tilespmem:s8+$0xFFFFFFA0];
	[tilespmem:v16+s17+$0x0] =	vst.idx.msk $0xffff, v12  }
0x426: {  	v15 =	vadd.s32 v2, v13;
	v12 =	vmov s7;
	v10 =	vld [tilespmem:s8+$0xFFFFFFB0];
	[tilespmem:v20+s17+$0x0] =	vst.idx.msk $0xffff, v22  }
0x427: {  	s7 =	sadd.s32 $0x3, s9;
	v13 =	vadd.s32 v3, v13;
	v20 =	vand.u32 $0x7E, v12;
	v11 =	vld [tilespmem:s8+$0xFFFFFFC0];
	[tilespmem:v24+s17+$0x0] =	vst.idx.msk $0xffff, v23  }
0x428: {  	s9 =	sadd.s32 $0x4, s9;
	v21 =	vmov s7;
	v16 =	vadd.s32 v2, v20;
	v12 =	vld [tilespmem:s8+$0xFFFFFFD0];
	[tilespmem:v26+s17+$0x0] =	vst.idx.msk $0xffff, v25  }
0x429: {  	_ =	sdelay $0x3  }
0x42a: {  	v21 =	vand.u32 $0x7F, v21;
	[tilespmem:v19+s17+$0x0] =	vst.idx.msk $0xffff, v18;
	v18 =	vld [tilespmem:s8+$0xFFFFFFE0];
	v19 =	vadd.s32 v3, v20;
	s7 =	sadd.s32 $0x80, s8  }
0x42b: {  	v20 =	vmov s5;
	v22 =	vld [tilespmem:s7+$0xFFFFFFF0];
	v23 =	vadd.s32 v2, v21;
	[tilespmem:v17+s17+$0x0] =	vst.idx.msk $0xffff, v14  }
0x42c: {  	s26 =	sadd.s32 $0x1, s5;
	v14 =	vand.u32 $0x7C, v20;
	v17 =	vld [tilespmem:s7+$0x0];
	v20 =	vadd.s32 v3, v21;
	[tilespmem:v15+s17+$0x0] =	vst.idx.msk $0xffff, v10  }
0x42d: {  	v21 =	vmov s26;
	v10 =	vld [tilespmem:s7+$0xFFFFFF90];
	v15 =	vadd.s32 v2, v14;
	[tilespmem:v13+s17+$0x0] =	vst.idx.msk $0xffff, v11  }
0x42e: {  	s29 =	sadd.s32 $0x2, s5;
	v11 =	vld [tilespmem:s7+$0xFFFFFFA0];
	v13 =	vadd.s32 v3, v14;
	v14 =	vand.u32 $0x7D, v21;
	[tilespmem:v16+s17+$0x0] =	vst.idx.msk $0xffff, v12  }
0x42f: {  	v21 =	vmov s29;
	v12 =	vld [tilespmem:s7+$0xFFFFFFB0];
	v16 =	vadd.s32 v2, v14;
	[tilespmem:v19+s17+$0x0] =	vst.idx.msk $0xffff, v18  }
0x430: {  	v14 =	vadd.s32 v3, v14;
	v18 =	vld [tilespmem:s7+$0xFFFFFFC0];
	v19 =	vand.u32 $0x7E, v21;
	[tilespmem:v23+s17+$0x0] =	vst.idx.msk $0xffff, v22  }
0x431: {  	v21 =	vld [tilespmem:s7+$0xFFFFFFD0];
	v22 =	vadd.s32 v2, v19;
	[tilespmem:v20+s17+$0x0] =	vst.idx.msk $0xffff, v17  }
0x432: {  	p1 =	por $0x1, $0x1;
	[tilespmem:v15+s17+$0x0] =	vst.idx.msk $0xffff, v10;
	v15 =	vld [tilespmem:s7+$0xFFFFFFE0];
	v17 =	vadd.s32 v3, v19  }
.Ltmp64:
0x433: {  	[tilespmem:v13+s17+$0x0] =	vst.idx.msk $0xffff, v11;
	(pc) =	sbr.rel @!p1 .LBB2_101-.Ltmp64, $4  }
0x434: {  	[tilespmem:v16+s17+$0x0] =	vst.idx.msk $0xffff, v12  }
0x435: {  	s11 =	simm.s32 $0x0;
	s31 =	simm.s32 $0x3;
	[tilespmem:v14+s17+$0x0] =	vst.idx.msk $0xffff, v18  }
0x436: {  	s14 =	simm.s32 $0x8470;
	s5 =	simm.s32 $0x4;
	p0 =	por $0x0, $0x0;
	v10 =	vmov s31;
	[tilespmem:v22+s17+$0x0] =	vst.idx.msk $0xffff, v21  }
0x437: {  	s9 =	simm.s32 $0x8470;
	s8 =	simm.s32 $0x0;
	p2 =	por $0x0, $0x0;
	v22 =	vmov v10;
	[tilespmem:v17+s17+$0x0] =	vst.idx.msk $0xffff, v15  }
0x438: {  	v11 =	vand.u32 $0x7F, v10  }
0x439: {  	v18 =	vld [tilespmem:s14+$0xFFFFFFF0];
	v19 =	vadd.s32 v4, v11;
	v24 =	vadd.s32 v5, v11;
	v11 =	vmov s11  }
0x43a: {  	v23 =	vld [tilespmem:s14+$0x0];
	s7 =	simm.s32 $0x1;
	p3 =	por $0x1, $0x1;
	v14 =	vand.u32 $0x7C, v11  }
.Ltmp65:
0x43b: {  	v12 =	vld [tilespmem:s14+$0xFFFFFF90];
	v13 =	vmov s7;
	v15 =	vadd.s32 v4, v14;
	(pc) =	sbr.rel @!p3 .LBB2_99-.Ltmp65, $4  }
0x43c: {  	s29 =	simm.s32 $0x2;
	v11 =	vld [tilespmem:s14+$0xFFFFFFA0];
	v20 =	vand.u32 $0x7D, v13;
	v17 =	vadd.s32 v5, v14  }
0x43d: {  	v21 =	vmov s29;
	v13 =	vld [tilespmem:s14+$0xFFFFFFB0];
	v16 =	vadd.s32 v4, v20  }
0x43e: {  	s31 =	simm.s32 $0x7;
	s10 =	simm.s32 $0x8;
	v21 =	vand.u32 $0x7E, v21;
	v14 =	vld [tilespmem:s14+$0xFFFFFFC0];
	[tilespmem:v19+s17+$0x0] =	vst.idx.msk $0xffff, v18;
	v19 =	vadd.s32 v5, v20  }
0x43f: {  	p2 =	por $0x1, $0x1;
	s9 =	simm.s32 $0x8470;
	s8 =	simm.s32 $0x4;
	v22 =	vmov s31;
	v18 =	vld [tilespmem:s14+$0xFFFFFFD0];
	v20 =	vadd.s32 v4, v21;
	[tilespmem:v24+s17+$0x0] =	vst.idx.msk $0xffff, v23  }
.LBB2_100:
0x440: {  	p3 =	slt.u32 s10, $0x7C;
	v22 =	vand.u32 $0x7F, v22;
	[tilespmem:v15+s17+$0x0] =	vst.idx.msk $0xffff, v12;
	v23 =	vld [tilespmem:s9+$0xFFFFFFE0];
	v21 =	vadd.s32 v5, v21;
	s9 =	sadd.s32 $0x80, s9  }
0x441: {  	v12 =	vmov s8;
	v24 =	vld [tilespmem:s9+$0xFFFFFFF0];
	v25 =	vadd.s32 v4, v22;
	[tilespmem:v17+s17+$0x0] =	vst.idx.msk $0xffff, v11  }
0x442: {  	s7 =	sadd.s32 $0x1, s8;
	v17 =	vand.u32 $0x7C, v12;
	v27 =	vadd.s32 v5, v22;
	v26 =	vld [tilespmem:s9+$0x0];
	[tilespmem:v16+s17+$0x0] =	vst.idx.msk $0xffff, v13  }
.Ltmp66:
0x443: {  	v15 =	vadd.s32 v4, v17;
	v13 =	vmov s7;
	v12 =	vld [tilespmem:s9+$0xFFFFFF90];
	[tilespmem:v19+s17+$0x0] =	vst.idx.msk $0xffff, v14;
	(pc) =	sbr.rel @p3 .LBB2_100-.Ltmp66, $4  }
0x444: {  	v17 =	vadd.s32 v5, v17;
	s7 =	sadd.s32 $0x2, s8;
	s8 =	smov.u32 s10;
	v19 =	vand.u32 $0x7D, v13;
	v11 =	vld [tilespmem:s9+$0xFFFFFFA0];
	[tilespmem:v20+s17+$0x0] =	vst.idx.msk $0xffff, v18  }
0x445: {  	v16 =	vadd.s32 v4, v19;
	v18 =	vmov s7;
	v13 =	vld [tilespmem:s9+$0xFFFFFFB0];
	[tilespmem:v21+s17+$0x0] =	vst.idx.msk $0xffff, v23  }
0x446: {  	s7 =	sadd.s32 $0x3, s10;
	v19 =	vadd.s32 v5, v19;
	v21 =	vand.u32 $0x7E, v18;
	v14 =	vld [tilespmem:s9+$0xFFFFFFC0];
	[tilespmem:v25+s17+$0x0] =	vst.idx.msk $0xffff, v24  }
0x447: {  	s10 =	sadd.s32 $0x4, s10;
	v22 =	vmov s7;
	v20 =	vadd.s32 v4, v21;
	v18 =	vld [tilespmem:s9+$0xFFFFFFD0];
	[tilespmem:v27+s17+$0x0] =	vst.idx.msk $0xffff, v26  }
.LBB2_101:
0x448: {  	_ =	sdelay $0x2  }
0x449: {  	s7 =	sadd.s32 @p2 $0x80, s9  }
0x44a: {  	v23 =	vld @p2 [tilespmem:s9+$0xFFFFFFE0];
	v22 =	vand.u32 $0x7F, v22;
	[tilespmem:v15+s17+$0x0] =	vst.idx.msk @p2 $0xffff, v12;
	v12 =	vadd.s32 @p2 v5, v21;
	v47 =	vmov s8;
	s14 =	smov.u32 @p2 s7  }
0x44b: {  	v24 =	vadd.s32 v4, v22;
	[tilespmem:v17+s17+$0x0] =	vst.idx.msk @p2 $0xffff, v11;
	v11 =	vand.u32 $0x7C, v47;
	v48 =	vld [tilespmem:s14+$0xFFFFFFF0]  }
0x44c: {  	s29 =	sadd.s32 $0x1, s8;
	[tilespmem:v16+s17+$0x0] =	vst.idx.msk @p2 $0xffff, v13;
	v51 =	vld [tilespmem:s14+$0xFFFFFF90];
	v52 =	vadd.s32 v4, v11  }
0x44d: {  	s31 =	sadd.s32 $0x2, s8;
	v50 =	vadd.s32 v5, v22;
	v53 =	vmov s29;
	v49 =	vld [tilespmem:s14+$0x0];
	[tilespmem:v19+s17+$0x0] =	vst.idx.msk @p2 $0xffff, v14  }
0x44e: {  	v58 =	vmov s31;
	v54 =	vld [tilespmem:s14+$0xFFFFFFA0];
	v11 =	vadd.s32 v5, v11;
	v55 =	vand.u32 $0x7D, v53;
	[tilespmem:v20+s17+$0x0] =	vst.idx.msk @p2 $0xffff, v18  }
0x44f: {  	v56 =	vld [tilespmem:s14+$0xFFFFFFB0];
	v22 =	vand.u32 $0x7E, v58;
	v57 =	vadd.s32 v4, v55;
	[tilespmem:v12+s17+$0x0] =	vst.idx.msk @p2 $0xffff, v23  }
0x450: {  	v60 =	vld [tilespmem:s14+$0xFFFFFFD0];
	v61 =	vadd.s32 v4, v22;
	[tilespmem:v24+s17+$0x0] =	vst.idx.msk $0xffff, v48  }
0x451: {  	v59 =	vld [tilespmem:s14+$0xFFFFFFC0];
	v19 =	vadd.s32 v5, v55;
	[tilespmem:v52+s17+$0x0] =	vst.idx.msk $0xffff, v51  }
0x452: {  	v62 =	vld [tilespmem:s14+$0xFFFFFFE0];
	v63 =	vadd.s32 v5, v22;
	[tilespmem:v50+s17+$0x0] =	vst.idx.msk $0xffff, v49  }
.Ltmp67:
0x453: {  	[tilespmem:v11+s17+$0x0] =	vst.idx.msk $0xffff, v54;
	(pc) =	sbr.rel @!p1 .LBB2_102-.Ltmp67, $4  }
0x454: {  	[tilespmem:v57+s17+$0x0] =	vst.idx.msk $0xffff, v56  }
0x455: {  	[tilespmem:v61+s17+$0x0] =	vst.idx.msk $0xffff, v60  }
0x456: {  	[tilespmem:v19+s17+$0x0] =	vst.idx.msk $0xffff, v59  }
0x457: {  	s14 =	simm.s32 $0x9470;
	[tilespmem:v63+s17+$0x0] =	vst.idx.msk $0xffff, v62  }
0x458: {  	v10 =	vand.u32 $0x7F, v10  }
0x459: {  	v18 =	vld [tilespmem:s14+$0xFFFFFFF0];
	v19 =	vadd.s32 v6, v10;
	v23 =	vadd.s32 v7, v10;
	v10 =	vmov s11  }
0x45a: {  	v22 =	vld [tilespmem:s14+$0x0];
	s7 =	simm.s32 $0x1;
	p1 =	por $0x1, $0x1;
	v10 =	vand.u32 $0x7C, v10  }
.Ltmp68:
0x45b: {  	v12 =	vld [tilespmem:s14+$0xFFFFFF90];
	v13 =	vmov s7;
	v16 =	vadd.s32 v6, v10;
	(pc) =	sbr.rel @!p1 .LBB2_104-.Ltmp68, $4  }
0x45c: {  	v11 =	vld [tilespmem:s14+$0xFFFFFFA0];
	s29 =	simm.s32 $0x2;
	v20 =	vand.u32 $0x7D, v13;
	v17 =	vadd.s32 v7, v10  }
0x45d: {  	v21 =	vmov s29;
	v13 =	vld [tilespmem:s14+$0xFFFFFFB0];
	v15 =	vadd.s32 v6, v20  }
0x45e: {  	s31 =	simm.s32 $0x7;
	v14 =	vld [tilespmem:s14+$0xFFFFFFC0];
	v21 =	vand.u32 $0x7E, v21;
	[tilespmem:v19+s17+$0x0] =	vst.idx.msk $0xffff, v18;
	v19 =	vadd.s32 v7, v20  }
0x45f: {  	s9 =	simm.s32 $0x8;
	p0 =	por $0x1, $0x1;
	s8 =	simm.s32 $0x9470;
	v10 =	vmov s31;
	v18 =	vld [tilespmem:s14+$0xFFFFFFD0];
	v20 =	vadd.s32 v6, v21;
	[tilespmem:v23+s17+$0x0] =	vst.idx.msk $0xffff, v22  }
.LBB2_105:
0x460: {  	p1 =	slt.u32 s9, $0x7C;
	v10 =	vand.u32 $0x7F, v10;
	[tilespmem:v16+s17+$0x0] =	vst.idx.msk $0xffff, v12;
	v22 =	vld [tilespmem:s8+$0xFFFFFFE0];
	v21 =	vadd.s32 v7, v21;
	s8 =	sadd.s32 $0x80, s8  }
0x461: {  	v12 =	vmov s5;
	v23 =	vld [tilespmem:s8+$0xFFFFFFF0];
	v24 =	vadd.s32 v6, v10;
	[tilespmem:v17+s17+$0x0] =	vst.idx.msk $0xffff, v11  }
0x462: {  	s7 =	sadd.s32 $0x1, s5;
	v17 =	vand.u32 $0x7C, v12;
	v26 =	vadd.s32 v7, v10;
	v25 =	vld [tilespmem:s8+$0x0];
	[tilespmem:v15+s17+$0x0] =	vst.idx.msk $0xffff, v13  }
.Ltmp69:
0x463: {  	v10 =	vmov s7;
	v16 =	vadd.s32 v6, v17;
	v12 =	vld [tilespmem:s8+$0xFFFFFF90];
	[tilespmem:v19+s17+$0x0] =	vst.idx.msk $0xffff, v14;
	(pc) =	sbr.rel @p1 .LBB2_105-.Ltmp69, $4  }
0x464: {  	s7 =	sadd.s32 $0x2, s5;
	s5 =	smov.u32 s9;
	v17 =	vadd.s32 v7, v17;
	v10 =	vand.u32 $0x7D, v10;
	v11 =	vld [tilespmem:s8+$0xFFFFFFA0];
	[tilespmem:v20+s17+$0x0] =	vst.idx.msk $0xffff, v18  }
0x465: {  	v15 =	vadd.s32 v6, v10;
	v18 =	vmov s7;
	v13 =	vld [tilespmem:s8+$0xFFFFFFB0];
	[tilespmem:v21+s17+$0x0] =	vst.idx.msk $0xffff, v22  }
0x466: {  	v19 =	vadd.s32 v7, v10;
	s7 =	sadd.s32 $0x3, s9;
	v21 =	vand.u32 $0x7E, v18;
	v14 =	vld [tilespmem:s8+$0xFFFFFFC0];
	[tilespmem:v24+s17+$0x0] =	vst.idx.msk $0xffff, v23  }
0x467: {  	s9 =	sadd.s32 $0x4, s9;
	v10 =	vmov s7;
	v20 =	vadd.s32 v6, v21;
	v18 =	vld [tilespmem:s8+$0xFFFFFFD0];
	[tilespmem:v26+s17+$0x0] =	vst.idx.msk $0xffff, v25  }
0x468: {  	s11 =	smov.u32 s5  }
.LBB2_107:
0x469: {  	_ =	sdelay $0x2  }
0x46a: {  	s5 =	sadd.s32 @p0 $0x80, s8  }
0x46b: {  	v22 =	vld @p0 [tilespmem:s8+$0xFFFFFFE0];
	v10 =	vand.u32 $0x7F, v10;
	[tilespmem:v16+s17+$0x0] =	vst.idx.msk @p0 $0xffff, v12;
	v12 =	vadd.s32 @p0 v7, v21;
	v54 =	vmov s11;
	s14 =	smov.u32 @p0 s5  }
0x46c: {  	v23 =	vadd.s32 v6, v10;
	[tilespmem:v17+s17+$0x0] =	vst.idx.msk @p0 $0xffff, v11;
	v11 =	vand.u32 $0x7C, v54;
	v21 =	vld [tilespmem:s14+$0xFFFFFFF0]  }
0x46d: {  	s29 =	sadd.s32 $0x1, s11;
	[tilespmem:v15+s17+$0x0] =	vst.idx.msk @p0 $0xffff, v13;
	v56 =	vld [tilespmem:s14+$0xFFFFFF90];
	v57 =	vadd.s32 v6, v11  }
0x46e: {  	v10 =	vadd.s32 v7, v10;
	v58 =	vmov s29;
	v55 =	vld [tilespmem:s14+$0x0];
	[tilespmem:v19+s17+$0x0] =	vst.idx.msk @p0 $0xffff, v14  }
0x46f: {  	s31 =	sadd.s32 $0x2, s11;
	v59 =	vld [tilespmem:s14+$0xFFFFFFA0];
	v11 =	vadd.s32 v7, v11;
	v17 =	vand.u32 $0x7D, v58;
	[tilespmem:v20+s17+$0x0] =	vst.idx.msk @p0 $0xffff, v18  }
0x470: {  	v60 =	vld [tilespmem:s14+$0xFFFFFFB0];
	v61 =	vadd.s32 v6, v17;
	v20 =	vmov s31;
	[tilespmem:v12+s17+$0x0] =	vst.idx.msk @p0 $0xffff, v22  }
0x471: {  	v62 =	vld [tilespmem:s14+$0xFFFFFFC0];
	v17 =	vadd.s32 v7, v17;
	v20 =	vand.u32 $0x7E, v20;
	[tilespmem:v23+s17+$0x0] =	vst.idx.msk $0xffff, v21  }
0x472: {  	v22 =	vadd.s32 v6, v20;
	v21 =	vld [tilespmem:s14+$0xFFFFFFD0];
	[tilespmem:v57+s17+$0x0] =	vst.idx.msk $0xffff, v56  }
0x473: {  	p1 =	por $0x1, $0x1;
	v63 =	vadd.s32 v7, v20;
	[tilespmem:v10+s17+$0x0] =	vst.idx.msk $0xffff, v55;
	v10 =	vld [tilespmem:s14+$0xFFFFFFE0]  }
.Ltmp70:
0x474: {  	[tilespmem:v11+s17+$0x0] =	vst.idx.msk $0xffff, v59;
	(pc) =	sbr.rel @!p1 .LBB2_108-.Ltmp70, $4  }
0x475: {  	[tilespmem:v61+s17+$0x0] =	vst.idx.msk $0xffff, v60  }
0x476: {  	[tilespmem:v17+s17+$0x0] =	vst.idx.msk $0xffff, v62  }
0x477: {  	s10 =	simm.s32 $0x0;
	s7 =	simm.s32 $0x3;
	[tilespmem:v22+s17+$0x0] =	vst.idx.msk $0xffff, v21  }
0x478: {  	s8 =	simm.s32 $0x4;
	s5 =	simm.s32 $0xA470;
	p0 =	por $0x0, $0x0;
	v21 =	vmov s7;
	[tilespmem:v63+s17+$0x0] =	vst.idx.msk $0xffff, v10  }
0x479: {  	v10 =	vand.u32 $0x7F, v21  }
0x47a: {  	v17 =	vld [tilespmem:s5+$0xFFFFFFF0];
	v18 =	vadd.s32 v8, v10;
	v23 =	vadd.s32 v9, v10;
	v10 =	vmov s10  }
0x47b: {  	v22 =	vld [tilespmem:s5+$0x0];
	s7 =	simm.s32 $0x1;
	p1 =	por $0x1, $0x1;
	v13 =	vand.u32 $0x7C, v10  }
.Ltmp71:
0x47c: {  	v12 =	vld [tilespmem:s5+$0xFFFFFF90];
	v11 =	vmov s7;
	v16 =	vadd.s32 v8, v13;
	(pc) =	sbr.rel @!p1 .LBB2_110-.Ltmp71, $4  }
0x47d: {  	s29 =	simm.s32 $0x2;
	v10 =	vld [tilespmem:s5+$0xFFFFFFA0];
	v19 =	vand.u32 $0x7D, v11;
	v15 =	vadd.s32 v9, v13  }
0x47e: {  	v20 =	vmov s29;
	v11 =	vld [tilespmem:s5+$0xFFFFFFB0];
	v14 =	vadd.s32 v8, v19  }
0x47f: {  	s31 =	simm.s32 $0x7;
	v20 =	vand.u32 $0x7E, v20;
	v13 =	vld [tilespmem:s5+$0xFFFFFFC0];
	[tilespmem:v18+s17+$0x0] =	vst.idx.msk $0xffff, v17;
	v18 =	vadd.s32 v9, v19  }
0x480: {  	p0 =	por $0x1, $0x1;
	s9 =	simm.s32 $0xA470;
	v21 =	vmov s31;
	s10 =	simm.s32 $0x8;
	v17 =	vld [tilespmem:s5+$0xFFFFFFD0];
	v19 =	vadd.s32 v8, v20;
	[tilespmem:v23+s17+$0x0] =	vst.idx.msk $0xffff, v22  }
.LBB2_111:
0x481: {  	p1 =	slt.u32 s10, $0x7C;
	v21 =	vand.u32 $0x7F, v21;
	[tilespmem:v16+s17+$0x0] =	vst.idx.msk $0xffff, v12;
	v22 =	vld [tilespmem:s9+$0xFFFFFFE0];
	v20 =	vadd.s32 v9, v20;
	s9 =	sadd.s32 $0x80, s9  }
0x482: {  	v12 =	vmov s8;
	v23 =	vld [tilespmem:s9+$0xFFFFFFF0];
	v24 =	vadd.s32 v8, v21;
	[tilespmem:v15+s17+$0x0] =	vst.idx.msk $0xffff, v10  }
0x483: {  	s7 =	sadd.s32 $0x1, s8;
	v15 =	vand.u32 $0x7C, v12;
	v26 =	vadd.s32 v9, v21;
	v25 =	vld [tilespmem:s9+$0x0];
	[tilespmem:v14+s17+$0x0] =	vst.idx.msk $0xffff, v11  }
.Ltmp72:
0x484: {  	v16 =	vadd.s32 v8, v15;
	v11 =	vmov s7;
	v12 =	vld [tilespmem:s9+$0xFFFFFF90];
	[tilespmem:v18+s17+$0x0] =	vst.idx.msk $0xffff, v13;
	(pc) =	sbr.rel @p1 .LBB2_111-.Ltmp72, $4  }
0x485: {  	v15 =	vadd.s32 v9, v15;
	s7 =	sadd.s32 $0x2, s8;
	s8 =	smov.u32 s10;
	v18 =	vand.u32 $0x7D, v11;
	v10 =	vld [tilespmem:s9+$0xFFFFFFA0];
	[tilespmem:v19+s17+$0x0] =	vst.idx.msk $0xffff, v17  }
0x486: {  	v14 =	vadd.s32 v8, v18;
	v17 =	vmov s7;
	v11 =	vld [tilespmem:s9+$0xFFFFFFB0];
	[tilespmem:v20+s17+$0x0] =	vst.idx.msk $0xffff, v22  }
0x487: {  	s7 =	sadd.s32 $0x3, s10;
	v18 =	vadd.s32 v9, v18;
	v20 =	vand.u32 $0x7E, v17;
	v13 =	vld [tilespmem:s9+$0xFFFFFFC0];
	[tilespmem:v24+s17+$0x0] =	vst.idx.msk $0xffff, v23  }
0x488: {  	s10 =	sadd.s32 $0x4, s10;
	v21 =	vmov s7;
	v19 =	vadd.s32 v8, v20;
	v17 =	vld [tilespmem:s9+$0xFFFFFFD0];
	[tilespmem:v26+s17+$0x0] =	vst.idx.msk $0xffff, v25  }
0x489: {  	s10 =	smov.u32 s8  }
.LBB2_113:
0x48a: {  	_ =	sdelay $0x2  }
0x48b: {  	s7 =	sadd.s32 @p0 $0x80, s9  }
0x48c: {  	v21 =	vand.u32 $0x7F, v21;
	[tilespmem:v16+s17+$0x0] =	vst.idx.msk @p0 $0xffff, v12;
	v12 =	vld @p0 [tilespmem:s9+$0xFFFFFFE0];
	v16 =	vadd.s32 @p0 v9, v20;
	v48 =	vmov s10;
	s5 =	smov.u32 @p0 s7  }
0x48d: {  	v23 =	vadd.s32 v8, v21;
	[tilespmem:v15+s17+$0x0] =	vst.idx.msk @p0 $0xffff, v10;
	v10 =	vand.u32 $0x7C, v48;
	v22 =	vld [tilespmem:s5+$0xFFFFFFF0]  }
0x48e: {  	s9 =	sadd.s32 $0x1, s10;
	[tilespmem:v14+s17+$0x0] =	vst.idx.msk @p0 $0xffff, v11;
	v11 =	vld [tilespmem:s5+$0xFFFFFF90];
	v51 =	vadd.s32 v8, v10  }
0x48f: {  	s10 =	sadd.s32 $0x2, s10;
	v50 =	vadd.s32 v9, v21;
	v52 =	vmov s9;
	v49 =	vld [tilespmem:s5+$0x0];
	[tilespmem:v18+s17+$0x0] =	vst.idx.msk @p0 $0xffff, v13  }
0x490: {  	v57 =	vmov s10;
	v53 =	vld [tilespmem:s5+$0xFFFFFFA0];
	v10 =	vadd.s32 v9, v10;
	v54 =	vand.u32 $0x7D, v52;
	[tilespmem:v19+s17+$0x0] =	vst.idx.msk @p0 $0xffff, v17  }
0x491: {  	v55 =	vld [tilespmem:s5+$0xFFFFFFB0];
	v60 =	vand.u32 $0x7E, v57;
	v56 =	vadd.s32 v8, v54;
	[tilespmem:v16+s17+$0x0] =	vst.idx.msk @p0 $0xffff, v12  }
0x492: {  	v61 =	vld [tilespmem:s5+$0xFFFFFFD0];
	v62 =	vadd.s32 v8, v60;
	[tilespmem:v23+s17+$0x0] =	vst.idx.msk $0xffff, v22  }
0x493: {  	v58 =	vld [tilespmem:s5+$0xFFFFFFC0];
	v59 =	vadd.s32 v9, v54;
	[tilespmem:v51+s17+$0x0] =	vst.idx.msk $0xffff, v11  }
0x494: {  	v63 =	vadd.s32 v9, v60;
	v11 =	vld [tilespmem:s5+$0xFFFFFFE0];
	[tilespmem:v50+s17+$0x0] =	vst.idx.msk $0xffff, v49  }
0x495: {  	[tilespmem:v10+s17+$0x0] =	vst.idx.msk $0xffff, v53  }
0x496: {  	[tilespmem:v56+s17+$0x0] =	vst.idx.msk $0xffff, v55  }
0x497: {  	[tilespmem:v62+s17+$0x0] =	vst.idx.msk $0xffff, v61  }
0x498: {  	[tilespmem:v59+s17+$0x0] =	vst.idx.msk $0xffff, v58  }
0x499: {  	[tilespmem:v63+s17+$0x0] =	vst.idx.msk $0xffff, v11  }
0x49a: {  	s11 =	simm.s32 $0x10400;
	s8 =	rddreg [dreg:$0x6]  }
0x49b: {  	[hbm4b:s8+s3] =	stream.linear.scatter [tilespmem:s11], [sflag:$0x4], $0x80, $0x38;
	[tilespmem:$0x1AE00] =	vst v63  }
0x49c: {  	s14 =	simm.s32 $0x10488;
	s26 =	sadd.s32 $0x10, s8  }
0x49d: {  	[hbm4b:s26+s3] =	stream.linear.scatter [tilespmem:s14], [sflag:$0x4], $0x80, $0x38;
	[tilespmem:$0x1AE00] =	vst v63  }
0x49e: {  	s29 =	simm.s32 $0x10510;
	s7 =	simm.s32 $0x10598;
	s31 =	sadd.s32 $0x20, s8  }
0x49f: {  	[hbm4b:s31+s3] =	stream.linear.scatter [tilespmem:s29], [sflag:$0x4], $0x80, $0x38;
	[tilespmem:$0x1AE00] =	vst v63  }
0x4a0: {  	s10 =	simm.s32 $0x10620;
	s5 =	simm.s32 $0x440;
	s9 =	sadd.s32 $0x30, s8  }
0x4a1: {  	[hbm4b:s9+s3] =	stream.linear.scatter [tilespmem:s7], [sflag:$0x4], $0x80, $0x38;
	[tilespmem:$0x1AE00] =	vst v63  }
0x4a2: {  	s11 =	sadd.s32 $0x40, s8;
	s14 =	simm.s32 $0x106A8;
	s26 =	sadd.s32 $0x50, s8  }
0x4a3: {  	[hbm4b:s11+s3] =	stream.linear.scatter [tilespmem:s10], [sflag:$0x4], $0x80, $0x38;
	[tilespmem:$0x1AE00] =	vst v63  }
0x4a4: {  	s29 =	simm.s32 $0x10730;
	s31 =	sadd.s32 $0x60, s8;
	s9 =	simm.s32 $0x2200  }
0x4a5: {  	[hbm4b:s26+s3] =	stream.linear.scatter [tilespmem:s14], [sflag:$0x4], $0x80, $0x38;
	[tilespmem:$0x1AE00] =	vst v63  }
0x4a6: {  	s10 =	simm.s32 $0x107B8;
	s11 =	sadd.s32 $0x70, s8;
	s8 =	sadd.s32 $0x1000, s8  }
0x4a7: {  	[hbm4b:s31+s3] =	stream.linear.scatter [tilespmem:s29], [sflag:$0x4], $0x80, $0x38;
	[tilespmem:$0x1AE00] =	vst v63  }
.LBB2_114:
0x4a8: {  	[hbm4b:s11+s3] =	stream.linear.scatter [tilespmem:s10], [sflag:$0x4], $0x80, $0x38;
	[tilespmem:$0x1AE00] =	vst v63  }
0x4a9: {  	s7 =	smov.u32 s5;
	s5 =	smov.u32 s9  }
0x4aa: {  	s14 =	sadd.s32 $0x1100, s9;
	s5 =	sshra.s32 s5, $0x2;
	s10 =	sadd.s32 $0x10400, s7  }
0x4ab: {  	[hbm4b:s8+s3] =	stream.linear.scatter [tilespmem:s10], [sflag:$0x4], $0x80, $0x38;
	[tilespmem:$0x1AE00] =	vst v63  }
0x4ac: {  	p0 =	sne.s32 s9, $0x14300;
	s9 =	sadd.s32 $0x10488, s7;
	s10 =	sadd.s32 $0x10, s8  }
0x4ad: {  	[hbm4b:s10+s3] =	stream.linear.scatter [tilespmem:s9], [sflag:$0x4], $0x80, $0x38;
	[tilespmem:$0x1AE00] =	vst v63  }
0x4ae: {  	s9 =	sadd.s32 $0x10510, s7;
	s10 =	sadd.s32 $0x20, s8  }
0x4af: {  	[hbm4b:s10+s3] =	stream.linear.scatter [tilespmem:s9], [sflag:$0x4], $0x80, $0x38;
	[tilespmem:$0x1AE00] =	vst v63  }
0x4b0: {  	s9 =	sadd.s32 $0x10598, s7;
	s10 =	sadd.s32 $0x30, s8  }
0x4b1: {  	[hbm4b:s10+s3] =	stream.linear.scatter [tilespmem:s9], [sflag:$0x4], $0x80, $0x38;
	[tilespmem:$0x1AE00] =	vst v63  }
0x4b2: {  	s9 =	sadd.s32 $0x10620, s7;
	s10 =	sadd.s32 $0x40, s8  }
0x4b3: {  	[hbm4b:s10+s3] =	stream.linear.scatter [tilespmem:s9], [sflag:$0x4], $0x80, $0x38;
	[tilespmem:$0x1AE00] =	vst v63  }
.Ltmp73:
0x4b4: {  	s9 =	sadd.s32 $0x106A8, s7;
	s10 =	sadd.s32 $0x50, s8;
	(pc) =	sbr.rel @p0 .LBB2_114-.Ltmp73, $4  }
0x4b5: {  	[hbm4b:s10+s3] =	stream.linear.scatter [tilespmem:s9], [sflag:$0x4], $0x80, $0x38;
	[tilespmem:$0x1AE00] =	vst v63  }
0x4b6: {  	s11 =	sadd.s32 $0x70, s8;
	s9 =	sadd.s32 $0x10730, s7;
	s10 =	sadd.s32 $0x60, s8  }
0x4b7: {  	[hbm4b:s10+s3] =	stream.linear.scatter [tilespmem:s9], [sflag:$0x4], $0x80, $0x38;
	[tilespmem:$0x1AE00] =	vst v63  }
0x4b8: {  	s8 =	sadd.s32 $0x1000, s8;
	s10 =	sadd.s32 $0x107B8, s7;
	s9 =	smov.u32 s14  }
0x4b9: {  	[hbm4b:s11+s3] =	stream.linear.scatter [tilespmem:s10], [sflag:$0x4], $0x80, $0x38;
	[tilespmem:$0x1AE00] =	vst v63  }
0x4ba: {  	s7 =	sadd.s32 $0x10400, s5  }
0x4bb: {  	[hbm4b:s8+s3] =	stream.linear.scatter [tilespmem:s7], [sflag:$0x4], $0x80, $0x38;
	[tilespmem:$0x1AE00] =	vst v63  }
0x4bc: {  	s11 =	sadd.s32 $0x10488, s5;
	s9 =	sadd.s32 $0x10, s8  }
0x4bd: {  	[hbm4b:s9+s3] =	stream.linear.scatter [tilespmem:s11], [sflag:$0x4], $0x80, $0x38;
	[tilespmem:$0x1AE00] =	vst v63  }
0x4be: {  	s14 =	sadd.s32 $0x10510, s5;
	s26 =	sadd.s32 $0x20, s8  }
0x4bf: {  	[hbm4b:s26+s3] =	stream.linear.scatter [tilespmem:s14], [sflag:$0x4], $0x80, $0x38;
	[tilespmem:$0x1AE00] =	vst v63  }
0x4c0: {  	s29 =	sadd.s32 $0x10598, s5;
	s31 =	sadd.s32 $0x30, s8  }
0x4c1: {  	[hbm4b:s31+s3] =	stream.linear.scatter [tilespmem:s29], [sflag:$0x4], $0x80, $0x38;
	[tilespmem:$0x1AE00] =	vst v63  }
0x4c2: {  	s10 =	sadd.s32 $0x10620, s5;
	s11 =	sadd.s32 $0x40, s8  }
0x4c3: {  	[hbm4b:s11+s3] =	stream.linear.scatter [tilespmem:s10], [sflag:$0x4], $0x80, $0x38;
	[tilespmem:$0x1AE00] =	vst v63  }
0x4c4: {  	s14 =	sadd.s32 $0x106A8, s5;
	s26 =	sadd.s32 $0x50, s8  }
0x4c5: {  	[hbm4b:s26+s3] =	stream.linear.scatter [tilespmem:s14], [sflag:$0x4], $0x80, $0x38;
	[tilespmem:$0x1AE00] =	vst v63  }
0x4c6: {  	s29 =	sadd.s32 $0x10730, s5;
	s31 =	sadd.s32 $0x60, s8  }
0x4c7: {  	[hbm4b:s31+s3] =	stream.linear.scatter [tilespmem:s29], [sflag:$0x4], $0x80, $0x38;
	[tilespmem:$0x1AE00] =	vst v63  }
0x4c8: {  	s10 =	sadd.s32 $0x107B8, s5;
	s11 =	sadd.s32 $0x70, s8  }
0x4c9: {  	[hbm4b:s11+s3] =	stream.linear.scatter [tilespmem:s10], [sflag:$0x4], $0x80, $0x38;
	[tilespmem:$0x1AE00] =	vst v63  }
0x4ca: {  	_ =	swait.ge [sflag:s19], $0x1000  }
0x4cb: {  	[sflag:s19] =	ssyncset.done $0x0  }
0x4cc: {  	[sflag:s19] =	ssyncadd.s32 $0xFFFFF000  }
0x4cd: {  	_ =	swait.ge [sflag:s19], $0x1000  }
0x4ce: {  	[sflag:s19] =	ssyncset.done $0x0  }
0x4cf: {  	[sflag:s19] =	ssyncadd.s32 $0xFFFFF000  }
0x4d0: {  	_ =	swait.ge [sflag:s19], $0x1000  }
0x4d1: {  	[sflag:s19] =	ssyncset.done $0x0  }
0x4d2: {  	[sflag:s19] =	ssyncadd.s32 $0xFFFFF000  }
0x4d3: {  	_ =	swait.ge [sflag:s19], $0x1000  }
0x4d4: {  	[sflag:s19] =	ssyncset.done $0x0  }
0x4d5: {  	[sflag:s19] =	ssyncadd.s32 $0xFFFFF000  }
0x4d6: {  	_ =	swait.ge [sflag:s19], $0x1000  }
0x4d7: {  	[sflag:s19] =	ssyncset.done $0x0  }
0x4d8: {  	[sflag:s19] =	ssyncadd.s32 $0xFFFFF000  }
0x4d9: {  	s14 =	simm.s32 $0x3;
	_ =	swait.ge [sflag:s24], $0x5000  }
0x4da: {  	v10 =	vmov s14;
	[sflag:s24] =	ssyncset.done $0x0  }
0x4db: {  	s26 =	simm.s32 $0x0;
	s14 =	simm.s32 $0xB440;
	v10 =	vand.u32 $0x7F, v10;
	[sflag:s24] =	ssyncadd.s32 $0xFFFFB000  }
0x4dc: {  	v11 =	vmov s26;
	v21 =	vadd.s32 v0, v10;
	v18 =	vld [tilespmem:s14+$0x20]  }
0x4dd: {  	s29 =	simm.s32 $0x1;
	v11 =	vand.u32 $0x7C, v11;
	v27 =	vadd.s32 v1, v10;
	v26 =	vld [tilespmem:s14+$0x30]  }
0x4de: {  	v12 =	vmov s29;
	v23 =	vadd.s32 v0, v11;
	v19 =	vld [tilespmem:s14+$0xFFFFFFC0]  }
0x4df: {  	s31 =	simm.s32 $0x2;
	v20 =	vadd.s32 v1, v11;
	v12 =	vand.u32 $0x7D, v12;
	v14 =	vld [tilespmem:s14+$0xFFFFFFD0]  }
0x4e0: {  	v13 =	vmov s31;
	v17 =	vadd.s32 v0, v12;
	v15 =	vld [tilespmem:s14+$0xFFFFFFE0]  }
0x4e1: {  	s11 =	simm.s32 $0x7;
	v24 =	vand.u32 $0x7E, v13;
	v16 =	vld [tilespmem:s14+$0xFFFFFFF0];
	[tilespmem:v21+s1+$0x0] =	vst.idx.msk $0xffff, v18;
	v21 =	vadd.s32 v1, v12  }
0x4e2: {  	s9 =	simm.s32 $0x8;
	s5 =	simm.s32 $0x4;
	s8 =	simm.s32 $0x4;
	v25 =	vmov s11;
	v22 =	vadd.s32 v0, v24;
	v18 =	vld [tilespmem:s14+$0x0];
	[tilespmem:v27+s1+$0x0] =	vst.idx.msk $0xffff, v26  }
.LBB2_116:
0x4e3: {  	p0 =	slt.u32 s9, $0x7C;
	v25 =	vand.u32 $0x7F, v25;
	[tilespmem:v23+s1+$0x0] =	vst.idx.msk $0xffff, v19;
	v26 =	vld [tilespmem:s14+$0x10];
	v24 =	vadd.s32 v1, v24;
	s14 =	sadd.s32 $0x80, s14  }
0x4e4: {  	v19 =	vmov s8;
	v27 =	vld [tilespmem:s14+$0x20];
	v28 =	vadd.s32 v0, v25;
	[tilespmem:v20+s1+$0x0] =	vst.idx.msk $0xffff, v14  }
0x4e5: {  	s7 =	sadd.s32 $0x1, s8;
	v20 =	vand.u32 $0x7C, v19;
	v30 =	vadd.s32 v1, v25;
	v29 =	vld [tilespmem:s14+$0x30];
	[tilespmem:v17+s1+$0x0] =	vst.idx.msk $0xffff, v15  }
.Ltmp74:
0x4e6: {  	v23 =	vadd.s32 v0, v20;
	v15 =	vmov s7;
	v19 =	vld [tilespmem:s14+$0xFFFFFFC0];
	[tilespmem:v21+s1+$0x0] =	vst.idx.msk $0xffff, v16;
	(pc) =	sbr.rel @p0 .LBB2_116-.Ltmp74, $4  }
0x4e7: {  	v20 =	vadd.s32 v1, v20;
	s7 =	sadd.s32 $0x2, s8;
	s8 =	smov.u32 s9;
	v21 =	vand.u32 $0x7D, v15;
	v14 =	vld [tilespmem:s14+$0xFFFFFFD0];
	[tilespmem:v22+s1+$0x0] =	vst.idx.msk $0xffff, v18  }
0x4e8: {  	v17 =	vadd.s32 v0, v21;
	v18 =	vmov s7;
	v15 =	vld [tilespmem:s14+$0xFFFFFFE0];
	[tilespmem:v24+s1+$0x0] =	vst.idx.msk $0xffff, v26  }
0x4e9: {  	s7 =	sadd.s32 $0x3, s9;
	v21 =	vadd.s32 v1, v21;
	v24 =	vand.u32 $0x7E, v18;
	v16 =	vld [tilespmem:s14+$0xFFFFFFF0];
	[tilespmem:v28+s1+$0x0] =	vst.idx.msk $0xffff, v27  }
0x4ea: {  	s9 =	sadd.s32 $0x4, s9;
	v25 =	vmov s7;
	v22 =	vadd.s32 v0, v24;
	v18 =	vld [tilespmem:s14+$0x0];
	[tilespmem:v30+s1+$0x0] =	vst.idx.msk $0xffff, v29  }
0x4eb: {  	_ =	sdelay $0x3  }
0x4ec: {  	v25 =	vand.u32 $0x7F, v25;
	[tilespmem:v23+s1+$0x0] =	vst.idx.msk $0xffff, v19;
	v19 =	vld [tilespmem:s14+$0x10];
	v23 =	vadd.s32 v1, v24;
	s7 =	sadd.s32 $0x80, s14  }
0x4ed: {  	v58 =	vmov s8;
	v26 =	vld [tilespmem:s7+$0x20];
	v27 =	vadd.s32 v0, v25;
	[tilespmem:v20+s1+$0x0] =	vst.idx.msk $0xffff, v14  }
0x4ee: {  	s9 =	sadd.s32 $0x1, s8;
	v14 =	vand.u32 $0x7C, v58;
	v20 =	vld [tilespmem:s7+$0x30];
	v59 =	vadd.s32 v1, v25;
	[tilespmem:v17+s1+$0x0] =	vst.idx.msk $0xffff, v15  }
0x4ef: {  	v60 =	vmov s9;
	v15 =	vld [tilespmem:s7+$0xFFFFFFC0];
	v17 =	vadd.s32 v0, v14;
	[tilespmem:v21+s1+$0x0] =	vst.idx.msk $0xffff, v16  }
0x4f0: {  	s31 =	sadd.s32 $0x2, s8;
	v14 =	vadd.s32 v1, v14;
	v16 =	vld [tilespmem:s7+$0xFFFFFFD0];
	v21 =	vand.u32 $0x7D, v60;
	[tilespmem:v22+s1+$0x0] =	vst.idx.msk $0xffff, v18  }
0x4f1: {  	v61 =	vmov s31;
	v18 =	vld [tilespmem:s7+$0xFFFFFFE0];
	v22 =	vadd.s32 v0, v21;
	[tilespmem:v23+s1+$0x0] =	vst.idx.msk $0xffff, v19  }
0x4f2: {  	v21 =	vadd.s32 v1, v21;
	v19 =	vld [tilespmem:s7+$0xFFFFFFF0];
	v23 =	vand.u32 $0x7E, v61;
	[tilespmem:v27+s1+$0x0] =	vst.idx.msk $0xffff, v26  }
0x4f3: {  	v62 =	vld [tilespmem:s7+$0x0];
	v63 =	vadd.s32 v0, v23;
	[tilespmem:v59+s1+$0x0] =	vst.idx.msk $0xffff, v20  }
0x4f4: {  	[tilespmem:v17+s1+$0x0] =	vst.idx.msk $0xffff, v15;
	v15 =	vld [tilespmem:s7+$0x10];
	v17 =	vadd.s32 v1, v23  }
0x4f5: {  	[tilespmem:v14+s1+$0x0] =	vst.idx.msk $0xffff, v16  }
0x4f6: {  	[tilespmem:v22+s1+$0x0] =	vst.idx.msk $0xffff, v18  }
0x4f7: {  	[tilespmem:v21+s1+$0x0] =	vst.idx.msk $0xffff, v19  }
0x4f8: {  	[tilespmem:v63+s1+$0x0] =	vst.idx.msk $0xffff, v62  }
0x4f9: {  	s8 =	simm.s32 $0xC470;
	[tilespmem:v17+s1+$0x0] =	vst.idx.msk $0xffff, v15  }
0x4fa: {  	v21 =	vadd.s32 v2, v10;
	v16 =	vld [tilespmem:s8+$0xFFFFFFF0]  }
0x4fb: {  	v23 =	vadd.s32 v3, v10;
	v22 =	vld [tilespmem:s8+$0x0]  }
0x4fc: {  	v19 =	vadd.s32 v2, v11;
	v18 =	vld [tilespmem:s8+$0xFFFFFF90]  }
0x4fd: {  	v17 =	vadd.s32 v3, v11;
	v14 =	vld [tilespmem:s8+$0xFFFFFFA0]  }
0x4fe: {  	v15 =	vadd.s32 v2, v12;
	v10 =	vld [tilespmem:s8+$0xFFFFFFB0]  }
0x4ff: {  	v20 =	vand.u32 $0x7E, v13;
	v13 =	vadd.s32 v3, v12;
	v11 =	vld [tilespmem:s8+$0xFFFFFFC0];
	[tilespmem:v21+s1+$0x0] =	vst.idx.msk $0xffff, v16  }
0x500: {  	s9 =	simm.s32 $0x8;
	v12 =	vld [tilespmem:s8+$0xFFFFFFD0];
	v21 =	vmov s11;
	v16 =	vadd.s32 v2, v20;
	[tilespmem:v23+s1+$0x0] =	vst.idx.msk $0xffff, v22  }
.LBB2_118:
0x501: {  	p0 =	slt.u32 s9, $0x7C;
	v21 =	vand.u32 $0x7F, v21;
	[tilespmem:v19+s1+$0x0] =	vst.idx.msk $0xffff, v18;
	v22 =	vld [tilespmem:s8+$0xFFFFFFE0];
	v20 =	vadd.s32 v3, v20;
	s8 =	sadd.s32 $0x80, s8  }
0x502: {  	v18 =	vmov s5;
	v23 =	vld [tilespmem:s8+$0xFFFFFFF0];
	v24 =	vadd.s32 v2, v21;
	[tilespmem:v17+s1+$0x0] =	vst.idx.msk $0xffff, v14  }
0x503: {  	s7 =	sadd.s32 $0x1, s5;
	v17 =	vand.u32 $0x7C, v18;
	v26 =	vadd.s32 v3, v21;
	v25 =	vld [tilespmem:s8+$0x0];
	[tilespmem:v15+s1+$0x0] =	vst.idx.msk $0xffff, v10  }
.Ltmp75:
0x504: {  	v19 =	vadd.s32 v2, v17;
	v10 =	vmov s7;
	v18 =	vld [tilespmem:s8+$0xFFFFFF90];
	[tilespmem:v13+s1+$0x0] =	vst.idx.msk $0xffff, v11;
	(pc) =	sbr.rel @p0 .LBB2_118-.Ltmp75, $4  }
0x505: {  	v17 =	vadd.s32 v3, v17;
	s7 =	sadd.s32 $0x2, s5;
	s5 =	smov.u32 s9;
	v13 =	vand.u32 $0x7D, v10;
	v14 =	vld [tilespmem:s8+$0xFFFFFFA0];
	[tilespmem:v16+s1+$0x0] =	vst.idx.msk $0xffff, v12  }
0x506: {  	v15 =	vadd.s32 v2, v13;
	v12 =	vmov s7;
	v10 =	vld [tilespmem:s8+$0xFFFFFFB0];
	[tilespmem:v20+s1+$0x0] =	vst.idx.msk $0xffff, v22  }
0x507: {  	s7 =	sadd.s32 $0x3, s9;
	v13 =	vadd.s32 v3, v13;
	v20 =	vand.u32 $0x7E, v12;
	v11 =	vld [tilespmem:s8+$0xFFFFFFC0];
	[tilespmem:v24+s1+$0x0] =	vst.idx.msk $0xffff, v23  }
0x508: {  	s9 =	sadd.s32 $0x4, s9;
	v21 =	vmov s7;
	v16 =	vadd.s32 v2, v20;
	v12 =	vld [tilespmem:s8+$0xFFFFFFD0];
	[tilespmem:v26+s1+$0x0] =	vst.idx.msk $0xffff, v25  }
0x509: {  	_ =	sdelay $0x3  }
0x50a: {  	v21 =	vand.u32 $0x7F, v21;
	[tilespmem:v19+s1+$0x0] =	vst.idx.msk $0xffff, v18;
	v18 =	vld [tilespmem:s8+$0xFFFFFFE0];
	v19 =	vadd.s32 v3, v20;
	s7 =	sadd.s32 $0x80, s8  }
0x50b: {  	v20 =	vmov s5;
	v22 =	vld [tilespmem:s7+$0xFFFFFFF0];
	v23 =	vadd.s32 v2, v21;
	[tilespmem:v17+s1+$0x0] =	vst.idx.msk $0xffff, v14  }
0x50c: {  	s26 =	sadd.s32 $0x1, s5;
	v14 =	vand.u32 $0x7C, v20;
	v17 =	vld [tilespmem:s7+$0x0];
	v20 =	vadd.s32 v3, v21;
	[tilespmem:v15+s1+$0x0] =	vst.idx.msk $0xffff, v10  }
0x50d: {  	v21 =	vmov s26;
	v10 =	vld [tilespmem:s7+$0xFFFFFF90];
	v15 =	vadd.s32 v2, v14;
	[tilespmem:v13+s1+$0x0] =	vst.idx.msk $0xffff, v11  }
0x50e: {  	s29 =	sadd.s32 $0x2, s5;
	v11 =	vld [tilespmem:s7+$0xFFFFFFA0];
	v13 =	vadd.s32 v3, v14;
	v14 =	vand.u32 $0x7D, v21;
	[tilespmem:v16+s1+$0x0] =	vst.idx.msk $0xffff, v12  }
0x50f: {  	v21 =	vmov s29;
	v12 =	vld [tilespmem:s7+$0xFFFFFFB0];
	v16 =	vadd.s32 v2, v14;
	[tilespmem:v19+s1+$0x0] =	vst.idx.msk $0xffff, v18  }
0x510: {  	v14 =	vadd.s32 v3, v14;
	v18 =	vld [tilespmem:s7+$0xFFFFFFC0];
	v19 =	vand.u32 $0x7E, v21;
	[tilespmem:v23+s1+$0x0] =	vst.idx.msk $0xffff, v22  }
0x511: {  	v21 =	vld [tilespmem:s7+$0xFFFFFFD0];
	v22 =	vadd.s32 v2, v19;
	[tilespmem:v20+s1+$0x0] =	vst.idx.msk $0xffff, v17  }
0x512: {  	p1 =	por $0x1, $0x1;
	[tilespmem:v15+s1+$0x0] =	vst.idx.msk $0xffff, v10;
	v15 =	vld [tilespmem:s7+$0xFFFFFFE0];
	v17 =	vadd.s32 v3, v19  }
.Ltmp76:
0x513: {  	[tilespmem:v13+s1+$0x0] =	vst.idx.msk $0xffff, v11;
	(pc) =	sbr.rel @!p1 .LBB2_123-.Ltmp76, $4  }
0x514: {  	[tilespmem:v16+s1+$0x0] =	vst.idx.msk $0xffff, v12  }
0x515: {  	s11 =	simm.s32 $0x0;
	s31 =	simm.s32 $0x3;
	[tilespmem:v14+s1+$0x0] =	vst.idx.msk $0xffff, v18  }
0x516: {  	s14 =	simm.s32 $0xD470;
	s5 =	simm.s32 $0x4;
	p0 =	por $0x0, $0x0;
	v10 =	vmov s31;
	[tilespmem:v22+s1+$0x0] =	vst.idx.msk $0xffff, v21  }
0x517: {  	s9 =	simm.s32 $0xD470;
	s8 =	simm.s32 $0x0;
	p2 =	por $0x0, $0x0;
	v22 =	vmov v10;
	[tilespmem:v17+s1+$0x0] =	vst.idx.msk $0xffff, v15  }
0x518: {  	v11 =	vand.u32 $0x7F, v10  }
0x519: {  	v18 =	vld [tilespmem:s14+$0xFFFFFFF0];
	v19 =	vadd.s32 v4, v11;
	v24 =	vadd.s32 v5, v11;
	v11 =	vmov s11  }
0x51a: {  	v23 =	vld [tilespmem:s14+$0x0];
	s7 =	simm.s32 $0x1;
	p3 =	por $0x1, $0x1;
	v14 =	vand.u32 $0x7C, v11  }
.Ltmp77:
0x51b: {  	v12 =	vld [tilespmem:s14+$0xFFFFFF90];
	v13 =	vmov s7;
	v15 =	vadd.s32 v4, v14;
	(pc) =	sbr.rel @!p3 .LBB2_121-.Ltmp77, $4  }
0x51c: {  	s29 =	simm.s32 $0x2;
	v11 =	vld [tilespmem:s14+$0xFFFFFFA0];
	v20 =	vand.u32 $0x7D, v13;
	v17 =	vadd.s32 v5, v14  }
0x51d: {  	v21 =	vmov s29;
	v13 =	vld [tilespmem:s14+$0xFFFFFFB0];
	v16 =	vadd.s32 v4, v20  }
0x51e: {  	s31 =	simm.s32 $0x7;
	s10 =	simm.s32 $0x8;
	v21 =	vand.u32 $0x7E, v21;
	v14 =	vld [tilespmem:s14+$0xFFFFFFC0];
	[tilespmem:v19+s1+$0x0] =	vst.idx.msk $0xffff, v18;
	v19 =	vadd.s32 v5, v20  }
0x51f: {  	p2 =	por $0x1, $0x1;
	s9 =	simm.s32 $0xD470;
	s8 =	simm.s32 $0x4;
	v22 =	vmov s31;
	v18 =	vld [tilespmem:s14+$0xFFFFFFD0];
	v20 =	vadd.s32 v4, v21;
	[tilespmem:v24+s1+$0x0] =	vst.idx.msk $0xffff, v23  }
.LBB2_122:
0x520: {  	p3 =	slt.u32 s10, $0x7C;
	v22 =	vand.u32 $0x7F, v22;
	[tilespmem:v15+s1+$0x0] =	vst.idx.msk $0xffff, v12;
	v23 =	vld [tilespmem:s9+$0xFFFFFFE0];
	v21 =	vadd.s32 v5, v21;
	s9 =	sadd.s32 $0x80, s9  }
0x521: {  	v12 =	vmov s8;
	v24 =	vld [tilespmem:s9+$0xFFFFFFF0];
	v25 =	vadd.s32 v4, v22;
	[tilespmem:v17+s1+$0x0] =	vst.idx.msk $0xffff, v11  }
0x522: {  	s7 =	sadd.s32 $0x1, s8;
	v17 =	vand.u32 $0x7C, v12;
	v27 =	vadd.s32 v5, v22;
	v26 =	vld [tilespmem:s9+$0x0];
	[tilespmem:v16+s1+$0x0] =	vst.idx.msk $0xffff, v13  }
.Ltmp78:
0x523: {  	v15 =	vadd.s32 v4, v17;
	v13 =	vmov s7;
	v12 =	vld [tilespmem:s9+$0xFFFFFF90];
	[tilespmem:v19+s1+$0x0] =	vst.idx.msk $0xffff, v14;
	(pc) =	sbr.rel @p3 .LBB2_122-.Ltmp78, $4  }
0x524: {  	v17 =	vadd.s32 v5, v17;
	s7 =	sadd.s32 $0x2, s8;
	s8 =	smov.u32 s10;
	v19 =	vand.u32 $0x7D, v13;
	v11 =	vld [tilespmem:s9+$0xFFFFFFA0];
	[tilespmem:v20+s1+$0x0] =	vst.idx.msk $0xffff, v18  }
0x525: {  	v16 =	vadd.s32 v4, v19;
	v18 =	vmov s7;
	v13 =	vld [tilespmem:s9+$0xFFFFFFB0];
	[tilespmem:v21+s1+$0x0] =	vst.idx.msk $0xffff, v23  }
0x526: {  	s7 =	sadd.s32 $0x3, s10;
	v19 =	vadd.s32 v5, v19;
	v21 =	vand.u32 $0x7E, v18;
	v14 =	vld [tilespmem:s9+$0xFFFFFFC0];
	[tilespmem:v25+s1+$0x0] =	vst.idx.msk $0xffff, v24  }
0x527: {  	s10 =	sadd.s32 $0x4, s10;
	v22 =	vmov s7;
	v20 =	vadd.s32 v4, v21;
	v18 =	vld [tilespmem:s9+$0xFFFFFFD0];
	[tilespmem:v27+s1+$0x0] =	vst.idx.msk $0xffff, v26  }
.LBB2_123:
0x528: {  	_ =	sdelay $0x2  }
0x529: {  	s7 =	sadd.s32 @p2 $0x80, s9  }
0x52a: {  	v23 =	vld @p2 [tilespmem:s9+$0xFFFFFFE0];
	v22 =	vand.u32 $0x7F, v22;
	[tilespmem:v15+s1+$0x0] =	vst.idx.msk @p2 $0xffff, v12;
	v12 =	vadd.s32 @p2 v5, v21;
	v47 =	vmov s8;
	s14 =	smov.u32 @p2 s7  }
0x52b: {  	v24 =	vadd.s32 v4, v22;
	[tilespmem:v17+s1+$0x0] =	vst.idx.msk @p2 $0xffff, v11;
	v11 =	vand.u32 $0x7C, v47;
	v48 =	vld [tilespmem:s14+$0xFFFFFFF0]  }
0x52c: {  	s29 =	sadd.s32 $0x1, s8;
	[tilespmem:v16+s1+$0x0] =	vst.idx.msk @p2 $0xffff, v13;
	v51 =	vld [tilespmem:s14+$0xFFFFFF90];
	v52 =	vadd.s32 v4, v11  }
0x52d: {  	s31 =	sadd.s32 $0x2, s8;
	v50 =	vadd.s32 v5, v22;
	v53 =	vmov s29;
	v49 =	vld [tilespmem:s14+$0x0];
	[tilespmem:v19+s1+$0x0] =	vst.idx.msk @p2 $0xffff, v14  }
0x52e: {  	v58 =	vmov s31;
	v54 =	vld [tilespmem:s14+$0xFFFFFFA0];
	v11 =	vadd.s32 v5, v11;
	v55 =	vand.u32 $0x7D, v53;
	[tilespmem:v20+s1+$0x0] =	vst.idx.msk @p2 $0xffff, v18  }
0x52f: {  	v56 =	vld [tilespmem:s14+$0xFFFFFFB0];
	v22 =	vand.u32 $0x7E, v58;
	v57 =	vadd.s32 v4, v55;
	[tilespmem:v12+s1+$0x0] =	vst.idx.msk @p2 $0xffff, v23  }
0x530: {  	v60 =	vld [tilespmem:s14+$0xFFFFFFD0];
	v61 =	vadd.s32 v4, v22;
	[tilespmem:v24+s1+$0x0] =	vst.idx.msk $0xffff, v48  }
0x531: {  	v59 =	vld [tilespmem:s14+$0xFFFFFFC0];
	v19 =	vadd.s32 v5, v55;
	[tilespmem:v52+s1+$0x0] =	vst.idx.msk $0xffff, v51  }
0x532: {  	v62 =	vld [tilespmem:s14+$0xFFFFFFE0];
	v63 =	vadd.s32 v5, v22;
	[tilespmem:v50+s1+$0x0] =	vst.idx.msk $0xffff, v49  }
.Ltmp79:
0x533: {  	[tilespmem:v11+s1+$0x0] =	vst.idx.msk $0xffff, v54;
	(pc) =	sbr.rel @!p1 .LBB2_124-.Ltmp79, $4  }
0x534: {  	[tilespmem:v57+s1+$0x0] =	vst.idx.msk $0xffff, v56  }
0x535: {  	[tilespmem:v61+s1+$0x0] =	vst.idx.msk $0xffff, v60  }
0x536: {  	[tilespmem:v19+s1+$0x0] =	vst.idx.msk $0xffff, v59  }
0x537: {  	s14 =	simm.s32 $0xE470;
	[tilespmem:v63+s1+$0x0] =	vst.idx.msk $0xffff, v62  }
0x538: {  	v10 =	vand.u32 $0x7F, v10  }
0x539: {  	v18 =	vld [tilespmem:s14+$0xFFFFFFF0];
	v19 =	vadd.s32 v6, v10;
	v23 =	vadd.s32 v7, v10;
	v10 =	vmov s11  }
0x53a: {  	v22 =	vld [tilespmem:s14+$0x0];
	s7 =	simm.s32 $0x1;
	p1 =	por $0x1, $0x1;
	v10 =	vand.u32 $0x7C, v10  }
.Ltmp80:
0x53b: {  	v12 =	vld [tilespmem:s14+$0xFFFFFF90];
	v13 =	vmov s7;
	v16 =	vadd.s32 v6, v10;
	(pc) =	sbr.rel @!p1 .LBB2_126-.Ltmp80, $4  }
0x53c: {  	v11 =	vld [tilespmem:s14+$0xFFFFFFA0];
	s29 =	simm.s32 $0x2;
	v20 =	vand.u32 $0x7D, v13;
	v17 =	vadd.s32 v7, v10  }
0x53d: {  	v21 =	vmov s29;
	v13 =	vld [tilespmem:s14+$0xFFFFFFB0];
	v15 =	vadd.s32 v6, v20  }
0x53e: {  	s31 =	simm.s32 $0x7;
	v14 =	vld [tilespmem:s14+$0xFFFFFFC0];
	v21 =	vand.u32 $0x7E, v21;
	[tilespmem:v19+s1+$0x0] =	vst.idx.msk $0xffff, v18;
	v19 =	vadd.s32 v7, v20  }
0x53f: {  	s9 =	simm.s32 $0x8;
	p0 =	por $0x1, $0x1;
	s8 =	simm.s32 $0xE470;
	v10 =	vmov s31;
	v18 =	vld [tilespmem:s14+$0xFFFFFFD0];
	v20 =	vadd.s32 v6, v21;
	[tilespmem:v23+s1+$0x0] =	vst.idx.msk $0xffff, v22  }
.LBB2_127:
0x540: {  	p1 =	slt.u32 s9, $0x7C;
	v10 =	vand.u32 $0x7F, v10;
	[tilespmem:v16+s1+$0x0] =	vst.idx.msk $0xffff, v12;
	v22 =	vld [tilespmem:s8+$0xFFFFFFE0];
	v21 =	vadd.s32 v7, v21;
	s8 =	sadd.s32 $0x80, s8  }
0x541: {  	v12 =	vmov s5;
	v23 =	vld [tilespmem:s8+$0xFFFFFFF0];
	v24 =	vadd.s32 v6, v10;
	[tilespmem:v17+s1+$0x0] =	vst.idx.msk $0xffff, v11  }
0x542: {  	s7 =	sadd.s32 $0x1, s5;
	v17 =	vand.u32 $0x7C, v12;
	v26 =	vadd.s32 v7, v10;
	v25 =	vld [tilespmem:s8+$0x0];
	[tilespmem:v15+s1+$0x0] =	vst.idx.msk $0xffff, v13  }
.Ltmp81:
0x543: {  	v10 =	vmov s7;
	v16 =	vadd.s32 v6, v17;
	v12 =	vld [tilespmem:s8+$0xFFFFFF90];
	[tilespmem:v19+s1+$0x0] =	vst.idx.msk $0xffff, v14;
	(pc) =	sbr.rel @p1 .LBB2_127-.Ltmp81, $4  }
0x544: {  	s7 =	sadd.s32 $0x2, s5;
	s5 =	smov.u32 s9;
	v17 =	vadd.s32 v7, v17;
	v10 =	vand.u32 $0x7D, v10;
	v11 =	vld [tilespmem:s8+$0xFFFFFFA0];
	[tilespmem:v20+s1+$0x0] =	vst.idx.msk $0xffff, v18  }
0x545: {  	v15 =	vadd.s32 v6, v10;
	v18 =	vmov s7;
	v13 =	vld [tilespmem:s8+$0xFFFFFFB0];
	[tilespmem:v21+s1+$0x0] =	vst.idx.msk $0xffff, v22  }
0x546: {  	v19 =	vadd.s32 v7, v10;
	s7 =	sadd.s32 $0x3, s9;
	v21 =	vand.u32 $0x7E, v18;
	v14 =	vld [tilespmem:s8+$0xFFFFFFC0];
	[tilespmem:v24+s1+$0x0] =	vst.idx.msk $0xffff, v23  }
0x547: {  	s9 =	sadd.s32 $0x4, s9;
	v10 =	vmov s7;
	v20 =	vadd.s32 v6, v21;
	v18 =	vld [tilespmem:s8+$0xFFFFFFD0];
	[tilespmem:v26+s1+$0x0] =	vst.idx.msk $0xffff, v25  }
0x548: {  	s11 =	smov.u32 s5  }
.LBB2_129:
0x549: {  	_ =	sdelay $0x2  }
0x54a: {  	s5 =	sadd.s32 @p0 $0x80, s8  }
0x54b: {  	v22 =	vld @p0 [tilespmem:s8+$0xFFFFFFE0];
	v10 =	vand.u32 $0x7F, v10;
	[tilespmem:v16+s1+$0x0] =	vst.idx.msk @p0 $0xffff, v12;
	v12 =	vadd.s32 @p0 v7, v21;
	v54 =	vmov s11;
	s14 =	smov.u32 @p0 s5  }
0x54c: {  	v23 =	vadd.s32 v6, v10;
	[tilespmem:v17+s1+$0x0] =	vst.idx.msk @p0 $0xffff, v11;
	v11 =	vand.u32 $0x7C, v54;
	v21 =	vld [tilespmem:s14+$0xFFFFFFF0]  }
0x54d: {  	s29 =	sadd.s32 $0x1, s11;
	[tilespmem:v15+s1+$0x0] =	vst.idx.msk @p0 $0xffff, v13;
	v56 =	vld [tilespmem:s14+$0xFFFFFF90];
	v57 =	vadd.s32 v6, v11  }
0x54e: {  	v10 =	vadd.s32 v7, v10;
	v58 =	vmov s29;
	v55 =	vld [tilespmem:s14+$0x0];
	[tilespmem:v19+s1+$0x0] =	vst.idx.msk @p0 $0xffff, v14  }
0x54f: {  	s31 =	sadd.s32 $0x2, s11;
	v59 =	vld [tilespmem:s14+$0xFFFFFFA0];
	v11 =	vadd.s32 v7, v11;
	v17 =	vand.u32 $0x7D, v58;
	[tilespmem:v20+s1+$0x0] =	vst.idx.msk @p0 $0xffff, v18  }
0x550: {  	v60 =	vld [tilespmem:s14+$0xFFFFFFB0];
	v61 =	vadd.s32 v6, v17;
	v20 =	vmov s31;
	[tilespmem:v12+s1+$0x0] =	vst.idx.msk @p0 $0xffff, v22  }
0x551: {  	v62 =	vld [tilespmem:s14+$0xFFFFFFC0];
	v17 =	vadd.s32 v7, v17;
	v20 =	vand.u32 $0x7E, v20;
	[tilespmem:v23+s1+$0x0] =	vst.idx.msk $0xffff, v21  }
0x552: {  	v22 =	vadd.s32 v6, v20;
	v21 =	vld [tilespmem:s14+$0xFFFFFFD0];
	[tilespmem:v57+s1+$0x0] =	vst.idx.msk $0xffff, v56  }
0x553: {  	p1 =	por $0x1, $0x1;
	v63 =	vadd.s32 v7, v20;
	[tilespmem:v10+s1+$0x0] =	vst.idx.msk $0xffff, v55;
	v10 =	vld [tilespmem:s14+$0xFFFFFFE0]  }
.Ltmp82:
0x554: {  	[tilespmem:v11+s1+$0x0] =	vst.idx.msk $0xffff, v59;
	(pc) =	sbr.rel @!p1 .LBB2_130-.Ltmp82, $4  }
0x555: {  	[tilespmem:v61+s1+$0x0] =	vst.idx.msk $0xffff, v60  }
0x556: {  	[tilespmem:v17+s1+$0x0] =	vst.idx.msk $0xffff, v62  }
0x557: {  	s10 =	simm.s32 $0x0;
	s7 =	simm.s32 $0x3;
	[tilespmem:v22+s1+$0x0] =	vst.idx.msk $0xffff, v21  }
0x558: {  	s8 =	simm.s32 $0x4;
	s5 =	simm.s32 $0xF470;
	p0 =	por $0x0, $0x0;
	v21 =	vmov s7;
	[tilespmem:v63+s1+$0x0] =	vst.idx.msk $0xffff, v10  }
0x559: {  	v10 =	vand.u32 $0x7F, v21  }
0x55a: {  	v17 =	vld [tilespmem:s5+$0xFFFFFFF0];
	v18 =	vadd.s32 v8, v10;
	v23 =	vadd.s32 v9, v10;
	v10 =	vmov s10  }
0x55b: {  	v22 =	vld [tilespmem:s5+$0x0];
	s7 =	simm.s32 $0x1;
	p1 =	por $0x1, $0x1;
	v13 =	vand.u32 $0x7C, v10  }
.Ltmp83:
0x55c: {  	v12 =	vld [tilespmem:s5+$0xFFFFFF90];
	v11 =	vmov s7;
	v16 =	vadd.s32 v8, v13;
	(pc) =	sbr.rel @!p1 .LBB2_132-.Ltmp83, $4  }
0x55d: {  	s29 =	simm.s32 $0x2;
	v10 =	vld [tilespmem:s5+$0xFFFFFFA0];
	v19 =	vand.u32 $0x7D, v11;
	v15 =	vadd.s32 v9, v13  }
0x55e: {  	v20 =	vmov s29;
	v11 =	vld [tilespmem:s5+$0xFFFFFFB0];
	v14 =	vadd.s32 v8, v19  }
0x55f: {  	s31 =	simm.s32 $0x7;
	v20 =	vand.u32 $0x7E, v20;
	v13 =	vld [tilespmem:s5+$0xFFFFFFC0];
	[tilespmem:v18+s1+$0x0] =	vst.idx.msk $0xffff, v17;
	v18 =	vadd.s32 v9, v19  }
0x560: {  	p0 =	por $0x1, $0x1;
	s9 =	simm.s32 $0xF470;
	v21 =	vmov s31;
	s10 =	simm.s32 $0x8;
	v17 =	vld [tilespmem:s5+$0xFFFFFFD0];
	v19 =	vadd.s32 v8, v20;
	[tilespmem:v23+s1+$0x0] =	vst.idx.msk $0xffff, v22  }
.LBB2_133:
0x561: {  	p1 =	slt.u32 s10, $0x7C;
	v21 =	vand.u32 $0x7F, v21;
	[tilespmem:v16+s1+$0x0] =	vst.idx.msk $0xffff, v12;
	v22 =	vld [tilespmem:s9+$0xFFFFFFE0];
	v20 =	vadd.s32 v9, v20;
	s9 =	sadd.s32 $0x80, s9  }
0x562: {  	v12 =	vmov s8;
	v23 =	vld [tilespmem:s9+$0xFFFFFFF0];
	v24 =	vadd.s32 v8, v21;
	[tilespmem:v15+s1+$0x0] =	vst.idx.msk $0xffff, v10  }
0x563: {  	s7 =	sadd.s32 $0x1, s8;
	v15 =	vand.u32 $0x7C, v12;
	v26 =	vadd.s32 v9, v21;
	v25 =	vld [tilespmem:s9+$0x0];
	[tilespmem:v14+s1+$0x0] =	vst.idx.msk $0xffff, v11  }
.Ltmp84:
0x564: {  	v16 =	vadd.s32 v8, v15;
	v11 =	vmov s7;
	v12 =	vld [tilespmem:s9+$0xFFFFFF90];
	[tilespmem:v18+s1+$0x0] =	vst.idx.msk $0xffff, v13;
	(pc) =	sbr.rel @p1 .LBB2_133-.Ltmp84, $4  }
0x565: {  	v15 =	vadd.s32 v9, v15;
	s7 =	sadd.s32 $0x2, s8;
	s8 =	smov.u32 s10;
	v18 =	vand.u32 $0x7D, v11;
	v10 =	vld [tilespmem:s9+$0xFFFFFFA0];
	[tilespmem:v19+s1+$0x0] =	vst.idx.msk $0xffff, v17  }
0x566: {  	v14 =	vadd.s32 v8, v18;
	v17 =	vmov s7;
	v11 =	vld [tilespmem:s9+$0xFFFFFFB0];
	[tilespmem:v20+s1+$0x0] =	vst.idx.msk $0xffff, v22  }
0x567: {  	s7 =	sadd.s32 $0x3, s10;
	v18 =	vadd.s32 v9, v18;
	v20 =	vand.u32 $0x7E, v17;
	v13 =	vld [tilespmem:s9+$0xFFFFFFC0];
	[tilespmem:v24+s1+$0x0] =	vst.idx.msk $0xffff, v23  }
0x568: {  	s10 =	sadd.s32 $0x4, s10;
	v21 =	vmov s7;
	v19 =	vadd.s32 v8, v20;
	v17 =	vld [tilespmem:s9+$0xFFFFFFD0];
	[tilespmem:v26+s1+$0x0] =	vst.idx.msk $0xffff, v25  }
0x569: {  	s10 =	smov.u32 s8  }
.LBB2_135:
0x56a: {  	_ =	sdelay $0x2  }
0x56b: {  	s7 =	sadd.s32 @p0 $0x80, s9  }
0x56c: {  	v21 =	vand.u32 $0x7F, v21;
	[tilespmem:v16+s1+$0x0] =	vst.idx.msk @p0 $0xffff, v12;
	v12 =	vld @p0 [tilespmem:s9+$0xFFFFFFE0];
	v16 =	vadd.s32 @p0 v9, v20;
	v48 =	vmov s10;
	s5 =	smov.u32 @p0 s7  }
0x56d: {  	v23 =	vadd.s32 v8, v21;
	[tilespmem:v15+s1+$0x0] =	vst.idx.msk @p0 $0xffff, v10;
	v10 =	vand.u32 $0x7C, v48;
	v22 =	vld [tilespmem:s5+$0xFFFFFFF0]  }
0x56e: {  	s9 =	sadd.s32 $0x1, s10;
	[tilespmem:v14+s1+$0x0] =	vst.idx.msk @p0 $0xffff, v11;
	v11 =	vld [tilespmem:s5+$0xFFFFFF90];
	v51 =	vadd.s32 v8, v10  }
0x56f: {  	s10 =	sadd.s32 $0x2, s10;
	v50 =	vadd.s32 v9, v21;
	v52 =	vmov s9;
	v49 =	vld [tilespmem:s5+$0x0];
	[tilespmem:v18+s1+$0x0] =	vst.idx.msk @p0 $0xffff, v13  }
0x570: {  	v57 =	vmov s10;
	v53 =	vld [tilespmem:s5+$0xFFFFFFA0];
	v10 =	vadd.s32 v9, v10;
	v54 =	vand.u32 $0x7D, v52;
	[tilespmem:v19+s1+$0x0] =	vst.idx.msk @p0 $0xffff, v17  }
0x571: {  	v55 =	vld [tilespmem:s5+$0xFFFFFFB0];
	v60 =	vand.u32 $0x7E, v57;
	v56 =	vadd.s32 v8, v54;
	[tilespmem:v16+s1+$0x0] =	vst.idx.msk @p0 $0xffff, v12  }
0x572: {  	v61 =	vld [tilespmem:s5+$0xFFFFFFD0];
	v62 =	vadd.s32 v8, v60;
	[tilespmem:v23+s1+$0x0] =	vst.idx.msk $0xffff, v22  }
0x573: {  	v58 =	vld [tilespmem:s5+$0xFFFFFFC0];
	v59 =	vadd.s32 v9, v54;
	[tilespmem:v51+s1+$0x0] =	vst.idx.msk $0xffff, v11  }
0x574: {  	v63 =	vadd.s32 v9, v60;
	v11 =	vld [tilespmem:s5+$0xFFFFFFE0];
	[tilespmem:v50+s1+$0x0] =	vst.idx.msk $0xffff, v49  }
0x575: {  	[tilespmem:v10+s1+$0x0] =	vst.idx.msk $0xffff, v53  }
0x576: {  	[tilespmem:v56+s1+$0x0] =	vst.idx.msk $0xffff, v55  }
0x577: {  	[tilespmem:v62+s1+$0x0] =	vst.idx.msk $0xffff, v61  }
0x578: {  	[tilespmem:v59+s1+$0x0] =	vst.idx.msk $0xffff, v58  }
0x579: {  	[tilespmem:v63+s1+$0x0] =	vst.idx.msk $0xffff, v11  }
0x57a: {  	s11 =	simm.s32 $0x15900;
	s8 =	rddreg [dreg:$0x7]  }
0x57b: {  	[hbm4b:s8+s3] =	stream.linear.scatter [tilespmem:s11], [sflag:$0x5], $0x80, $0x38;
	[tilespmem:$0x1AE00] =	vst v63  }
0x57c: {  	s14 =	simm.s32 $0x15988;
	s26 =	sadd.s32 $0x10, s8  }
0x57d: {  	[hbm4b:s26+s3] =	stream.linear.scatter [tilespmem:s14], [sflag:$0x5], $0x80, $0x38;
	[tilespmem:$0x1AE00] =	vst v63  }
0x57e: {  	s29 =	simm.s32 $0x15A10;
	s7 =	simm.s32 $0x15A98;
	s31 =	sadd.s32 $0x20, s8  }
0x57f: {  	[hbm4b:s31+s3] =	stream.linear.scatter [tilespmem:s29], [sflag:$0x5], $0x80, $0x38;
	[tilespmem:$0x1AE00] =	vst v63  }
0x580: {  	s10 =	simm.s32 $0x15B20;
	s5 =	simm.s32 $0x440;
	s9 =	sadd.s32 $0x30, s8  }
0x581: {  	[hbm4b:s9+s3] =	stream.linear.scatter [tilespmem:s7], [sflag:$0x5], $0x80, $0x38;
	[tilespmem:$0x1AE00] =	vst v63  }
0x582: {  	s11 =	sadd.s32 $0x40, s8;
	s14 =	simm.s32 $0x15BA8;
	s26 =	sadd.s32 $0x50, s8  }
0x583: {  	[hbm4b:s11+s3] =	stream.linear.scatter [tilespmem:s10], [sflag:$0x5], $0x80, $0x38;
	[tilespmem:$0x1AE00] =	vst v63  }
0x584: {  	s29 =	simm.s32 $0x15C30;
	s31 =	sadd.s32 $0x60, s8;
	s9 =	simm.s32 $0x2200  }
0x585: {  	[hbm4b:s26+s3] =	stream.linear.scatter [tilespmem:s14], [sflag:$0x5], $0x80, $0x38;
	[tilespmem:$0x1AE00] =	vst v63  }
0x586: {  	s10 =	simm.s32 $0x15CB8;
	s11 =	sadd.s32 $0x70, s8;
	s8 =	sadd.s32 $0x1000, s8  }
0x587: {  	[hbm4b:s31+s3] =	stream.linear.scatter [tilespmem:s29], [sflag:$0x5], $0x80, $0x38;
	[tilespmem:$0x1AE00] =	vst v63  }
.LBB2_136:
0x588: {  	[hbm4b:s11+s3] =	stream.linear.scatter [tilespmem:s10], [sflag:$0x5], $0x80, $0x38;
	[tilespmem:$0x1AE00] =	vst v63  }
0x589: {  	s7 =	smov.u32 s5;
	s5 =	smov.u32 s9  }
0x58a: {  	s14 =	sadd.s32 $0x1100, s9;
	s5 =	sshra.s32 s5, $0x2;
	s10 =	sadd.s32 $0x15900, s7  }
0x58b: {  	[hbm4b:s8+s3] =	stream.linear.scatter [tilespmem:s10], [sflag:$0x5], $0x80, $0x38;
	[tilespmem:$0x1AE00] =	vst v63  }
0x58c: {  	p0 =	sne.s32 s9, $0x14300;
	s9 =	sadd.s32 $0x15988, s7;
	s10 =	sadd.s32 $0x10, s8  }
0x58d: {  	[hbm4b:s10+s3] =	stream.linear.scatter [tilespmem:s9], [sflag:$0x5], $0x80, $0x38;
	[tilespmem:$0x1AE00] =	vst v63  }
0x58e: {  	s9 =	sadd.s32 $0x15A10, s7;
	s10 =	sadd.s32 $0x20, s8  }
0x58f: {  	[hbm4b:s10+s3] =	stream.linear.scatter [tilespmem:s9], [sflag:$0x5], $0x80, $0x38;
	[tilespmem:$0x1AE00] =	vst v63  }
0x590: {  	s9 =	sadd.s32 $0x15A98, s7;
	s10 =	sadd.s32 $0x30, s8  }
0x591: {  	[hbm4b:s10+s3] =	stream.linear.scatter [tilespmem:s9], [sflag:$0x5], $0x80, $0x38;
	[tilespmem:$0x1AE00] =	vst v63  }
0x592: {  	s9 =	sadd.s32 $0x15B20, s7;
	s10 =	sadd.s32 $0x40, s8  }
0x593: {  	[hbm4b:s10+s3] =	stream.linear.scatter [tilespmem:s9], [sflag:$0x5], $0x80, $0x38;
	[tilespmem:$0x1AE00] =	vst v63  }
.Ltmp85:
0x594: {  	s9 =	sadd.s32 $0x15BA8, s7;
	s10 =	sadd.s32 $0x50, s8;
	(pc) =	sbr.rel @p0 .LBB2_136-.Ltmp85, $4  }
0x595: {  	[hbm4b:s10+s3] =	stream.linear.scatter [tilespmem:s9], [sflag:$0x5], $0x80, $0x38;
	[tilespmem:$0x1AE00] =	vst v63  }
0x596: {  	s11 =	sadd.s32 $0x70, s8;
	s9 =	sadd.s32 $0x15C30, s7;
	s10 =	sadd.s32 $0x60, s8  }
0x597: {  	[hbm4b:s10+s3] =	stream.linear.scatter [tilespmem:s9], [sflag:$0x5], $0x80, $0x38;
	[tilespmem:$0x1AE00] =	vst v63  }
0x598: {  	s8 =	sadd.s32 $0x1000, s8;
	s10 =	sadd.s32 $0x15CB8, s7;
	s9 =	smov.u32 s14  }
0x599: {  	[hbm4b:s11+s3] =	stream.linear.scatter [tilespmem:s10], [sflag:$0x5], $0x80, $0x38;
	[tilespmem:$0x1AE00] =	vst v63  }
0x59a: {  	s7 =	sadd.s32 $0x15900, s5  }
0x59b: {  	[hbm4b:s8+s3] =	stream.linear.scatter [tilespmem:s7], [sflag:$0x5], $0x80, $0x38;
	[tilespmem:$0x1AE00] =	vst v63  }
0x59c: {  	s26 =	sadd.s32 $0x15988, s5;
	s9 =	sadd.s32 $0x10, s8  }
0x59d: {  	[hbm4b:s9+s3] =	stream.linear.scatter [tilespmem:s26], [sflag:$0x5], $0x80, $0x38;
	[tilespmem:$0x1AE00] =	vst v63  }
0x59e: {  	s29 =	sadd.s32 $0x15A10, s5;
	s31 =	sadd.s32 $0x20, s8  }
0x59f: {  	[hbm4b:s31+s3] =	stream.linear.scatter [tilespmem:s29], [sflag:$0x5], $0x80, $0x38;
	[tilespmem:$0x1AE00] =	vst v63  }
0x5a0: {  	s10 =	sadd.s32 $0x15A98, s5;
	s11 =	sadd.s32 $0x30, s8  }
0x5a1: {  	[hbm4b:s11+s3] =	stream.linear.scatter [tilespmem:s10], [sflag:$0x5], $0x80, $0x38;
	[tilespmem:$0x1AE00] =	vst v63  }
0x5a2: {  	s14 =	sadd.s32 $0x15B20, s5;
	s26 =	sadd.s32 $0x40, s8  }
0x5a3: {  	[hbm4b:s26+s3] =	stream.linear.scatter [tilespmem:s14], [sflag:$0x5], $0x80, $0x38;
	[tilespmem:$0x1AE00] =	vst v63  }
0x5a4: {  	s29 =	sadd.s32 $0x15BA8, s5;
	s31 =	sadd.s32 $0x50, s8  }
0x5a5: {  	[hbm4b:s31+s3] =	stream.linear.scatter [tilespmem:s29], [sflag:$0x5], $0x80, $0x38;
	[tilespmem:$0x1AE00] =	vst v63  }
0x5a6: {  	s10 =	sadd.s32 $0x15C30, s5;
	s11 =	sadd.s32 $0x60, s8  }
0x5a7: {  	[hbm4b:s11+s3] =	stream.linear.scatter [tilespmem:s10], [sflag:$0x5], $0x80, $0x38;
	[tilespmem:$0x1AE00] =	vst v63  }
0x5a8: {  	s14 =	sadd.s32 $0x15CB8, s5;
	s26 =	sadd.s32 $0x70, s8  }
0x5a9: {  	[hbm4b:s26+s3] =	stream.linear.scatter [tilespmem:s14], [sflag:$0x5], $0x80, $0x38;
	[tilespmem:$0x1AE00] =	vst v63  }
0x5aa: {  	_ =	swait.ge [sflag:s21], $0x5000  }
0x5ab: {  	[sflag:s21] =	ssyncset.done $0x0  }
0x5ac: {  	[sflag:s21] =	ssyncadd.s32 $0xFFFFB000  }
0x5ad: {  	_ =	swait.ge [sflag:s24], $0x5000  }
0x5ae: {  	s29 =	rddreg [dreg:$0x9]  }
0x5af: {  	s31 =	rddreg [dreg:$0x8];
	s7 =	sadd.s32 $0x1, s29  }
0x5b0: {  	p0 =	sne.s32 s7, s31  }
.Ltmp86:
0x5b1: {  	_ = 	snop;
	(pc) =	sbr.rel @p0 .LBB2_1-.Ltmp86, $4  }
.Ltmp87:
0x5b2: {  	_ = 	snop;
	(pc) =	sbr.rel @!p0 .LBB2_138-.Ltmp87, $4  }
0x5b3: {  	_ = 	snop  }
0x5b4: {  	[sflag:s24] =	ssyncset.done $0x0  }
0x5b5: {  	[sflag:s24] =	ssyncadd.s32 $0xFFFFB000  }
0x5b6: {  	_ = 	snop  }
.LBB2_8:
.Ltmp88:
0x5b7: {  	(pc) =	sbr.rel .LBB2_13-.Ltmp88, $2  }
0x5b8: {  	_ =	sdelay $0x2  }
0x5b9: {  	s8 =	simm.s32 $0x8470  }
.LBB2_18:
.Ltmp89:
0x5ba: {  	(pc) =	sbr.rel .LBB2_23-.Ltmp89, $2  }
0x5bb: {  	_ =	sdelay $0x2  }
0x5bc: {  	s8 =	simm.s32 $0xA470  }
.LBB2_34:
.Ltmp90:
0x5bd: {  	(pc) =	sbr.rel .LBB2_39-.Ltmp90, $2  }
0x5be: {  	_ =	sdelay $0x2  }
0x5bf: {  	s8 =	simm.s32 $0xE470  }
.LBB2_40:
.Ltmp91:
0x5c0: {  	(pc) =	sbr.rel .LBB2_45-.Ltmp91, $2  }
0x5c1: {  	_ =	sdelay $0x2  }
0x5c2: {  	s9 =	simm.s32 $0xF470  }
.LBB2_102:
.Ltmp92:
0x5c3: {  	(pc) =	sbr.rel .LBB2_107-.Ltmp92, $2  }
0x5c4: {  	_ =	sdelay $0x2  }
0x5c5: {  	s8 =	simm.s32 $0x9470  }
.LBB2_108:
.Ltmp93:
0x5c6: {  	(pc) =	sbr.rel .LBB2_113-.Ltmp93, $2  }
0x5c7: {  	_ =	sdelay $0x2  }
0x5c8: {  	s9 =	simm.s32 $0xA470  }
.LBB2_124:
.Ltmp94:
0x5c9: {  	(pc) =	sbr.rel .LBB2_129-.Ltmp94, $2  }
0x5ca: {  	_ =	sdelay $0x2  }
0x5cb: {  	s8 =	simm.s32 $0xE470  }
.LBB2_130:
.Ltmp95:
0x5cc: {  	(pc) =	sbr.rel .LBB2_135-.Ltmp95, $2  }
0x5cd: {  	_ =	sdelay $0x2  }
0x5ce: {  	s9 =	simm.s32 $0xF470  }
.LBB2_5:
.Ltmp96:
0x5cf: {  	(pc) =	sbr.rel .LBB2_7-.Ltmp96, $2  }
0x5d0: {  	_ =	sdelay $0x2  }
0x5d1: {  	s8 =	simm.s32 $0x7470;
	s26 =	simm.s32 $0x4  }
.LBB2_10:
.Ltmp97:
0x5d2: {  	(pc) =	sbr.rel .LBB2_13-.Ltmp97, $2  }
0x5d3: {  	_ =	sdelay $0x2  }
0x5d4: {  	s8 =	simm.s32 $0x8470;
	s11 =	simm.s32 $0x4  }
.LBB2_15:
.Ltmp98:
0x5d5: {  	(pc) =	sbr.rel .LBB2_17-.Ltmp98, $2  }
0x5d6: {  	_ =	sdelay $0x2  }
0x5d7: {  	s8 =	simm.s32 $0x9470;
	s26 =	simm.s32 $0x4  }
.LBB2_20:
.Ltmp99:
0x5d8: {  	(pc) =	sbr.rel .LBB2_23-.Ltmp99, $2  }
0x5d9: {  	_ =	sdelay $0x2  }
0x5da: {  	s8 =	simm.s32 $0xA470;
	s11 =	simm.s32 $0x4  }
.LBB2_31:
.Ltmp100:
0x5db: {  	(pc) =	sbr.rel .LBB2_33-.Ltmp100, $2  }
0x5dc: {  	_ =	sdelay $0x2  }
0x5dd: {  	s8 =	simm.s32 $0xD470;
	s26 =	simm.s32 $0x4  }
.LBB2_36:
.Ltmp101:
0x5de: {  	(pc) =	sbr.rel .LBB2_39-.Ltmp101, $2  }
0x5df: {  	_ =	sdelay $0x2  }
0x5e0: {  	s8 =	simm.s32 $0xE470;
	s11 =	simm.s32 $0x4  }
.LBB2_42:
.Ltmp102:
0x5e1: {  	(pc) =	sbr.rel .LBB2_45-.Ltmp102, $2  }
0x5e2: {  	_ =	sdelay $0x2  }
0x5e3: {  	s9 =	simm.s32 $0xF470;
	s10 =	simm.s32 $0x4  }
.LBB2_99:
.Ltmp103:
0x5e4: {  	(pc) =	sbr.rel .LBB2_101-.Ltmp103, $2  }
0x5e5: {  	_ =	sdelay $0x2  }
0x5e6: {  	s9 =	simm.s32 $0x8470;
	s8 =	simm.s32 $0x4  }
.LBB2_104:
.Ltmp104:
0x5e7: {  	(pc) =	sbr.rel .LBB2_107-.Ltmp104, $2  }
0x5e8: {  	_ =	sdelay $0x2  }
0x5e9: {  	s8 =	simm.s32 $0x9470;
	s11 =	simm.s32 $0x4  }
.LBB2_110:
.Ltmp105:
0x5ea: {  	(pc) =	sbr.rel .LBB2_113-.Ltmp105, $2  }
0x5eb: {  	_ =	sdelay $0x2  }
0x5ec: {  	s9 =	simm.s32 $0xA470;
	s10 =	simm.s32 $0x4  }
.LBB2_121:
.Ltmp106:
0x5ed: {  	(pc) =	sbr.rel .LBB2_123-.Ltmp106, $2  }
0x5ee: {  	_ =	sdelay $0x2  }
0x5ef: {  	s9 =	simm.s32 $0xD470;
	s8 =	simm.s32 $0x4  }
.LBB2_126:
.Ltmp107:
0x5f0: {  	(pc) =	sbr.rel .LBB2_129-.Ltmp107, $2  }
0x5f1: {  	_ =	sdelay $0x2  }
0x5f2: {  	s8 =	simm.s32 $0xE470;
	s11 =	simm.s32 $0x4  }
.LBB2_132:
.Ltmp108:
0x5f3: {  	(pc) =	sbr.rel .LBB2_135-.Ltmp108, $2  }
0x5f4: {  	_ =	sdelay $0x2  }
0x5f5: {  	s9 =	simm.s32 $0xF470;
	s10 =	simm.s32 $0x4  }
.LBB2_138:
0x5f6: {  	_ =	sfence.sel $0x180000  }
0x5f7: {  	[bflag:$0x0] =	sbarrier.arrive $0xFFFF  }
0x5f8: {  	_ =	strace $0x90000047  }
0x5f9: {  	s0 =	stileid.u32;
	[bflag:$0x2] =	sbarrier.arrive $0xFFFF  }
0x5fa: {  	p0 =	sne.s32 s0, $0x0;
	s0 =	rddreg [dreg:$0x2]  }
0x5fb: {  	s0 =	sadd.s32 @!p0 $0x100000, s0  }
0x5fc: {  	[sflag:s0] =	ssyncadd.tile.s32 @!p0 $0x1;
	_ =	shalt  }
.Lfunc_end2:
_tile_overlayer_lowered:
.L_overlay_start_2:
0x5fd: {  	(tag) =	ssettag $0x2  }
0x5fe: {  	s0 =	rddreg [dreg:$0x0];
	s2 =	stileid.u32  }
0x5ff: {  	s1 =	rddreg [dreg:$0x1];
	p0 =	sne.s32 s2, $0x0  }
0x600: {  	s3 =	rddreg [dreg:$0x2];
	[bflag:$0x3] =	sbarrier.arrive $0xFFFF;
	s2 =	simm.s32 @!p0 $0x1C06  }
0x601: {  	[timem:s3], [sflag:s2] =	dma.local @!p0 [hbm:s0], s1  }
0x602: {  	s0 =	simm.s32 @!p0 $0x6  }
0x603: {  	_ =	swait.ge @!p0 [sflag:s0], s1  }
0x604: {  	s1 =	ssub.s32 @!p0 $0x0, s1;
	[sflag:s0] =	ssyncset.done @!p0 $0x0  }
0x605: {  	[sflag:s0] =	ssyncadd.s32 @!p0 s1  }
0x606: {  	[bflag:$0x3] =	sbarrier.arrive $0xFFFF  }
0x607: {  	_ =	shalt  }

</sc_bundles>
